<compile_context>
chip_gen: v7x
topology: tpu7x:2x2x1
jax: 0.10.2.dev20260603
libtpu: 0.0.44.dev20260713+nightly
codegen_flags: <defaults>
</compile_context>

<pallas_src>
import functools

import jax
import jax.numpy as jnp
from jax.experimental import pallas as pl
from jax.experimental.pallas import tpu as pltpu
from jax.experimental.pallas import tpu_sc as plsc

_D = 64
_D2 = 128
_M = 16
_NB = 1000
_CB = 400
_EPS = 1e-5


def _softplus(x):
    return jnp.maximum(x, 0.0) + jnp.log1p(jnp.exp(-jnp.abs(x)))


def _bn_scale(s_ref, q_ref, g_ref, b_ref, count):
    s = jnp.sum(s_ref[:, 0, :], axis=0, keepdims=True)
    q = jnp.sum(q_ref[:, 0, :], axis=0, keepdims=True)
    mu = s / count
    var = q / count - mu * mu
    inv = g_ref[...] * jax.lax.rsqrt(var + _EPS)
    return inv, b_ref[...] - mu * inv


def _sc_gather(table, idx, window, tc_tiling):
    k = idx.shape[0]
    d = table.shape[1]
    idx2 = idx.reshape(1, k)
    mesh = plsc.VectorSubcoreMesh(core_axis_name="core", subcore_axis_name="subcore")

    @functools.partial(
        pl.kernel,
        out_type=jax.ShapeDtypeStruct((k, d), table.dtype),
        mesh=mesh,
        compiler_params=pltpu.CompilerParams(use_tc_tiling_on_sc=tc_tiling),
    )
    def gather_kernel(tbl_hbm, idx_hbm, out_hbm):
        def body(i_vmem, o_vmem):
            pltpu.sync_copy(tbl_hbm.at[i_vmem.at[0]], o_vmem)

        pltpu.emit_pipeline(
            body,
            grid=(k // window,),
            in_specs=[pl.BlockSpec((1, window), lambda i: (0, i))],
            out_specs=[pl.BlockSpec((window, d), lambda i: (i, 0))],
            core_axis_name=("core", "subcore"),
            dimension_semantics=(pltpu.PARALLEL,),
        )(idx_hbm, out_hbm)

    return gather_kernel(table, idx2)


def _embed(a, w, b, wn0):
    n, fin = a.shape
    d = w.shape[1]

    def body(a_ref, w_ref, b_ref, wn_ref, x_ref, v_ref):
        x = jnp.dot(a_ref[...], w_ref[...], preferred_element_type=jnp.float32)
        x = x + b_ref[...]
        x_ref[...] = x
        v_ref[...] = jnp.dot(x, wn_ref[...], preferred_element_type=jnp.float32)

    return pl.pallas_call(
        body,
        grid=(n // _NB,),
        in_specs=[
            pl.BlockSpec((_NB, fin), lambda i: (i, 0)),
            pl.BlockSpec((fin, d), lambda i: (0, 0)),
            pl.BlockSpec((1, d), lambda i: (0, 0)),
            pl.BlockSpec((d, _D2), lambda i: (0, 0)),
        ],
        out_specs=[
            pl.BlockSpec((_NB, d), lambda i: (i, 0)),
            pl.BlockSpec((_NB, _D2), lambda i: (i, 0)),
        ],
        out_shape=[
            jax.ShapeDtypeStruct((n, d), jnp.float32),
            jax.ShapeDtypeStruct((n, _D2), jnp.float32),
        ],
        compiler_params=pltpu.CompilerParams(dimension_semantics=("parallel",)),
    )(a, w, b, wn0)


def _conv_stats(gv3, ef2, x, ws, wbig):
    n = x.shape[0]
    grid = n // _NB

    def body(g_ref, ef_ref, x_ref, ws_ref, wb_ref, s_ref, q_ref):
        u = jnp.dot(x_ref[...], ws_ref[...], preferred_element_type=jnp.float32)
        efc = jnp.dot(ef_ref[...], wb_ref[...], preferred_element_type=jnp.float32)
        s = jnp.zeros((1, _D2), jnp.float32)
        q = jnp.zeros((1, _D2), jnp.float32)
        for m in range(_M):
            pre = g_ref[m] + u + efc[:, m * _D2:(m + 1) * _D2]
            s = s + jnp.sum(pre, axis=0, keepdims=True)
            q = q + jnp.sum(pre * pre, axis=0, keepdims=True)
        s_ref[0] = s
        q_ref[0] = q

    return pl.pallas_call(
        body,
        grid=(grid,),
        in_specs=[
            pl.BlockSpec((_M, _NB, _D2), lambda i: (0, i, 0)),
            pl.BlockSpec((_NB, _M * 16), lambda i: (i, 0)),
            pl.BlockSpec((_NB, _D), lambda i: (i, 0)),
            pl.BlockSpec((_D, _D2), lambda i: (0, 0)),
            pl.BlockSpec((_M * 16, _M * _D2), lambda i: (0, 0)),
        ],
        out_specs=[
            pl.BlockSpec((1, 1, _D2), lambda i: (i, 0, 0)),
            pl.BlockSpec((1, 1, _D2), lambda i: (i, 0, 0)),
        ],
        out_shape=[
            jax.ShapeDtypeStruct((grid, 1, _D2), jnp.float32),
            jax.ShapeDtypeStruct((grid, 1, _D2), jnp.float32),
        ],
        compiler_params=pltpu.CompilerParams(dimension_semantics=("parallel",)),
    )(gv3, ef2, x, ws, wbig)


def _conv_apply(gv3, ef2, x, ws, wbig, s_p, q_p, g1, b1, cnt):
    n = x.shape[0]
    grid = n // _NB

    def body(g_ref, ef_ref, x_ref, ws_ref, wb_ref, sp_ref, qp_ref,
             g1_ref, b1_ref, sum_ref, s_ref, q_ref):
        s1, t1 = _bn_scale(sp_ref, qp_ref, g1_ref, b1_ref, cnt)
        u = jnp.dot(x_ref[...], ws_ref[...], preferred_element_type=jnp.float32)
        efc = jnp.dot(ef_ref[...], wb_ref[...], preferred_element_type=jnp.float32)
        acc = jnp.zeros((_NB, _D), jnp.float32)
        for m in range(_M):
            pre = g_ref[m] + u + efc[:, m * _D2:(m + 1) * _D2]
            z = pre * s1 + t1
            f = z[:, :_D]
            c = z[:, _D:]
            acc = acc + jax.nn.sigmoid(f) * _softplus(c)
        sum_ref[...] = acc
        s_ref[0] = jnp.sum(acc, axis=0, keepdims=True)
        q_ref[0] = jnp.sum(acc * acc, axis=0, keepdims=True)

    part = pl.BlockSpec((grid, 1, _D2), lambda i: (0, 0, 0))
    return pl.pallas_call(
        body,
        grid=(grid,),
        in_specs=[
            pl.BlockSpec((_M, _NB, _D2), lambda i: (0, i, 0)),
            pl.BlockSpec((_NB, _M * 16), lambda i: (i, 0)),
            pl.BlockSpec((_NB, _D), lambda i: (i, 0)),
            pl.BlockSpec((_D, _D2), lambda i: (0, 0)),
            pl.BlockSpec((_M * 16, _M * _D2), lambda i: (0, 0)),
            part, part,
            pl.BlockSpec((1, _D2), lambda i: (0, 0)),
            pl.BlockSpec((1, _D2), lambda i: (0, 0)),
        ],
        out_specs=[
            pl.BlockSpec((_NB, _D), lambda i: (i, 0)),
            pl.BlockSpec((1, 1, _D), lambda i: (i, 0, 0)),
            pl.BlockSpec((1, 1, _D), lambda i: (i, 0, 0)),
        ],
        out_shape=[
            jax.ShapeDtypeStruct((n, _D), jnp.float32),
            jax.ShapeDtypeStruct((grid, 1, _D), jnp.float32),
            jax.ShapeDtypeStruct((grid, 1, _D), jnp.float32),
        ],
        compiler_params=pltpu.CompilerParams(dimension_semantics=("parallel",)),
    )(gv3, ef2, x, ws, wbig, s_p, q_p, g1, b1)


def _residual(x, summed, s2_p, q2_p, g2, b2, count, wn_next):
    n = x.shape[0]
    grid = n // _NB
    with_v = wn_next is not None

    def body(x_ref, sm_ref, sp_ref, qp_ref, g2_ref, b2_ref, *rest):
        s2, t2 = _bn_scale(sp_ref, qp_ref, g2_ref, b2_ref, count)
        xn = _softplus(x_ref[...] + sm_ref[...] * s2 + t2)
        if with_v:
            wn_ref, o_ref, v_ref = rest
            o_ref[...] = xn
            v_ref[...] = jnp.dot(xn, wn_ref[...], preferred_element_type=jnp.float32)
        else:
            (o_ref,) = rest
            o_ref[...] = xn

    part = pl.BlockSpec((grid, 1, _D), lambda i: (0, 0, 0))
    in_specs = [
        pl.BlockSpec((_NB, _D), lambda i: (i, 0)),
        pl.BlockSpec((_NB, _D), lambda i: (i, 0)),
        part, part,
        pl.BlockSpec((1, _D), lambda i: (0, 0)),
        pl.BlockSpec((1, _D), lambda i: (0, 0)),
    ]
    out_specs = [pl.BlockSpec((_NB, _D), lambda i: (i, 0))]
    out_shape = [jax.ShapeDtypeStruct((n, _D), jnp.float32)]
    args = [x, summed, s2_p, q2_p, g2, b2]
    if with_v:
        in_specs.append(pl.BlockSpec((_D, _D2), lambda i: (0, 0)))
        out_specs.append(pl.BlockSpec((_NB, _D2), lambda i: (i, 0)))
        out_shape.append(jax.ShapeDtypeStruct((n, _D2), jnp.float32))
        args.append(wn_next)

    out = pl.pallas_call(
        body,
        grid=(grid,),
        in_specs=in_specs,
        out_specs=out_specs,
        out_shape=out_shape,
        compiler_params=pltpu.CompilerParams(dimension_semantics=("parallel",)),
    )(*args)
    return out if with_v else out[0]


def _head(gc3, wfc, bfc, wh1, bh1, wh2, bh2):
    a, c, d = gc3.shape
    h = wfc.shape[1]

    def body(g_ref, wfc_ref, bfc_ref, wh1_ref, bh1_ref, wh2_ref, bh2_ref, o_ref):
        acc = jnp.zeros((_CB, d), jnp.float32)
        for m in range(a):
            acc = acc + g_ref[m]
        crys = _softplus(acc / jnp.float32(a))
        crys = jnp.dot(crys, wfc_ref[...], preferred_element_type=jnp.float32) + bfc_ref[...]
        crys = _softplus(crys)
        hh = _softplus(
            jnp.dot(crys, wh1_ref[...], preferred_element_type=jnp.float32) + bh1_ref[...]
        )
        o_ref[...] = (
            jnp.dot(hh, wh2_ref[...], preferred_element_type=jnp.float32) + bh2_ref[...]
        )

    return pl.pallas_call(
        body,
        grid=(c // _CB,),
        in_specs=[
            pl.BlockSpec((a, _CB, d), lambda i: (0, i, 0)),
            pl.BlockSpec((d, h), lambda i: (0, 0)),
            pl.BlockSpec((1, h), lambda i: (0, 0)),
            pl.BlockSpec((h, h), lambda i: (0, 0)),
            pl.BlockSpec((1, h), lambda i: (0, 0)),
            pl.BlockSpec((h, h), lambda i: (0, 0)),
            pl.BlockSpec((1, h), lambda i: (0, 0)),
        ],
        out_specs=pl.BlockSpec((_CB, h), lambda i: (i, 0)),
        out_shape=jax.ShapeDtypeStruct((c, h), jnp.float32),
        compiler_params=pltpu.CompilerParams(dimension_semantics=("parallel",)),
    )(gc3, wfc, bfc, wh1, bh1, wh2, bh2)


def kernel(atomic_features, num_features, feature_index, crystal_index, params):
    p = params
    n, m = feature_index.shape
    cnt = float(n * m)
    convs = p["convs"]

    fi_t = feature_index.astype(jnp.int32).T.reshape(-1)
    ci_t = crystal_index.astype(jnp.int32).T.reshape(-1)
    ef2 = num_features.reshape(n, m * 16).astype(jnp.bfloat16)
    eye_m = jnp.eye(m, dtype=jnp.float32)

    x, vb = _embed(
        atomic_features, p["W_emb"], p["b_emb"].reshape(1, -1),
        convs[0]["W"][_D:2 * _D],
    )

    for li, cp in enumerate(convs):
        w = cp["W"]
        ws, we = w[:_D], w[2 * _D:]
        wbig = jnp.kron(eye_m, we).astype(jnp.bfloat16)

        gv3 = _sc_gather(vb, fi_t, 128, True).reshape(m, n, _D2)

        s_p, q_p = _conv_stats(gv3, ef2, x, ws, wbig)
        summed, s2_p, q2_p = _conv_apply(
            gv3, ef2, x, ws, wbig, s_p, q_p,
            cp["g1"].reshape(1, -1), cp["b1"].reshape(1, -1), cnt,
        )
        wn_next = convs[li + 1]["W"][_D:2 * _D] if li + 1 < len(convs) else None
        res = _residual(
            x, summed, s2_p, q2_p,
            cp["g2"].reshape(1, -1), cp["b2"].reshape(1, -1), float(n),
            wn_next,
        )
        if wn_next is not None:
            x, vb = res
        else:
            x = res

    c, a = crystal_index.shape
    gc3 = _sc_gather(x, ci_t, 80, False).reshape(a, c, _D)
    return _head(
        gc3,
        p["W_fc"], p["b_fc"].reshape(1, -1),
        p["W_h1"], p["b_h1"].reshape(1, -1),
        p["W_h2"], p["b_h2"].reshape(1, -1),
    )

# --- scband reference (transcript-rebuilt; emitter-appended) ---
"""Pipeline reference for scband-crystal-graph-conv-net-88287347736893 (READ-ONLY COPY).

The authoritative reference and input builder live on the scoring server;
editing this copy changes nothing except your own understanding.
"""

import jax, jax.numpy as jnp
import numpy as np

N, M, FIN, FE, D, H, C, A = 50000, 16, 128, 16, 64, 128, 2000, 25


def setup_inputs(seed: int = 0):
    key = jax.random.key(seed)
    ks = jax.random.split(key, 12)
    atomic_features = jax.random.normal(ks[0], (N, FIN), dtype=jnp.float32)
    num_features = jax.random.normal(ks[1], (N, M, FE), dtype=jnp.float32)
    feature_index = jax.random.randint(ks[2], (N, M), 0, N)
    crystal_index = jax.random.randint(ks[3], (C, A), 0, N)
    def lin(k, fin, fout):
        b = 1.0 / np.sqrt(fin)
        return jax.random.uniform(k, (fin, fout), jnp.float32, -b, b)
    params = {
        "W_emb": lin(ks[4], FIN, D), "b_emb": jnp.zeros((D,), jnp.float32),
        "convs": [
            {"W": lin(jax.random.fold_in(ks[5], i), 2 * D + FE, 2 * D),
             "b": jnp.zeros((2 * D,), jnp.float32),
             "g1": jnp.ones((2 * D,), jnp.float32), "b1": jnp.zeros((2 * D,), jnp.float32),
             "g2": jnp.ones((D,), jnp.float32), "b2": jnp.zeros((D,), jnp.float32)}
            for i in range(3)
        ],
        "W_fc": lin(ks[6], D, H), "b_fc": jnp.zeros((H,), jnp.float32),
        "W_h1": lin(ks[7], H, H), "b_h1": jnp.zeros((H,), jnp.float32),
        "W_h2": lin(ks[8], H, H), "b_h2": jnp.zeros((H,), jnp.float32),
    }
    return {"atomic_features": atomic_features, "num_features": num_features,
            "feature_index": feature_index, "crystal_index": crystal_index,
            "params": params}


def _bn(x, g, b, eps=1e-5):
    mu = jnp.mean(x, axis=0)
    var = jnp.var(x, axis=0)
    return g * (x - mu) / jnp.sqrt(var + eps) + b


def _forward(atomic_features, num_features, params, feature_index, crystal_index):
    x = atomic_features @ params["W_emb"] + params["b_emb"]
    n, m = feature_index.shape
    d = x.shape[-1]
    for cp in params["convs"]:
        nbr = x[feature_index]
        total = jnp.concatenate([jnp.broadcast_to(x[:, None, :], (n, m, d)), nbr, num_features], axis=2)
        gated = total @ cp["W"] + cp["b"]
        gated = _bn(gated.reshape(-1, 2 * d), cp["g1"], cp["b1"]).reshape(n, m, 2 * d)
        nbr_filter, nbr_core = jnp.split(gated, 2, axis=2)
        summed = jnp.sum(jax.nn.sigmoid(nbr_filter) * jax.nn.softplus(nbr_core), axis=1)
        summed = _bn(summed, cp["g2"], cp["b2"])
        x = jax.nn.softplus(x + summed)
    crys = jnp.mean(x[crystal_index], axis=1)
    crys = jax.nn.softplus(crys) @ params["W_fc"] + params["b_fc"]
    crys = jax.nn.softplus(crys)
    h = jax.nn.softplus(crys @ params["W_h1"] + params["b_h1"])
    return h @ params["W_h2"] + params["b_h2"]


def reference(atomic_features, num_features, feature_index, crystal_index, params):
    return _forward(atomic_features, num_features, params, feature_index, crystal_index)

if __name__ == "__main__":
    import jax
    _d = setup_inputs()
    print(jax.jit(kernel)(*tuple(_d.values())))

</pallas_src>

<mosaic_0001>
#map = affine_map<(d0, d1) -> (0, 0)>
module attributes {stable_mosaic.version = 14 : i64} {
  func.func @gather_kernel(%arg0: i32, %arg1: i32, %arg2: memref<50000x128xf32, #tpu.memory_space<hbm>>, %arg3: memref<1x800000xi32, #tpu.memory_space<hbm>>, %arg4: memref<800000x128xf32, #tpu.memory_space<hbm>>) attributes {dimension_semantics = [#tpu.dimension_semantics<core_parallel>, #tpu.dimension_semantics<subcore_parallel>], iteration_bounds = array<i64: 2, 16>, scalar_prefetch = 0 : i64, scratch_operands = 0 : i64, tpu.core_type = #tpu.core_type<sc_vector_subcore>, window_params = [{transform_indices = #map}, {transform_indices = #map}, {transform_indices = #map}]} {
    %mul3A = arith.constant 1 : i32
    %mul3A_0 = arith.muli %arg1, %mul3A : i32
    %add3A = arith.constant 0 : i32
    %add3A_1 = arith.addi %add3A, %mul3A_0 : i32
    %mul3A_2 = arith.constant 16 : i32
    %mul3A_3 = arith.muli %arg0, %mul3A_2 : i32
    %add3A_4 = arith.addi %add3A_1, %mul3A_3 : i32
    %lt3A = arith.constant 10 : i32
    %lt3A_5 = arith.cmpi slt, %add3A_4, %lt3A : i32
    %jit3A = arith.constant 196 : i32
    %jit3A_6 = arith.constant 195 : i32
    %select_n3A = arith.select %lt3A_5, %jit3A, %jit3A_6 : i32
    %lt3A_7 = arith.constant 10 : i32
    %lt3A_8 = arith.cmpi slt, %add3A_4, %lt3A_7 : i32
    %mul3A_9 = arith.muli %add3A_4, %select_n3A : i32
    %mul3A_10 = arith.constant 195 : i32
    %mul3A_11 = arith.muli %add3A_4, %mul3A_10 : i32
    %add3A_12 = arith.constant 10 : i32
    %add3A_13 = arith.addi %mul3A_11, %add3A_12 : i32
    %select_n3A_14 = arith.select %lt3A_8, %mul3A_9, %add3A_13 : i32
    %mul3A_15 = arith.constant 1 : i32
    %mul3A_16 = arith.muli %mul3A_15, %select_n3A : i32
    "tpu.region"() ({
      %run_scoped3A = memref.alloca() : memref<2x1x128xi32, #tpu.memory_space<vmem>>
      %run_scoped3A_17 = tpu.sem_alloc : memref<2x!tpu.dma_semaphore, #tpu.memory_space<semaphore_mem>>
      %run_scoped3A_18 = memref.alloca() : memref<2x128x128xf32, #tpu.memory_space<vmem>>
      %run_scoped3A_19 = tpu.sem_alloc : memref<2x!tpu.dma_semaphore, #tpu.memory_space<semaphore_mem>>
      %gt3A = arith.constant 0 : i32
      %gt3A_20 = arith.cmpi sgt, %mul3A_16, %gt3A : i32
      %convert_element_type3A = arith.extui %gt3A_20 : i1 to i32
      %cond3A = arith.constant 0 : i32
      %cond3A_21 = arith.cmpi ne, %convert_element_type3A, %cond3A : i32
      scf.if %cond3A_21 {
        %mul3A_22 = arith.constant 1 : i32
        %mul3A_23 = arith.muli %mul3A_22, %select_n3A : i32
        %sub3A = arith.constant 1 : i32
        %sub3A_24 = arith.subi %mul3A_23, %sub3A : i32
        %eq3A = arith.constant 0 : i32
        %eq3A_25 = arith.cmpi eq, %sub3A_24, %eq3A : i32
        %add3A_26 = arith.constant 0 : i32
        %add3A_27 = arith.addi %add3A_26, %select_n3A_14 : i32
        %select_n3A_28 = arith.constant true
        %select_n3A_29 = arith.constant 0 : i32
        %select_n3A_30 = arith.constant -1 : i32
        %select_n3A_31 = arith.select %select_n3A_28, %select_n3A_30, %select_n3A_29 : i32
        %eq3A_32 = arith.constant -1 : i32
        %eq3A_33 = arith.cmpi eq, %select_n3A_31, %eq3A_32 : i32
        %sub3A_34 = arith.constant 1 : i32
        %sub3A_35 = arith.subi %select_n3A, %sub3A_34 : i32
        %select_n3A_36 = arith.select %eq3A_33, %sub3A_35, %select_n3A_31 : i32
        %add3A_37 = arith.addi %select_n3A_36, %select_n3A_14 : i32
        %select_n3A_38 = arith.constant true
        %select_n3A_39 = arith.constant 0 : i32
        %select_n3A_40 = arith.constant 1 : i32
        %select_n3A_41 = arith.select %select_n3A_38, %select_n3A_40, %select_n3A_39 : i32
        %eq3A_42 = arith.cmpi eq, %select_n3A_41, %select_n3A : i32
        %select_n3A_43 = arith.constant 0 : i32
        %select_n3A_44 = arith.select %eq3A_42, %select_n3A_43, %select_n3A_41 : i32
        %add3A_45 = arith.addi %select_n3A_44, %select_n3A_14 : i32
        %add3A_46 = arith.constant 1 : i32
        %add3A_47 = arith.addi %select_n3A_44, %add3A_46 : i32
        %select_n3A_48 = arith.constant true
        %select_n3A_49 = arith.select %select_n3A_48, %add3A_47, %select_n3A_44 : i32
        %eq3A_50 = arith.cmpi eq, %select_n3A_49, %select_n3A : i32
        %select_n3A_51 = arith.constant 0 : i32
        %select_n3A_52 = arith.select %eq3A_50, %select_n3A_51, %select_n3A_49 : i32
        %add3A_53 = arith.addi %select_n3A_52, %select_n3A_14 : i32
        "tpu.trace_start"() <{level = 10 : i32, message = "ep_initialize_0"}> : () -> ()
        %rem3A = arith.constant 0 : i32
        %rem3A_54 = arith.constant 2 : i32
        %rem3A_55 = arith.remui %rem3A, %rem3A_54 : i32
        %mul3A_56 = arith.constant 128 : i32
        %mul3A_57 = arith.muli %mul3A_56, %add3A_27 : i32
        %dma_start3A = arith.constant 0 : i32
        %dma_start3A_58 = arith.constant 0 : i32
        %dma_start3A_59 = tpu.memref_slice %run_scoped3A[%rem3A_55, %dma_start3A, %dma_start3A_58] : memref<2x1x128xi32, #tpu.memory_space<vmem>> -> memref<1x1x128xi32, #tpu.memory_space<vmem>>
        %dma_start3A_60 = tpu.memref_squeeze %dma_start3A_59 : memref<1x1x128xi32, #tpu.memory_space<vmem>> -> memref<1x128xi32, #tpu.memory_space<vmem>>
        %dma_start3A_61 = arith.constant 0 : i32
        %dma_start3A_62 = tpu.memref_slice %arg3[%dma_start3A_61, %mul3A_57] : memref<1x800000xi32, #tpu.memory_space<hbm>> -> memref<1x128xi32, #tpu.memory_space<hbm>>
        %dma_start3A_63 = tpu.memref_slice %run_scoped3A_17[%rem3A_55] : memref<2x!tpu.dma_semaphore, #tpu.memory_space<semaphore_mem>> -> memref<1x!tpu.dma_semaphore, #tpu.memory_space<semaphore_mem>>
        %dma_start3A_64 = tpu.memref_squeeze %dma_start3A_63 : memref<1x!tpu.dma_semaphore, #tpu.memory_space<semaphore_mem>> -> memref<!tpu.dma_semaphore, #tpu.memory_space<semaphore_mem>>
        %dma_start3A_65 = arith.constant 0 : i32
        %dma_start3A_66 = arith.constant 0 : i32
        %dma_start3A_67 = tpu.memref_slice %run_scoped3A[%rem3A_55, %dma_start3A_65, %dma_start3A_66] : memref<2x1x128xi32, #tpu.memory_space<vmem>> -> memref<1x1x128xi32, #tpu.memory_space<vmem>>
        %dma_start3A_68 = tpu.memref_squeeze %dma_start3A_67 : memref<1x1x128xi32, #tpu.memory_space<vmem>> -> memref<1x128xi32, #tpu.memory_space<vmem>>
        %dma_start3A_69 = arith.constant 0 : i32
        %dma_start3A_70 = tpu.memref_slice %arg3[%dma_start3A_69, %mul3A_57] : memref<1x800000xi32, #tpu.memory_space<hbm>> -> memref<1x128xi32, #tpu.memory_space<hbm>>
        tpu.enqueue_dma source(%dma_start3A_70 : memref<1x128xi32, #tpu.memory_space<hbm>>) target(%dma_start3A_68 : memref<1x128xi32, #tpu.memory_space<vmem>>) target_semaphore(%dma_start3A_64 : memref<!tpu.dma_semaphore, #tpu.memory_space<semaphore_mem>>)
        %add3A_71 = arith.constant 0 : i32
        %add3A_72 = arith.constant 1 : i32
        %add3A_73 = arith.addi %add3A_71, %add3A_72 : i32
        %select_n3A_74 = arith.constant true
        %select_n3A_75 = arith.constant 0 : i32
        %select_n3A_76 = arith.select %select_n3A_74, %add3A_73, %select_n3A_75 : i32
        %while3A = arith.constant 0 : i32
        %while3A_77 = arith.constant 0 : i32
        %while3A_78 = arith.constant 0 : i32
        %while3A_79 = arith.constant 0 : i32
        %while3A_80 = arith.constant 0 : i32
        "tpu.trace_stop"() : () -> ()
        %while3A_81 = arith.subi %mul3A_16, %while3A : i32
        %while3A_82 = arith.addi %while3A, %while3A_81 : i32
        %while3A_83 = arith.constant 1 : i32
        %while3A_84 = arith.divsi %while3A_81, %while3A_83 : i32
        %while3A_85 = arith.muli %while3A_84, %while3A_83 : i32
        %while3A_86 = arith.addi %while3A, %while3A_85 : i32
        %while3A_87 = arith.constant 1 : i32
        %while3A_88:5 = scf.for %while3A_142 = %while3A to %while3A_86 step %while3A_87 iter_args(%while3A_143 = %select_n3A_76, %while3A_144 = %while3A_77, %while3A_145 = %while3A_78, %while3A_146 = %while3A_79, %while3A_147 = %while3A_80) -> (i32, i32, i32, i32, i32)  : i32 {
          %mul3A_148 = arith.constant 1 : i32
          %mul3A_149 = arith.muli %mul3A_148, %select_n3A : i32
          %eq3A_150 = arith.constant 0 : i32
          %eq3A_151 = arith.cmpi eq, %while3A_142, %eq3A_150 : i32
          %sub3A_152 = arith.constant 1 : i32
          %sub3A_153 = arith.subi %mul3A_149, %sub3A_152 : i32
          %eq3A_154 = arith.cmpi eq, %while3A_142, %sub3A_153 : i32
          %add3A_155 = arith.addi %while3A_147, %select_n3A_14 : i32
          %sub3A_156 = arith.constant 1 : i32
          %sub3A_157 = arith.subi %while3A_147, %sub3A_156 : i32
          %select_n3A_158 = arith.constant true
          %select_n3A_159 = arith.select %select_n3A_158, %sub3A_157, %while3A_147 : i32
          %eq3A_160 = arith.constant -1 : i32
          %eq3A_161 = arith.cmpi eq, %select_n3A_159, %eq3A_160 : i32
          %sub3A_162 = arith.constant 1 : i32
          %sub3A_163 = arith.subi %select_n3A, %sub3A_162 : i32
          %select_n3A_164 = arith.select %eq3A_161, %sub3A_163, %select_n3A_159 : i32
          %add3A_165 = arith.addi %select_n3A_164, %select_n3A_14 : i32
          %add3A_166 = arith.constant 1 : i32
          %add3A_167 = arith.addi %while3A_147, %add3A_166 : i32
          %select_n3A_168 = arith.constant true
          %select_n3A_169 = arith.select %select_n3A_168, %add3A_167, %while3A_147 : i32
          %eq3A_170 = arith.cmpi eq, %select_n3A_169, %select_n3A : i32
          %select_n3A_171 = arith.constant 0 : i32
          %select_n3A_172 = arith.select %eq3A_170, %select_n3A_171, %select_n3A_169 : i32
          %add3A_173 = arith.addi %select_n3A_172, %select_n3A_14 : i32
          %add3A_174 = arith.constant 1 : i32
          %add3A_175 = arith.addi %select_n3A_172, %add3A_174 : i32
          %select_n3A_176 = arith.constant true
          %select_n3A_177 = arith.select %select_n3A_176, %add3A_175, %select_n3A_172 : i32
          %eq3A_178 = arith.cmpi eq, %select_n3A_177, %select_n3A : i32
          %select_n3A_179 = arith.constant 0 : i32
          %select_n3A_180 = arith.select %eq3A_178, %select_n3A_179, %select_n3A_177 : i32
          %add3A_181 = arith.addi %select_n3A_180, %select_n3A_14 : i32
          %ne3A = arith.cmpi ne, %add3A_155, %add3A_173 : i32
          %or3A = arith.constant false
          %or3A_182 = arith.ori %or3A, %ne3A : i1
          %sub3A_183 = arith.constant 2 : i32
          %sub3A_184 = arith.subi %mul3A_149, %sub3A_183 : i32
          %add3A_185 = arith.constant 1 : i32
          %add3A_186 = arith.addi %sub3A_184, %add3A_185 : i32
          %ge3A = arith.cmpi sge, %while3A_142, %add3A_186 : i32
          %not3A = arith.constant true
          %not3A_187 = arith.xori %ge3A, %not3A : i1
          %and3A = arith.andi %or3A_182, %not3A_187 : i1
          %convert_element_type3A_188 = arith.extui %and3A : i1 to i32
          %cond3A_189 = arith.constant 0 : i32
          %cond3A_190 = arith.cmpi ne, %convert_element_type3A_188, %cond3A_189 : i32
          scf.if %cond3A_190 {
            "tpu.trace_start"() <{level = 10 : i32, message = "ep_copy_in"}> : () -> ()
            %rem3A_294 = arith.constant 2 : i32
            %rem3A_295 = arith.remui %while3A_143, %rem3A_294 : i32
            %mul3A_296 = arith.constant 128 : i32
            %mul3A_297 = arith.muli %mul3A_296, %add3A_173 : i32
            %dma_start3A_298 = arith.constant 0 : i32
            %dma_start3A_299 = arith.constant 0 : i32
            %dma_start3A_300 = tpu.memref_slice %run_scoped3A[%rem3A_295, %dma_start3A_298, %dma_start3A_299] : memref<2x1x128xi32, #tpu.memory_space<vmem>> -> memref<1x1x128xi32, #tpu.memory_space<vmem>>
            %dma_start3A_301 = tpu.memref_squeeze %dma_start3A_300 : memref<1x1x128xi32, #tpu.memory_space<vmem>> -> memref<1x128xi32, #tpu.memory_space<vmem>>
            %dma_start3A_302 = arith.constant 0 : i32
            %dma_start3A_303 = tpu.memref_slice %arg3[%dma_start3A_302, %mul3A_297] : memref<1x800000xi32, #tpu.memory_space<hbm>> -> memref<1x128xi32, #tpu.memory_space<hbm>>
            %dma_start3A_304 = tpu.memref_slice %run_scoped3A_17[%rem3A_295] : memref<2x!tpu.dma_semaphore, #tpu.memory_space<semaphore_mem>> -> memref<1x!tpu.dma_semaphore, #tpu.memory_space<semaphore_mem>>
            %dma_start3A_305 = tpu.memref_squeeze %dma_start3A_304 : memref<1x!tpu.dma_semaphore, #tpu.memory_space<semaphore_mem>> -> memref<!tpu.dma_semaphore, #tpu.memory_space<semaphore_mem>>
            %dma_start3A_306 = arith.constant 0 : i32
            %dma_start3A_307 = arith.constant 0 : i32
            %dma_start3A_308 = tpu.memref_slice %run_scoped3A[%rem3A_295, %dma_start3A_306, %dma_start3A_307] : memref<2x1x128xi32, #tpu.memory_space<vmem>> -> memref<1x1x128xi32, #tpu.memory_space<vmem>>
            %dma_start3A_309 = tpu.memref_squeeze %dma_start3A_308 : memref<1x1x128xi32, #tpu.memory_space<vmem>> -> memref<1x128xi32, #tpu.memory_space<vmem>>
            %dma_start3A_310 = arith.constant 0 : i32
            %dma_start3A_311 = tpu.memref_slice %arg3[%dma_start3A_310, %mul3A_297] : memref<1x800000xi32, #tpu.memory_space<hbm>> -> memref<1x128xi32, #tpu.memory_space<hbm>>
            tpu.enqueue_dma source(%dma_start3A_311 : memref<1x128xi32, #tpu.memory_space<hbm>>) target(%dma_start3A_309 : memref<1x128xi32, #tpu.memory_space<vmem>>) target_semaphore(%dma_start3A_305 : memref<!tpu.dma_semaphore, #tpu.memory_space<semaphore_mem>>)
            "tpu.trace_stop"() : () -> ()
          } else {
          }
          %and3A_191 = arith.constant true
          %and3A_192 = arith.andi %and3A, %and3A_191 : i1
          %add3A_193 = arith.constant 1 : i32
          %add3A_194 = arith.addi %while3A_143, %add3A_193 : i32
          %select_n3A_195 = arith.select %and3A_192, %add3A_194, %while3A_143 : i32
          %ne3A_196 = arith.cmpi ne, %add3A_155, %add3A_173 : i32
          %or3A_197 = arith.constant false
          %or3A_198 = arith.ori %or3A_197, %ne3A_196 : i1
          %or3A_199 = arith.constant false
          %or3A_200 = arith.ori %or3A_198, %or3A_199 : i1
          %sub3A_201 = arith.constant 2 : i32
          %sub3A_202 = arith.subi %mul3A_149, %sub3A_201 : i32
          %add3A_203 = arith.constant 1 : i32
          %add3A_204 = arith.addi %sub3A_202, %add3A_203 : i32
          %ge3A_205 = arith.cmpi sge, %while3A_142, %add3A_204 : i32
          %not3A_206 = arith.constant true
          %not3A_207 = arith.xori %ge3A_205, %not3A_206 : i1
          %and3A_208 = arith.andi %or3A_200, %not3A_207 : i1
          %ne3A_209 = arith.cmpi ne, %add3A_155, %add3A_165 : i32
          %or3A_210 = arith.constant false
          %or3A_211 = arith.ori %or3A_210, %ne3A_209 : i1
          %or3A_212 = arith.ori %or3A_211, %eq3A_151 : i1
          %convert_element_type3A_213 = arith.extui %or3A_212 : i1 to i32
          %cond3A_214 = arith.constant 0 : i32
          %cond3A_215 = arith.cmpi ne, %convert_element_type3A_213, %cond3A_214 : i32
          scf.if %cond3A_215 {
            "tpu.trace_start"() <{level = 10 : i32, message = "ep_wait_in"}> : () -> ()
            %mul3A_294 = arith.constant 128 : i32
            %mul3A_295 = arith.muli %mul3A_294, %add3A_155 : i32
            %rem3A_296 = arith.constant 2 : i32
            %rem3A_297 = arith.remui %while3A_144, %rem3A_296 : i32
            %dma_wait3A = arith.constant 0 : i32
            %dma_wait3A_298 = arith.constant 0 : i32
            %dma_wait3A_299 = tpu.memref_slice %run_scoped3A[%rem3A_297, %dma_wait3A, %dma_wait3A_298] : memref<2x1x128xi32, #tpu.memory_space<vmem>> -> memref<1x1x128xi32, #tpu.memory_space<vmem>>
            %dma_wait3A_300 = tpu.memref_squeeze %dma_wait3A_299 : memref<1x1x128xi32, #tpu.memory_space<vmem>> -> memref<1x128xi32, #tpu.memory_space<vmem>>
            %dma_wait3A_301 = arith.constant 0 : i32
            %dma_wait3A_302 = tpu.memref_slice %arg3[%dma_wait3A_301, %mul3A_295] : memref<1x800000xi32, #tpu.memory_space<hbm>> -> memref<1x128xi32, #tpu.memory_space<hbm>>
            %dma_wait3A_303 = tpu.memref_slice %run_scoped3A_17[%rem3A_297] : memref<2x!tpu.dma_semaphore, #tpu.memory_space<semaphore_mem>> -> memref<1x!tpu.dma_semaphore, #tpu.memory_space<semaphore_mem>>
            %dma_wait3A_304 = tpu.memref_squeeze %dma_wait3A_303 : memref<1x!tpu.dma_semaphore, #tpu.memory_space<semaphore_mem>> -> memref<!tpu.dma_semaphore, #tpu.memory_space<semaphore_mem>>
            %dma_wait3A_305 = arith.constant 0 : i32
            %dma_wait3A_306 = arith.constant 0 : i32
            %dma_wait3A_307 = tpu.memref_slice %run_scoped3A[%rem3A_297, %dma_wait3A_305, %dma_wait3A_306] : memref<2x1x128xi32, #tpu.memory_space<vmem>> -> memref<1x1x128xi32, #tpu.memory_space<vmem>>
            %dma_wait3A_308 = tpu.memref_squeeze %dma_wait3A_307 : memref<1x1x128xi32, #tpu.memory_space<vmem>> -> memref<1x128xi32, #tpu.memory_space<vmem>>
            %dma_wait3A_309 = arith.constant 0 : i32
            %dma_wait3A_310 = tpu.memref_slice %arg3[%dma_wait3A_309, %mul3A_295] : memref<1x800000xi32, #tpu.memory_space<hbm>> -> memref<1x128xi32, #tpu.memory_space<hbm>>
            tpu.wait_dma2 semaphore(%dma_wait3A_304 : memref<!tpu.dma_semaphore, #tpu.memory_space<semaphore_mem>>) src(%dma_wait3A_310 : memref<1x128xi32, #tpu.memory_space<hbm>>) dst(%dma_wait3A_308 : memref<1x128xi32, #tpu.memory_space<vmem>>)
            "tpu.trace_stop"() : () -> ()
          } else {
          }
          %ne3A_216 = arith.cmpi ne, %add3A_155, %add3A_165 : i32
          %or3A_217 = arith.constant false
          %or3A_218 = arith.ori %or3A_217, %ne3A_216 : i1
          %or3A_219 = arith.constant false
          %or3A_220 = arith.ori %or3A_218, %or3A_219 : i1
          %or3A_221 = arith.ori %or3A_220, %eq3A_151 : i1
          %convert_element_type3A_222 = arith.extui %or3A_221 : i1 to i32
          %cond3A_223 = arith.constant 0 : i32
          %cond3A_224 = arith.cmpi ne, %convert_element_type3A_222, %cond3A_223 : i32
          scf.if %cond3A_224 {
          } else {
          }
          %rem3A_225 = arith.constant 2 : i32
          %rem3A_226 = arith.remui %while3A_144, %rem3A_225 : i32
          %rem3A_227 = arith.constant 2 : i32
          %rem3A_228 = arith.remui %while3A_145, %rem3A_227 : i32
          %run_scoped3A_229 = arith.constant 0 : i32
          "tpu.trace_start"() <{level = 10 : i32, message = "ep_run_kernel"}> : () -> ()
          "tpu.region"() ({
            %run_scoped3A_294 = tpu.sem_alloc : memref<!tpu.dma_semaphore, #tpu.memory_space<semaphore_mem>>
            %dma_start3A_295 = arith.constant 0 : i32
            %dma_start3A_296 = arith.constant 0 : i32
            %dma_start3A_297 = tpu.memref_slice %run_scoped3A_18[%rem3A_228, %dma_start3A_295, %dma_start3A_296] : memref<2x128x128xf32, #tpu.memory_space<vmem>> -> memref<1x128x128xf32, #tpu.memory_space<vmem>>
            %dma_start3A_298 = tpu.memref_squeeze %dma_start3A_297 : memref<1x128x128xf32, #tpu.memory_space<vmem>> -> memref<128x128xf32, #tpu.memory_space<vmem>>
            %dma_start3A_299 = arith.constant 0 : i32
            %dma_start3A_300 = arith.constant 0 : i32
            %dma_start3A_301 = tpu.memref_slice %run_scoped3A[%rem3A_226, %dma_start3A_299, %dma_start3A_300] : memref<2x1x128xi32, #tpu.memory_space<vmem>> -> memref<1x1x128xi32, #tpu.memory_space<vmem>>
            %dma_start3A_302 = tpu.memref_squeeze %dma_start3A_301 : memref<1x1x128xi32, #tpu.memory_space<vmem>> -> memref<1x128xi32, #tpu.memory_space<vmem>>
            %dma_start3A_303 = arith.constant 0 : i32
            %dma_start3A_304 = tpu.memref_slice %dma_start3A_302[%run_scoped3A_229, %dma_start3A_303] : memref<1x128xi32, #tpu.memory_space<vmem>> -> memref<1x128xi32, #tpu.memory_space<vmem>>
            %dma_start3A_305 = tpu.memref_squeeze %dma_start3A_304 : memref<1x128xi32, #tpu.memory_space<vmem>> -> memref<128xi32, #tpu.memory_space<vmem>>
            %dma_start3A_306 = arith.constant 0 : i32
            %dma_start3A_307 = arith.constant 0 : i32
            %dma_start3A_308 = tpu.memref_slice %arg2[%dma_start3A_306, %dma_start3A_307] : memref<50000x128xf32, #tpu.memory_space<hbm>> -> memref<50000x128xf32, #tpu.memory_space<hbm>>
            tpu.enqueue_indirect_dma source(%dma_start3A_308 : memref<50000x128xf32, #tpu.memory_space<hbm>>) target(%dma_start3A_298 : memref<128x128xf32, #tpu.memory_space<vmem>>) offsets(%dma_start3A_305 : memref<128xi32, #tpu.memory_space<vmem>>) semaphore(%run_scoped3A_294 : memref<!tpu.dma_semaphore, #tpu.memory_space<semaphore_mem>>)
            %dma_wait3A = arith.constant 0 : i32
            %dma_wait3A_309 = arith.constant 0 : i32
            %dma_wait3A_310 = tpu.memref_slice %run_scoped3A_18[%rem3A_228, %dma_wait3A, %dma_wait3A_309] : memref<2x128x128xf32, #tpu.memory_space<vmem>> -> memref<1x128x128xf32, #tpu.memory_space<vmem>>
            %dma_wait3A_311 = tpu.memref_squeeze %dma_wait3A_310 : memref<1x128x128xf32, #tpu.memory_space<vmem>> -> memref<128x128xf32, #tpu.memory_space<vmem>>
            %dma_wait3A_312 = arith.constant 0 : i32
            %dma_wait3A_313 = arith.constant 0 : i32
            %dma_wait3A_314 = tpu.memref_slice %run_scoped3A[%rem3A_226, %dma_wait3A_312, %dma_wait3A_313] : memref<2x1x128xi32, #tpu.memory_space<vmem>> -> memref<1x1x128xi32, #tpu.memory_space<vmem>>
            %dma_wait3A_315 = tpu.memref_squeeze %dma_wait3A_314 : memref<1x1x128xi32, #tpu.memory_space<vmem>> -> memref<1x128xi32, #tpu.memory_space<vmem>>
            %dma_wait3A_316 = arith.constant 0 : i32
            %dma_wait3A_317 = tpu.memref_slice %dma_wait3A_315[%run_scoped3A_229, %dma_wait3A_316] : memref<1x128xi32, #tpu.memory_space<vmem>> -> memref<1x128xi32, #tpu.memory_space<vmem>>
            %dma_wait3A_318 = tpu.memref_squeeze %dma_wait3A_317 : memref<1x128xi32, #tpu.memory_space<vmem>> -> memref<128xi32, #tpu.memory_space<vmem>>
            %dma_wait3A_319 = arith.constant 0 : i32
            %dma_wait3A_320 = arith.constant 0 : i32
            %dma_wait3A_321 = tpu.memref_slice %arg2[%dma_wait3A_319, %dma_wait3A_320] : memref<50000x128xf32, #tpu.memory_space<hbm>> -> memref<50000x128xf32, #tpu.memory_space<hbm>>
            tpu.wait_indirect_dma semaphore(%run_scoped3A_294 : memref<!tpu.dma_semaphore, #tpu.memory_space<semaphore_mem>>) src(%dma_wait3A_321 : memref<50000x128xf32, #tpu.memory_space<hbm>>) dst(%dma_wait3A_311 : memref<128x128xf32, #tpu.memory_space<vmem>>)
            tpu.yield
          }) : () -> ()
          "tpu.trace_stop"() : () -> ()
          %ne3A_230 = arith.cmpi ne, %add3A_155, %add3A_173 : i32
          %or3A_231 = arith.constant false
          %or3A_232 = arith.ori %or3A_231, %ne3A_230 : i1
          %or3A_233 = arith.ori %or3A_232, %eq3A_154 : i1
          %convert_element_type3A_234 = arith.extui %or3A_233 : i1 to i32
          %cond3A_235 = arith.constant 0 : i32
          %cond3A_236 = arith.cmpi ne, %convert_element_type3A_234, %cond3A_235 : i32
          scf.if %cond3A_236 {
          } else {
          }
          %and3A_237 = arith.constant false
          %and3A_238 = arith.andi %or3A_233, %and3A_237 : i1
          %ne3A_239 = arith.cmpi ne, %add3A_155, %add3A_173 : i32
          %or3A_240 = arith.constant false
          %or3A_241 = arith.ori %or3A_240, %ne3A_239 : i1
          %or3A_242 = arith.constant false
          %or3A_243 = arith.ori %or3A_241, %or3A_242 : i1
          %or3A_244 = arith.ori %or3A_243, %eq3A_154 : i1
          %convert_element_type3A_245 = arith.extui %or3A_244 : i1 to i32
          %cond3A_246 = arith.constant 0 : i32
          %cond3A_247 = arith.cmpi ne, %convert_element_type3A_245, %cond3A_246 : i32
          scf.if %cond3A_247 {
            "tpu.trace_start"() <{level = 10 : i32, message = "ep_copy_out"}> : () -> ()
            %rem3A_294 = arith.constant 2 : i32
            %rem3A_295 = arith.remui %while3A_145, %rem3A_294 : i32
            %mul3A_296 = arith.constant 128 : i32
            %mul3A_297 = arith.muli %mul3A_296, %add3A_155 : i32
            %dma_start3A_298 = arith.constant 0 : i32
            %dma_start3A_299 = arith.constant 0 : i32
            %dma_start3A_300 = tpu.memref_slice %run_scoped3A_18[%rem3A_295, %dma_start3A_298, %dma_start3A_299] : memref<2x128x128xf32, #tpu.memory_space<vmem>> -> memref<1x128x128xf32, #tpu.memory_space<vmem>>
            %dma_start3A_301 = tpu.memref_squeeze %dma_start3A_300 : memref<1x128x128xf32, #tpu.memory_space<vmem>> -> memref<128x128xf32, #tpu.memory_space<vmem>>
            %dma_start3A_302 = arith.constant 0 : i32
            %dma_start3A_303 = tpu.memref_slice %arg4[%mul3A_297, %dma_start3A_302] : memref<800000x128xf32, #tpu.memory_space<hbm>> -> memref<128x128xf32, #tpu.memory_space<hbm>>
            %dma_start3A_304 = tpu.memref_slice %run_scoped3A_19[%rem3A_295] : memref<2x!tpu.dma_semaphore, #tpu.memory_space<semaphore_mem>> -> memref<1x!tpu.dma_semaphore, #tpu.memory_space<semaphore_mem>>
            %dma_start3A_305 = tpu.memref_squeeze %dma_start3A_304 : memref<1x!tpu.dma_semaphore, #tpu.memory_space<semaphore_mem>> -> memref<!tpu.dma_semaphore, #tpu.memory_space<semaphore_mem>>
            %dma_start3A_306 = arith.constant 0 : i32
            %dma_start3A_307 = tpu.memref_slice %arg4[%mul3A_297, %dma_start3A_306] : memref<800000x128xf32, #tpu.memory_space<hbm>> -> memref<128x128xf32, #tpu.memory_space<hbm>>
            %dma_start3A_308 = arith.constant 0 : i32
            %dma_start3A_309 = arith.constant 0 : i32
            %dma_start3A_310 = tpu.memref_slice %run_scoped3A_18[%rem3A_295, %dma_start3A_308, %dma_start3A_309] : memref<2x128x128xf32, #tpu.memory_space<vmem>> -> memref<1x128x128xf32, #tpu.memory_space<vmem>>
            %dma_start3A_311 = tpu.memref_squeeze %dma_start3A_310 : memref<1x128x128xf32, #tpu.memory_space<vmem>> -> memref<128x128xf32, #tpu.memory_space<vmem>>
            tpu.enqueue_dma source(%dma_start3A_311 : memref<128x128xf32, #tpu.memory_space<vmem>>) target(%dma_start3A_307 : memref<128x128xf32, #tpu.memory_space<hbm>>) target_semaphore(%dma_start3A_305 : memref<!tpu.dma_semaphore, #tpu.memory_space<semaphore_mem>>)
            "tpu.trace_stop"() : () -> ()
          } else {
          }
          %and3A_248 = arith.constant true
          %and3A_249 = arith.andi %or3A_244, %and3A_248 : i1
          %add3A_250 = arith.constant 1 : i32
          %add3A_251 = arith.addi %while3A_145, %add3A_250 : i32
          %select_n3A_252 = arith.select %and3A_249, %add3A_251, %while3A_145 : i32
          %ne3A_253 = arith.cmpi ne, %add3A_155, %add3A_165 : i32
          %or3A_254 = arith.constant false
          %or3A_255 = arith.ori %or3A_254, %ne3A_253 : i1
          %not3A_256 = arith.constant true
          %not3A_257 = arith.xori %eq3A_151, %not3A_256 : i1
          %and3A_258 = arith.andi %or3A_255, %not3A_257 : i1
          %convert_element_type3A_259 = arith.extui %and3A_258 : i1 to i32
          %cond3A_260 = arith.constant 0 : i32
          %cond3A_261 = arith.cmpi ne, %convert_element_type3A_259, %cond3A_260 : i32
          scf.if %cond3A_261 {
          } else {
          }
          %and3A_262 = arith.constant false
          %and3A_263 = arith.andi %and3A_258, %and3A_262 : i1
          %ne3A_264 = arith.cmpi ne, %add3A_155, %add3A_165 : i32
          %or3A_265 = arith.constant false
          %or3A_266 = arith.ori %or3A_265, %ne3A_264 : i1
          %or3A_267 = arith.constant false
          %or3A_268 = arith.ori %or3A_266, %or3A_267 : i1
          %not3A_269 = arith.constant true
          %not3A_270 = arith.xori %eq3A_151, %not3A_269 : i1
          %and3A_271 = arith.andi %or3A_268, %not3A_270 : i1
          %convert_element_type3A_272 = arith.extui %and3A_271 : i1 to i32
          %cond3A_273 = arith.constant 0 : i32
          %cond3A_274 = arith.cmpi ne, %convert_element_type3A_272, %cond3A_273 : i32
          scf.if %cond3A_274 {
            "tpu.trace_start"() <{level = 10 : i32, message = "ep_wait_out"}> : () -> ()
            %rem3A_294 = arith.constant 2 : i32
            %rem3A_295 = arith.remui %while3A_146, %rem3A_294 : i32
            %mul3A_296 = arith.constant 128 : i32
            %mul3A_297 = arith.muli %mul3A_296, %add3A_165 : i32
            %dma_wait3A = arith.constant 0 : i32
            %dma_wait3A_298 = arith.constant 0 : i32
            %dma_wait3A_299 = tpu.memref_slice %run_scoped3A_18[%rem3A_295, %dma_wait3A, %dma_wait3A_298] : memref<2x128x128xf32, #tpu.memory_space<vmem>> -> memref<1x128x128xf32, #tpu.memory_space<vmem>>
            %dma_wait3A_300 = tpu.memref_squeeze %dma_wait3A_299 : memref<1x128x128xf32, #tpu.memory_space<vmem>> -> memref<128x128xf32, #tpu.memory_space<vmem>>
            %dma_wait3A_301 = arith.constant 0 : i32
            %dma_wait3A_302 = tpu.memref_slice %arg4[%mul3A_297, %dma_wait3A_301] : memref<800000x128xf32, #tpu.memory_space<hbm>> -> memref<128x128xf32, #tpu.memory_space<hbm>>
            %dma_wait3A_303 = tpu.memref_slice %run_scoped3A_19[%rem3A_295] : memref<2x!tpu.dma_semaphore, #tpu.memory_space<semaphore_mem>> -> memref<1x!tpu.dma_semaphore, #tpu.memory_space<semaphore_mem>>
            %dma_wait3A_304 = tpu.memref_squeeze %dma_wait3A_303 : memref<1x!tpu.dma_semaphore, #tpu.memory_space<semaphore_mem>> -> memref<!tpu.dma_semaphore, #tpu.memory_space<semaphore_mem>>
            %dma_wait3A_305 = arith.constant 0 : i32
            %dma_wait3A_306 = tpu.memref_slice %arg4[%mul3A_297, %dma_wait3A_305] : memref<800000x128xf32, #tpu.memory_space<hbm>> -> memref<128x128xf32, #tpu.memory_space<hbm>>
            %dma_wait3A_307 = arith.constant 0 : i32
            %dma_wait3A_308 = arith.constant 0 : i32
            %dma_wait3A_309 = tpu.memref_slice %run_scoped3A_18[%rem3A_295, %dma_wait3A_307, %dma_wait3A_308] : memref<2x128x128xf32, #tpu.memory_space<vmem>> -> memref<1x128x128xf32, #tpu.memory_space<vmem>>
            %dma_wait3A_310 = tpu.memref_squeeze %dma_wait3A_309 : memref<1x128x128xf32, #tpu.memory_space<vmem>> -> memref<128x128xf32, #tpu.memory_space<vmem>>
            tpu.wait_dma2 semaphore(%dma_wait3A_304 : memref<!tpu.dma_semaphore, #tpu.memory_space<semaphore_mem>>) src(%dma_wait3A_310 : memref<128x128xf32, #tpu.memory_space<vmem>>) dst(%dma_wait3A_306 : memref<128x128xf32, #tpu.memory_space<hbm>>)
            "tpu.trace_stop"() : () -> ()
          } else {
          }
          %and3A_275 = arith.constant true
          %and3A_276 = arith.andi %and3A_271, %and3A_275 : i1
          %add3A_277 = arith.constant 1 : i32
          %add3A_278 = arith.addi %while3A_146, %add3A_277 : i32
          %select_n3A_279 = arith.select %and3A_276, %add3A_278, %while3A_146 : i32
          %ne3A_280 = arith.cmpi ne, %add3A_155, %add3A_173 : i32
          %or3A_281 = arith.constant false
          %or3A_282 = arith.ori %or3A_281, %ne3A_280 : i1
          %or3A_283 = arith.ori %or3A_282, %eq3A_154 : i1
          %add3A_284 = arith.constant 1 : i32
          %add3A_285 = arith.addi %while3A_144, %add3A_284 : i32
          %select_n3A_286 = arith.select %or3A_283, %add3A_285, %while3A_144 : i32
          %add3A_287 = arith.constant 1 : i32
          %add3A_288 = arith.addi %while3A_147, %add3A_287 : i32
          %select_n3A_289 = arith.constant true
          %select_n3A_290 = arith.select %select_n3A_289, %add3A_288, %while3A_147 : i32
          %eq3A_291 = arith.cmpi eq, %select_n3A_290, %select_n3A : i32
          %select_n3A_292 = arith.constant 0 : i32
          %select_n3A_293 = arith.select %eq3A_291, %select_n3A_292, %select_n3A_290 : i32
          scf.yield %select_n3A_195, %select_n3A_286, %select_n3A_252, %select_n3A_279, %select_n3A_293 : i32, i32, i32, i32, i32
        }
        %while3A_89 = arith.constant 1 : i32
        %while3A_90:5 = scf.for %while3A_142 = %while3A_86 to %while3A_82 step %while3A_89 iter_args(%while3A_143 = %while3A_88#0, %while3A_144 = %while3A_88#1, %while3A_145 = %while3A_88#2, %while3A_146 = %while3A_88#3, %while3A_147 = %while3A_88#4) -> (i32, i32, i32, i32, i32)  : i32 {
          %mul3A_148 = arith.constant 1 : i32
          %mul3A_149 = arith.muli %mul3A_148, %select_n3A : i32
          %eq3A_150 = arith.constant 0 : i32
          %eq3A_151 = arith.cmpi eq, %while3A_142, %eq3A_150 : i32
          %sub3A_152 = arith.constant 1 : i32
          %sub3A_153 = arith.subi %mul3A_149, %sub3A_152 : i32
          %eq3A_154 = arith.cmpi eq, %while3A_142, %sub3A_153 : i32
          %add3A_155 = arith.addi %while3A_147, %select_n3A_14 : i32
          %sub3A_156 = arith.constant 1 : i32
          %sub3A_157 = arith.subi %while3A_147, %sub3A_156 : i32
          %select_n3A_158 = arith.constant true
          %select_n3A_159 = arith.select %select_n3A_158, %sub3A_157, %while3A_147 : i32
          %eq3A_160 = arith.constant -1 : i32
          %eq3A_161 = arith.cmpi eq, %select_n3A_159, %eq3A_160 : i32
          %sub3A_162 = arith.constant 1 : i32
          %sub3A_163 = arith.subi %select_n3A, %sub3A_162 : i32
          %select_n3A_164 = arith.select %eq3A_161, %sub3A_163, %select_n3A_159 : i32
          %add3A_165 = arith.addi %select_n3A_164, %select_n3A_14 : i32
          %add3A_166 = arith.constant 1 : i32
          %add3A_167 = arith.addi %while3A_147, %add3A_166 : i32
          %select_n3A_168 = arith.constant true
          %select_n3A_169 = arith.select %select_n3A_168, %add3A_167, %while3A_147 : i32
          %eq3A_170 = arith.cmpi eq, %select_n3A_169, %select_n3A : i32
          %select_n3A_171 = arith.constant 0 : i32
          %select_n3A_172 = arith.select %eq3A_170, %select_n3A_171, %select_n3A_169 : i32
          %add3A_173 = arith.addi %select_n3A_172, %select_n3A_14 : i32
          %add3A_174 = arith.constant 1 : i32
          %add3A_175 = arith.addi %select_n3A_172, %add3A_174 : i32
          %select_n3A_176 = arith.constant true
          %select_n3A_177 = arith.select %select_n3A_176, %add3A_175, %select_n3A_172 : i32
          %eq3A_178 = arith.cmpi eq, %select_n3A_177, %select_n3A : i32
          %select_n3A_179 = arith.constant 0 : i32
          %select_n3A_180 = arith.select %eq3A_178, %select_n3A_179, %select_n3A_177 : i32
          %add3A_181 = arith.addi %select_n3A_180, %select_n3A_14 : i32
          %ne3A = arith.cmpi ne, %add3A_155, %add3A_173 : i32
          %or3A = arith.constant false
          %or3A_182 = arith.ori %or3A, %ne3A : i1
          %sub3A_183 = arith.constant 2 : i32
          %sub3A_184 = arith.subi %mul3A_149, %sub3A_183 : i32
          %add3A_185 = arith.constant 1 : i32
          %add3A_186 = arith.addi %sub3A_184, %add3A_185 : i32
          %ge3A = arith.cmpi sge, %while3A_142, %add3A_186 : i32
          %not3A = arith.constant true
          %not3A_187 = arith.xori %ge3A, %not3A : i1
          %and3A = arith.andi %or3A_182, %not3A_187 : i1
          %convert_element_type3A_188 = arith.extui %and3A : i1 to i32
          %cond3A_189 = arith.constant 0 : i32
          %cond3A_190 = arith.cmpi ne, %convert_element_type3A_188, %cond3A_189 : i32
          scf.if %cond3A_190 {
            "tpu.trace_start"() <{level = 10 : i32, message = "ep_copy_in"}> : () -> ()
            %rem3A_294 = arith.constant 2 : i32
            %rem3A_295 = arith.remui %while3A_143, %rem3A_294 : i32
            %mul3A_296 = arith.constant 128 : i32
            %mul3A_297 = arith.muli %mul3A_296, %add3A_173 : i32
            %dma_start3A_298 = arith.constant 0 : i32
            %dma_start3A_299 = arith.constant 0 : i32
            %dma_start3A_300 = tpu.memref_slice %run_scoped3A[%rem3A_295, %dma_start3A_298, %dma_start3A_299] : memref<2x1x128xi32, #tpu.memory_space<vmem>> -> memref<1x1x128xi32, #tpu.memory_space<vmem>>
            %dma_start3A_301 = tpu.memref_squeeze %dma_start3A_300 : memref<1x1x128xi32, #tpu.memory_space<vmem>> -> memref<1x128xi32, #tpu.memory_space<vmem>>
            %dma_start3A_302 = arith.constant 0 : i32
            %dma_start3A_303 = tpu.memref_slice %arg3[%dma_start3A_302, %mul3A_297] : memref<1x800000xi32, #tpu.memory_space<hbm>> -> memref<1x128xi32, #tpu.memory_space<hbm>>
            %dma_start3A_304 = tpu.memref_slice %run_scoped3A_17[%rem3A_295] : memref<2x!tpu.dma_semaphore, #tpu.memory_space<semaphore_mem>> -> memref<1x!tpu.dma_semaphore, #tpu.memory_space<semaphore_mem>>
            %dma_start3A_305 = tpu.memref_squeeze %dma_start3A_304 : memref<1x!tpu.dma_semaphore, #tpu.memory_space<semaphore_mem>> -> memref<!tpu.dma_semaphore, #tpu.memory_space<semaphore_mem>>
            %dma_start3A_306 = arith.constant 0 : i32
            %dma_start3A_307 = arith.constant 0 : i32
            %dma_start3A_308 = tpu.memref_slice %run_scoped3A[%rem3A_295, %dma_start3A_306, %dma_start3A_307] : memref<2x1x128xi32, #tpu.memory_space<vmem>> -> memref<1x1x128xi32, #tpu.memory_space<vmem>>
            %dma_start3A_309 = tpu.memref_squeeze %dma_start3A_308 : memref<1x1x128xi32, #tpu.memory_space<vmem>> -> memref<1x128xi32, #tpu.memory_space<vmem>>
            %dma_start3A_310 = arith.constant 0 : i32
            %dma_start3A_311 = tpu.memref_slice %arg3[%dma_start3A_310, %mul3A_297] : memref<1x800000xi32, #tpu.memory_space<hbm>> -> memref<1x128xi32, #tpu.memory_space<hbm>>
            tpu.enqueue_dma source(%dma_start3A_311 : memref<1x128xi32, #tpu.memory_space<hbm>>) target(%dma_start3A_309 : memref<1x128xi32, #tpu.memory_space<vmem>>) target_semaphore(%dma_start3A_305 : memref<!tpu.dma_semaphore, #tpu.memory_space<semaphore_mem>>)
            "tpu.trace_stop"() : () -> ()
          } else {
          }
          %and3A_191 = arith.constant true
          %and3A_192 = arith.andi %and3A, %and3A_191 : i1
          %add3A_193 = arith.constant 1 : i32
          %add3A_194 = arith.addi %while3A_143, %add3A_193 : i32
          %select_n3A_195 = arith.select %and3A_192, %add3A_194, %while3A_143 : i32
          %ne3A_196 = arith.cmpi ne, %add3A_155, %add3A_173 : i32
          %or3A_197 = arith.constant false
          %or3A_198 = arith.ori %or3A_197, %ne3A_196 : i1
          %or3A_199 = arith.constant false
          %or3A_200 = arith.ori %or3A_198, %or3A_199 : i1
          %sub3A_201 = arith.constant 2 : i32
          %sub3A_202 = arith.subi %mul3A_149, %sub3A_201 : i32
          %add3A_203 = arith.constant 1 : i32
          %add3A_204 = arith.addi %sub3A_202, %add3A_203 : i32
          %ge3A_205 = arith.cmpi sge, %while3A_142, %add3A_204 : i32
          %not3A_206 = arith.constant true
          %not3A_207 = arith.xori %ge3A_205, %not3A_206 : i1
          %and3A_208 = arith.andi %or3A_200, %not3A_207 : i1
          %ne3A_209 = arith.cmpi ne, %add3A_155, %add3A_165 : i32
          %or3A_210 = arith.constant false
          %or3A_211 = arith.ori %or3A_210, %ne3A_209 : i1
          %or3A_212 = arith.ori %or3A_211, %eq3A_151 : i1
          %convert_element_type3A_213 = arith.extui %or3A_212 : i1 to i32
          %cond3A_214 = arith.constant 0 : i32
          %cond3A_215 = arith.cmpi ne, %convert_element_type3A_213, %cond3A_214 : i32
          scf.if %cond3A_215 {
            "tpu.trace_start"() <{level = 10 : i32, message = "ep_wait_in"}> : () -> ()
            %mul3A_294 = arith.constant 128 : i32
            %mul3A_295 = arith.muli %mul3A_294, %add3A_155 : i32
            %rem3A_296 = arith.constant 2 : i32
            %rem3A_297 = arith.remui %while3A_144, %rem3A_296 : i32
            %dma_wait3A = arith.constant 0 : i32
            %dma_wait3A_298 = arith.constant 0 : i32
            %dma_wait3A_299 = tpu.memref_slice %run_scoped3A[%rem3A_297, %dma_wait3A, %dma_wait3A_298] : memref<2x1x128xi32, #tpu.memory_space<vmem>> -> memref<1x1x128xi32, #tpu.memory_space<vmem>>
            %dma_wait3A_300 = tpu.memref_squeeze %dma_wait3A_299 : memref<1x1x128xi32, #tpu.memory_space<vmem>> -> memref<1x128xi32, #tpu.memory_space<vmem>>
            %dma_wait3A_301 = arith.constant 0 : i32
            %dma_wait3A_302 = tpu.memref_slice %arg3[%dma_wait3A_301, %mul3A_295] : memref<1x800000xi32, #tpu.memory_space<hbm>> -> memref<1x128xi32, #tpu.memory_space<hbm>>
            %dma_wait3A_303 = tpu.memref_slice %run_scoped3A_17[%rem3A_297] : memref<2x!tpu.dma_semaphore, #tpu.memory_space<semaphore_mem>> -> memref<1x!tpu.dma_semaphore, #tpu.memory_space<semaphore_mem>>
            %dma_wait3A_304 = tpu.memref_squeeze %dma_wait3A_303 : memref<1x!tpu.dma_semaphore, #tpu.memory_space<semaphore_mem>> -> memref<!tpu.dma_semaphore, #tpu.memory_space<semaphore_mem>>
            %dma_wait3A_305 = arith.constant 0 : i32
            %dma_wait3A_306 = arith.constant 0 : i32
            %dma_wait3A_307 = tpu.memref_slice %run_scoped3A[%rem3A_297, %dma_wait3A_305, %dma_wait3A_306] : memref<2x1x128xi32, #tpu.memory_space<vmem>> -> memref<1x1x128xi32, #tpu.memory_space<vmem>>
            %dma_wait3A_308 = tpu.memref_squeeze %dma_wait3A_307 : memref<1x1x128xi32, #tpu.memory_space<vmem>> -> memref<1x128xi32, #tpu.memory_space<vmem>>
            %dma_wait3A_309 = arith.constant 0 : i32
            %dma_wait3A_310 = tpu.memref_slice %arg3[%dma_wait3A_309, %mul3A_295] : memref<1x800000xi32, #tpu.memory_space<hbm>> -> memref<1x128xi32, #tpu.memory_space<hbm>>
            tpu.wait_dma2 semaphore(%dma_wait3A_304 : memref<!tpu.dma_semaphore, #tpu.memory_space<semaphore_mem>>) src(%dma_wait3A_310 : memref<1x128xi32, #tpu.memory_space<hbm>>) dst(%dma_wait3A_308 : memref<1x128xi32, #tpu.memory_space<vmem>>)
            "tpu.trace_stop"() : () -> ()
          } else {
          }
          %ne3A_216 = arith.cmpi ne, %add3A_155, %add3A_165 : i32
          %or3A_217 = arith.constant false
          %or3A_218 = arith.ori %or3A_217, %ne3A_216 : i1
          %or3A_219 = arith.constant false
          %or3A_220 = arith.ori %or3A_218, %or3A_219 : i1
          %or3A_221 = arith.ori %or3A_220, %eq3A_151 : i1
          %convert_element_type3A_222 = arith.extui %or3A_221 : i1 to i32
          %cond3A_223 = arith.constant 0 : i32
          %cond3A_224 = arith.cmpi ne, %convert_element_type3A_222, %cond3A_223 : i32
          scf.if %cond3A_224 {
          } else {
          }
          %rem3A_225 = arith.constant 2 : i32
          %rem3A_226 = arith.remui %while3A_144, %rem3A_225 : i32
          %rem3A_227 = arith.constant 2 : i32
          %rem3A_228 = arith.remui %while3A_145, %rem3A_227 : i32
          %run_scoped3A_229 = arith.constant 0 : i32
          "tpu.trace_start"() <{level = 10 : i32, message = "ep_run_kernel"}> : () -> ()
          "tpu.region"() ({
            %run_scoped3A_294 = tpu.sem_alloc : memref<!tpu.dma_semaphore, #tpu.memory_space<semaphore_mem>>
            %dma_start3A_295 = arith.constant 0 : i32
            %dma_start3A_296 = arith.constant 0 : i32
            %dma_start3A_297 = tpu.memref_slice %run_scoped3A_18[%rem3A_228, %dma_start3A_295, %dma_start3A_296] : memref<2x128x128xf32, #tpu.memory_space<vmem>> -> memref<1x128x128xf32, #tpu.memory_space<vmem>>
            %dma_start3A_298 = tpu.memref_squeeze %dma_start3A_297 : memref<1x128x128xf32, #tpu.memory_space<vmem>> -> memref<128x128xf32, #tpu.memory_space<vmem>>
            %dma_start3A_299 = arith.constant 0 : i32
            %dma_start3A_300 = arith.constant 0 : i32
            %dma_start3A_301 = tpu.memref_slice %run_scoped3A[%rem3A_226, %dma_start3A_299, %dma_start3A_300] : memref<2x1x128xi32, #tpu.memory_space<vmem>> -> memref<1x1x128xi32, #tpu.memory_space<vmem>>
            %dma_start3A_302 = tpu.memref_squeeze %dma_start3A_301 : memref<1x1x128xi32, #tpu.memory_space<vmem>> -> memref<1x128xi32, #tpu.memory_space<vmem>>
            %dma_start3A_303 = arith.constant 0 : i32
            %dma_start3A_304 = tpu.memref_slice %dma_start3A_302[%run_scoped3A_229, %dma_start3A_303] : memref<1x128xi32, #tpu.memory_space<vmem>> -> memref<1x128xi32, #tpu.memory_space<vmem>>
            %dma_start3A_305 = tpu.memref_squeeze %dma_start3A_304 : memref<1x128xi32, #tpu.memory_space<vmem>> -> memref<128xi32, #tpu.memory_space<vmem>>
            %dma_start3A_306 = arith.constant 0 : i32
            %dma_start3A_307 = arith.constant 0 : i32
            %dma_start3A_308 = tpu.memref_slice %arg2[%dma_start3A_306, %dma_start3A_307] : memref<50000x128xf32, #tpu.memory_space<hbm>> -> memref<50000x128xf32, #tpu.memory_space<hbm>>
            tpu.enqueue_indirect_dma source(%dma_start3A_308 : memref<50000x128xf32, #tpu.memory_space<hbm>>) target(%dma_start3A_298 : memref<128x128xf32, #tpu.memory_space<vmem>>) offsets(%dma_start3A_305 : memref<128xi32, #tpu.memory_space<vmem>>) semaphore(%run_scoped3A_294 : memref<!tpu.dma_semaphore, #tpu.memory_space<semaphore_mem>>)
            %dma_wait3A = arith.constant 0 : i32
            %dma_wait3A_309 = arith.constant 0 : i32
            %dma_wait3A_310 = tpu.memref_slice %run_scoped3A_18[%rem3A_228, %dma_wait3A, %dma_wait3A_309] : memref<2x128x128xf32, #tpu.memory_space<vmem>> -> memref<1x128x128xf32, #tpu.memory_space<vmem>>
            %dma_wait3A_311 = tpu.memref_squeeze %dma_wait3A_310 : memref<1x128x128xf32, #tpu.memory_space<vmem>> -> memref<128x128xf32, #tpu.memory_space<vmem>>
            %dma_wait3A_312 = arith.constant 0 : i32
            %dma_wait3A_313 = arith.constant 0 : i32
            %dma_wait3A_314 = tpu.memref_slice %run_scoped3A[%rem3A_226, %dma_wait3A_312, %dma_wait3A_313] : memref<2x1x128xi32, #tpu.memory_space<vmem>> -> memref<1x1x128xi32, #tpu.memory_space<vmem>>
            %dma_wait3A_315 = tpu.memref_squeeze %dma_wait3A_314 : memref<1x1x128xi32, #tpu.memory_space<vmem>> -> memref<1x128xi32, #tpu.memory_space<vmem>>
            %dma_wait3A_316 = arith.constant 0 : i32
            %dma_wait3A_317 = tpu.memref_slice %dma_wait3A_315[%run_scoped3A_229, %dma_wait3A_316] : memref<1x128xi32, #tpu.memory_space<vmem>> -> memref<1x128xi32, #tpu.memory_space<vmem>>
            %dma_wait3A_318 = tpu.memref_squeeze %dma_wait3A_317 : memref<1x128xi32, #tpu.memory_space<vmem>> -> memref<128xi32, #tpu.memory_space<vmem>>
            %dma_wait3A_319 = arith.constant 0 : i32
            %dma_wait3A_320 = arith.constant 0 : i32
            %dma_wait3A_321 = tpu.memref_slice %arg2[%dma_wait3A_319, %dma_wait3A_320] : memref<50000x128xf32, #tpu.memory_space<hbm>> -> memref<50000x128xf32, #tpu.memory_space<hbm>>
            tpu.wait_indirect_dma semaphore(%run_scoped3A_294 : memref<!tpu.dma_semaphore, #tpu.memory_space<semaphore_mem>>) src(%dma_wait3A_321 : memref<50000x128xf32, #tpu.memory_space<hbm>>) dst(%dma_wait3A_311 : memref<128x128xf32, #tpu.memory_space<vmem>>)
            tpu.yield
          }) : () -> ()
          "tpu.trace_stop"() : () -> ()
          %ne3A_230 = arith.cmpi ne, %add3A_155, %add3A_173 : i32
          %or3A_231 = arith.constant false
          %or3A_232 = arith.ori %or3A_231, %ne3A_230 : i1
          %or3A_233 = arith.ori %or3A_232, %eq3A_154 : i1
          %convert_element_type3A_234 = arith.extui %or3A_233 : i1 to i32
          %cond3A_235 = arith.constant 0 : i32
          %cond3A_236 = arith.cmpi ne, %convert_element_type3A_234, %cond3A_235 : i32
          scf.if %cond3A_236 {
          } else {
          }
          %and3A_237 = arith.constant false
          %and3A_238 = arith.andi %or3A_233, %and3A_237 : i1
          %ne3A_239 = arith.cmpi ne, %add3A_155, %add3A_173 : i32
          %or3A_240 = arith.constant false
          %or3A_241 = arith.ori %or3A_240, %ne3A_239 : i1
          %or3A_242 = arith.constant false
          %or3A_243 = arith.ori %or3A_241, %or3A_242 : i1
          %or3A_244 = arith.ori %or3A_243, %eq3A_154 : i1
          %convert_element_type3A_245 = arith.extui %or3A_244 : i1 to i32
          %cond3A_246 = arith.constant 0 : i32
          %cond3A_247 = arith.cmpi ne, %convert_element_type3A_245, %cond3A_246 : i32
          scf.if %cond3A_247 {
            "tpu.trace_start"() <{level = 10 : i32, message = "ep_copy_out"}> : () -> ()
            %rem3A_294 = arith.constant 2 : i32
            %rem3A_295 = arith.remui %while3A_145, %rem3A_294 : i32
            %mul3A_296 = arith.constant 128 : i32
            %mul3A_297 = arith.muli %mul3A_296, %add3A_155 : i32
            %dma_start3A_298 = arith.constant 0 : i32
            %dma_start3A_299 = arith.constant 0 : i32
            %dma_start3A_300 = tpu.memref_slice %run_scoped3A_18[%rem3A_295, %dma_start3A_298, %dma_start3A_299] : memref<2x128x128xf32, #tpu.memory_space<vmem>> -> memref<1x128x128xf32, #tpu.memory_space<vmem>>
            %dma_start3A_301 = tpu.memref_squeeze %dma_start3A_300 : memref<1x128x128xf32, #tpu.memory_space<vmem>> -> memref<128x128xf32, #tpu.memory_space<vmem>>
            %dma_start3A_302 = arith.constant 0 : i32
            %dma_start3A_303 = tpu.memref_slice %arg4[%mul3A_297, %dma_start3A_302] : memref<800000x128xf32, #tpu.memory_space<hbm>> -> memref<128x128xf32, #tpu.memory_space<hbm>>
            %dma_start3A_304 = tpu.memref_slice %run_scoped3A_19[%rem3A_295] : memref<2x!tpu.dma_semaphore, #tpu.memory_space<semaphore_mem>> -> memref<1x!tpu.dma_semaphore, #tpu.memory_space<semaphore_mem>>
            %dma_start3A_305 = tpu.memref_squeeze %dma_start3A_304 : memref<1x!tpu.dma_semaphore, #tpu.memory_space<semaphore_mem>> -> memref<!tpu.dma_semaphore, #tpu.memory_space<semaphore_mem>>
            %dma_start3A_306 = arith.constant 0 : i32
            %dma_start3A_307 = tpu.memref_slice %arg4[%mul3A_297, %dma_start3A_306] : memref<800000x128xf32, #tpu.memory_space<hbm>> -> memref<128x128xf32, #tpu.memory_space<hbm>>
            %dma_start3A_308 = arith.constant 0 : i32
            %dma_start3A_309 = arith.constant 0 : i32
            %dma_start3A_310 = tpu.memref_slice %run_scoped3A_18[%rem3A_295, %dma_start3A_308, %dma_start3A_309] : memref<2x128x128xf32, #tpu.memory_space<vmem>> -> memref<1x128x128xf32, #tpu.memory_space<vmem>>
            %dma_start3A_311 = tpu.memref_squeeze %dma_start3A_310 : memref<1x128x128xf32, #tpu.memory_space<vmem>> -> memref<128x128xf32, #tpu.memory_space<vmem>>
            tpu.enqueue_dma source(%dma_start3A_311 : memref<128x128xf32, #tpu.memory_space<vmem>>) target(%dma_start3A_307 : memref<128x128xf32, #tpu.memory_space<hbm>>) target_semaphore(%dma_start3A_305 : memref<!tpu.dma_semaphore, #tpu.memory_space<semaphore_mem>>)
            "tpu.trace_stop"() : () -> ()
          } else {
          }
          %and3A_248 = arith.constant true
          %and3A_249 = arith.andi %or3A_244, %and3A_248 : i1
          %add3A_250 = arith.constant 1 : i32
          %add3A_251 = arith.addi %while3A_145, %add3A_250 : i32
          %select_n3A_252 = arith.select %and3A_249, %add3A_251, %while3A_145 : i32
          %ne3A_253 = arith.cmpi ne, %add3A_155, %add3A_165 : i32
          %or3A_254 = arith.constant false
          %or3A_255 = arith.ori %or3A_254, %ne3A_253 : i1
          %not3A_256 = arith.constant true
          %not3A_257 = arith.xori %eq3A_151, %not3A_256 : i1
          %and3A_258 = arith.andi %or3A_255, %not3A_257 : i1
          %convert_element_type3A_259 = arith.extui %and3A_258 : i1 to i32
          %cond3A_260 = arith.constant 0 : i32
          %cond3A_261 = arith.cmpi ne, %convert_element_type3A_259, %cond3A_260 : i32
          scf.if %cond3A_261 {
          } else {
          }
          %and3A_262 = arith.constant false
          %and3A_263 = arith.andi %and3A_258, %and3A_262 : i1
          %ne3A_264 = arith.cmpi ne, %add3A_155, %add3A_165 : i32
          %or3A_265 = arith.constant false
          %or3A_266 = arith.ori %or3A_265, %ne3A_264 : i1
          %or3A_267 = arith.constant false
          %or3A_268 = arith.ori %or3A_266, %or3A_267 : i1
          %not3A_269 = arith.constant true
          %not3A_270 = arith.xori %eq3A_151, %not3A_269 : i1
          %and3A_271 = arith.andi %or3A_268, %not3A_270 : i1
          %convert_element_type3A_272 = arith.extui %and3A_271 : i1 to i32
          %cond3A_273 = arith.constant 0 : i32
          %cond3A_274 = arith.cmpi ne, %convert_element_type3A_272, %cond3A_273 : i32
          scf.if %cond3A_274 {
            "tpu.trace_start"() <{level = 10 : i32, message = "ep_wait_out"}> : () -> ()
            %rem3A_294 = arith.constant 2 : i32
            %rem3A_295 = arith.remui %while3A_146, %rem3A_294 : i32
            %mul3A_296 = arith.constant 128 : i32
            %mul3A_297 = arith.muli %mul3A_296, %add3A_165 : i32
            %dma_wait3A = arith.constant 0 : i32
            %dma_wait3A_298 = arith.constant 0 : i32
            %dma_wait3A_299 = tpu.memref_slice %run_scoped3A_18[%rem3A_295, %dma_wait3A, %dma_wait3A_298] : memref<2x128x128xf32, #tpu.memory_space<vmem>> -> memref<1x128x128xf32, #tpu.memory_space<vmem>>
            %dma_wait3A_300 = tpu.memref_squeeze %dma_wait3A_299 : memref<1x128x128xf32, #tpu.memory_space<vmem>> -> memref<128x128xf32, #tpu.memory_space<vmem>>
            %dma_wait3A_301 = arith.constant 0 : i32
            %dma_wait3A_302 = tpu.memref_slice %arg4[%mul3A_297, %dma_wait3A_301] : memref<800000x128xf32, #tpu.memory_space<hbm>> -> memref<128x128xf32, #tpu.memory_space<hbm>>
            %dma_wait3A_303 = tpu.memref_slice %run_scoped3A_19[%rem3A_295] : memref<2x!tpu.dma_semaphore, #tpu.memory_space<semaphore_mem>> -> memref<1x!tpu.dma_semaphore, #tpu.memory_space<semaphore_mem>>
            %dma_wait3A_304 = tpu.memref_squeeze %dma_wait3A_303 : memref<1x!tpu.dma_semaphore, #tpu.memory_space<semaphore_mem>> -> memref<!tpu.dma_semaphore, #tpu.memory_space<semaphore_mem>>
            %dma_wait3A_305 = arith.constant 0 : i32
            %dma_wait3A_306 = tpu.memref_slice %arg4[%mul3A_297, %dma_wait3A_305] : memref<800000x128xf32, #tpu.memory_space<hbm>> -> memref<128x128xf32, #tpu.memory_space<hbm>>
            %dma_wait3A_307 = arith.constant 0 : i32
            %dma_wait3A_308 = arith.constant 0 : i32
            %dma_wait3A_309 = tpu.memref_slice %run_scoped3A_18[%rem3A_295, %dma_wait3A_307, %dma_wait3A_308] : memref<2x128x128xf32, #tpu.memory_space<vmem>> -> memref<1x128x128xf32, #tpu.memory_space<vmem>>
            %dma_wait3A_310 = tpu.memref_squeeze %dma_wait3A_309 : memref<1x128x128xf32, #tpu.memory_space<vmem>> -> memref<128x128xf32, #tpu.memory_space<vmem>>
            tpu.wait_dma2 semaphore(%dma_wait3A_304 : memref<!tpu.dma_semaphore, #tpu.memory_space<semaphore_mem>>) src(%dma_wait3A_310 : memref<128x128xf32, #tpu.memory_space<vmem>>) dst(%dma_wait3A_306 : memref<128x128xf32, #tpu.memory_space<hbm>>)
            "tpu.trace_stop"() : () -> ()
          } else {
          }
          %and3A_275 = arith.constant true
          %and3A_276 = arith.andi %and3A_271, %and3A_275 : i1
          %add3A_277 = arith.constant 1 : i32
          %add3A_278 = arith.addi %while3A_146, %add3A_277 : i32
          %select_n3A_279 = arith.select %and3A_276, %add3A_278, %while3A_146 : i32
          %ne3A_280 = arith.cmpi ne, %add3A_155, %add3A_173 : i32
          %or3A_281 = arith.constant false
          %or3A_282 = arith.ori %or3A_281, %ne3A_280 : i1
          %or3A_283 = arith.ori %or3A_282, %eq3A_154 : i1
          %add3A_284 = arith.constant 1 : i32
          %add3A_285 = arith.addi %while3A_144, %add3A_284 : i32
          %select_n3A_286 = arith.select %or3A_283, %add3A_285, %while3A_144 : i32
          %add3A_287 = arith.constant 1 : i32
          %add3A_288 = arith.addi %while3A_147, %add3A_287 : i32
          %select_n3A_289 = arith.constant true
          %select_n3A_290 = arith.select %select_n3A_289, %add3A_288, %while3A_147 : i32
          %eq3A_291 = arith.cmpi eq, %select_n3A_290, %select_n3A : i32
          %select_n3A_292 = arith.constant 0 : i32
          %select_n3A_293 = arith.select %eq3A_291, %select_n3A_292, %select_n3A_290 : i32
          scf.yield %select_n3A_195, %select_n3A_286, %select_n3A_252, %select_n3A_279, %select_n3A_293 : i32, i32, i32, i32, i32
        }
        %sub3A_91 = arith.constant 1 : i32
        %sub3A_92 = arith.subi %while3A_90#4, %sub3A_91 : i32
        %select_n3A_93 = arith.constant true
        %select_n3A_94 = arith.select %select_n3A_93, %sub3A_92, %while3A_90#4 : i32
        %eq3A_95 = arith.constant -1 : i32
        %eq3A_96 = arith.cmpi eq, %select_n3A_94, %eq3A_95 : i32
        %sub3A_97 = arith.constant 1 : i32
        %sub3A_98 = arith.subi %select_n3A, %sub3A_97 : i32
        %select_n3A_99 = arith.select %eq3A_96, %sub3A_98, %select_n3A_94 : i32
        %sub3A_100 = arith.constant 1 : i32
        %sub3A_101 = arith.subi %mul3A_16, %sub3A_100 : i32
        %mul3A_102 = arith.constant 1 : i32
        %mul3A_103 = arith.muli %mul3A_102, %select_n3A : i32
        %eq3A_104 = arith.constant 0 : i32
        %eq3A_105 = arith.cmpi eq, %sub3A_101, %eq3A_104 : i32
        %sub3A_106 = arith.constant 1 : i32
        %sub3A_107 = arith.subi %mul3A_103, %sub3A_106 : i32
        %eq3A_108 = arith.cmpi eq, %sub3A_101, %sub3A_107 : i32
        %add3A_109 = arith.addi %select_n3A_99, %select_n3A_14 : i32
        %sub3A_110 = arith.constant 1 : i32
        %sub3A_111 = arith.subi %select_n3A_99, %sub3A_110 : i32
        %select_n3A_112 = arith.constant true
        %select_n3A_113 = arith.select %select_n3A_112, %sub3A_111, %select_n3A_99 : i32
        %eq3A_114 = arith.constant -1 : i32
        %eq3A_115 = arith.cmpi eq, %select_n3A_113, %eq3A_114 : i32
        %sub3A_116 = arith.constant 1 : i32
        %sub3A_117 = arith.subi %select_n3A, %sub3A_116 : i32
        %select_n3A_118 = arith.select %eq3A_115, %sub3A_117, %select_n3A_113 : i32
        %add3A_119 = arith.addi %select_n3A_118, %select_n3A_14 : i32
        %add3A_120 = arith.constant 1 : i32
        %add3A_121 = arith.addi %select_n3A_99, %add3A_120 : i32
        %select_n3A_122 = arith.constant true
        %select_n3A_123 = arith.select %select_n3A_122, %add3A_121, %select_n3A_99 : i32
        %eq3A_124 = arith.cmpi eq, %select_n3A_123, %select_n3A : i32
        %select_n3A_125 = arith.constant 0 : i32
        %select_n3A_126 = arith.select %eq3A_124, %select_n3A_125, %select_n3A_123 : i32
        %add3A_127 = arith.addi %select_n3A_126, %select_n3A_14 : i32
        %add3A_128 = arith.constant 1 : i32
        %add3A_129 = arith.addi %select_n3A_126, %add3A_128 : i32
        %select_n3A_130 = arith.constant true
        %select_n3A_131 = arith.select %select_n3A_130, %add3A_129, %select_n3A_126 : i32
        %eq3A_132 = arith.cmpi eq, %select_n3A_131, %select_n3A : i32
        %select_n3A_133 = arith.constant 0 : i32
        %select_n3A_134 = arith.select %eq3A_132, %select_n3A_133, %select_n3A_131 : i32
        %add3A_135 = arith.addi %select_n3A_134, %select_n3A_14 : i32
        %convert_element_type3A_136 = arith.extui %eq3A_108 : i1 to i32
        %cond3A_137 = arith.constant 0 : i32
        %cond3A_138 = arith.cmpi ne, %convert_element_type3A_136, %cond3A_137 : i32
        scf.if %cond3A_138 {
        } else {
        }
        %convert_element_type3A_139 = arith.extui %eq3A_108 : i1 to i32
        %cond3A_140 = arith.constant 0 : i32
        %cond3A_141 = arith.cmpi ne, %convert_element_type3A_139, %cond3A_140 : i32
        scf.if %cond3A_141 {
          "tpu.trace_start"() <{level = 10 : i32, message = "ep_finalize"}> : () -> ()
          %rem3A_142 = arith.constant 2 : i32
          %rem3A_143 = arith.remui %while3A_90#3, %rem3A_142 : i32
          %mul3A_144 = arith.constant 128 : i32
          %mul3A_145 = arith.muli %mul3A_144, %add3A_109 : i32
          %dma_wait3A = arith.constant 0 : i32
          %dma_wait3A_146 = arith.constant 0 : i32
          %dma_wait3A_147 = tpu.memref_slice %run_scoped3A_18[%rem3A_143, %dma_wait3A, %dma_wait3A_146] : memref<2x128x128xf32, #tpu.memory_space<vmem>> -> memref<1x128x128xf32, #tpu.memory_space<vmem>>
          %dma_wait3A_148 = tpu.memref_squeeze %dma_wait3A_147 : memref<1x128x128xf32, #tpu.memory_space<vmem>> -> memref<128x128xf32, #tpu.memory_space<vmem>>
          %dma_wait3A_149 = arith.constant 0 : i32
          %dma_wait3A_150 = tpu.memref_slice %arg4[%mul3A_145, %dma_wait3A_149] : memref<800000x128xf32, #tpu.memory_space<hbm>> -> memref<128x128xf32, #tpu.memory_space<hbm>>
          %dma_wait3A_151 = tpu.memref_slice %run_scoped3A_19[%rem3A_143] : memref<2x!tpu.dma_semaphore, #tpu.memory_space<semaphore_mem>> -> memref<1x!tpu.dma_semaphore, #tpu.memory_space<semaphore_mem>>
          %dma_wait3A_152 = tpu.memref_squeeze %dma_wait3A_151 : memref<1x!tpu.dma_semaphore, #tpu.memory_space<semaphore_mem>> -> memref<!tpu.dma_semaphore, #tpu.memory_space<semaphore_mem>>
          %dma_wait3A_153 = arith.constant 0 : i32
          %dma_wait3A_154 = tpu.memref_slice %arg4[%mul3A_145, %dma_wait3A_153] : memref<800000x128xf32, #tpu.memory_space<hbm>> -> memref<128x128xf32, #tpu.memory_space<hbm>>
          %dma_wait3A_155 = arith.constant 0 : i32
          %dma_wait3A_156 = arith.constant 0 : i32
          %dma_wait3A_157 = tpu.memref_slice %run_scoped3A_18[%rem3A_143, %dma_wait3A_155, %dma_wait3A_156] : memref<2x128x128xf32, #tpu.memory_space<vmem>> -> memref<1x128x128xf32, #tpu.memory_space<vmem>>
          %dma_wait3A_158 = tpu.memref_squeeze %dma_wait3A_157 : memref<1x128x128xf32, #tpu.memory_space<vmem>> -> memref<128x128xf32, #tpu.memory_space<vmem>>
          tpu.wait_dma2 semaphore(%dma_wait3A_152 : memref<!tpu.dma_semaphore, #tpu.memory_space<semaphore_mem>>) src(%dma_wait3A_158 : memref<128x128xf32, #tpu.memory_space<vmem>>) dst(%dma_wait3A_154 : memref<128x128xf32, #tpu.memory_space<hbm>>)
          "tpu.trace_stop"() : () -> ()
        } else {
        }
      } else {
      }
      tpu.yield
    }) : () -> ()
    return
  }
}

#map = affine_map<(d0, d1) -> (0, 0)>
module attributes {stable_mosaic.version = 14 : i64} {
  func.func @gather_kernel(%arg0: i32, %arg1: i32, %arg2: memref<50000x64xf32, #tpu.memory_space<hbm>>, %arg3: memref<1x50000xi32, #tpu.memory_space<hbm>>, %arg4: memref<50000x64xf32, #tpu.memory_space<hbm>>) attributes {dimension_semantics = [#tpu.dimension_semantics<core_parallel>, #tpu.dimension_semantics<subcore_parallel>], iteration_bounds = array<i64: 2, 16>, scalar_prefetch = 0 : i64, scratch_operands = 0 : i64, tpu.core_type = #tpu.core_type<sc_vector_subcore>, window_params = [{transform_indices = #map}, {transform_indices = #map}, {transform_indices = #map}]} {
    %mul3A = arith.constant 1 : i32
    %mul3A_0 = arith.muli %arg1, %mul3A : i32
    %add3A = arith.constant 0 : i32
    %add3A_1 = arith.addi %add3A, %mul3A_0 : i32
    %mul3A_2 = arith.constant 16 : i32
    %mul3A_3 = arith.muli %arg0, %mul3A_2 : i32
    %add3A_4 = arith.addi %add3A_1, %mul3A_3 : i32
    %lt3A = arith.constant 17 : i32
    %lt3A_5 = arith.cmpi slt, %add3A_4, %lt3A : i32
    %jit3A = arith.constant 20 : i32
    %jit3A_6 = arith.constant 19 : i32
    %select_n3A = arith.select %lt3A_5, %jit3A, %jit3A_6 : i32
    %lt3A_7 = arith.constant 17 : i32
    %lt3A_8 = arith.cmpi slt, %add3A_4, %lt3A_7 : i32
    %mul3A_9 = arith.muli %add3A_4, %select_n3A : i32
    %mul3A_10 = arith.constant 19 : i32
    %mul3A_11 = arith.muli %add3A_4, %mul3A_10 : i32
    %add3A_12 = arith.constant 17 : i32
    %add3A_13 = arith.addi %mul3A_11, %add3A_12 : i32
    %select_n3A_14 = arith.select %lt3A_8, %mul3A_9, %add3A_13 : i32
    %mul3A_15 = arith.constant 1 : i32
    %mul3A_16 = arith.muli %mul3A_15, %select_n3A : i32
    "tpu.region"() ({
      %run_scoped3A = memref.alloca() : memref<2x1x80xi32, #tpu.memory_space<vmem>>
      %run_scoped3A_17 = tpu.sem_alloc : memref<2x!tpu.dma_semaphore, #tpu.memory_space<semaphore_mem>>
      %run_scoped3A_18 = memref.alloca() : memref<2x80x64xf32, #tpu.memory_space<vmem>>
      %run_scoped3A_19 = tpu.sem_alloc : memref<2x!tpu.dma_semaphore, #tpu.memory_space<semaphore_mem>>
      %gt3A = arith.constant 0 : i32
      %gt3A_20 = arith.cmpi sgt, %mul3A_16, %gt3A : i32
      %convert_element_type3A = arith.extui %gt3A_20 : i1 to i32
      %cond3A = arith.constant 0 : i32
      %cond3A_21 = arith.cmpi ne, %convert_element_type3A, %cond3A : i32
      scf.if %cond3A_21 {
        %mul3A_22 = arith.constant 1 : i32
        %mul3A_23 = arith.muli %mul3A_22, %select_n3A : i32
        %sub3A = arith.constant 1 : i32
        %sub3A_24 = arith.subi %mul3A_23, %sub3A : i32
        %eq3A = arith.constant 0 : i32
        %eq3A_25 = arith.cmpi eq, %sub3A_24, %eq3A : i32
        %add3A_26 = arith.constant 0 : i32
        %add3A_27 = arith.addi %add3A_26, %select_n3A_14 : i32
        %select_n3A_28 = arith.constant true
        %select_n3A_29 = arith.constant 0 : i32
        %select_n3A_30 = arith.constant -1 : i32
        %select_n3A_31 = arith.select %select_n3A_28, %select_n3A_30, %select_n3A_29 : i32
        %eq3A_32 = arith.constant -1 : i32
        %eq3A_33 = arith.cmpi eq, %select_n3A_31, %eq3A_32 : i32
        %sub3A_34 = arith.constant 1 : i32
        %sub3A_35 = arith.subi %select_n3A, %sub3A_34 : i32
        %select_n3A_36 = arith.select %eq3A_33, %sub3A_35, %select_n3A_31 : i32
        %add3A_37 = arith.addi %select_n3A_36, %select_n3A_14 : i32
        %select_n3A_38 = arith.constant true
        %select_n3A_39 = arith.constant 0 : i32
        %select_n3A_40 = arith.constant 1 : i32
        %select_n3A_41 = arith.select %select_n3A_38, %select_n3A_40, %select_n3A_39 : i32
        %eq3A_42 = arith.cmpi eq, %select_n3A_41, %select_n3A : i32
        %select_n3A_43 = arith.constant 0 : i32
        %select_n3A_44 = arith.select %eq3A_42, %select_n3A_43, %select_n3A_41 : i32
        %add3A_45 = arith.addi %select_n3A_44, %select_n3A_14 : i32
        %add3A_46 = arith.constant 1 : i32
        %add3A_47 = arith.addi %select_n3A_44, %add3A_46 : i32
        %select_n3A_48 = arith.constant true
        %select_n3A_49 = arith.select %select_n3A_48, %add3A_47, %select_n3A_44 : i32
        %eq3A_50 = arith.cmpi eq, %select_n3A_49, %select_n3A : i32
        %select_n3A_51 = arith.constant 0 : i32
        %select_n3A_52 = arith.select %eq3A_50, %select_n3A_51, %select_n3A_49 : i32
        %add3A_53 = arith.addi %select_n3A_52, %select_n3A_14 : i32
        "tpu.trace_start"() <{level = 10 : i32, message = "ep_initialize_0"}> : () -> ()
        %rem3A = arith.constant 0 : i32
        %rem3A_54 = arith.constant 2 : i32
        %rem3A_55 = arith.remui %rem3A, %rem3A_54 : i32
        %mul3A_56 = arith.constant 80 : i32
        %mul3A_57 = arith.muli %mul3A_56, %add3A_27 : i32
        %dma_start3A = arith.constant 0 : i32
        %dma_start3A_58 = arith.constant 0 : i32
        %dma_start3A_59 = tpu.memref_slice %run_scoped3A[%rem3A_55, %dma_start3A, %dma_start3A_58] : memref<2x1x80xi32, #tpu.memory_space<vmem>> -> memref<1x1x80xi32, #tpu.memory_space<vmem>>
        %dma_start3A_60 = tpu.memref_squeeze %dma_start3A_59 : memref<1x1x80xi32, #tpu.memory_space<vmem>> -> memref<1x80xi32, #tpu.memory_space<vmem>>
        %dma_start3A_61 = arith.constant 0 : i32
        %dma_start3A_62 = tpu.memref_slice %arg3[%dma_start3A_61, %mul3A_57] : memref<1x50000xi32, #tpu.memory_space<hbm>> -> memref<1x80xi32, #tpu.memory_space<hbm>>
        %dma_start3A_63 = tpu.memref_slice %run_scoped3A_17[%rem3A_55] : memref<2x!tpu.dma_semaphore, #tpu.memory_space<semaphore_mem>> -> memref<1x!tpu.dma_semaphore, #tpu.memory_space<semaphore_mem>>
        %dma_start3A_64 = tpu.memref_squeeze %dma_start3A_63 : memref<1x!tpu.dma_semaphore, #tpu.memory_space<semaphore_mem>> -> memref<!tpu.dma_semaphore, #tpu.memory_space<semaphore_mem>>
        %dma_start3A_65 = arith.constant 0 : i32
        %dma_start3A_66 = arith.constant 0 : i32
        %dma_start3A_67 = tpu.memref_slice %run_scoped3A[%rem3A_55, %dma_start3A_65, %dma_start3A_66] : memref<2x1x80xi32, #tpu.memory_space<vmem>> -> memref<1x1x80xi32, #tpu.memory_space<vmem>>
        %dma_start3A_68 = tpu.memref_squeeze %dma_start3A_67 : memref<1x1x80xi32, #tpu.memory_space<vmem>> -> memref<1x80xi32, #tpu.memory_space<vmem>>
        %dma_start3A_69 = arith.constant 0 : i32
        %dma_start3A_70 = tpu.memref_slice %arg3[%dma_start3A_69, %mul3A_57] : memref<1x50000xi32, #tpu.memory_space<hbm>> -> memref<1x80xi32, #tpu.memory_space<hbm>>
        tpu.enqueue_dma source(%dma_start3A_70 : memref<1x80xi32, #tpu.memory_space<hbm>>) target(%dma_start3A_68 : memref<1x80xi32, #tpu.memory_space<vmem>>) target_semaphore(%dma_start3A_64 : memref<!tpu.dma_semaphore, #tpu.memory_space<semaphore_mem>>)
        %add3A_71 = arith.constant 0 : i32
        %add3A_72 = arith.constant 1 : i32
        %add3A_73 = arith.addi %add3A_71, %add3A_72 : i32
        %select_n3A_74 = arith.constant true
        %select_n3A_75 = arith.constant 0 : i32
        %select_n3A_76 = arith.select %select_n3A_74, %add3A_73, %select_n3A_75 : i32
        %while3A = arith.constant 0 : i32
        %while3A_77 = arith.constant 0 : i32
        %while3A_78 = arith.constant 0 : i32
        %while3A_79 = arith.constant 0 : i32
        %while3A_80 = arith.constant 0 : i32
        "tpu.trace_stop"() : () -> ()
        %while3A_81 = arith.subi %mul3A_16, %while3A : i32
        %while3A_82 = arith.addi %while3A, %while3A_81 : i32
        %while3A_83 = arith.constant 1 : i32
        %while3A_84 = arith.divsi %while3A_81, %while3A_83 : i32
        %while3A_85 = arith.muli %while3A_84, %while3A_83 : i32
        %while3A_86 = arith.addi %while3A, %while3A_85 : i32
        %while3A_87 = arith.constant 1 : i32
        %while3A_88:5 = scf.for %while3A_142 = %while3A to %while3A_86 step %while3A_87 iter_args(%while3A_143 = %select_n3A_76, %while3A_144 = %while3A_77, %while3A_145 = %while3A_78, %while3A_146 = %while3A_79, %while3A_147 = %while3A_80) -> (i32, i32, i32, i32, i32)  : i32 {
          %mul3A_148 = arith.constant 1 : i32
          %mul3A_149 = arith.muli %mul3A_148, %select_n3A : i32
          %eq3A_150 = arith.constant 0 : i32
          %eq3A_151 = arith.cmpi eq, %while3A_142, %eq3A_150 : i32
          %sub3A_152 = arith.constant 1 : i32
          %sub3A_153 = arith.subi %mul3A_149, %sub3A_152 : i32
          %eq3A_154 = arith.cmpi eq, %while3A_142, %sub3A_153 : i32
          %add3A_155 = arith.addi %while3A_147, %select_n3A_14 : i32
          %sub3A_156 = arith.constant 1 : i32
          %sub3A_157 = arith.subi %while3A_147, %sub3A_156 : i32
          %select_n3A_158 = arith.constant true
          %select_n3A_159 = arith.select %select_n3A_158, %sub3A_157, %while3A_147 : i32
          %eq3A_160 = arith.constant -1 : i32
          %eq3A_161 = arith.cmpi eq, %select_n3A_159, %eq3A_160 : i32
          %sub3A_162 = arith.constant 1 : i32
          %sub3A_163 = arith.subi %select_n3A, %sub3A_162 : i32
          %select_n3A_164 = arith.select %eq3A_161, %sub3A_163, %select_n3A_159 : i32
          %add3A_165 = arith.addi %select_n3A_164, %select_n3A_14 : i32
          %add3A_166 = arith.constant 1 : i32
          %add3A_167 = arith.addi %while3A_147, %add3A_166 : i32
          %select_n3A_168 = arith.constant true
          %select_n3A_169 = arith.select %select_n3A_168, %add3A_167, %while3A_147 : i32
          %eq3A_170 = arith.cmpi eq, %select_n3A_169, %select_n3A : i32
          %select_n3A_171 = arith.constant 0 : i32
          %select_n3A_172 = arith.select %eq3A_170, %select_n3A_171, %select_n3A_169 : i32
          %add3A_173 = arith.addi %select_n3A_172, %select_n3A_14 : i32
          %add3A_174 = arith.constant 1 : i32
          %add3A_175 = arith.addi %select_n3A_172, %add3A_174 : i32
          %select_n3A_176 = arith.constant true
          %select_n3A_177 = arith.select %select_n3A_176, %add3A_175, %select_n3A_172 : i32
          %eq3A_178 = arith.cmpi eq, %select_n3A_177, %select_n3A : i32
          %select_n3A_179 = arith.constant 0 : i32
          %select_n3A_180 = arith.select %eq3A_178, %select_n3A_179, %select_n3A_177 : i32
          %add3A_181 = arith.addi %select_n3A_180, %select_n3A_14 : i32
          %ne3A = arith.cmpi ne, %add3A_155, %add3A_173 : i32
          %or3A = arith.constant false
          %or3A_182 = arith.ori %or3A, %ne3A : i1
          %sub3A_183 = arith.constant 2 : i32
          %sub3A_184 = arith.subi %mul3A_149, %sub3A_183 : i32
          %add3A_185 = arith.constant 1 : i32
          %add3A_186 = arith.addi %sub3A_184, %add3A_185 : i32
          %ge3A = arith.cmpi sge, %while3A_142, %add3A_186 : i32
          %not3A = arith.constant true
          %not3A_187 = arith.xori %ge3A, %not3A : i1
          %and3A = arith.andi %or3A_182, %not3A_187 : i1
          %convert_element_type3A_188 = arith.extui %and3A : i1 to i32
          %cond3A_189 = arith.constant 0 : i32
          %cond3A_190 = arith.cmpi ne, %convert_element_type3A_188, %cond3A_189 : i32
          scf.if %cond3A_190 {
            "tpu.trace_start"() <{level = 10 : i32, message = "ep_copy_in"}> : () -> ()
            %rem3A_294 = arith.constant 2 : i32
            %rem3A_295 = arith.remui %while3A_143, %rem3A_294 : i32
            %mul3A_296 = arith.constant 80 : i32
            %mul3A_297 = arith.muli %mul3A_296, %add3A_173 : i32
            %dma_start3A_298 = arith.constant 0 : i32
            %dma_start3A_299 = arith.constant 0 : i32
            %dma_start3A_300 = tpu.memref_slice %run_scoped3A[%rem3A_295, %dma_start3A_298, %dma_start3A_299] : memref<2x1x80xi32, #tpu.memory_space<vmem>> -> memref<1x1x80xi32, #tpu.memory_space<vmem>>
            %dma_start3A_301 = tpu.memref_squeeze %dma_start3A_300 : memref<1x1x80xi32, #tpu.memory_space<vmem>> -> memref<1x80xi32, #tpu.memory_space<vmem>>
            %dma_start3A_302 = arith.constant 0 : i32
            %dma_start3A_303 = tpu.memref_slice %arg3[%dma_start3A_302, %mul3A_297] : memref<1x50000xi32, #tpu.memory_space<hbm>> -> memref<1x80xi32, #tpu.memory_space<hbm>>
            %dma_start3A_304 = tpu.memref_slice %run_scoped3A_17[%rem3A_295] : memref<2x!tpu.dma_semaphore, #tpu.memory_space<semaphore_mem>> -> memref<1x!tpu.dma_semaphore, #tpu.memory_space<semaphore_mem>>
            %dma_start3A_305 = tpu.memref_squeeze %dma_start3A_304 : memref<1x!tpu.dma_semaphore, #tpu.memory_space<semaphore_mem>> -> memref<!tpu.dma_semaphore, #tpu.memory_space<semaphore_mem>>
            %dma_start3A_306 = arith.constant 0 : i32
            %dma_start3A_307 = arith.constant 0 : i32
            %dma_start3A_308 = tpu.memref_slice %run_scoped3A[%rem3A_295, %dma_start3A_306, %dma_start3A_307] : memref<2x1x80xi32, #tpu.memory_space<vmem>> -> memref<1x1x80xi32, #tpu.memory_space<vmem>>
            %dma_start3A_309 = tpu.memref_squeeze %dma_start3A_308 : memref<1x1x80xi32, #tpu.memory_space<vmem>> -> memref<1x80xi32, #tpu.memory_space<vmem>>
            %dma_start3A_310 = arith.constant 0 : i32
            %dma_start3A_311 = tpu.memref_slice %arg3[%dma_start3A_310, %mul3A_297] : memref<1x50000xi32, #tpu.memory_space<hbm>> -> memref<1x80xi32, #tpu.memory_space<hbm>>
            tpu.enqueue_dma source(%dma_start3A_311 : memref<1x80xi32, #tpu.memory_space<hbm>>) target(%dma_start3A_309 : memref<1x80xi32, #tpu.memory_space<vmem>>) target_semaphore(%dma_start3A_305 : memref<!tpu.dma_semaphore, #tpu.memory_space<semaphore_mem>>)
            "tpu.trace_stop"() : () -> ()
          } else {
          }
          %and3A_191 = arith.constant true
          %and3A_192 = arith.andi %and3A, %and3A_191 : i1
          %add3A_193 = arith.constant 1 : i32
          %add3A_194 = arith.addi %while3A_143, %add3A_193 : i32
          %select_n3A_195 = arith.select %and3A_192, %add3A_194, %while3A_143 : i32
          %ne3A_196 = arith.cmpi ne, %add3A_155, %add3A_173 : i32
          %or3A_197 = arith.constant false
          %or3A_198 = arith.ori %or3A_197, %ne3A_196 : i1
          %or3A_199 = arith.constant false
          %or3A_200 = arith.ori %or3A_198, %or3A_199 : i1
          %sub3A_201 = arith.constant 2 : i32
          %sub3A_202 = arith.subi %mul3A_149, %sub3A_201 : i32
          %add3A_203 = arith.constant 1 : i32
          %add3A_204 = arith.addi %sub3A_202, %add3A_203 : i32
          %ge3A_205 = arith.cmpi sge, %while3A_142, %add3A_204 : i32
          %not3A_206 = arith.constant true
          %not3A_207 = arith.xori %ge3A_205, %not3A_206 : i1
          %and3A_208 = arith.andi %or3A_200, %not3A_207 : i1
          %ne3A_209 = arith.cmpi ne, %add3A_155, %add3A_165 : i32
          %or3A_210 = arith.constant false
          %or3A_211 = arith.ori %or3A_210, %ne3A_209 : i1
          %or3A_212 = arith.ori %or3A_211, %eq3A_151 : i1
          %convert_element_type3A_213 = arith.extui %or3A_212 : i1 to i32
          %cond3A_214 = arith.constant 0 : i32
          %cond3A_215 = arith.cmpi ne, %convert_element_type3A_213, %cond3A_214 : i32
          scf.if %cond3A_215 {
            "tpu.trace_start"() <{level = 10 : i32, message = "ep_wait_in"}> : () -> ()
            %mul3A_294 = arith.constant 80 : i32
            %mul3A_295 = arith.muli %mul3A_294, %add3A_155 : i32
            %rem3A_296 = arith.constant 2 : i32
            %rem3A_297 = arith.remui %while3A_144, %rem3A_296 : i32
            %dma_wait3A = arith.constant 0 : i32
            %dma_wait3A_298 = arith.constant 0 : i32
            %dma_wait3A_299 = tpu.memref_slice %run_scoped3A[%rem3A_297, %dma_wait3A, %dma_wait3A_298] : memref<2x1x80xi32, #tpu.memory_space<vmem>> -> memref<1x1x80xi32, #tpu.memory_space<vmem>>
            %dma_wait3A_300 = tpu.memref_squeeze %dma_wait3A_299 : memref<1x1x80xi32, #tpu.memory_space<vmem>> -> memref<1x80xi32, #tpu.memory_space<vmem>>
            %dma_wait3A_301 = arith.constant 0 : i32
            %dma_wait3A_302 = tpu.memref_slice %arg3[%dma_wait3A_301, %mul3A_295] : memref<1x50000xi32, #tpu.memory_space<hbm>> -> memref<1x80xi32, #tpu.memory_space<hbm>>
            %dma_wait3A_303 = tpu.memref_slice %run_scoped3A_17[%rem3A_297] : memref<2x!tpu.dma_semaphore, #tpu.memory_space<semaphore_mem>> -> memref<1x!tpu.dma_semaphore, #tpu.memory_space<semaphore_mem>>
            %dma_wait3A_304 = tpu.memref_squeeze %dma_wait3A_303 : memref<1x!tpu.dma_semaphore, #tpu.memory_space<semaphore_mem>> -> memref<!tpu.dma_semaphore, #tpu.memory_space<semaphore_mem>>
            %dma_wait3A_305 = arith.constant 0 : i32
            %dma_wait3A_306 = arith.constant 0 : i32
            %dma_wait3A_307 = tpu.memref_slice %run_scoped3A[%rem3A_297, %dma_wait3A_305, %dma_wait3A_306] : memref<2x1x80xi32, #tpu.memory_space<vmem>> -> memref<1x1x80xi32, #tpu.memory_space<vmem>>
            %dma_wait3A_308 = tpu.memref_squeeze %dma_wait3A_307 : memref<1x1x80xi32, #tpu.memory_space<vmem>> -> memref<1x80xi32, #tpu.memory_space<vmem>>
            %dma_wait3A_309 = arith.constant 0 : i32
            %dma_wait3A_310 = tpu.memref_slice %arg3[%dma_wait3A_309, %mul3A_295] : memref<1x50000xi32, #tpu.memory_space<hbm>> -> memref<1x80xi32, #tpu.memory_space<hbm>>
            tpu.wait_dma2 semaphore(%dma_wait3A_304 : memref<!tpu.dma_semaphore, #tpu.memory_space<semaphore_mem>>) src(%dma_wait3A_310 : memref<1x80xi32, #tpu.memory_space<hbm>>) dst(%dma_wait3A_308 : memref<1x80xi32, #tpu.memory_space<vmem>>)
            "tpu.trace_stop"() : () -> ()
          } else {
          }
          %ne3A_216 = arith.cmpi ne, %add3A_155, %add3A_165 : i32
          %or3A_217 = arith.constant false
          %or3A_218 = arith.ori %or3A_217, %ne3A_216 : i1
          %or3A_219 = arith.constant false
          %or3A_220 = arith.ori %or3A_218, %or3A_219 : i1
          %or3A_221 = arith.ori %or3A_220, %eq3A_151 : i1
          %convert_element_type3A_222 = arith.extui %or3A_221 : i1 to i32
          %cond3A_223 = arith.constant 0 : i32
          %cond3A_224 = arith.cmpi ne, %convert_element_type3A_222, %cond3A_223 : i32
          scf.if %cond3A_224 {
          } else {
          }
          %rem3A_225 = arith.constant 2 : i32
          %rem3A_226 = arith.remui %while3A_144, %rem3A_225 : i32
          %rem3A_227 = arith.constant 2 : i32
          %rem3A_228 = arith.remui %while3A_145, %rem3A_227 : i32
          %run_scoped3A_229 = arith.constant 0 : i32
          "tpu.trace_start"() <{level = 10 : i32, message = "ep_run_kernel"}> : () -> ()
          "tpu.region"() ({
            %run_scoped3A_294 = tpu.sem_alloc : memref<!tpu.dma_semaphore, #tpu.memory_space<semaphore_mem>>
            %dma_start3A_295 = arith.constant 0 : i32
            %dma_start3A_296 = arith.constant 0 : i32
            %dma_start3A_297 = tpu.memref_slice %run_scoped3A_18[%rem3A_228, %dma_start3A_295, %dma_start3A_296] : memref<2x80x64xf32, #tpu.memory_space<vmem>> -> memref<1x80x64xf32, #tpu.memory_space<vmem>>
            %dma_start3A_298 = tpu.memref_squeeze %dma_start3A_297 : memref<1x80x64xf32, #tpu.memory_space<vmem>> -> memref<80x64xf32, #tpu.memory_space<vmem>>
            %dma_start3A_299 = arith.constant 0 : i32
            %dma_start3A_300 = arith.constant 0 : i32
            %dma_start3A_301 = tpu.memref_slice %run_scoped3A[%rem3A_226, %dma_start3A_299, %dma_start3A_300] : memref<2x1x80xi32, #tpu.memory_space<vmem>> -> memref<1x1x80xi32, #tpu.memory_space<vmem>>
            %dma_start3A_302 = tpu.memref_squeeze %dma_start3A_301 : memref<1x1x80xi32, #tpu.memory_space<vmem>> -> memref<1x80xi32, #tpu.memory_space<vmem>>
            %dma_start3A_303 = arith.constant 0 : i32
            %dma_start3A_304 = tpu.memref_slice %dma_start3A_302[%run_scoped3A_229, %dma_start3A_303] : memref<1x80xi32, #tpu.memory_space<vmem>> -> memref<1x80xi32, #tpu.memory_space<vmem>>
            %dma_start3A_305 = tpu.memref_squeeze %dma_start3A_304 : memref<1x80xi32, #tpu.memory_space<vmem>> -> memref<80xi32, #tpu.memory_space<vmem>>
            %dma_start3A_306 = arith.constant 0 : i32
            %dma_start3A_307 = arith.constant 0 : i32
            %dma_start3A_308 = tpu.memref_slice %arg2[%dma_start3A_306, %dma_start3A_307] : memref<50000x64xf32, #tpu.memory_space<hbm>> -> memref<50000x64xf32, #tpu.memory_space<hbm>>
            tpu.enqueue_indirect_dma source(%dma_start3A_308 : memref<50000x64xf32, #tpu.memory_space<hbm>>) target(%dma_start3A_298 : memref<80x64xf32, #tpu.memory_space<vmem>>) offsets(%dma_start3A_305 : memref<80xi32, #tpu.memory_space<vmem>>) semaphore(%run_scoped3A_294 : memref<!tpu.dma_semaphore, #tpu.memory_space<semaphore_mem>>)
            %dma_wait3A = arith.constant 0 : i32
            %dma_wait3A_309 = arith.constant 0 : i32
            %dma_wait3A_310 = tpu.memref_slice %run_scoped3A_18[%rem3A_228, %dma_wait3A, %dma_wait3A_309] : memref<2x80x64xf32, #tpu.memory_space<vmem>> -> memref<1x80x64xf32, #tpu.memory_space<vmem>>
            %dma_wait3A_311 = tpu.memref_squeeze %dma_wait3A_310 : memref<1x80x64xf32, #tpu.memory_space<vmem>> -> memref<80x64xf32, #tpu.memory_space<vmem>>
            %dma_wait3A_312 = arith.constant 0 : i32
            %dma_wait3A_313 = arith.constant 0 : i32
            %dma_wait3A_314 = tpu.memref_slice %run_scoped3A[%rem3A_226, %dma_wait3A_312, %dma_wait3A_313] : memref<2x1x80xi32, #tpu.memory_space<vmem>> -> memref<1x1x80xi32, #tpu.memory_space<vmem>>
            %dma_wait3A_315 = tpu.memref_squeeze %dma_wait3A_314 : memref<1x1x80xi32, #tpu.memory_space<vmem>> -> memref<1x80xi32, #tpu.memory_space<vmem>>
            %dma_wait3A_316 = arith.constant 0 : i32
            %dma_wait3A_317 = tpu.memref_slice %dma_wait3A_315[%run_scoped3A_229, %dma_wait3A_316] : memref<1x80xi32, #tpu.memory_space<vmem>> -> memref<1x80xi32, #tpu.memory_space<vmem>>
            %dma_wait3A_318 = tpu.memref_squeeze %dma_wait3A_317 : memref<1x80xi32, #tpu.memory_space<vmem>> -> memref<80xi32, #tpu.memory_space<vmem>>
            %dma_wait3A_319 = arith.constant 0 : i32
            %dma_wait3A_320 = arith.constant 0 : i32
            %dma_wait3A_321 = tpu.memref_slice %arg2[%dma_wait3A_319, %dma_wait3A_320] : memref<50000x64xf32, #tpu.memory_space<hbm>> -> memref<50000x64xf32, #tpu.memory_space<hbm>>
            tpu.wait_indirect_dma semaphore(%run_scoped3A_294 : memref<!tpu.dma_semaphore, #tpu.memory_space<semaphore_mem>>) src(%dma_wait3A_321 : memref<50000x64xf32, #tpu.memory_space<hbm>>) dst(%dma_wait3A_311 : memref<80x64xf32, #tpu.memory_space<vmem>>)
            tpu.yield
          }) : () -> ()
          "tpu.trace_stop"() : () -> ()
          %ne3A_230 = arith.cmpi ne, %add3A_155, %add3A_173 : i32
          %or3A_231 = arith.constant false
          %or3A_232 = arith.ori %or3A_231, %ne3A_230 : i1
          %or3A_233 = arith.ori %or3A_232, %eq3A_154 : i1
          %convert_element_type3A_234 = arith.extui %or3A_233 : i1 to i32
          %cond3A_235 = arith.constant 0 : i32
          %cond3A_236 = arith.cmpi ne, %convert_element_type3A_234, %cond3A_235 : i32
          scf.if %cond3A_236 {
          } else {
          }
          %and3A_237 = arith.constant false
          %and3A_238 = arith.andi %or3A_233, %and3A_237 : i1
          %ne3A_239 = arith.cmpi ne, %add3A_155, %add3A_173 : i32
          %or3A_240 = arith.constant false
          %or3A_241 = arith.ori %or3A_240, %ne3A_239 : i1
          %or3A_242 = arith.constant false
          %or3A_243 = arith.ori %or3A_241, %or3A_242 : i1
          %or3A_244 = arith.ori %or3A_243, %eq3A_154 : i1
          %convert_element_type3A_245 = arith.extui %or3A_244 : i1 to i32
          %cond3A_246 = arith.constant 0 : i32
          %cond3A_247 = arith.cmpi ne, %convert_element_type3A_245, %cond3A_246 : i32
          scf.if %cond3A_247 {
            "tpu.trace_start"() <{level = 10 : i32, message = "ep_copy_out"}> : () -> ()
            %rem3A_294 = arith.constant 2 : i32
            %rem3A_295 = arith.remui %while3A_145, %rem3A_294 : i32
            %mul3A_296 = arith.constant 80 : i32
            %mul3A_297 = arith.muli %mul3A_296, %add3A_155 : i32
            %dma_start3A_298 = arith.constant 0 : i32
            %dma_start3A_299 = arith.constant 0 : i32
            %dma_start3A_300 = tpu.memref_slice %run_scoped3A_18[%rem3A_295, %dma_start3A_298, %dma_start3A_299] : memref<2x80x64xf32, #tpu.memory_space<vmem>> -> memref<1x80x64xf32, #tpu.memory_space<vmem>>
            %dma_start3A_301 = tpu.memref_squeeze %dma_start3A_300 : memref<1x80x64xf32, #tpu.memory_space<vmem>> -> memref<80x64xf32, #tpu.memory_space<vmem>>
            %dma_start3A_302 = arith.constant 0 : i32
            %dma_start3A_303 = tpu.memref_slice %arg4[%mul3A_297, %dma_start3A_302] : memref<50000x64xf32, #tpu.memory_space<hbm>> -> memref<80x64xf32, #tpu.memory_space<hbm>>
            %dma_start3A_304 = tpu.memref_slice %run_scoped3A_19[%rem3A_295] : memref<2x!tpu.dma_semaphore, #tpu.memory_space<semaphore_mem>> -> memref<1x!tpu.dma_semaphore, #tpu.memory_space<semaphore_mem>>
            %dma_start3A_305 = tpu.memref_squeeze %dma_start3A_304 : memref<1x!tpu.dma_semaphore, #tpu.memory_space<semaphore_mem>> -> memref<!tpu.dma_semaphore, #tpu.memory_space<semaphore_mem>>
            %dma_start3A_306 = arith.constant 0 : i32
            %dma_start3A_307 = tpu.memref_slice %arg4[%mul3A_297, %dma_start3A_306] : memref<50000x64xf32, #tpu.memory_space<hbm>> -> memref<80x64xf32, #tpu.memory_space<hbm>>
            %dma_start3A_308 = arith.constant 0 : i32
            %dma_start3A_309 = arith.constant 0 : i32
            %dma_start3A_310 = tpu.memref_slice %run_scoped3A_18[%rem3A_295, %dma_start3A_308, %dma_start3A_309] : memref<2x80x64xf32, #tpu.memory_space<vmem>> -> memref<1x80x64xf32, #tpu.memory_space<vmem>>
            %dma_start3A_311 = tpu.memref_squeeze %dma_start3A_310 : memref<1x80x64xf32, #tpu.memory_space<vmem>> -> memref<80x64xf32, #tpu.memory_space<vmem>>
            tpu.enqueue_dma source(%dma_start3A_311 : memref<80x64xf32, #tpu.memory_space<vmem>>) target(%dma_start3A_307 : memref<80x64xf32, #tpu.memory_space<hbm>>) target_semaphore(%dma_start3A_305 : memref<!tpu.dma_semaphore, #tpu.memory_space<semaphore_mem>>)
            "tpu.trace_stop"() : () -> ()
          } else {
          }
          %and3A_248 = arith.constant true
          %and3A_249 = arith.andi %or3A_244, %and3A_248 : i1
          %add3A_250 = arith.constant 1 : i32
          %add3A_251 = arith.addi %while3A_145, %add3A_250 : i32
          %select_n3A_252 = arith.select %and3A_249, %add3A_251, %while3A_145 : i32
          %ne3A_253 = arith.cmpi ne, %add3A_155, %add3A_165 : i32
          %or3A_254 = arith.constant false
          %or3A_255 = arith.ori %or3A_254, %ne3A_253 : i1
          %not3A_256 = arith.constant true
          %not3A_257 = arith.xori %eq3A_151, %not3A_256 : i1
          %and3A_258 = arith.andi %or3A_255, %not3A_257 : i1
          %convert_element_type3A_259 = arith.extui %and3A_258 : i1 to i32
          %cond3A_260 = arith.constant 0 : i32
          %cond3A_261 = arith.cmpi ne, %convert_element_type3A_259, %cond3A_260 : i32
          scf.if %cond3A_261 {
          } else {
          }
          %and3A_262 = arith.constant false
          %and3A_263 = arith.andi %and3A_258, %and3A_262 : i1
          %ne3A_264 = arith.cmpi ne, %add3A_155, %add3A_165 : i32
          %or3A_265 = arith.constant false
          %or3A_266 = arith.ori %or3A_265, %ne3A_264 : i1
          %or3A_267 = arith.constant false
          %or3A_268 = arith.ori %or3A_266, %or3A_267 : i1
          %not3A_269 = arith.constant true
          %not3A_270 = arith.xori %eq3A_151, %not3A_269 : i1
          %and3A_271 = arith.andi %or3A_268, %not3A_270 : i1
          %convert_element_type3A_272 = arith.extui %and3A_271 : i1 to i32
          %cond3A_273 = arith.constant 0 : i32
          %cond3A_274 = arith.cmpi ne, %convert_element_type3A_272, %cond3A_273 : i32
          scf.if %cond3A_274 {
            "tpu.trace_start"() <{level = 10 : i32, message = "ep_wait_out"}> : () -> ()
            %rem3A_294 = arith.constant 2 : i32
            %rem3A_295 = arith.remui %while3A_146, %rem3A_294 : i32
            %mul3A_296 = arith.constant 80 : i32
            %mul3A_297 = arith.muli %mul3A_296, %add3A_165 : i32
            %dma_wait3A = arith.constant 0 : i32
            %dma_wait3A_298 = arith.constant 0 : i32
            %dma_wait3A_299 = tpu.memref_slice %run_scoped3A_18[%rem3A_295, %dma_wait3A, %dma_wait3A_298] : memref<2x80x64xf32, #tpu.memory_space<vmem>> -> memref<1x80x64xf32, #tpu.memory_space<vmem>>
            %dma_wait3A_300 = tpu.memref_squeeze %dma_wait3A_299 : memref<1x80x64xf32, #tpu.memory_space<vmem>> -> memref<80x64xf32, #tpu.memory_space<vmem>>
            %dma_wait3A_301 = arith.constant 0 : i32
            %dma_wait3A_302 = tpu.memref_slice %arg4[%mul3A_297, %dma_wait3A_301] : memref<50000x64xf32, #tpu.memory_space<hbm>> -> memref<80x64xf32, #tpu.memory_space<hbm>>
            %dma_wait3A_303 = tpu.memref_slice %run_scoped3A_19[%rem3A_295] : memref<2x!tpu.dma_semaphore, #tpu.memory_space<semaphore_mem>> -> memref<1x!tpu.dma_semaphore, #tpu.memory_space<semaphore_mem>>
            %dma_wait3A_304 = tpu.memref_squeeze %dma_wait3A_303 : memref<1x!tpu.dma_semaphore, #tpu.memory_space<semaphore_mem>> -> memref<!tpu.dma_semaphore, #tpu.memory_space<semaphore_mem>>
            %dma_wait3A_305 = arith.constant 0 : i32
            %dma_wait3A_306 = tpu.memref_slice %arg4[%mul3A_297, %dma_wait3A_305] : memref<50000x64xf32, #tpu.memory_space<hbm>> -> memref<80x64xf32, #tpu.memory_space<hbm>>
            %dma_wait3A_307 = arith.constant 0 : i32
            %dma_wait3A_308 = arith.constant 0 : i32
            %dma_wait3A_309 = tpu.memref_slice %run_scoped3A_18[%rem3A_295, %dma_wait3A_307, %dma_wait3A_308] : memref<2x80x64xf32, #tpu.memory_space<vmem>> -> memref<1x80x64xf32, #tpu.memory_space<vmem>>
            %dma_wait3A_310 = tpu.memref_squeeze %dma_wait3A_309 : memref<1x80x64xf32, #tpu.memory_space<vmem>> -> memref<80x64xf32, #tpu.memory_space<vmem>>
            tpu.wait_dma2 semaphore(%dma_wait3A_304 : memref<!tpu.dma_semaphore, #tpu.memory_space<semaphore_mem>>) src(%dma_wait3A_310 : memref<80x64xf32, #tpu.memory_space<vmem>>) dst(%dma_wait3A_306 : memref<80x64xf32, #tpu.memory_space<hbm>>)
            "tpu.trace_stop"() : () -> ()
          } else {
          }
          %and3A_275 = arith.constant true
          %and3A_276 = arith.andi %and3A_271, %and3A_275 : i1
          %add3A_277 = arith.constant 1 : i32
          %add3A_278 = arith.addi %while3A_146, %add3A_277 : i32
          %select_n3A_279 = arith.select %and3A_276, %add3A_278, %while3A_146 : i32
          %ne3A_280 = arith.cmpi ne, %add3A_155, %add3A_173 : i32
          %or3A_281 = arith.constant false
          %or3A_282 = arith.ori %or3A_281, %ne3A_280 : i1
          %or3A_283 = arith.ori %or3A_282, %eq3A_154 : i1
          %add3A_284 = arith.constant 1 : i32
          %add3A_285 = arith.addi %while3A_144, %add3A_284 : i32
          %select_n3A_286 = arith.select %or3A_283, %add3A_285, %while3A_144 : i32
          %add3A_287 = arith.constant 1 : i32
          %add3A_288 = arith.addi %while3A_147, %add3A_287 : i32
          %select_n3A_289 = arith.constant true
          %select_n3A_290 = arith.select %select_n3A_289, %add3A_288, %while3A_147 : i32
          %eq3A_291 = arith.cmpi eq, %select_n3A_290, %select_n3A : i32
          %select_n3A_292 = arith.constant 0 : i32
          %select_n3A_293 = arith.select %eq3A_291, %select_n3A_292, %select_n3A_290 : i32
          scf.yield %select_n3A_195, %select_n3A_286, %select_n3A_252, %select_n3A_279, %select_n3A_293 : i32, i32, i32, i32, i32
        }
        %while3A_89 = arith.constant 1 : i32
        %while3A_90:5 = scf.for %while3A_142 = %while3A_86 to %while3A_82 step %while3A_89 iter_args(%while3A_143 = %while3A_88#0, %while3A_144 = %while3A_88#1, %while3A_145 = %while3A_88#2, %while3A_146 = %while3A_88#3, %while3A_147 = %while3A_88#4) -> (i32, i32, i32, i32, i32)  : i32 {
          %mul3A_148 = arith.constant 1 : i32
          %mul3A_149 = arith.muli %mul3A_148, %select_n3A : i32
          %eq3A_150 = arith.constant 0 : i32
          %eq3A_151 = arith.cmpi eq, %while3A_142, %eq3A_150 : i32
          %sub3A_152 = arith.constant 1 : i32
          %sub3A_153 = arith.subi %mul3A_149, %sub3A_152 : i32
          %eq3A_154 = arith.cmpi eq, %while3A_142, %sub3A_153 : i32
          %add3A_155 = arith.addi %while3A_147, %select_n3A_14 : i32
          %sub3A_156 = arith.constant 1 : i32
          %sub3A_157 = arith.subi %while3A_147, %sub3A_156 : i32
          %select_n3A_158 = arith.constant true
          %select_n3A_159 = arith.select %select_n3A_158, %sub3A_157, %while3A_147 : i32
          %eq3A_160 = arith.constant -1 : i32
          %eq3A_161 = arith.cmpi eq, %select_n3A_159, %eq3A_160 : i32
          %sub3A_162 = arith.constant 1 : i32
          %sub3A_163 = arith.subi %select_n3A, %sub3A_162 : i32
          %select_n3A_164 = arith.select %eq3A_161, %sub3A_163, %select_n3A_159 : i32
          %add3A_165 = arith.addi %select_n3A_164, %select_n3A_14 : i32
          %add3A_166 = arith.constant 1 : i32
          %add3A_167 = arith.addi %while3A_147, %add3A_166 : i32
          %select_n3A_168 = arith.constant true
          %select_n3A_169 = arith.select %select_n3A_168, %add3A_167, %while3A_147 : i32
          %eq3A_170 = arith.cmpi eq, %select_n3A_169, %select_n3A : i32
          %select_n3A_171 = arith.constant 0 : i32
          %select_n3A_172 = arith.select %eq3A_170, %select_n3A_171, %select_n3A_169 : i32
          %add3A_173 = arith.addi %select_n3A_172, %select_n3A_14 : i32
          %add3A_174 = arith.constant 1 : i32
          %add3A_175 = arith.addi %select_n3A_172, %add3A_174 : i32
          %select_n3A_176 = arith.constant true
          %select_n3A_177 = arith.select %select_n3A_176, %add3A_175, %select_n3A_172 : i32
          %eq3A_178 = arith.cmpi eq, %select_n3A_177, %select_n3A : i32
          %select_n3A_179 = arith.constant 0 : i32
          %select_n3A_180 = arith.select %eq3A_178, %select_n3A_179, %select_n3A_177 : i32
          %add3A_181 = arith.addi %select_n3A_180, %select_n3A_14 : i32
          %ne3A = arith.cmpi ne, %add3A_155, %add3A_173 : i32
          %or3A = arith.constant false
          %or3A_182 = arith.ori %or3A, %ne3A : i1
          %sub3A_183 = arith.constant 2 : i32
          %sub3A_184 = arith.subi %mul3A_149, %sub3A_183 : i32
          %add3A_185 = arith.constant 1 : i32
          %add3A_186 = arith.addi %sub3A_184, %add3A_185 : i32
          %ge3A = arith.cmpi sge, %while3A_142, %add3A_186 : i32
          %not3A = arith.constant true
          %not3A_187 = arith.xori %ge3A, %not3A : i1
          %and3A = arith.andi %or3A_182, %not3A_187 : i1
          %convert_element_type3A_188 = arith.extui %and3A : i1 to i32
          %cond3A_189 = arith.constant 0 : i32
          %cond3A_190 = arith.cmpi ne, %convert_element_type3A_188, %cond3A_189 : i32
          scf.if %cond3A_190 {
            "tpu.trace_start"() <{level = 10 : i32, message = "ep_copy_in"}> : () -> ()
            %rem3A_294 = arith.constant 2 : i32
            %rem3A_295 = arith.remui %while3A_143, %rem3A_294 : i32
            %mul3A_296 = arith.constant 80 : i32
            %mul3A_297 = arith.muli %mul3A_296, %add3A_173 : i32
            %dma_start3A_298 = arith.constant 0 : i32
            %dma_start3A_299 = arith.constant 0 : i32
            %dma_start3A_300 = tpu.memref_slice %run_scoped3A[%rem3A_295, %dma_start3A_298, %dma_start3A_299] : memref<2x1x80xi32, #tpu.memory_space<vmem>> -> memref<1x1x80xi32, #tpu.memory_space<vmem>>
            %dma_start3A_301 = tpu.memref_squeeze %dma_start3A_300 : memref<1x1x80xi32, #tpu.memory_space<vmem>> -> memref<1x80xi32, #tpu.memory_space<vmem>>
            %dma_start3A_302 = arith.constant 0 : i32
            %dma_start3A_303 = tpu.memref_slice %arg3[%dma_start3A_302, %mul3A_297] : memref<1x50000xi32, #tpu.memory_space<hbm>> -> memref<1x80xi32, #tpu.memory_space<hbm>>
            %dma_start3A_304 = tpu.memref_slice %run_scoped3A_17[%rem3A_295] : memref<2x!tpu.dma_semaphore, #tpu.memory_space<semaphore_mem>> -> memref<1x!tpu.dma_semaphore, #tpu.memory_space<semaphore_mem>>
            %dma_start3A_305 = tpu.memref_squeeze %dma_start3A_304 : memref<1x!tpu.dma_semaphore, #tpu.memory_space<semaphore_mem>> -> memref<!tpu.dma_semaphore, #tpu.memory_space<semaphore_mem>>
            %dma_start3A_306 = arith.constant 0 : i32
            %dma_start3A_307 = arith.constant 0 : i32
            %dma_start3A_308 = tpu.memref_slice %run_scoped3A[%rem3A_295, %dma_start3A_306, %dma_start3A_307] : memref<2x1x80xi32, #tpu.memory_space<vmem>> -> memref<1x1x80xi32, #tpu.memory_space<vmem>>
            %dma_start3A_309 = tpu.memref_squeeze %dma_start3A_308 : memref<1x1x80xi32, #tpu.memory_space<vmem>> -> memref<1x80xi32, #tpu.memory_space<vmem>>
            %dma_start3A_310 = arith.constant 0 : i32
            %dma_start3A_311 = tpu.memref_slice %arg3[%dma_start3A_310, %mul3A_297] : memref<1x50000xi32, #tpu.memory_space<hbm>> -> memref<1x80xi32, #tpu.memory_space<hbm>>
            tpu.enqueue_dma source(%dma_start3A_311 : memref<1x80xi32, #tpu.memory_space<hbm>>) target(%dma_start3A_309 : memref<1x80xi32, #tpu.memory_space<vmem>>) target_semaphore(%dma_start3A_305 : memref<!tpu.dma_semaphore, #tpu.memory_space<semaphore_mem>>)
            "tpu.trace_stop"() : () -> ()
          } else {
          }
          %and3A_191 = arith.constant true
          %and3A_192 = arith.andi %and3A, %and3A_191 : i1
          %add3A_193 = arith.constant 1 : i32
          %add3A_194 = arith.addi %while3A_143, %add3A_193 : i32
          %select_n3A_195 = arith.select %and3A_192, %add3A_194, %while3A_143 : i32
          %ne3A_196 = arith.cmpi ne, %add3A_155, %add3A_173 : i32
          %or3A_197 = arith.constant false
          %or3A_198 = arith.ori %or3A_197, %ne3A_196 : i1
          %or3A_199 = arith.constant false
          %or3A_200 = arith.ori %or3A_198, %or3A_199 : i1
          %sub3A_201 = arith.constant 2 : i32
          %sub3A_202 = arith.subi %mul3A_149, %sub3A_201 : i32
          %add3A_203 = arith.constant 1 : i32
          %add3A_204 = arith.addi %sub3A_202, %add3A_203 : i32
          %ge3A_205 = arith.cmpi sge, %while3A_142, %add3A_204 : i32
          %not3A_206 = arith.constant true
          %not3A_207 = arith.xori %ge3A_205, %not3A_206 : i1
          %and3A_208 = arith.andi %or3A_200, %not3A_207 : i1
          %ne3A_209 = arith.cmpi ne, %add3A_155, %add3A_165 : i32
          %or3A_210 = arith.constant false
          %or3A_211 = arith.ori %or3A_210, %ne3A_209 : i1
          %or3A_212 = arith.ori %or3A_211, %eq3A_151 : i1
          %convert_element_type3A_213 = arith.extui %or3A_212 : i1 to i32
          %cond3A_214 = arith.constant 0 : i32
          %cond3A_215 = arith.cmpi ne, %convert_element_type3A_213, %cond3A_214 : i32
          scf.if %cond3A_215 {
            "tpu.trace_start"() <{level = 10 : i32, message = "ep_wait_in"}> : () -> ()
            %mul3A_294 = arith.constant 80 : i32
            %mul3A_295 = arith.muli %mul3A_294, %add3A_155 : i32
            %rem3A_296 = arith.constant 2 : i32
            %rem3A_297 = arith.remui %while3A_144, %rem3A_296 : i32
            %dma_wait3A = arith.constant 0 : i32
            %dma_wait3A_298 = arith.constant 0 : i32
            %dma_wait3A_299 = tpu.memref_slice %run_scoped3A[%rem3A_297, %dma_wait3A, %dma_wait3A_298] : memref<2x1x80xi32, #tpu.memory_space<vmem>> -> memref<1x1x80xi32, #tpu.memory_space<vmem>>
            %dma_wait3A_300 = tpu.memref_squeeze %dma_wait3A_299 : memref<1x1x80xi32, #tpu.memory_space<vmem>> -> memref<1x80xi32, #tpu.memory_space<vmem>>
            %dma_wait3A_301 = arith.constant 0 : i32
            %dma_wait3A_302 = tpu.memref_slice %arg3[%dma_wait3A_301, %mul3A_295] : memref<1x50000xi32, #tpu.memory_space<hbm>> -> memref<1x80xi32, #tpu.memory_space<hbm>>
            %dma_wait3A_303 = tpu.memref_slice %run_scoped3A_17[%rem3A_297] : memref<2x!tpu.dma_semaphore, #tpu.memory_space<semaphore_mem>> -> memref<1x!tpu.dma_semaphore, #tpu.memory_space<semaphore_mem>>
            %dma_wait3A_304 = tpu.memref_squeeze %dma_wait3A_303 : memref<1x!tpu.dma_semaphore, #tpu.memory_space<semaphore_mem>> -> memref<!tpu.dma_semaphore, #tpu.memory_space<semaphore_mem>>
            %dma_wait3A_305 = arith.constant 0 : i32
            %dma_wait3A_306 = arith.constant 0 : i32
            %dma_wait3A_307 = tpu.memref_slice %run_scoped3A[%rem3A_297, %dma_wait3A_305, %dma_wait3A_306] : memref<2x1x80xi32, #tpu.memory_space<vmem>> -> memref<1x1x80xi32, #tpu.memory_space<vmem>>
            %dma_wait3A_308 = tpu.memref_squeeze %dma_wait3A_307 : memref<1x1x80xi32, #tpu.memory_space<vmem>> -> memref<1x80xi32, #tpu.memory_space<vmem>>
            %dma_wait3A_309 = arith.constant 0 : i32
            %dma_wait3A_310 = tpu.memref_slice %arg3[%dma_wait3A_309, %mul3A_295] : memref<1x50000xi32, #tpu.memory_space<hbm>> -> memref<1x80xi32, #tpu.memory_space<hbm>>
            tpu.wait_dma2 semaphore(%dma_wait3A_304 : memref<!tpu.dma_semaphore, #tpu.memory_space<semaphore_mem>>) src(%dma_wait3A_310 : memref<1x80xi32, #tpu.memory_space<hbm>>) dst(%dma_wait3A_308 : memref<1x80xi32, #tpu.memory_space<vmem>>)
            "tpu.trace_stop"() : () -> ()
          } else {
          }
          %ne3A_216 = arith.cmpi ne, %add3A_155, %add3A_165 : i32
          %or3A_217 = arith.constant false
          %or3A_218 = arith.ori %or3A_217, %ne3A_216 : i1
          %or3A_219 = arith.constant false
          %or3A_220 = arith.ori %or3A_218, %or3A_219 : i1
          %or3A_221 = arith.ori %or3A_220, %eq3A_151 : i1
          %convert_element_type3A_222 = arith.extui %or3A_221 : i1 to i32
          %cond3A_223 = arith.constant 0 : i32
          %cond3A_224 = arith.cmpi ne, %convert_element_type3A_222, %cond3A_223 : i32
          scf.if %cond3A_224 {
          } else {
          }
          %rem3A_225 = arith.constant 2 : i32
          %rem3A_226 = arith.remui %while3A_144, %rem3A_225 : i32
          %rem3A_227 = arith.constant 2 : i32
          %rem3A_228 = arith.remui %while3A_145, %rem3A_227 : i32
          %run_scoped3A_229 = arith.constant 0 : i32
          "tpu.trace_start"() <{level = 10 : i32, message = "ep_run_kernel"}> : () -> ()
          "tpu.region"() ({
            %run_scoped3A_294 = tpu.sem_alloc : memref<!tpu.dma_semaphore, #tpu.memory_space<semaphore_mem>>
            %dma_start3A_295 = arith.constant 0 : i32
            %dma_start3A_296 = arith.constant 0 : i32
            %dma_start3A_297 = tpu.memref_slice %run_scoped3A_18[%rem3A_228, %dma_start3A_295, %dma_start3A_296] : memref<2x80x64xf32, #tpu.memory_space<vmem>> -> memref<1x80x64xf32, #tpu.memory_space<vmem>>
            %dma_start3A_298 = tpu.memref_squeeze %dma_start3A_297 : memref<1x80x64xf32, #tpu.memory_space<vmem>> -> memref<80x64xf32, #tpu.memory_space<vmem>>
            %dma_start3A_299 = arith.constant 0 : i32
            %dma_start3A_300 = arith.constant 0 : i32
            %dma_start3A_301 = tpu.memref_slice %run_scoped3A[%rem3A_226, %dma_start3A_299, %dma_start3A_300] : memref<2x1x80xi32, #tpu.memory_space<vmem>> -> memref<1x1x80xi32, #tpu.memory_space<vmem>>
            %dma_start3A_302 = tpu.memref_squeeze %dma_start3A_301 : memref<1x1x80xi32, #tpu.memory_space<vmem>> -> memref<1x80xi32, #tpu.memory_space<vmem>>
            %dma_start3A_303 = arith.constant 0 : i32
            %dma_start3A_304 = tpu.memref_slice %dma_start3A_302[%run_scoped3A_229, %dma_start3A_303] : memref<1x80xi32, #tpu.memory_space<vmem>> -> memref<1x80xi32, #tpu.memory_space<vmem>>
            %dma_start3A_305 = tpu.memref_squeeze %dma_start3A_304 : memref<1x80xi32, #tpu.memory_space<vmem>> -> memref<80xi32, #tpu.memory_space<vmem>>
            %dma_start3A_306 = arith.constant 0 : i32
            %dma_start3A_307 = arith.constant 0 : i32
            %dma_start3A_308 = tpu.memref_slice %arg2[%dma_start3A_306, %dma_start3A_307] : memref<50000x64xf32, #tpu.memory_space<hbm>> -> memref<50000x64xf32, #tpu.memory_space<hbm>>
            tpu.enqueue_indirect_dma source(%dma_start3A_308 : memref<50000x64xf32, #tpu.memory_space<hbm>>) target(%dma_start3A_298 : memref<80x64xf32, #tpu.memory_space<vmem>>) offsets(%dma_start3A_305 : memref<80xi32, #tpu.memory_space<vmem>>) semaphore(%run_scoped3A_294 : memref<!tpu.dma_semaphore, #tpu.memory_space<semaphore_mem>>)
            %dma_wait3A = arith.constant 0 : i32
            %dma_wait3A_309 = arith.constant 0 : i32
            %dma_wait3A_310 = tpu.memref_slice %run_scoped3A_18[%rem3A_228, %dma_wait3A, %dma_wait3A_309] : memref<2x80x64xf32, #tpu.memory_space<vmem>> -> memref<1x80x64xf32, #tpu.memory_space<vmem>>
            %dma_wait3A_311 = tpu.memref_squeeze %dma_wait3A_310 : memref<1x80x64xf32, #tpu.memory_space<vmem>> -> memref<80x64xf32, #tpu.memory_space<vmem>>
            %dma_wait3A_312 = arith.constant 0 : i32
            %dma_wait3A_313 = arith.constant 0 : i32
            %dma_wait3A_314 = tpu.memref_slice %run_scoped3A[%rem3A_226, %dma_wait3A_312, %dma_wait3A_313] : memref<2x1x80xi32, #tpu.memory_space<vmem>> -> memref<1x1x80xi32, #tpu.memory_space<vmem>>
            %dma_wait3A_315 = tpu.memref_squeeze %dma_wait3A_314 : memref<1x1x80xi32, #tpu.memory_space<vmem>> -> memref<1x80xi32, #tpu.memory_space<vmem>>
            %dma_wait3A_316 = arith.constant 0 : i32
            %dma_wait3A_317 = tpu.memref_slice %dma_wait3A_315[%run_scoped3A_229, %dma_wait3A_316] : memref<1x80xi32, #tpu.memory_space<vmem>> -> memref<1x80xi32, #tpu.memory_space<vmem>>
            %dma_wait3A_318 = tpu.memref_squeeze %dma_wait3A_317 : memref<1x80xi32, #tpu.memory_space<vmem>> -> memref<80xi32, #tpu.memory_space<vmem>>
            %dma_wait3A_319 = arith.constant 0 : i32
            %dma_wait3A_320 = arith.constant 0 : i32
            %dma_wait3A_321 = tpu.memref_slice %arg2[%dma_wait3A_319, %dma_wait3A_320] : memref<50000x64xf32, #tpu.memory_space<hbm>> -> memref<50000x64xf32, #tpu.memory_space<hbm>>
            tpu.wait_indirect_dma semaphore(%run_scoped3A_294 : memref<!tpu.dma_semaphore, #tpu.memory_space<semaphore_mem>>) src(%dma_wait3A_321 : memref<50000x64xf32, #tpu.memory_space<hbm>>) dst(%dma_wait3A_311 : memref<80x64xf32, #tpu.memory_space<vmem>>)
            tpu.yield
          }) : () -> ()
          "tpu.trace_stop"() : () -> ()
          %ne3A_230 = arith.cmpi ne, %add3A_155, %add3A_173 : i32
          %or3A_231 = arith.constant false
          %or3A_232 = arith.ori %or3A_231, %ne3A_230 : i1
          %or3A_233 = arith.ori %or3A_232, %eq3A_154 : i1
          %convert_element_type3A_234 = arith.extui %or3A_233 : i1 to i32
          %cond3A_235 = arith.constant 0 : i32
          %cond3A_236 = arith.cmpi ne, %convert_element_type3A_234, %cond3A_235 : i32
          scf.if %cond3A_236 {
          } else {
          }
          %and3A_237 = arith.constant false
          %and3A_238 = arith.andi %or3A_233, %and3A_237 : i1
          %ne3A_239 = arith.cmpi ne, %add3A_155, %add3A_173 : i32
          %or3A_240 = arith.constant false
          %or3A_241 = arith.ori %or3A_240, %ne3A_239 : i1
          %or3A_242 = arith.constant false
          %or3A_243 = arith.ori %or3A_241, %or3A_242 : i1
          %or3A_244 = arith.ori %or3A_243, %eq3A_154 : i1
          %convert_element_type3A_245 = arith.extui %or3A_244 : i1 to i32
          %cond3A_246 = arith.constant 0 : i32
          %cond3A_247 = arith.cmpi ne, %convert_element_type3A_245, %cond3A_246 : i32
          scf.if %cond3A_247 {
            "tpu.trace_start"() <{level = 10 : i32, message = "ep_copy_out"}> : () -> ()
            %rem3A_294 = arith.constant 2 : i32
            %rem3A_295 = arith.remui %while3A_145, %rem3A_294 : i32
            %mul3A_296 = arith.constant 80 : i32
            %mul3A_297 = arith.muli %mul3A_296, %add3A_155 : i32
            %dma_start3A_298 = arith.constant 0 : i32
            %dma_start3A_299 = arith.constant 0 : i32
            %dma_start3A_300 = tpu.memref_slice %run_scoped3A_18[%rem3A_295, %dma_start3A_298, %dma_start3A_299] : memref<2x80x64xf32, #tpu.memory_space<vmem>> -> memref<1x80x64xf32, #tpu.memory_space<vmem>>
            %dma_start3A_301 = tpu.memref_squeeze %dma_start3A_300 : memref<1x80x64xf32, #tpu.memory_space<vmem>> -> memref<80x64xf32, #tpu.memory_space<vmem>>
            %dma_start3A_302 = arith.constant 0 : i32
            %dma_start3A_303 = tpu.memref_slice %arg4[%mul3A_297, %dma_start3A_302] : memref<50000x64xf32, #tpu.memory_space<hbm>> -> memref<80x64xf32, #tpu.memory_space<hbm>>
            %dma_start3A_304 = tpu.memref_slice %run_scoped3A_19[%rem3A_295] : memref<2x!tpu.dma_semaphore, #tpu.memory_space<semaphore_mem>> -> memref<1x!tpu.dma_semaphore, #tpu.memory_space<semaphore_mem>>
            %dma_start3A_305 = tpu.memref_squeeze %dma_start3A_304 : memref<1x!tpu.dma_semaphore, #tpu.memory_space<semaphore_mem>> -> memref<!tpu.dma_semaphore, #tpu.memory_space<semaphore_mem>>
            %dma_start3A_306 = arith.constant 0 : i32
            %dma_start3A_307 = tpu.memref_slice %arg4[%mul3A_297, %dma_start3A_306] : memref<50000x64xf32, #tpu.memory_space<hbm>> -> memref<80x64xf32, #tpu.memory_space<hbm>>
            %dma_start3A_308 = arith.constant 0 : i32
            %dma_start3A_309 = arith.constant 0 : i32
            %dma_start3A_310 = tpu.memref_slice %run_scoped3A_18[%rem3A_295, %dma_start3A_308, %dma_start3A_309] : memref<2x80x64xf32, #tpu.memory_space<vmem>> -> memref<1x80x64xf32, #tpu.memory_space<vmem>>
            %dma_start3A_311 = tpu.memref_squeeze %dma_start3A_310 : memref<1x80x64xf32, #tpu.memory_space<vmem>> -> memref<80x64xf32, #tpu.memory_space<vmem>>
            tpu.enqueue_dma source(%dma_start3A_311 : memref<80x64xf32, #tpu.memory_space<vmem>>) target(%dma_start3A_307 : memref<80x64xf32, #tpu.memory_space<hbm>>) target_semaphore(%dma_start3A_305 : memref<!tpu.dma_semaphore, #tpu.memory_space<semaphore_mem>>)
            "tpu.trace_stop"() : () -> ()
          } else {
          }
          %and3A_248 = arith.constant true
          %and3A_249 = arith.andi %or3A_244, %and3A_248 : i1
          %add3A_250 = arith.constant 1 : i32
          %add3A_251 = arith.addi %while3A_145, %add3A_250 : i32
          %select_n3A_252 = arith.select %and3A_249, %add3A_251, %while3A_145 : i32
          %ne3A_253 = arith.cmpi ne, %add3A_155, %add3A_165 : i32
          %or3A_254 = arith.constant false
          %or3A_255 = arith.ori %or3A_254, %ne3A_253 : i1
          %not3A_256 = arith.constant true
          %not3A_257 = arith.xori %eq3A_151, %not3A_256 : i1
          %and3A_258 = arith.andi %or3A_255, %not3A_257 : i1
          %convert_element_type3A_259 = arith.extui %and3A_258 : i1 to i32
          %cond3A_260 = arith.constant 0 : i32
          %cond3A_261 = arith.cmpi ne, %convert_element_type3A_259, %cond3A_260 : i32
          scf.if %cond3A_261 {
          } else {
          }
          %and3A_262 = arith.constant false
          %and3A_263 = arith.andi %and3A_258, %and3A_262 : i1
          %ne3A_264 = arith.cmpi ne, %add3A_155, %add3A_165 : i32
          %or3A_265 = arith.constant false
          %or3A_266 = arith.ori %or3A_265, %ne3A_264 : i1
          %or3A_267 = arith.constant false
          %or3A_268 = arith.ori %or3A_266, %or3A_267 : i1
          %not3A_269 = arith.constant true
          %not3A_270 = arith.xori %eq3A_151, %not3A_269 : i1
          %and3A_271 = arith.andi %or3A_268, %not3A_270 : i1
          %convert_element_type3A_272 = arith.extui %and3A_271 : i1 to i32
          %cond3A_273 = arith.constant 0 : i32
          %cond3A_274 = arith.cmpi ne, %convert_element_type3A_272, %cond3A_273 : i32
          scf.if %cond3A_274 {
            "tpu.trace_start"() <{level = 10 : i32, message = "ep_wait_out"}> : () -> ()
            %rem3A_294 = arith.constant 2 : i32
            %rem3A_295 = arith.remui %while3A_146, %rem3A_294 : i32
            %mul3A_296 = arith.constant 80 : i32
            %mul3A_297 = arith.muli %mul3A_296, %add3A_165 : i32
            %dma_wait3A = arith.constant 0 : i32
            %dma_wait3A_298 = arith.constant 0 : i32
            %dma_wait3A_299 = tpu.memref_slice %run_scoped3A_18[%rem3A_295, %dma_wait3A, %dma_wait3A_298] : memref<2x80x64xf32, #tpu.memory_space<vmem>> -> memref<1x80x64xf32, #tpu.memory_space<vmem>>
            %dma_wait3A_300 = tpu.memref_squeeze %dma_wait3A_299 : memref<1x80x64xf32, #tpu.memory_space<vmem>> -> memref<80x64xf32, #tpu.memory_space<vmem>>
            %dma_wait3A_301 = arith.constant 0 : i32
            %dma_wait3A_302 = tpu.memref_slice %arg4[%mul3A_297, %dma_wait3A_301] : memref<50000x64xf32, #tpu.memory_space<hbm>> -> memref<80x64xf32, #tpu.memory_space<hbm>>
            %dma_wait3A_303 = tpu.memref_slice %run_scoped3A_19[%rem3A_295] : memref<2x!tpu.dma_semaphore, #tpu.memory_space<semaphore_mem>> -> memref<1x!tpu.dma_semaphore, #tpu.memory_space<semaphore_mem>>
            %dma_wait3A_304 = tpu.memref_squeeze %dma_wait3A_303 : memref<1x!tpu.dma_semaphore, #tpu.memory_space<semaphore_mem>> -> memref<!tpu.dma_semaphore, #tpu.memory_space<semaphore_mem>>
            %dma_wait3A_305 = arith.constant 0 : i32
            %dma_wait3A_306 = tpu.memref_slice %arg4[%mul3A_297, %dma_wait3A_305] : memref<50000x64xf32, #tpu.memory_space<hbm>> -> memref<80x64xf32, #tpu.memory_space<hbm>>
            %dma_wait3A_307 = arith.constant 0 : i32
            %dma_wait3A_308 = arith.constant 0 : i32
            %dma_wait3A_309 = tpu.memref_slice %run_scoped3A_18[%rem3A_295, %dma_wait3A_307, %dma_wait3A_308] : memref<2x80x64xf32, #tpu.memory_space<vmem>> -> memref<1x80x64xf32, #tpu.memory_space<vmem>>
            %dma_wait3A_310 = tpu.memref_squeeze %dma_wait3A_309 : memref<1x80x64xf32, #tpu.memory_space<vmem>> -> memref<80x64xf32, #tpu.memory_space<vmem>>
            tpu.wait_dma2 semaphore(%dma_wait3A_304 : memref<!tpu.dma_semaphore, #tpu.memory_space<semaphore_mem>>) src(%dma_wait3A_310 : memref<80x64xf32, #tpu.memory_space<vmem>>) dst(%dma_wait3A_306 : memref<80x64xf32, #tpu.memory_space<hbm>>)
            "tpu.trace_stop"() : () -> ()
          } else {
          }
          %and3A_275 = arith.constant true
          %and3A_276 = arith.andi %and3A_271, %and3A_275 : i1
          %add3A_277 = arith.constant 1 : i32
          %add3A_278 = arith.addi %while3A_146, %add3A_277 : i32
          %select_n3A_279 = arith.select %and3A_276, %add3A_278, %while3A_146 : i32
          %ne3A_280 = arith.cmpi ne, %add3A_155, %add3A_173 : i32
          %or3A_281 = arith.constant false
          %or3A_282 = arith.ori %or3A_281, %ne3A_280 : i1
          %or3A_283 = arith.ori %or3A_282, %eq3A_154 : i1
          %add3A_284 = arith.constant 1 : i32
          %add3A_285 = arith.addi %while3A_144, %add3A_284 : i32
          %select_n3A_286 = arith.select %or3A_283, %add3A_285, %while3A_144 : i32
          %add3A_287 = arith.constant 1 : i32
          %add3A_288 = arith.addi %while3A_147, %add3A_287 : i32
          %select_n3A_289 = arith.constant true
          %select_n3A_290 = arith.select %select_n3A_289, %add3A_288, %while3A_147 : i32
          %eq3A_291 = arith.cmpi eq, %select_n3A_290, %select_n3A : i32
          %select_n3A_292 = arith.constant 0 : i32
          %select_n3A_293 = arith.select %eq3A_291, %select_n3A_292, %select_n3A_290 : i32
          scf.yield %select_n3A_195, %select_n3A_286, %select_n3A_252, %select_n3A_279, %select_n3A_293 : i32, i32, i32, i32, i32
        }
        %sub3A_91 = arith.constant 1 : i32
        %sub3A_92 = arith.subi %while3A_90#4, %sub3A_91 : i32
        %select_n3A_93 = arith.constant true
        %select_n3A_94 = arith.select %select_n3A_93, %sub3A_92, %while3A_90#4 : i32
        %eq3A_95 = arith.constant -1 : i32
        %eq3A_96 = arith.cmpi eq, %select_n3A_94, %eq3A_95 : i32
        %sub3A_97 = arith.constant 1 : i32
        %sub3A_98 = arith.subi %select_n3A, %sub3A_97 : i32
        %select_n3A_99 = arith.select %eq3A_96, %sub3A_98, %select_n3A_94 : i32
        %sub3A_100 = arith.constant 1 : i32
        %sub3A_101 = arith.subi %mul3A_16, %sub3A_100 : i32
        %mul3A_102 = arith.constant 1 : i32
        %mul3A_103 = arith.muli %mul3A_102, %select_n3A : i32
        %eq3A_104 = arith.constant 0 : i32
        %eq3A_105 = arith.cmpi eq, %sub3A_101, %eq3A_104 : i32
        %sub3A_106 = arith.constant 1 : i32
        %sub3A_107 = arith.subi %mul3A_103, %sub3A_106 : i32
        %eq3A_108 = arith.cmpi eq, %sub3A_101, %sub3A_107 : i32
        %add3A_109 = arith.addi %select_n3A_99, %select_n3A_14 : i32
        %sub3A_110 = arith.constant 1 : i32
        %sub3A_111 = arith.subi %select_n3A_99, %sub3A_110 : i32
        %select_n3A_112 = arith.constant true
        %select_n3A_113 = arith.select %select_n3A_112, %sub3A_111, %select_n3A_99 : i32
        %eq3A_114 = arith.constant -1 : i32
        %eq3A_115 = arith.cmpi eq, %select_n3A_113, %eq3A_114 : i32
        %sub3A_116 = arith.constant 1 : i32
        %sub3A_117 = arith.subi %select_n3A, %sub3A_116 : i32
        %select_n3A_118 = arith.select %eq3A_115, %sub3A_117, %select_n3A_113 : i32
        %add3A_119 = arith.addi %select_n3A_118, %select_n3A_14 : i32
        %add3A_120 = arith.constant 1 : i32
        %add3A_121 = arith.addi %select_n3A_99, %add3A_120 : i32
        %select_n3A_122 = arith.constant true
        %select_n3A_123 = arith.select %select_n3A_122, %add3A_121, %select_n3A_99 : i32
        %eq3A_124 = arith.cmpi eq, %select_n3A_123, %select_n3A : i32
        %select_n3A_125 = arith.constant 0 : i32
        %select_n3A_126 = arith.select %eq3A_124, %select_n3A_125, %select_n3A_123 : i32
        %add3A_127 = arith.addi %select_n3A_126, %select_n3A_14 : i32
        %add3A_128 = arith.constant 1 : i32
        %add3A_129 = arith.addi %select_n3A_126, %add3A_128 : i32
        %select_n3A_130 = arith.constant true
        %select_n3A_131 = arith.select %select_n3A_130, %add3A_129, %select_n3A_126 : i32
        %eq3A_132 = arith.cmpi eq, %select_n3A_131, %select_n3A : i32
        %select_n3A_133 = arith.constant 0 : i32
        %select_n3A_134 = arith.select %eq3A_132, %select_n3A_133, %select_n3A_131 : i32
        %add3A_135 = arith.addi %select_n3A_134, %select_n3A_14 : i32
        %convert_element_type3A_136 = arith.extui %eq3A_108 : i1 to i32
        %cond3A_137 = arith.constant 0 : i32
        %cond3A_138 = arith.cmpi ne, %convert_element_type3A_136, %cond3A_137 : i32
        scf.if %cond3A_138 {
        } else {
        }
        %convert_element_type3A_139 = arith.extui %eq3A_108 : i1 to i32
        %cond3A_140 = arith.constant 0 : i32
        %cond3A_141 = arith.cmpi ne, %convert_element_type3A_139, %cond3A_140 : i32
        scf.if %cond3A_141 {
          "tpu.trace_start"() <{level = 10 : i32, message = "ep_finalize"}> : () -> ()
          %rem3A_142 = arith.constant 2 : i32
          %rem3A_143 = arith.remui %while3A_90#3, %rem3A_142 : i32
          %mul3A_144 = arith.constant 80 : i32
          %mul3A_145 = arith.muli %mul3A_144, %add3A_109 : i32
          %dma_wait3A = arith.constant 0 : i32
          %dma_wait3A_146 = arith.constant 0 : i32
          %dma_wait3A_147 = tpu.memref_slice %run_scoped3A_18[%rem3A_143, %dma_wait3A, %dma_wait3A_146] : memref<2x80x64xf32, #tpu.memory_space<vmem>> -> memref<1x80x64xf32, #tpu.memory_space<vmem>>
          %dma_wait3A_148 = tpu.memref_squeeze %dma_wait3A_147 : memref<1x80x64xf32, #tpu.memory_space<vmem>> -> memref<80x64xf32, #tpu.memory_space<vmem>>
          %dma_wait3A_149 = arith.constant 0 : i32
          %dma_wait3A_150 = tpu.memref_slice %arg4[%mul3A_145, %dma_wait3A_149] : memref<50000x64xf32, #tpu.memory_space<hbm>> -> memref<80x64xf32, #tpu.memory_space<hbm>>
          %dma_wait3A_151 = tpu.memref_slice %run_scoped3A_19[%rem3A_143] : memref<2x!tpu.dma_semaphore, #tpu.memory_space<semaphore_mem>> -> memref<1x!tpu.dma_semaphore, #tpu.memory_space<semaphore_mem>>
          %dma_wait3A_152 = tpu.memref_squeeze %dma_wait3A_151 : memref<1x!tpu.dma_semaphore, #tpu.memory_space<semaphore_mem>> -> memref<!tpu.dma_semaphore, #tpu.memory_space<semaphore_mem>>
          %dma_wait3A_153 = arith.constant 0 : i32
          %dma_wait3A_154 = tpu.memref_slice %arg4[%mul3A_145, %dma_wait3A_153] : memref<50000x64xf32, #tpu.memory_space<hbm>> -> memref<80x64xf32, #tpu.memory_space<hbm>>
          %dma_wait3A_155 = arith.constant 0 : i32
          %dma_wait3A_156 = arith.constant 0 : i32
          %dma_wait3A_157 = tpu.memref_slice %run_scoped3A_18[%rem3A_143, %dma_wait3A_155, %dma_wait3A_156] : memref<2x80x64xf32, #tpu.memory_space<vmem>> -> memref<1x80x64xf32, #tpu.memory_space<vmem>>
          %dma_wait3A_158 = tpu.memref_squeeze %dma_wait3A_157 : memref<1x80x64xf32, #tpu.memory_space<vmem>> -> memref<80x64xf32, #tpu.memory_space<vmem>>
          tpu.wait_dma2 semaphore(%dma_wait3A_152 : memref<!tpu.dma_semaphore, #tpu.memory_space<semaphore_mem>>) src(%dma_wait3A_158 : memref<80x64xf32, #tpu.memory_space<vmem>>) dst(%dma_wait3A_154 : memref<80x64xf32, #tpu.memory_space<hbm>>)
          "tpu.trace_stop"() : () -> ()
        } else {
        }
      } else {
      }
      tpu.yield
    }) : () -> ()
    return
  }
}

#map = affine_map<(d0, d1) -> (0, 0)>
module attributes {stable_mosaic.version = 14 : i64} {
  func.func @gather_kernel(%arg0: i32, %arg1: i32, %arg2: memref<50000x128xf32, #tpu.memory_space<hbm>>, %arg3: memref<1x800000xi32, #tpu.memory_space<hbm>>, %arg4: memref<800000x128xf32, #tpu.memory_space<hbm>>) attributes {dimension_semantics = [#tpu.dimension_semantics<core_parallel>, #tpu.dimension_semantics<subcore_parallel>], iteration_bounds = array<i64: 2, 16>, scalar_prefetch = 0 : i64, scratch_operands = 0 : i64, tpu.core_type = #tpu.core_type<sc_vector_subcore>, window_params = [{transform_indices = #map}, {transform_indices = #map}, {transform_indices = #map}]} {
    %mul3A = arith.constant 1 : i32
    %mul3A_0 = arith.muli %arg1, %mul3A : i32
    %add3A = arith.constant 0 : i32
    %add3A_1 = arith.addi %add3A, %mul3A_0 : i32
    %mul3A_2 = arith.constant 16 : i32
    %mul3A_3 = arith.muli %arg0, %mul3A_2 : i32
    %add3A_4 = arith.addi %add3A_1, %mul3A_3 : i32
    %lt3A = arith.constant 10 : i32
    %lt3A_5 = arith.cmpi slt, %add3A_4, %lt3A : i32
    %jit3A = arith.constant 196 : i32
    %jit3A_6 = arith.constant 195 : i32
    %select_n3A = arith.select %lt3A_5, %jit3A, %jit3A_6 : i32
    %lt3A_7 = arith.constant 10 : i32
    %lt3A_8 = arith.cmpi slt, %add3A_4, %lt3A_7 : i32
    %mul3A_9 = arith.muli %add3A_4, %select_n3A : i32
    %mul3A_10 = arith.constant 195 : i32
    %mul3A_11 = arith.muli %add3A_4, %mul3A_10 : i32
    %add3A_12 = arith.constant 10 : i32
    %add3A_13 = arith.addi %mul3A_11, %add3A_12 : i32
    %select_n3A_14 = arith.select %lt3A_8, %mul3A_9, %add3A_13 : i32
    %mul3A_15 = arith.constant 1 : i32
    %mul3A_16 = arith.muli %mul3A_15, %select_n3A : i32
    "tpu.region"() ({
      %run_scoped3A = memref.alloca() : memref<2x1x128xi32, #tpu.memory_space<vmem>>
      %run_scoped3A_17 = tpu.sem_alloc : memref<2x!tpu.dma_semaphore, #tpu.memory_space<semaphore_mem>>
      %run_scoped3A_18 = memref.alloca() : memref<2x128x128xf32, #tpu.memory_space<vmem>>
      %run_scoped3A_19 = tpu.sem_alloc : memref<2x!tpu.dma_semaphore, #tpu.memory_space<semaphore_mem>>
      %gt3A = arith.constant 0 : i32
      %gt3A_20 = arith.cmpi sgt, %mul3A_16, %gt3A : i32
      %convert_element_type3A = arith.extui %gt3A_20 : i1 to i32
      %cond3A = arith.constant 0 : i32
      %cond3A_21 = arith.cmpi ne, %convert_element_type3A, %cond3A : i32
      scf.if %cond3A_21 {
        %mul3A_22 = arith.constant 1 : i32
        %mul3A_23 = arith.muli %mul3A_22, %select_n3A : i32
        %sub3A = arith.constant 1 : i32
        %sub3A_24 = arith.subi %mul3A_23, %sub3A : i32
        %eq3A = arith.constant 0 : i32
        %eq3A_25 = arith.cmpi eq, %sub3A_24, %eq3A : i32
        %add3A_26 = arith.constant 0 : i32
        %add3A_27 = arith.addi %add3A_26, %select_n3A_14 : i32
        %select_n3A_28 = arith.constant true
        %select_n3A_29 = arith.constant 0 : i32
        %select_n3A_30 = arith.constant -1 : i32
        %select_n3A_31 = arith.select %select_n3A_28, %select_n3A_30, %select_n3A_29 : i32
        %eq3A_32 = arith.constant -1 : i32
        %eq3A_33 = arith.cmpi eq, %select_n3A_31, %eq3A_32 : i32
        %sub3A_34 = arith.constant 1 : i32
        %sub3A_35 = arith.subi %select_n3A, %sub3A_34 : i32
        %select_n3A_36 = arith.select %eq3A_33, %sub3A_35, %select_n3A_31 : i32
        %add3A_37 = arith.addi %select_n3A_36, %select_n3A_14 : i32
        %select_n3A_38 = arith.constant true
        %select_n3A_39 = arith.constant 0 : i32
        %select_n3A_40 = arith.constant 1 : i32
        %select_n3A_41 = arith.select %select_n3A_38, %select_n3A_40, %select_n3A_39 : i32
        %eq3A_42 = arith.cmpi eq, %select_n3A_41, %select_n3A : i32
        %select_n3A_43 = arith.constant 0 : i32
        %select_n3A_44 = arith.select %eq3A_42, %select_n3A_43, %select_n3A_41 : i32
        %add3A_45 = arith.addi %select_n3A_44, %select_n3A_14 : i32
        %add3A_46 = arith.constant 1 : i32
        %add3A_47 = arith.addi %select_n3A_44, %add3A_46 : i32
        %select_n3A_48 = arith.constant true
        %select_n3A_49 = arith.select %select_n3A_48, %add3A_47, %select_n3A_44 : i32
        %eq3A_50 = arith.cmpi eq, %select_n3A_49, %select_n3A : i32
        %select_n3A_51 = arith.constant 0 : i32
        %select_n3A_52 = arith.select %eq3A_50, %select_n3A_51, %select_n3A_49 : i32
        %add3A_53 = arith.addi %select_n3A_52, %select_n3A_14 : i32
        "tpu.trace_start"() <{level = 10 : i32, message = "ep_initialize_0"}> : () -> ()
        %rem3A = arith.constant 0 : i32
        %rem3A_54 = arith.constant 2 : i32
        %rem3A_55 = arith.remui %rem3A, %rem3A_54 : i32
        %mul3A_56 = arith.constant 128 : i32
        %mul3A_57 = arith.muli %mul3A_56, %add3A_27 : i32
        %dma_start3A = arith.constant 0 : i32
        %dma_start3A_58 = arith.constant 0 : i32
        %dma_start3A_59 = tpu.memref_slice %run_scoped3A[%rem3A_55, %dma_start3A, %dma_start3A_58] : memref<2x1x128xi32, #tpu.memory_space<vmem>> -> memref<1x1x128xi32, #tpu.memory_space<vmem>>
        %dma_start3A_60 = tpu.memref_squeeze %dma_start3A_59 : memref<1x1x128xi32, #tpu.memory_space<vmem>> -> memref<1x128xi32, #tpu.memory_space<vmem>>
        %dma_start3A_61 = arith.constant 0 : i32
        %dma_start3A_62 = tpu.memref_slice %arg3[%dma_start3A_61, %mul3A_57] : memref<1x800000xi32, #tpu.memory_space<hbm>> -> memref<1x128xi32, #tpu.memory_space<hbm>>
        %dma_start3A_63 = tpu.memref_slice %run_scoped3A_17[%rem3A_55] : memref<2x!tpu.dma_semaphore, #tpu.memory_space<semaphore_mem>> -> memref<1x!tpu.dma_semaphore, #tpu.memory_space<semaphore_mem>>
        %dma_start3A_64 = tpu.memref_squeeze %dma_start3A_63 : memref<1x!tpu.dma_semaphore, #tpu.memory_space<semaphore_mem>> -> memref<!tpu.dma_semaphore, #tpu.memory_space<semaphore_mem>>
        %dma_start3A_65 = arith.constant 0 : i32
        %dma_start3A_66 = arith.constant 0 : i32
        %dma_start3A_67 = tpu.memref_slice %run_scoped3A[%rem3A_55, %dma_start3A_65, %dma_start3A_66] : memref<2x1x128xi32, #tpu.memory_space<vmem>> -> memref<1x1x128xi32, #tpu.memory_space<vmem>>
        %dma_start3A_68 = tpu.memref_squeeze %dma_start3A_67 : memref<1x1x128xi32, #tpu.memory_space<vmem>> -> memref<1x128xi32, #tpu.memory_space<vmem>>
        %dma_start3A_69 = arith.constant 0 : i32
        %dma_start3A_70 = tpu.memref_slice %arg3[%dma_start3A_69, %mul3A_57] : memref<1x800000xi32, #tpu.memory_space<hbm>> -> memref<1x128xi32, #tpu.memory_space<hbm>>
        tpu.enqueue_dma source(%dma_start3A_70 : memref<1x128xi32, #tpu.memory_space<hbm>>) target(%dma_start3A_68 : memref<1x128xi32, #tpu.memory_space<vmem>>) target_semaphore(%dma_start3A_64 : memref<!tpu.dma_semaphore, #tpu.memory_space<semaphore_mem>>)
        %add3A_71 = arith.constant 0 : i32
        %add3A_72 = arith.constant 1 : i32
        %add3A_73 = arith.addi %add3A_71, %add3A_72 : i32
        %select_n3A_74 = arith.constant true
        %select_n3A_75 = arith.constant 0 : i32
        %select_n3A_76 = arith.select %select_n3A_74, %add3A_73, %select_n3A_75 : i32
        %while3A = arith.constant 0 : i32
        %while3A_77 = arith.constant 0 : i32
        %while3A_78 = arith.constant 0 : i32
        %while3A_79 = arith.constant 0 : i32
        %while3A_80 = arith.constant 0 : i32
        "tpu.trace_stop"() : () -> ()
        %while3A_81 = arith.subi %mul3A_16, %while3A : i32
        %while3A_82 = arith.addi %while3A, %while3A_81 : i32
        %while3A_83 = arith.constant 1 : i32
        %while3A_84 = arith.divsi %while3A_81, %while3A_83 : i32
        %while3A_85 = arith.muli %while3A_84, %while3A_83 : i32
        %while3A_86 = arith.addi %while3A, %while3A_85 : i32
        %while3A_87 = arith.constant 1 : i32
        %while3A_88:5 = scf.for %while3A_142 = %while3A to %while3A_86 step %while3A_87 iter_args(%while3A_143 = %select_n3A_76, %while3A_144 = %while3A_77, %while3A_145 = %while3A_78, %while3A_146 = %while3A_79, %while3A_147 = %while3A_80) -> (i32, i32, i32, i32, i32)  : i32 {
          %mul3A_148 = arith.constant 1 : i32
          %mul3A_149 = arith.muli %mul3A_148, %select_n3A : i32
          %eq3A_150 = arith.constant 0 : i32
          %eq3A_151 = arith.cmpi eq, %while3A_142, %eq3A_150 : i32
          %sub3A_152 = arith.constant 1 : i32
          %sub3A_153 = arith.subi %mul3A_149, %sub3A_152 : i32
          %eq3A_154 = arith.cmpi eq, %while3A_142, %sub3A_153 : i32
          %add3A_155 = arith.addi %while3A_147, %select_n3A_14 : i32
          %sub3A_156 = arith.constant 1 : i32
          %sub3A_157 = arith.subi %while3A_147, %sub3A_156 : i32
          %select_n3A_158 = arith.constant true
          %select_n3A_159 = arith.select %select_n3A_158, %sub3A_157, %while3A_147 : i32
          %eq3A_160 = arith.constant -1 : i32
          %eq3A_161 = arith.cmpi eq, %select_n3A_159, %eq3A_160 : i32
          %sub3A_162 = arith.constant 1 : i32
          %sub3A_163 = arith.subi %select_n3A, %sub3A_162 : i32
          %select_n3A_164 = arith.select %eq3A_161, %sub3A_163, %select_n3A_159 : i32
          %add3A_165 = arith.addi %select_n3A_164, %select_n3A_14 : i32
          %add3A_166 = arith.constant 1 : i32
          %add3A_167 = arith.addi %while3A_147, %add3A_166 : i32
          %select_n3A_168 = arith.constant true
          %select_n3A_169 = arith.select %select_n3A_168, %add3A_167, %while3A_147 : i32
          %eq3A_170 = arith.cmpi eq, %select_n3A_169, %select_n3A : i32
          %select_n3A_171 = arith.constant 0 : i32
          %select_n3A_172 = arith.select %eq3A_170, %select_n3A_171, %select_n3A_169 : i32
          %add3A_173 = arith.addi %select_n3A_172, %select_n3A_14 : i32
          %add3A_174 = arith.constant 1 : i32
          %add3A_175 = arith.addi %select_n3A_172, %add3A_174 : i32
          %select_n3A_176 = arith.constant true
          %select_n3A_177 = arith.select %select_n3A_176, %add3A_175, %select_n3A_172 : i32
          %eq3A_178 = arith.cmpi eq, %select_n3A_177, %select_n3A : i32
          %select_n3A_179 = arith.constant 0 : i32
          %select_n3A_180 = arith.select %eq3A_178, %select_n3A_179, %select_n3A_177 : i32
          %add3A_181 = arith.addi %select_n3A_180, %select_n3A_14 : i32
          %ne3A = arith.cmpi ne, %add3A_155, %add3A_173 : i32
          %or3A = arith.constant false
          %or3A_182 = arith.ori %or3A, %ne3A : i1
          %sub3A_183 = arith.constant 2 : i32
          %sub3A_184 = arith.subi %mul3A_149, %sub3A_183 : i32
          %add3A_185 = arith.constant 1 : i32
          %add3A_186 = arith.addi %sub3A_184, %add3A_185 : i32
          %ge3A = arith.cmpi sge, %while3A_142, %add3A_186 : i32
          %not3A = arith.constant true
          %not3A_187 = arith.xori %ge3A, %not3A : i1
          %and3A = arith.andi %or3A_182, %not3A_187 : i1
          %convert_element_type3A_188 = arith.extui %and3A : i1 to i32
          %cond3A_189 = arith.constant 0 : i32
          %cond3A_190 = arith.cmpi ne, %convert_element_type3A_188, %cond3A_189 : i32
          scf.if %cond3A_190 {
            "tpu.trace_start"() <{level = 10 : i32, message = "ep_copy_in"}> : () -> ()
            %rem3A_294 = arith.constant 2 : i32
            %rem3A_295 = arith.remui %while3A_143, %rem3A_294 : i32
            %mul3A_296 = arith.constant 128 : i32
            %mul3A_297 = arith.muli %mul3A_296, %add3A_173 : i32
            %dma_start3A_298 = arith.constant 0 : i32
            %dma_start3A_299 = arith.constant 0 : i32
            %dma_start3A_300 = tpu.memref_slice %run_scoped3A[%rem3A_295, %dma_start3A_298, %dma_start3A_299] : memref<2x1x128xi32, #tpu.memory_space<vmem>> -> memref<1x1x128xi32, #tpu.memory_space<vmem>>
            %dma_start3A_301 = tpu.memref_squeeze %dma_start3A_300 : memref<1x1x128xi32, #tpu.memory_space<vmem>> -> memref<1x128xi32, #tpu.memory_space<vmem>>
            %dma_start3A_302 = arith.constant 0 : i32
            %dma_start3A_303 = tpu.memref_slice %arg3[%dma_start3A_302, %mul3A_297] : memref<1x800000xi32, #tpu.memory_space<hbm>> -> memref<1x128xi32, #tpu.memory_space<hbm>>
            %dma_start3A_304 = tpu.memref_slice %run_scoped3A_17[%rem3A_295] : memref<2x!tpu.dma_semaphore, #tpu.memory_space<semaphore_mem>> -> memref<1x!tpu.dma_semaphore, #tpu.memory_space<semaphore_mem>>
            %dma_start3A_305 = tpu.memref_squeeze %dma_start3A_304 : memref<1x!tpu.dma_semaphore, #tpu.memory_space<semaphore_mem>> -> memref<!tpu.dma_semaphore, #tpu.memory_space<semaphore_mem>>
            %dma_start3A_306 = arith.constant 0 : i32
            %dma_start3A_307 = arith.constant 0 : i32
            %dma_start3A_308 = tpu.memref_slice %run_scoped3A[%rem3A_295, %dma_start3A_306, %dma_start3A_307] : memref<2x1x128xi32, #tpu.memory_space<vmem>> -> memref<1x1x128xi32, #tpu.memory_space<vmem>>
            %dma_start3A_309 = tpu.memref_squeeze %dma_start3A_308 : memref<1x1x128xi32, #tpu.memory_space<vmem>> -> memref<1x128xi32, #tpu.memory_space<vmem>>
            %dma_start3A_310 = arith.constant 0 : i32
            %dma_start3A_311 = tpu.memref_slice %arg3[%dma_start3A_310, %mul3A_297] : memref<1x800000xi32, #tpu.memory_space<hbm>> -> memref<1x128xi32, #tpu.memory_space<hbm>>
            tpu.enqueue_dma source(%dma_start3A_311 : memref<1x128xi32, #tpu.memory_space<hbm>>) target(%dma_start3A_309 : memref<1x128xi32, #tpu.memory_space<vmem>>) target_semaphore(%dma_start3A_305 : memref<!tpu.dma_semaphore, #tpu.memory_space<semaphore_mem>>)
            "tpu.trace_stop"() : () -> ()
          } else {
          }
          %and3A_191 = arith.constant true
          %and3A_192 = arith.andi %and3A, %and3A_191 : i1
          %add3A_193 = arith.constant 1 : i32
          %add3A_194 = arith.addi %while3A_143, %add3A_193 : i32
          %select_n3A_195 = arith.select %and3A_192, %add3A_194, %while3A_143 : i32
          %ne3A_196 = arith.cmpi ne, %add3A_155, %add3A_173 : i32
          %or3A_197 = arith.constant false
          %or3A_198 = arith.ori %or3A_197, %ne3A_196 : i1
          %or3A_199 = arith.constant false
          %or3A_200 = arith.ori %or3A_198, %or3A_199 : i1
          %sub3A_201 = arith.constant 2 : i32
          %sub3A_202 = arith.subi %mul3A_149, %sub3A_201 : i32
          %add3A_203 = arith.constant 1 : i32
          %add3A_204 = arith.addi %sub3A_202, %add3A_203 : i32
          %ge3A_205 = arith.cmpi sge, %while3A_142, %add3A_204 : i32
          %not3A_206 = arith.constant true
          %not3A_207 = arith.xori %ge3A_205, %not3A_206 : i1
          %and3A_208 = arith.andi %or3A_200, %not3A_207 : i1
          %ne3A_209 = arith.cmpi ne, %add3A_155, %add3A_165 : i32
          %or3A_210 = arith.constant false
          %or3A_211 = arith.ori %or3A_210, %ne3A_209 : i1
          %or3A_212 = arith.ori %or3A_211, %eq3A_151 : i1
          %convert_element_type3A_213 = arith.extui %or3A_212 : i1 to i32
          %cond3A_214 = arith.constant 0 : i32
          %cond3A_215 = arith.cmpi ne, %convert_element_type3A_213, %cond3A_214 : i32
          scf.if %cond3A_215 {
            "tpu.trace_start"() <{level = 10 : i32, message = "ep_wait_in"}> : () -> ()
            %mul3A_294 = arith.constant 128 : i32
            %mul3A_295 = arith.muli %mul3A_294, %add3A_155 : i32
            %rem3A_296 = arith.constant 2 : i32
            %rem3A_297 = arith.remui %while3A_144, %rem3A_296 : i32
            %dma_wait3A = arith.constant 0 : i32
            %dma_wait3A_298 = arith.constant 0 : i32
            %dma_wait3A_299 = tpu.memref_slice %run_scoped3A[%rem3A_297, %dma_wait3A, %dma_wait3A_298] : memref<2x1x128xi32, #tpu.memory_space<vmem>> -> memref<1x1x128xi32, #tpu.memory_space<vmem>>
            %dma_wait3A_300 = tpu.memref_squeeze %dma_wait3A_299 : memref<1x1x128xi32, #tpu.memory_space<vmem>> -> memref<1x128xi32, #tpu.memory_space<vmem>>
            %dma_wait3A_301 = arith.constant 0 : i32
            %dma_wait3A_302 = tpu.memref_slice %arg3[%dma_wait3A_301, %mul3A_295] : memref<1x800000xi32, #tpu.memory_space<hbm>> -> memref<1x128xi32, #tpu.memory_space<hbm>>
            %dma_wait3A_303 = tpu.memref_slice %run_scoped3A_17[%rem3A_297] : memref<2x!tpu.dma_semaphore, #tpu.memory_space<semaphore_mem>> -> memref<1x!tpu.dma_semaphore, #tpu.memory_space<semaphore_mem>>
            %dma_wait3A_304 = tpu.memref_squeeze %dma_wait3A_303 : memref<1x!tpu.dma_semaphore, #tpu.memory_space<semaphore_mem>> -> memref<!tpu.dma_semaphore, #tpu.memory_space<semaphore_mem>>
            %dma_wait3A_305 = arith.constant 0 : i32
            %dma_wait3A_306 = arith.constant 0 : i32
            %dma_wait3A_307 = tpu.memref_slice %run_scoped3A[%rem3A_297, %dma_wait3A_305, %dma_wait3A_306] : memref<2x1x128xi32, #tpu.memory_space<vmem>> -> memref<1x1x128xi32, #tpu.memory_space<vmem>>
            %dma_wait3A_308 = tpu.memref_squeeze %dma_wait3A_307 : memref<1x1x128xi32, #tpu.memory_space<vmem>> -> memref<1x128xi32, #tpu.memory_space<vmem>>
            %dma_wait3A_309 = arith.constant 0 : i32
            %dma_wait3A_310 = tpu.memref_slice %arg3[%dma_wait3A_309, %mul3A_295] : memref<1x800000xi32, #tpu.memory_space<hbm>> -> memref<1x128xi32, #tpu.memory_space<hbm>>
            tpu.wait_dma2 semaphore(%dma_wait3A_304 : memref<!tpu.dma_semaphore, #tpu.memory_space<semaphore_mem>>) src(%dma_wait3A_310 : memref<1x128xi32, #tpu.memory_space<hbm>>) dst(%dma_wait3A_308 : memref<1x128xi32, #tpu.memory_space<vmem>>)
            "tpu.trace_stop"() : () -> ()
          } else {
          }
          %ne3A_216 = arith.cmpi ne, %add3A_155, %add3A_165 : i32
          %or3A_217 = arith.constant false
          %or3A_218 = arith.ori %or3A_217, %ne3A_216 : i1
          %or3A_219 = arith.constant false
          %or3A_220 = arith.ori %or3A_218, %or3A_219 : i1
          %or3A_221 = arith.ori %or3A_220, %eq3A_151 : i1
          %convert_element_type3A_222 = arith.extui %or3A_221 : i1 to i32
          %cond3A_223 = arith.constant 0 : i32
          %cond3A_224 = arith.cmpi ne, %convert_element_type3A_222, %cond3A_223 : i32
          scf.if %cond3A_224 {
          } else {
          }
          %rem3A_225 = arith.constant 2 : i32
          %rem3A_226 = arith.remui %while3A_144, %rem3A_225 : i32
          %rem3A_227 = arith.constant 2 : i32
          %rem3A_228 = arith.remui %while3A_145, %rem3A_227 : i32
          %run_scoped3A_229 = arith.constant 0 : i32
          "tpu.trace_start"() <{level = 10 : i32, message = "ep_run_kernel"}> : () -> ()
          "tpu.region"() ({
            %run_scoped3A_294 = tpu.sem_alloc : memref<!tpu.dma_semaphore, #tpu.memory_space<semaphore_mem>>
            %dma_start3A_295 = arith.constant 0 : i32
            %dma_start3A_296 = arith.constant 0 : i32
            %dma_start3A_297 = tpu.memref_slice %run_scoped3A_18[%rem3A_228, %dma_start3A_295, %dma_start3A_296] : memref<2x128x128xf32, #tpu.memory_space<vmem>> -> memref<1x128x128xf32, #tpu.memory_space<vmem>>
            %dma_start3A_298 = tpu.memref_squeeze %dma_start3A_297 : memref<1x128x128xf32, #tpu.memory_space<vmem>> -> memref<128x128xf32, #tpu.memory_space<vmem>>
            %dma_start3A_299 = arith.constant 0 : i32
            %dma_start3A_300 = arith.constant 0 : i32
            %dma_start3A_301 = tpu.memref_slice %run_scoped3A[%rem3A_226, %dma_start3A_299, %dma_start3A_300] : memref<2x1x128xi32, #tpu.memory_space<vmem>> -> memref<1x1x128xi32, #tpu.memory_space<vmem>>
            %dma_start3A_302 = tpu.memref_squeeze %dma_start3A_301 : memref<1x1x128xi32, #tpu.memory_space<vmem>> -> memref<1x128xi32, #tpu.memory_space<vmem>>
            %dma_start3A_303 = arith.constant 0 : i32
            %dma_start3A_304 = tpu.memref_slice %dma_start3A_302[%run_scoped3A_229, %dma_start3A_303] : memref<1x128xi32, #tpu.memory_space<vmem>> -> memref<1x128xi32, #tpu.memory_space<vmem>>
            %dma_start3A_305 = tpu.memref_squeeze %dma_start3A_304 : memref<1x128xi32, #tpu.memory_space<vmem>> -> memref<128xi32, #tpu.memory_space<vmem>>
            %dma_start3A_306 = arith.constant 0 : i32
            %dma_start3A_307 = arith.constant 0 : i32
            %dma_start3A_308 = tpu.memref_slice %arg2[%dma_start3A_306, %dma_start3A_307] : memref<50000x128xf32, #tpu.memory_space<hbm>> -> memref<50000x128xf32, #tpu.memory_space<hbm>>
            tpu.enqueue_indirect_dma source(%dma_start3A_308 : memref<50000x128xf32, #tpu.memory_space<hbm>>) target(%dma_start3A_298 : memref<128x128xf32, #tpu.memory_space<vmem>>) offsets(%dma_start3A_305 : memref<128xi32, #tpu.memory_space<vmem>>) semaphore(%run_scoped3A_294 : memref<!tpu.dma_semaphore, #tpu.memory_space<semaphore_mem>>)
            %dma_wait3A = arith.constant 0 : i32
            %dma_wait3A_309 = arith.constant 0 : i32
            %dma_wait3A_310 = tpu.memref_slice %run_scoped3A_18[%rem3A_228, %dma_wait3A, %dma_wait3A_309] : memref<2x128x128xf32, #tpu.memory_space<vmem>> -> memref<1x128x128xf32, #tpu.memory_space<vmem>>
            %dma_wait3A_311 = tpu.memref_squeeze %dma_wait3A_310 : memref<1x128x128xf32, #tpu.memory_space<vmem>> -> memref<128x128xf32, #tpu.memory_space<vmem>>
            %dma_wait3A_312 = arith.constant 0 : i32
            %dma_wait3A_313 = arith.constant 0 : i32
            %dma_wait3A_314 = tpu.memref_slice %run_scoped3A[%rem3A_226, %dma_wait3A_312, %dma_wait3A_313] : memref<2x1x128xi32, #tpu.memory_space<vmem>> -> memref<1x1x128xi32, #tpu.memory_space<vmem>>
            %dma_wait3A_315 = tpu.memref_squeeze %dma_wait3A_314 : memref<1x1x128xi32, #tpu.memory_space<vmem>> -> memref<1x128xi32, #tpu.memory_space<vmem>>
            %dma_wait3A_316 = arith.constant 0 : i32
            %dma_wait3A_317 = tpu.memref_slice %dma_wait3A_315[%run_scoped3A_229, %dma_wait3A_316] : memref<1x128xi32, #tpu.memory_space<vmem>> -> memref<1x128xi32, #tpu.memory_space<vmem>>
            %dma_wait3A_318 = tpu.memref_squeeze %dma_wait3A_317 : memref<1x128xi32, #tpu.memory_space<vmem>> -> memref<128xi32, #tpu.memory_space<vmem>>
            %dma_wait3A_319 = arith.constant 0 : i32
            %dma_wait3A_320 = arith.constant 0 : i32
            %dma_wait3A_321 = tpu.memref_slice %arg2[%dma_wait3A_319, %dma_wait3A_320] : memref<50000x128xf32, #tpu.memory_space<hbm>> -> memref<50000x128xf32, #tpu.memory_space<hbm>>
            tpu.wait_indirect_dma semaphore(%run_scoped3A_294 : memref<!tpu.dma_semaphore, #tpu.memory_space<semaphore_mem>>) src(%dma_wait3A_321 : memref<50000x128xf32, #tpu.memory_space<hbm>>) dst(%dma_wait3A_311 : memref<128x128xf32, #tpu.memory_space<vmem>>)
            tpu.yield
          }) : () -> ()
          "tpu.trace_stop"() : () -> ()
          %ne3A_230 = arith.cmpi ne, %add3A_155, %add3A_173 : i32
          %or3A_231 = arith.constant false
          %or3A_232 = arith.ori %or3A_231, %ne3A_230 : i1
          %or3A_233 = arith.ori %or3A_232, %eq3A_154 : i1
          %convert_element_type3A_234 = arith.extui %or3A_233 : i1 to i32
          %cond3A_235 = arith.constant 0 : i32
          %cond3A_236 = arith.cmpi ne, %convert_element_type3A_234, %cond3A_235 : i32
          scf.if %cond3A_236 {
          } else {
          }
          %and3A_237 = arith.constant false
          %and3A_238 = arith.andi %or3A_233, %and3A_237 : i1
          %ne3A_239 = arith.cmpi ne, %add3A_155, %add3A_173 : i32
          %or3A_240 = arith.constant false
          %or3A_241 = arith.ori %or3A_240, %ne3A_239 : i1
          %or3A_242 = arith.constant false
          %or3A_243 = arith.ori %or3A_241, %or3A_242 : i1
          %or3A_244 = arith.ori %or3A_243, %eq3A_154 : i1
          %convert_element_type3A_245 = arith.extui %or3A_244 : i1 to i32
          %cond3A_246 = arith.constant 0 : i32
          %cond3A_247 = arith.cmpi ne, %convert_element_type3A_245, %cond3A_246 : i32
          scf.if %cond3A_247 {
            "tpu.trace_start"() <{level = 10 : i32, message = "ep_copy_out"}> : () -> ()
            %rem3A_294 = arith.constant 2 : i32
            %rem3A_295 = arith.remui %while3A_145, %rem3A_294 : i32
            %mul3A_296 = arith.constant 128 : i32
            %mul3A_297 = arith.muli %mul3A_296, %add3A_155 : i32
            %dma_start3A_298 = arith.constant 0 : i32
            %dma_start3A_299 = arith.constant 0 : i32
            %dma_start3A_300 = tpu.memref_slice %run_scoped3A_18[%rem3A_295, %dma_start3A_298, %dma_start3A_299] : memref<2x128x128xf32, #tpu.memory_space<vmem>> -> memref<1x128x128xf32, #tpu.memory_space<vmem>>
            %dma_start3A_301 = tpu.memref_squeeze %dma_start3A_300 : memref<1x128x128xf32, #tpu.memory_space<vmem>> -> memref<128x128xf32, #tpu.memory_space<vmem>>
            %dma_start3A_302 = arith.constant 0 : i32
            %dma_start3A_303 = tpu.memref_slice %arg4[%mul3A_297, %dma_start3A_302] : memref<800000x128xf32, #tpu.memory_space<hbm>> -> memref<128x128xf32, #tpu.memory_space<hbm>>
            %dma_start3A_304 = tpu.memref_slice %run_scoped3A_19[%rem3A_295] : memref<2x!tpu.dma_semaphore, #tpu.memory_space<semaphore_mem>> -> memref<1x!tpu.dma_semaphore, #tpu.memory_space<semaphore_mem>>
            %dma_start3A_305 = tpu.memref_squeeze %dma_start3A_304 : memref<1x!tpu.dma_semaphore, #tpu.memory_space<semaphore_mem>> -> memref<!tpu.dma_semaphore, #tpu.memory_space<semaphore_mem>>
            %dma_start3A_306 = arith.constant 0 : i32
            %dma_start3A_307 = tpu.memref_slice %arg4[%mul3A_297, %dma_start3A_306] : memref<800000x128xf32, #tpu.memory_space<hbm>> -> memref<128x128xf32, #tpu.memory_space<hbm>>
            %dma_start3A_308 = arith.constant 0 : i32
            %dma_start3A_309 = arith.constant 0 : i32
            %dma_start3A_310 = tpu.memref_slice %run_scoped3A_18[%rem3A_295, %dma_start3A_308, %dma_start3A_309] : memref<2x128x128xf32, #tpu.memory_space<vmem>> -> memref<1x128x128xf32, #tpu.memory_space<vmem>>
            %dma_start3A_311 = tpu.memref_squeeze %dma_start3A_310 : memref<1x128x128xf32, #tpu.memory_space<vmem>> -> memref<128x128xf32, #tpu.memory_space<vmem>>
            tpu.enqueue_dma source(%dma_start3A_311 : memref<128x128xf32, #tpu.memory_space<vmem>>) target(%dma_start3A_307 : memref<128x128xf32, #tpu.memory_space<hbm>>) target_semaphore(%dma_start3A_305 : memref<!tpu.dma_semaphore, #tpu.memory_space<semaphore_mem>>)
            "tpu.trace_stop"() : () -> ()
          } else {
          }
          %and3A_248 = arith.constant true
          %and3A_249 = arith.andi %or3A_244, %and3A_248 : i1
          %add3A_250 = arith.constant 1 : i32
          %add3A_251 = arith.addi %while3A_145, %add3A_250 : i32
          %select_n3A_252 = arith.select %and3A_249, %add3A_251, %while3A_145 : i32
          %ne3A_253 = arith.cmpi ne, %add3A_155, %add3A_165 : i32
          %or3A_254 = arith.constant false
          %or3A_255 = arith.ori %or3A_254, %ne3A_253 : i1
          %not3A_256 = arith.constant true
          %not3A_257 = arith.xori %eq3A_151, %not3A_256 : i1
          %and3A_258 = arith.andi %or3A_255, %not3A_257 : i1
          %convert_element_type3A_259 = arith.extui %and3A_258 : i1 to i32
          %cond3A_260 = arith.constant 0 : i32
          %cond3A_261 = arith.cmpi ne, %convert_element_type3A_259, %cond3A_260 : i32
          scf.if %cond3A_261 {
          } else {
          }
          %and3A_262 = arith.constant false
          %and3A_263 = arith.andi %and3A_258, %and3A_262 : i1
          %ne3A_264 = arith.cmpi ne, %add3A_155, %add3A_165 : i32
          %or3A_265 = arith.constant false
          %or3A_266 = arith.ori %or3A_265, %ne3A_264 : i1
          %or3A_267 = arith.constant false
          %or3A_268 = arith.ori %or3A_266, %or3A_267 : i1
          %not3A_269 = arith.constant true
          %not3A_270 = arith.xori %eq3A_151, %not3A_269 : i1
          %and3A_271 = arith.andi %or3A_268, %not3A_270 : i1
          %convert_element_type3A_272 = arith.extui %and3A_271 : i1 to i32
          %cond3A_273 = arith.constant 0 : i32
          %cond3A_274 = arith.cmpi ne, %convert_element_type3A_272, %cond3A_273 : i32
          scf.if %cond3A_274 {
            "tpu.trace_start"() <{level = 10 : i32, message = "ep_wait_out"}> : () -> ()
            %rem3A_294 = arith.constant 2 : i32
            %rem3A_295 = arith.remui %while3A_146, %rem3A_294 : i32
            %mul3A_296 = arith.constant 128 : i32
            %mul3A_297 = arith.muli %mul3A_296, %add3A_165 : i32
            %dma_wait3A = arith.constant 0 : i32
            %dma_wait3A_298 = arith.constant 0 : i32
            %dma_wait3A_299 = tpu.memref_slice %run_scoped3A_18[%rem3A_295, %dma_wait3A, %dma_wait3A_298] : memref<2x128x128xf32, #tpu.memory_space<vmem>> -> memref<1x128x128xf32, #tpu.memory_space<vmem>>
            %dma_wait3A_300 = tpu.memref_squeeze %dma_wait3A_299 : memref<1x128x128xf32, #tpu.memory_space<vmem>> -> memref<128x128xf32, #tpu.memory_space<vmem>>
            %dma_wait3A_301 = arith.constant 0 : i32
            %dma_wait3A_302 = tpu.memref_slice %arg4[%mul3A_297, %dma_wait3A_301] : memref<800000x128xf32, #tpu.memory_space<hbm>> -> memref<128x128xf32, #tpu.memory_space<hbm>>
            %dma_wait3A_303 = tpu.memref_slice %run_scoped3A_19[%rem3A_295] : memref<2x!tpu.dma_semaphore, #tpu.memory_space<semaphore_mem>> -> memref<1x!tpu.dma_semaphore, #tpu.memory_space<semaphore_mem>>
            %dma_wait3A_304 = tpu.memref_squeeze %dma_wait3A_303 : memref<1x!tpu.dma_semaphore, #tpu.memory_space<semaphore_mem>> -> memref<!tpu.dma_semaphore, #tpu.memory_space<semaphore_mem>>
            %dma_wait3A_305 = arith.constant 0 : i32
            %dma_wait3A_306 = tpu.memref_slice %arg4[%mul3A_297, %dma_wait3A_305] : memref<800000x128xf32, #tpu.memory_space<hbm>> -> memref<128x128xf32, #tpu.memory_space<hbm>>
            %dma_wait3A_307 = arith.constant 0 : i32
            %dma_wait3A_308 = arith.constant 0 : i32
            %dma_wait3A_309 = tpu.memref_slice %run_scoped3A_18[%rem3A_295, %dma_wait3A_307, %dma_wait3A_308] : memref<2x128x128xf32, #tpu.memory_space<vmem>> -> memref<1x128x128xf32, #tpu.memory_space<vmem>>
            %dma_wait3A_310 = tpu.memref_squeeze %dma_wait3A_309 : memref<1x128x128xf32, #tpu.memory_space<vmem>> -> memref<128x128xf32, #tpu.memory_space<vmem>>
            tpu.wait_dma2 semaphore(%dma_wait3A_304 : memref<!tpu.dma_semaphore, #tpu.memory_space<semaphore_mem>>) src(%dma_wait3A_310 : memref<128x128xf32, #tpu.memory_space<vmem>>) dst(%dma_wait3A_306 : memref<128x128xf32, #tpu.memory_space<hbm>>)
            "tpu.trace_stop"() : () -> ()
          } else {
          }
          %and3A_275 = arith.constant true
          %and3A_276 = arith.andi %and3A_271, %and3A_275 : i1
          %add3A_277 = arith.constant 1 : i32
          %add3A_278 = arith.addi %while3A_146, %add3A_277 : i32
          %select_n3A_279 = arith.select %and3A_276, %add3A_278, %while3A_146 : i32
          %ne3A_280 = arith.cmpi ne, %add3A_155, %add3A_173 : i32
          %or3A_281 = arith.constant false
          %or3A_282 = arith.ori %or3A_281, %ne3A_280 : i1
          %or3A_283 = arith.ori %or3A_282, %eq3A_154 : i1
          %add3A_284 = arith.constant 1 : i32
          %add3A_285 = arith.addi %while3A_144, %add3A_284 : i32
          %select_n3A_286 = arith.select %or3A_283, %add3A_285, %while3A_144 : i32
          %add3A_287 = arith.constant 1 : i32
          %add3A_288 = arith.addi %while3A_147, %add3A_287 : i32
          %select_n3A_289 = arith.constant true
          %select_n3A_290 = arith.select %select_n3A_289, %add3A_288, %while3A_147 : i32
          %eq3A_291 = arith.cmpi eq, %select_n3A_290, %select_n3A : i32
          %select_n3A_292 = arith.constant 0 : i32
          %select_n3A_293 = arith.select %eq3A_291, %select_n3A_292, %select_n3A_290 : i32
          scf.yield %select_n3A_195, %select_n3A_286, %select_n3A_252, %select_n3A_279, %select_n3A_293 : i32, i32, i32, i32, i32
        }
        %while3A_89 = arith.constant 1 : i32
        %while3A_90:5 = scf.for %while3A_142 = %while3A_86 to %while3A_82 step %while3A_89 iter_args(%while3A_143 = %while3A_88#0, %while3A_144 = %while3A_88#1, %while3A_145 = %while3A_88#2, %while3A_146 = %while3A_88#3, %while3A_147 = %while3A_88#4) -> (i32, i32, i32, i32, i32)  : i32 {
          %mul3A_148 = arith.constant 1 : i32
          %mul3A_149 = arith.muli %mul3A_148, %select_n3A : i32
          %eq3A_150 = arith.constant 0 : i32
          %eq3A_151 = arith.cmpi eq, %while3A_142, %eq3A_150 : i32
          %sub3A_152 = arith.constant 1 : i32
          %sub3A_153 = arith.subi %mul3A_149, %sub3A_152 : i32
          %eq3A_154 = arith.cmpi eq, %while3A_142, %sub3A_153 : i32
          %add3A_155 = arith.addi %while3A_147, %select_n3A_14 : i32
          %sub3A_156 = arith.constant 1 : i32
          %sub3A_157 = arith.subi %while3A_147, %sub3A_156 : i32
          %select_n3A_158 = arith.constant true
          %select_n3A_159 = arith.select %select_n3A_158, %sub3A_157, %while3A_147 : i32
          %eq3A_160 = arith.constant -1 : i32
          %eq3A_161 = arith.cmpi eq, %select_n3A_159, %eq3A_160 : i32
          %sub3A_162 = arith.constant 1 : i32
          %sub3A_163 = arith.subi %select_n3A, %sub3A_162 : i32
          %select_n3A_164 = arith.select %eq3A_161, %sub3A_163, %select_n3A_159 : i32
          %add3A_165 = arith.addi %select_n3A_164, %select_n3A_14 : i32
          %add3A_166 = arith.constant 1 : i32
          %add3A_167 = arith.addi %while3A_147, %add3A_166 : i32
          %select_n3A_168 = arith.constant true
          %select_n3A_169 = arith.select %select_n3A_168, %add3A_167, %while3A_147 : i32
          %eq3A_170 = arith.cmpi eq, %select_n3A_169, %select_n3A : i32
          %select_n3A_171 = arith.constant 0 : i32
          %select_n3A_172 = arith.select %eq3A_170, %select_n3A_171, %select_n3A_169 : i32
          %add3A_173 = arith.addi %select_n3A_172, %select_n3A_14 : i32
          %add3A_174 = arith.constant 1 : i32
          %add3A_175 = arith.addi %select_n3A_172, %add3A_174 : i32
          %select_n3A_176 = arith.constant true
          %select_n3A_177 = arith.select %select_n3A_176, %add3A_175, %select_n3A_172 : i32
          %eq3A_178 = arith.cmpi eq, %select_n3A_177, %select_n3A : i32
          %select_n3A_179 = arith.constant 0 : i32
          %select_n3A_180 = arith.select %eq3A_178, %select_n3A_179, %select_n3A_177 : i32
          %add3A_181 = arith.addi %select_n3A_180, %select_n3A_14 : i32
          %ne3A = arith.cmpi ne, %add3A_155, %add3A_173 : i32
          %or3A = arith.constant false
          %or3A_182 = arith.ori %or3A, %ne3A : i1
          %sub3A_183 = arith.constant 2 : i32
          %sub3A_184 = arith.subi %mul3A_149, %sub3A_183 : i32
          %add3A_185 = arith.constant 1 : i32
          %add3A_186 = arith.addi %sub3A_184, %add3A_185 : i32
          %ge3A = arith.cmpi sge, %while3A_142, %add3A_186 : i32
          %not3A = arith.constant true
          %not3A_187 = arith.xori %ge3A, %not3A : i1
          %and3A = arith.andi %or3A_182, %not3A_187 : i1
          %convert_element_type3A_188 = arith.extui %and3A : i1 to i32
          %cond3A_189 = arith.constant 0 : i32
          %cond3A_190 = arith.cmpi ne, %convert_element_type3A_188, %cond3A_189 : i32
          scf.if %cond3A_190 {
            "tpu.trace_start"() <{level = 10 : i32, message = "ep_copy_in"}> : () -> ()
            %rem3A_294 = arith.constant 2 : i32
            %rem3A_295 = arith.remui %while3A_143, %rem3A_294 : i32
            %mul3A_296 = arith.constant 128 : i32
            %mul3A_297 = arith.muli %mul3A_296, %add3A_173 : i32
            %dma_start3A_298 = arith.constant 0 : i32
            %dma_start3A_299 = arith.constant 0 : i32
            %dma_start3A_300 = tpu.memref_slice %run_scoped3A[%rem3A_295, %dma_start3A_298, %dma_start3A_299] : memref<2x1x128xi32, #tpu.memory_space<vmem>> -> memref<1x1x128xi32, #tpu.memory_space<vmem>>
            %dma_start3A_301 = tpu.memref_squeeze %dma_start3A_300 : memref<1x1x128xi32, #tpu.memory_space<vmem>> -> memref<1x128xi32, #tpu.memory_space<vmem>>
            %dma_start3A_302 = arith.constant 0 : i32
            %dma_start3A_303 = tpu.memref_slice %arg3[%dma_start3A_302, %mul3A_297] : memref<1x800000xi32, #tpu.memory_space<hbm>> -> memref<1x128xi32, #tpu.memory_space<hbm>>
            %dma_start3A_304 = tpu.memref_slice %run_scoped3A_17[%rem3A_295] : memref<2x!tpu.dma_semaphore, #tpu.memory_space<semaphore_mem>> -> memref<1x!tpu.dma_semaphore, #tpu.memory_space<semaphore_mem>>
            %dma_start3A_305 = tpu.memref_squeeze %dma_start3A_304 : memref<1x!tpu.dma_semaphore, #tpu.memory_space<semaphore_mem>> -> memref<!tpu.dma_semaphore, #tpu.memory_space<semaphore_mem>>
            %dma_start3A_306 = arith.constant 0 : i32
            %dma_start3A_307 = arith.constant 0 : i32
            %dma_start3A_308 = tpu.memref_slice %run_scoped3A[%rem3A_295, %dma_start3A_306, %dma_start3A_307] : memref<2x1x128xi32, #tpu.memory_space<vmem>> -> memref<1x1x128xi32, #tpu.memory_space<vmem>>
            %dma_start3A_309 = tpu.memref_squeeze %dma_start3A_308 : memref<1x1x128xi32, #tpu.memory_space<vmem>> -> memref<1x128xi32, #tpu.memory_space<vmem>>
            %dma_start3A_310 = arith.constant 0 : i32
            %dma_start3A_311 = tpu.memref_slice %arg3[%dma_start3A_310, %mul3A_297] : memref<1x800000xi32, #tpu.memory_space<hbm>> -> memref<1x128xi32, #tpu.memory_space<hbm>>
            tpu.enqueue_dma source(%dma_start3A_311 : memref<1x128xi32, #tpu.memory_space<hbm>>) target(%dma_start3A_309 : memref<1x128xi32, #tpu.memory_space<vmem>>) target_semaphore(%dma_start3A_305 : memref<!tpu.dma_semaphore, #tpu.memory_space<semaphore_mem>>)
            "tpu.trace_stop"() : () -> ()
          } else {
          }
          %and3A_191 = arith.constant true
          %and3A_192 = arith.andi %and3A, %and3A_191 : i1
          %add3A_193 = arith.constant 1 : i32
          %add3A_194 = arith.addi %while3A_143, %add3A_193 : i32
          %select_n3A_195 = arith.select %and3A_192, %add3A_194, %while3A_143 : i32
          %ne3A_196 = arith.cmpi ne, %add3A_155, %add3A_173 : i32
          %or3A_197 = arith.constant false
          %or3A_198 = arith.ori %or3A_197, %ne3A_196 : i1
          %or3A_199 = arith.constant false
          %or3A_200 = arith.ori %or3A_198, %or3A_199 : i1
          %sub3A_201 = arith.constant 2 : i32
          %sub3A_202 = arith.subi %mul3A_149, %sub3A_201 : i32
          %add3A_203 = arith.constant 1 : i32
          %add3A_204 = arith.addi %sub3A_202, %add3A_203 : i32
          %ge3A_205 = arith.cmpi sge, %while3A_142, %add3A_204 : i32
          %not3A_206 = arith.constant true
          %not3A_207 = arith.xori %ge3A_205, %not3A_206 : i1
          %and3A_208 = arith.andi %or3A_200, %not3A_207 : i1
          %ne3A_209 = arith.cmpi ne, %add3A_155, %add3A_165 : i32
          %or3A_210 = arith.constant false
          %or3A_211 = arith.ori %or3A_210, %ne3A_209 : i1
          %or3A_212 = arith.ori %or3A_211, %eq3A_151 : i1
          %convert_element_type3A_213 = arith.extui %or3A_212 : i1 to i32
          %cond3A_214 = arith.constant 0 : i32
          %cond3A_215 = arith.cmpi ne, %convert_element_type3A_213, %cond3A_214 : i32
          scf.if %cond3A_215 {
            "tpu.trace_start"() <{level = 10 : i32, message = "ep_wait_in"}> : () -> ()
            %mul3A_294 = arith.constant 128 : i32
            %mul3A_295 = arith.muli %mul3A_294, %add3A_155 : i32
            %rem3A_296 = arith.constant 2 : i32
            %rem3A_297 = arith.remui %while3A_144, %rem3A_296 : i32
            %dma_wait3A = arith.constant 0 : i32
            %dma_wait3A_298 = arith.constant 0 : i32
            %dma_wait3A_299 = tpu.memref_slice %run_scoped3A[%rem3A_297, %dma_wait3A, %dma_wait3A_298] : memref<2x1x128xi32, #tpu.memory_space<vmem>> -> memref<1x1x128xi32, #tpu.memory_space<vmem>>
            %dma_wait3A_300 = tpu.memref_squeeze %dma_wait3A_299 : memref<1x1x128xi32, #tpu.memory_space<vmem>> -> memref<1x128xi32, #tpu.memory_space<vmem>>
            %dma_wait3A_301 = arith.constant 0 : i32
            %dma_wait3A_302 = tpu.memref_slice %arg3[%dma_wait3A_301, %mul3A_295] : memref<1x800000xi32, #tpu.memory_space<hbm>> -> memref<1x128xi32, #tpu.memory_space<hbm>>
            %dma_wait3A_303 = tpu.memref_slice %run_scoped3A_17[%rem3A_297] : memref<2x!tpu.dma_semaphore, #tpu.memory_space<semaphore_mem>> -> memref<1x!tpu.dma_semaphore, #tpu.memory_space<semaphore_mem>>
            %dma_wait3A_304 = tpu.memref_squeeze %dma_wait3A_303 : memref<1x!tpu.dma_semaphore, #tpu.memory_space<semaphore_mem>> -> memref<!tpu.dma_semaphore, #tpu.memory_space<semaphore_mem>>
            %dma_wait3A_305 = arith.constant 0 : i32
            %dma_wait3A_306 = arith.constant 0 : i32
            %dma_wait3A_307 = tpu.memref_slice %run_scoped3A[%rem3A_297, %dma_wait3A_305, %dma_wait3A_306] : memref<2x1x128xi32, #tpu.memory_space<vmem>> -> memref<1x1x128xi32, #tpu.memory_space<vmem>>
            %dma_wait3A_308 = tpu.memref_squeeze %dma_wait3A_307 : memref<1x1x128xi32, #tpu.memory_space<vmem>> -> memref<1x128xi32, #tpu.memory_space<vmem>>
            %dma_wait3A_309 = arith.constant 0 : i32
            %dma_wait3A_310 = tpu.memref_slice %arg3[%dma_wait3A_309, %mul3A_295] : memref<1x800000xi32, #tpu.memory_space<hbm>> -> memref<1x128xi32, #tpu.memory_space<hbm>>
            tpu.wait_dma2 semaphore(%dma_wait3A_304 : memref<!tpu.dma_semaphore, #tpu.memory_space<semaphore_mem>>) src(%dma_wait3A_310 : memref<1x128xi32, #tpu.memory_space<hbm>>) dst(%dma_wait3A_308 : memref<1x128xi32, #tpu.memory_space<vmem>>)
            "tpu.trace_stop"() : () -> ()
          } else {
          }
          %ne3A_216 = arith.cmpi ne, %add3A_155, %add3A_165 : i32
          %or3A_217 = arith.constant false
          %or3A_218 = arith.ori %or3A_217, %ne3A_216 : i1
          %or3A_219 = arith.constant false
          %or3A_220 = arith.ori %or3A_218, %or3A_219 : i1
          %or3A_221 = arith.ori %or3A_220, %eq3A_151 : i1
          %convert_element_type3A_222 = arith.extui %or3A_221 : i1 to i32
          %cond3A_223 = arith.constant 0 : i32
          %cond3A_224 = arith.cmpi ne, %convert_element_type3A_222, %cond3A_223 : i32
          scf.if %cond3A_224 {
          } else {
          }
          %rem3A_225 = arith.constant 2 : i32
          %rem3A_226 = arith.remui %while3A_144, %rem3A_225 : i32
          %rem3A_227 = arith.constant 2 : i32
          %rem3A_228 = arith.remui %while3A_145, %rem3A_227 : i32
          %run_scoped3A_229 = arith.constant 0 : i32
          "tpu.trace_start"() <{level = 10 : i32, message = "ep_run_kernel"}> : () -> ()
          "tpu.region"() ({
            %run_scoped3A_294 = tpu.sem_alloc : memref<!tpu.dma_semaphore, #tpu.memory_space<semaphore_mem>>
            %dma_start3A_295 = arith.constant 0 : i32
            %dma_start3A_296 = arith.constant 0 : i32
            %dma_start3A_297 = tpu.memref_slice %run_scoped3A_18[%rem3A_228, %dma_start3A_295, %dma_start3A_296] : memref<2x128x128xf32, #tpu.memory_space<vmem>> -> memref<1x128x128xf32, #tpu.memory_space<vmem>>
            %dma_start3A_298 = tpu.memref_squeeze %dma_start3A_297 : memref<1x128x128xf32, #tpu.memory_space<vmem>> -> memref<128x128xf32, #tpu.memory_space<vmem>>
            %dma_start3A_299 = arith.constant 0 : i32
            %dma_start3A_300 = arith.constant 0 : i32
            %dma_start3A_301 = tpu.memref_slice %run_scoped3A[%rem3A_226, %dma_start3A_299, %dma_start3A_300] : memref<2x1x128xi32, #tpu.memory_space<vmem>> -> memref<1x1x128xi32, #tpu.memory_space<vmem>>
            %dma_start3A_302 = tpu.memref_squeeze %dma_start3A_301 : memref<1x1x128xi32, #tpu.memory_space<vmem>> -> memref<1x128xi32, #tpu.memory_space<vmem>>
            %dma_start3A_303 = arith.constant 0 : i32
            %dma_start3A_304 = tpu.memref_slice %dma_start3A_302[%run_scoped3A_229, %dma_start3A_303] : memref<1x128xi32, #tpu.memory_space<vmem>> -> memref<1x128xi32, #tpu.memory_space<vmem>>
            %dma_start3A_305 = tpu.memref_squeeze %dma_start3A_304 : memref<1x128xi32, #tpu.memory_space<vmem>> -> memref<128xi32, #tpu.memory_space<vmem>>
            %dma_start3A_306 = arith.constant 0 : i32
            %dma_start3A_307 = arith.constant 0 : i32
            %dma_start3A_308 = tpu.memref_slice %arg2[%dma_start3A_306, %dma_start3A_307] : memref<50000x128xf32, #tpu.memory_space<hbm>> -> memref<50000x128xf32, #tpu.memory_space<hbm>>
            tpu.enqueue_indirect_dma source(%dma_start3A_308 : memref<50000x128xf32, #tpu.memory_space<hbm>>) target(%dma_start3A_298 : memref<128x128xf32, #tpu.memory_space<vmem>>) offsets(%dma_start3A_305 : memref<128xi32, #tpu.memory_space<vmem>>) semaphore(%run_scoped3A_294 : memref<!tpu.dma_semaphore, #tpu.memory_space<semaphore_mem>>)
            %dma_wait3A = arith.constant 0 : i32
            %dma_wait3A_309 = arith.constant 0 : i32
            %dma_wait3A_310 = tpu.memref_slice %run_scoped3A_18[%rem3A_228, %dma_wait3A, %dma_wait3A_309] : memref<2x128x128xf32, #tpu.memory_space<vmem>> -> memref<1x128x128xf32, #tpu.memory_space<vmem>>
            %dma_wait3A_311 = tpu.memref_squeeze %dma_wait3A_310 : memref<1x128x128xf32, #tpu.memory_space<vmem>> -> memref<128x128xf32, #tpu.memory_space<vmem>>
            %dma_wait3A_312 = arith.constant 0 : i32
            %dma_wait3A_313 = arith.constant 0 : i32
            %dma_wait3A_314 = tpu.memref_slice %run_scoped3A[%rem3A_226, %dma_wait3A_312, %dma_wait3A_313] : memref<2x1x128xi32, #tpu.memory_space<vmem>> -> memref<1x1x128xi32, #tpu.memory_space<vmem>>
            %dma_wait3A_315 = tpu.memref_squeeze %dma_wait3A_314 : memref<1x1x128xi32, #tpu.memory_space<vmem>> -> memref<1x128xi32, #tpu.memory_space<vmem>>
            %dma_wait3A_316 = arith.constant 0 : i32
            %dma_wait3A_317 = tpu.memref_slice %dma_wait3A_315[%run_scoped3A_229, %dma_wait3A_316] : memref<1x128xi32, #tpu.memory_space<vmem>> -> memref<1x128xi32, #tpu.memory_space<vmem>>
            %dma_wait3A_318 = tpu.memref_squeeze %dma_wait3A_317 : memref<1x128xi32, #tpu.memory_space<vmem>> -> memref<128xi32, #tpu.memory_space<vmem>>
            %dma_wait3A_319 = arith.constant 0 : i32
            %dma_wait3A_320 = arith.constant 0 : i32
            %dma_wait3A_321 = tpu.memref_slice %arg2[%dma_wait3A_319, %dma_wait3A_320] : memref<50000x128xf32, #tpu.memory_space<hbm>> -> memref<50000x128xf32, #tpu.memory_space<hbm>>
            tpu.wait_indirect_dma semaphore(%run_scoped3A_294 : memref<!tpu.dma_semaphore, #tpu.memory_space<semaphore_mem>>) src(%dma_wait3A_321 : memref<50000x128xf32, #tpu.memory_space<hbm>>) dst(%dma_wait3A_311 : memref<128x128xf32, #tpu.memory_space<vmem>>)
            tpu.yield
          }) : () -> ()
          "tpu.trace_stop"() : () -> ()
          %ne3A_230 = arith.cmpi ne, %add3A_155, %add3A_173 : i32
          %or3A_231 = arith.constant false
          %or3A_232 = arith.ori %or3A_231, %ne3A_230 : i1
          %or3A_233 = arith.ori %or3A_232, %eq3A_154 : i1
          %convert_element_type3A_234 = arith.extui %or3A_233 : i1 to i32
          %cond3A_235 = arith.constant 0 : i32
          %cond3A_236 = arith.cmpi ne, %convert_element_type3A_234, %cond3A_235 : i32
          scf.if %cond3A_236 {
          } else {
          }
          %and3A_237 = arith.constant false
          %and3A_238 = arith.andi %or3A_233, %and3A_237 : i1
          %ne3A_239 = arith.cmpi ne, %add3A_155, %add3A_173 : i32
          %or3A_240 = arith.constant false
          %or3A_241 = arith.ori %or3A_240, %ne3A_239 : i1
          %or3A_242 = arith.constant false
          %or3A_243 = arith.ori %or3A_241, %or3A_242 : i1
          %or3A_244 = arith.ori %or3A_243, %eq3A_154 : i1
          %convert_element_type3A_245 = arith.extui %or3A_244 : i1 to i32
          %cond3A_246 = arith.constant 0 : i32
          %cond3A_247 = arith.cmpi ne, %convert_element_type3A_245, %cond3A_246 : i32
          scf.if %cond3A_247 {
            "tpu.trace_start"() <{level = 10 : i32, message = "ep_copy_out"}> : () -> ()
            %rem3A_294 = arith.constant 2 : i32
            %rem3A_295 = arith.remui %while3A_145, %rem3A_294 : i32
            %mul3A_296 = arith.constant 128 : i32
            %mul3A_297 = arith.muli %mul3A_296, %add3A_155 : i32
            %dma_start3A_298 = arith.constant 0 : i32
            %dma_start3A_299 = arith.constant 0 : i32
            %dma_start3A_300 = tpu.memref_slice %run_scoped3A_18[%rem3A_295, %dma_start3A_298, %dma_start3A_299] : memref<2x128x128xf32, #tpu.memory_space<vmem>> -> memref<1x128x128xf32, #tpu.memory_space<vmem>>
            %dma_start3A_301 = tpu.memref_squeeze %dma_start3A_300 : memref<1x128x128xf32, #tpu.memory_space<vmem>> -> memref<128x128xf32, #tpu.memory_space<vmem>>
            %dma_start3A_302 = arith.constant 0 : i32
            %dma_start3A_303 = tpu.memref_slice %arg4[%mul3A_297, %dma_start3A_302] : memref<800000x128xf32, #tpu.memory_space<hbm>> -> memref<128x128xf32, #tpu.memory_space<hbm>>
            %dma_start3A_304 = tpu.memref_slice %run_scoped3A_19[%rem3A_295] : memref<2x!tpu.dma_semaphore, #tpu.memory_space<semaphore_mem>> -> memref<1x!tpu.dma_semaphore, #tpu.memory_space<semaphore_mem>>
            %dma_start3A_305 = tpu.memref_squeeze %dma_start3A_304 : memref<1x!tpu.dma_semaphore, #tpu.memory_space<semaphore_mem>> -> memref<!tpu.dma_semaphore, #tpu.memory_space<semaphore_mem>>
            %dma_start3A_306 = arith.constant 0 : i32
            %dma_start3A_307 = tpu.memref_slice %arg4[%mul3A_297, %dma_start3A_306] : memref<800000x128xf32, #tpu.memory_space<hbm>> -> memref<128x128xf32, #tpu.memory_space<hbm>>
            %dma_start3A_308 = arith.constant 0 : i32
            %dma_start3A_309 = arith.constant 0 : i32
            %dma_start3A_310 = tpu.memref_slice %run_scoped3A_18[%rem3A_295, %dma_start3A_308, %dma_start3A_309] : memref<2x128x128xf32, #tpu.memory_space<vmem>> -> memref<1x128x128xf32, #tpu.memory_space<vmem>>
            %dma_start3A_311 = tpu.memref_squeeze %dma_start3A_310 : memref<1x128x128xf32, #tpu.memory_space<vmem>> -> memref<128x128xf32, #tpu.memory_space<vmem>>
            tpu.enqueue_dma source(%dma_start3A_311 : memref<128x128xf32, #tpu.memory_space<vmem>>) target(%dma_start3A_307 : memref<128x128xf32, #tpu.memory_space<hbm>>) target_semaphore(%dma_start3A_305 : memref<!tpu.dma_semaphore, #tpu.memory_space<semaphore_mem>>)
            "tpu.trace_stop"() : () -> ()
          } else {
          }
          %and3A_248 = arith.constant true
          %and3A_249 = arith.andi %or3A_244, %and3A_248 : i1
          %add3A_250 = arith.constant 1 : i32
          %add3A_251 = arith.addi %while3A_145, %add3A_250 : i32
          %select_n3A_252 = arith.select %and3A_249, %add3A_251, %while3A_145 : i32
          %ne3A_253 = arith.cmpi ne, %add3A_155, %add3A_165 : i32
          %or3A_254 = arith.constant false
          %or3A_255 = arith.ori %or3A_254, %ne3A_253 : i1
          %not3A_256 = arith.constant true
          %not3A_257 = arith.xori %eq3A_151, %not3A_256 : i1
          %and3A_258 = arith.andi %or3A_255, %not3A_257 : i1
          %convert_element_type3A_259 = arith.extui %and3A_258 : i1 to i32
          %cond3A_260 = arith.constant 0 : i32
          %cond3A_261 = arith.cmpi ne, %convert_element_type3A_259, %cond3A_260 : i32
          scf.if %cond3A_261 {
          } else {
          }
          %and3A_262 = arith.constant false
          %and3A_263 = arith.andi %and3A_258, %and3A_262 : i1
          %ne3A_264 = arith.cmpi ne, %add3A_155, %add3A_165 : i32
          %or3A_265 = arith.constant false
          %or3A_266 = arith.ori %or3A_265, %ne3A_264 : i1
          %or3A_267 = arith.constant false
          %or3A_268 = arith.ori %or3A_266, %or3A_267 : i1
          %not3A_269 = arith.constant true
          %not3A_270 = arith.xori %eq3A_151, %not3A_269 : i1
          %and3A_271 = arith.andi %or3A_268, %not3A_270 : i1
          %convert_element_type3A_272 = arith.extui %and3A_271 : i1 to i32
          %cond3A_273 = arith.constant 0 : i32
          %cond3A_274 = arith.cmpi ne, %convert_element_type3A_272, %cond3A_273 : i32
          scf.if %cond3A_274 {
            "tpu.trace_start"() <{level = 10 : i32, message = "ep_wait_out"}> : () -> ()
            %rem3A_294 = arith.constant 2 : i32
            %rem3A_295 = arith.remui %while3A_146, %rem3A_294 : i32
            %mul3A_296 = arith.constant 128 : i32
            %mul3A_297 = arith.muli %mul3A_296, %add3A_165 : i32
            %dma_wait3A = arith.constant 0 : i32
            %dma_wait3A_298 = arith.constant 0 : i32
            %dma_wait3A_299 = tpu.memref_slice %run_scoped3A_18[%rem3A_295, %dma_wait3A, %dma_wait3A_298] : memref<2x128x128xf32, #tpu.memory_space<vmem>> -> memref<1x128x128xf32, #tpu.memory_space<vmem>>
            %dma_wait3A_300 = tpu.memref_squeeze %dma_wait3A_299 : memref<1x128x128xf32, #tpu.memory_space<vmem>> -> memref<128x128xf32, #tpu.memory_space<vmem>>
            %dma_wait3A_301 = arith.constant 0 : i32
            %dma_wait3A_302 = tpu.memref_slice %arg4[%mul3A_297, %dma_wait3A_301] : memref<800000x128xf32, #tpu.memory_space<hbm>> -> memref<128x128xf32, #tpu.memory_space<hbm>>
            %dma_wait3A_303 = tpu.memref_slice %run_scoped3A_19[%rem3A_295] : memref<2x!tpu.dma_semaphore, #tpu.memory_space<semaphore_mem>> -> memref<1x!tpu.dma_semaphore, #tpu.memory_space<semaphore_mem>>
            %dma_wait3A_304 = tpu.memref_squeeze %dma_wait3A_303 : memref<1x!tpu.dma_semaphore, #tpu.memory_space<semaphore_mem>> -> memref<!tpu.dma_semaphore, #tpu.memory_space<semaphore_mem>>
            %dma_wait3A_305 = arith.constant 0 : i32
            %dma_wait3A_306 = tpu.memref_slice %arg4[%mul3A_297, %dma_wait3A_305] : memref<800000x128xf32, #tpu.memory_space<hbm>> -> memref<128x128xf32, #tpu.memory_space<hbm>>
            %dma_wait3A_307 = arith.constant 0 : i32
            %dma_wait3A_308 = arith.constant 0 : i32
            %dma_wait3A_309 = tpu.memref_slice %run_scoped3A_18[%rem3A_295, %dma_wait3A_307, %dma_wait3A_308] : memref<2x128x128xf32, #tpu.memory_space<vmem>> -> memref<1x128x128xf32, #tpu.memory_space<vmem>>
            %dma_wait3A_310 = tpu.memref_squeeze %dma_wait3A_309 : memref<1x128x128xf32, #tpu.memory_space<vmem>> -> memref<128x128xf32, #tpu.memory_space<vmem>>
            tpu.wait_dma2 semaphore(%dma_wait3A_304 : memref<!tpu.dma_semaphore, #tpu.memory_space<semaphore_mem>>) src(%dma_wait3A_310 : memref<128x128xf32, #tpu.memory_space<vmem>>) dst(%dma_wait3A_306 : memref<128x128xf32, #tpu.memory_space<hbm>>)
            "tpu.trace_stop"() : () -> ()
          } else {
          }
          %and3A_275 = arith.constant true
          %and3A_276 = arith.andi %and3A_271, %and3A_275 : i1
          %add3A_277 = arith.constant 1 : i32
          %add3A_278 = arith.addi %while3A_146, %add3A_277 : i32
          %select_n3A_279 = arith.select %and3A_276, %add3A_278, %while3A_146 : i32
          %ne3A_280 = arith.cmpi ne, %add3A_155, %add3A_173 : i32
          %or3A_281 = arith.constant false
          %or3A_282 = arith.ori %or3A_281, %ne3A_280 : i1
          %or3A_283 = arith.ori %or3A_282, %eq3A_154 : i1
          %add3A_284 = arith.constant 1 : i32
          %add3A_285 = arith.addi %while3A_144, %add3A_284 : i32
          %select_n3A_286 = arith.select %or3A_283, %add3A_285, %while3A_144 : i32
          %add3A_287 = arith.constant 1 : i32
          %add3A_288 = arith.addi %while3A_147, %add3A_287 : i32
          %select_n3A_289 = arith.constant true
          %select_n3A_290 = arith.select %select_n3A_289, %add3A_288, %while3A_147 : i32
          %eq3A_291 = arith.cmpi eq, %select_n3A_290, %select_n3A : i32
          %select_n3A_292 = arith.constant 0 : i32
          %select_n3A_293 = arith.select %eq3A_291, %select_n3A_292, %select_n3A_290 : i32
          scf.yield %select_n3A_195, %select_n3A_286, %select_n3A_252, %select_n3A_279, %select_n3A_293 : i32, i32, i32, i32, i32
        }
        %sub3A_91 = arith.constant 1 : i32
        %sub3A_92 = arith.subi %while3A_90#4, %sub3A_91 : i32
        %select_n3A_93 = arith.constant true
        %select_n3A_94 = arith.select %select_n3A_93, %sub3A_92, %while3A_90#4 : i32
        %eq3A_95 = arith.constant -1 : i32
        %eq3A_96 = arith.cmpi eq, %select_n3A_94, %eq3A_95 : i32
        %sub3A_97 = arith.constant 1 : i32
        %sub3A_98 = arith.subi %select_n3A, %sub3A_97 : i32
        %select_n3A_99 = arith.select %eq3A_96, %sub3A_98, %select_n3A_94 : i32
        %sub3A_100 = arith.constant 1 : i32
        %sub3A_101 = arith.subi %mul3A_16, %sub3A_100 : i32
        %mul3A_102 = arith.constant 1 : i32
        %mul3A_103 = arith.muli %mul3A_102, %select_n3A : i32
        %eq3A_104 = arith.constant 0 : i32
        %eq3A_105 = arith.cmpi eq, %sub3A_101, %eq3A_104 : i32
        %sub3A_106 = arith.constant 1 : i32
        %sub3A_107 = arith.subi %mul3A_103, %sub3A_106 : i32
        %eq3A_108 = arith.cmpi eq, %sub3A_101, %sub3A_107 : i32
        %add3A_109 = arith.addi %select_n3A_99, %select_n3A_14 : i32
        %sub3A_110 = arith.constant 1 : i32
        %sub3A_111 = arith.subi %select_n3A_99, %sub3A_110 : i32
        %select_n3A_112 = arith.constant true
        %select_n3A_113 = arith.select %select_n3A_112, %sub3A_111, %select_n3A_99 : i32
        %eq3A_114 = arith.constant -1 : i32
        %eq3A_115 = arith.cmpi eq, %select_n3A_113, %eq3A_114 : i32
        %sub3A_116 = arith.constant 1 : i32
        %sub3A_117 = arith.subi %select_n3A, %sub3A_116 : i32
        %select_n3A_118 = arith.select %eq3A_115, %sub3A_117, %select_n3A_113 : i32
        %add3A_119 = arith.addi %select_n3A_118, %select_n3A_14 : i32
        %add3A_120 = arith.constant 1 : i32
        %add3A_121 = arith.addi %select_n3A_99, %add3A_120 : i32
        %select_n3A_122 = arith.constant true
        %select_n3A_123 = arith.select %select_n3A_122, %add3A_121, %select_n3A_99 : i32
        %eq3A_124 = arith.cmpi eq, %select_n3A_123, %select_n3A : i32
        %select_n3A_125 = arith.constant 0 : i32
        %select_n3A_126 = arith.select %eq3A_124, %select_n3A_125, %select_n3A_123 : i32
        %add3A_127 = arith.addi %select_n3A_126, %select_n3A_14 : i32
        %add3A_128 = arith.constant 1 : i32
        %add3A_129 = arith.addi %select_n3A_126, %add3A_128 : i32
        %select_n3A_130 = arith.constant true
        %select_n3A_131 = arith.select %select_n3A_130, %add3A_129, %select_n3A_126 : i32
        %eq3A_132 = arith.cmpi eq, %select_n3A_131, %select_n3A : i32
        %select_n3A_133 = arith.constant 0 : i32
        %select_n3A_134 = arith.select %eq3A_132, %select_n3A_133, %select_n3A_131 : i32
        %add3A_135 = arith.addi %select_n3A_134, %select_n3A_14 : i32
        %convert_element_type3A_136 = arith.extui %eq3A_108 : i1 to i32
        %cond3A_137 = arith.constant 0 : i32
        %cond3A_138 = arith.cmpi ne, %convert_element_type3A_136, %cond3A_137 : i32
        scf.if %cond3A_138 {
        } else {
        }
        %convert_element_type3A_139 = arith.extui %eq3A_108 : i1 to i32
        %cond3A_140 = arith.constant 0 : i32
        %cond3A_141 = arith.cmpi ne, %convert_element_type3A_139, %cond3A_140 : i32
        scf.if %cond3A_141 {
          "tpu.trace_start"() <{level = 10 : i32, message = "ep_finalize"}> : () -> ()
          %rem3A_142 = arith.constant 2 : i32
          %rem3A_143 = arith.remui %while3A_90#3, %rem3A_142 : i32
          %mul3A_144 = arith.constant 128 : i32
          %mul3A_145 = arith.muli %mul3A_144, %add3A_109 : i32
          %dma_wait3A = arith.constant 0 : i32
          %dma_wait3A_146 = arith.constant 0 : i32
          %dma_wait3A_147 = tpu.memref_slice %run_scoped3A_18[%rem3A_143, %dma_wait3A, %dma_wait3A_146] : memref<2x128x128xf32, #tpu.memory_space<vmem>> -> memref<1x128x128xf32, #tpu.memory_space<vmem>>
          %dma_wait3A_148 = tpu.memref_squeeze %dma_wait3A_147 : memref<1x128x128xf32, #tpu.memory_space<vmem>> -> memref<128x128xf32, #tpu.memory_space<vmem>>
          %dma_wait3A_149 = arith.constant 0 : i32
          %dma_wait3A_150 = tpu.memref_slice %arg4[%mul3A_145, %dma_wait3A_149] : memref<800000x128xf32, #tpu.memory_space<hbm>> -> memref<128x128xf32, #tpu.memory_space<hbm>>
          %dma_wait3A_151 = tpu.memref_slice %run_scoped3A_19[%rem3A_143] : memref<2x!tpu.dma_semaphore, #tpu.memory_space<semaphore_mem>> -> memref<1x!tpu.dma_semaphore, #tpu.memory_space<semaphore_mem>>
          %dma_wait3A_152 = tpu.memref_squeeze %dma_wait3A_151 : memref<1x!tpu.dma_semaphore, #tpu.memory_space<semaphore_mem>> -> memref<!tpu.dma_semaphore, #tpu.memory_space<semaphore_mem>>
          %dma_wait3A_153 = arith.constant 0 : i32
          %dma_wait3A_154 = tpu.memref_slice %arg4[%mul3A_145, %dma_wait3A_153] : memref<800000x128xf32, #tpu.memory_space<hbm>> -> memref<128x128xf32, #tpu.memory_space<hbm>>
          %dma_wait3A_155 = arith.constant 0 : i32
          %dma_wait3A_156 = arith.constant 0 : i32
          %dma_wait3A_157 = tpu.memref_slice %run_scoped3A_18[%rem3A_143, %dma_wait3A_155, %dma_wait3A_156] : memref<2x128x128xf32, #tpu.memory_space<vmem>> -> memref<1x128x128xf32, #tpu.memory_space<vmem>>
          %dma_wait3A_158 = tpu.memref_squeeze %dma_wait3A_157 : memref<1x128x128xf32, #tpu.memory_space<vmem>> -> memref<128x128xf32, #tpu.memory_space<vmem>>
          tpu.wait_dma2 semaphore(%dma_wait3A_152 : memref<!tpu.dma_semaphore, #tpu.memory_space<semaphore_mem>>) src(%dma_wait3A_158 : memref<128x128xf32, #tpu.memory_space<vmem>>) dst(%dma_wait3A_154 : memref<128x128xf32, #tpu.memory_space<hbm>>)
          "tpu.trace_stop"() : () -> ()
        } else {
        }
      } else {
      }
      tpu.yield
    }) : () -> ()
    return
  }
}

#map = affine_map<(d0, d1) -> (0, 0)>
module attributes {stable_mosaic.version = 14 : i64} {
  func.func @gather_kernel(%arg0: i32, %arg1: i32, %arg2: memref<50000x128xf32, #tpu.memory_space<hbm>>, %arg3: memref<1x800000xi32, #tpu.memory_space<hbm>>, %arg4: memref<800000x128xf32, #tpu.memory_space<hbm>>) attributes {dimension_semantics = [#tpu.dimension_semantics<core_parallel>, #tpu.dimension_semantics<subcore_parallel>], iteration_bounds = array<i64: 2, 16>, scalar_prefetch = 0 : i64, scratch_operands = 0 : i64, tpu.core_type = #tpu.core_type<sc_vector_subcore>, window_params = [{transform_indices = #map}, {transform_indices = #map}, {transform_indices = #map}]} {
    %mul3A = arith.constant 1 : i32
    %mul3A_0 = arith.muli %arg1, %mul3A : i32
    %add3A = arith.constant 0 : i32
    %add3A_1 = arith.addi %add3A, %mul3A_0 : i32
    %mul3A_2 = arith.constant 16 : i32
    %mul3A_3 = arith.muli %arg0, %mul3A_2 : i32
    %add3A_4 = arith.addi %add3A_1, %mul3A_3 : i32
    %lt3A = arith.constant 10 : i32
    %lt3A_5 = arith.cmpi slt, %add3A_4, %lt3A : i32
    %jit3A = arith.constant 196 : i32
    %jit3A_6 = arith.constant 195 : i32
    %select_n3A = arith.select %lt3A_5, %jit3A, %jit3A_6 : i32
    %lt3A_7 = arith.constant 10 : i32
    %lt3A_8 = arith.cmpi slt, %add3A_4, %lt3A_7 : i32
    %mul3A_9 = arith.muli %add3A_4, %select_n3A : i32
    %mul3A_10 = arith.constant 195 : i32
    %mul3A_11 = arith.muli %add3A_4, %mul3A_10 : i32
    %add3A_12 = arith.constant 10 : i32
    %add3A_13 = arith.addi %mul3A_11, %add3A_12 : i32
    %select_n3A_14 = arith.select %lt3A_8, %mul3A_9, %add3A_13 : i32
    %mul3A_15 = arith.constant 1 : i32
    %mul3A_16 = arith.muli %mul3A_15, %select_n3A : i32
    "tpu.region"() ({
      %run_scoped3A = memref.alloca() : memref<2x1x128xi32, #tpu.memory_space<vmem>>
      %run_scoped3A_17 = tpu.sem_alloc : memref<2x!tpu.dma_semaphore, #tpu.memory_space<semaphore_mem>>
      %run_scoped3A_18 = memref.alloca() : memref<2x128x128xf32, #tpu.memory_space<vmem>>
      %run_scoped3A_19 = tpu.sem_alloc : memref<2x!tpu.dma_semaphore, #tpu.memory_space<semaphore_mem>>
      %gt3A = arith.constant 0 : i32
      %gt3A_20 = arith.cmpi sgt, %mul3A_16, %gt3A : i32
      %convert_element_type3A = arith.extui %gt3A_20 : i1 to i32
      %cond3A = arith.constant 0 : i32
      %cond3A_21 = arith.cmpi ne, %convert_element_type3A, %cond3A : i32
      scf.if %cond3A_21 {
        %mul3A_22 = arith.constant 1 : i32
        %mul3A_23 = arith.muli %mul3A_22, %select_n3A : i32
        %sub3A = arith.constant 1 : i32
        %sub3A_24 = arith.subi %mul3A_23, %sub3A : i32
        %eq3A = arith.constant 0 : i32
        %eq3A_25 = arith.cmpi eq, %sub3A_24, %eq3A : i32
        %add3A_26 = arith.constant 0 : i32
        %add3A_27 = arith.addi %add3A_26, %select_n3A_14 : i32
        %select_n3A_28 = arith.constant true
        %select_n3A_29 = arith.constant 0 : i32
        %select_n3A_30 = arith.constant -1 : i32
        %select_n3A_31 = arith.select %select_n3A_28, %select_n3A_30, %select_n3A_29 : i32
        %eq3A_32 = arith.constant -1 : i32
        %eq3A_33 = arith.cmpi eq, %select_n3A_31, %eq3A_32 : i32
        %sub3A_34 = arith.constant 1 : i32
        %sub3A_35 = arith.subi %select_n3A, %sub3A_34 : i32
        %select_n3A_36 = arith.select %eq3A_33, %sub3A_35, %select_n3A_31 : i32
        %add3A_37 = arith.addi %select_n3A_36, %select_n3A_14 : i32
        %select_n3A_38 = arith.constant true
        %select_n3A_39 = arith.constant 0 : i32
        %select_n3A_40 = arith.constant 1 : i32
        %select_n3A_41 = arith.select %select_n3A_38, %select_n3A_40, %select_n3A_39 : i32
        %eq3A_42 = arith.cmpi eq, %select_n3A_41, %select_n3A : i32
        %select_n3A_43 = arith.constant 0 : i32
        %select_n3A_44 = arith.select %eq3A_42, %select_n3A_43, %select_n3A_41 : i32
        %add3A_45 = arith.addi %select_n3A_44, %select_n3A_14 : i32
        %add3A_46 = arith.constant 1 : i32
        %add3A_47 = arith.addi %select_n3A_44, %add3A_46 : i32
        %select_n3A_48 = arith.constant true
        %select_n3A_49 = arith.select %select_n3A_48, %add3A_47, %select_n3A_44 : i32
        %eq3A_50 = arith.cmpi eq, %select_n3A_49, %select_n3A : i32
        %select_n3A_51 = arith.constant 0 : i32
        %select_n3A_52 = arith.select %eq3A_50, %select_n3A_51, %select_n3A_49 : i32
        %add3A_53 = arith.addi %select_n3A_52, %select_n3A_14 : i32
        "tpu.trace_start"() <{level = 10 : i32, message = "ep_initialize_0"}> : () -> ()
        %rem3A = arith.constant 0 : i32
        %rem3A_54 = arith.constant 2 : i32
        %rem3A_55 = arith.remui %rem3A, %rem3A_54 : i32
        %mul3A_56 = arith.constant 128 : i32
        %mul3A_57 = arith.muli %mul3A_56, %add3A_27 : i32
        %dma_start3A = arith.constant 0 : i32
        %dma_start3A_58 = arith.constant 0 : i32
        %dma_start3A_59 = tpu.memref_slice %run_scoped3A[%rem3A_55, %dma_start3A, %dma_start3A_58] : memref<2x1x128xi32, #tpu.memory_space<vmem>> -> memref<1x1x128xi32, #tpu.memory_space<vmem>>
        %dma_start3A_60 = tpu.memref_squeeze %dma_start3A_59 : memref<1x1x128xi32, #tpu.memory_space<vmem>> -> memref<1x128xi32, #tpu.memory_space<vmem>>
        %dma_start3A_61 = arith.constant 0 : i32
        %dma_start3A_62 = tpu.memref_slice %arg3[%dma_start3A_61, %mul3A_57] : memref<1x800000xi32, #tpu.memory_space<hbm>> -> memref<1x128xi32, #tpu.memory_space<hbm>>
        %dma_start3A_63 = tpu.memref_slice %run_scoped3A_17[%rem3A_55] : memref<2x!tpu.dma_semaphore, #tpu.memory_space<semaphore_mem>> -> memref<1x!tpu.dma_semaphore, #tpu.memory_space<semaphore_mem>>
        %dma_start3A_64 = tpu.memref_squeeze %dma_start3A_63 : memref<1x!tpu.dma_semaphore, #tpu.memory_space<semaphore_mem>> -> memref<!tpu.dma_semaphore, #tpu.memory_space<semaphore_mem>>
        %dma_start3A_65 = arith.constant 0 : i32
        %dma_start3A_66 = arith.constant 0 : i32
        %dma_start3A_67 = tpu.memref_slice %run_scoped3A[%rem3A_55, %dma_start3A_65, %dma_start3A_66] : memref<2x1x128xi32, #tpu.memory_space<vmem>> -> memref<1x1x128xi32, #tpu.memory_space<vmem>>
        %dma_start3A_68 = tpu.memref_squeeze %dma_start3A_67 : memref<1x1x128xi32, #tpu.memory_space<vmem>> -> memref<1x128xi32, #tpu.memory_space<vmem>>
        %dma_start3A_69 = arith.constant 0 : i32
        %dma_start3A_70 = tpu.memref_slice %arg3[%dma_start3A_69, %mul3A_57] : memref<1x800000xi32, #tpu.memory_space<hbm>> -> memref<1x128xi32, #tpu.memory_space<hbm>>
        tpu.enqueue_dma source(%dma_start3A_70 : memref<1x128xi32, #tpu.memory_space<hbm>>) target(%dma_start3A_68 : memref<1x128xi32, #tpu.memory_space<vmem>>) target_semaphore(%dma_start3A_64 : memref<!tpu.dma_semaphore, #tpu.memory_space<semaphore_mem>>)
        %add3A_71 = arith.constant 0 : i32
        %add3A_72 = arith.constant 1 : i32
        %add3A_73 = arith.addi %add3A_71, %add3A_72 : i32
        %select_n3A_74 = arith.constant true
        %select_n3A_75 = arith.constant 0 : i32
        %select_n3A_76 = arith.select %select_n3A_74, %add3A_73, %select_n3A_75 : i32
        %while3A = arith.constant 0 : i32
        %while3A_77 = arith.constant 0 : i32
        %while3A_78 = arith.constant 0 : i32
        %while3A_79 = arith.constant 0 : i32
        %while3A_80 = arith.constant 0 : i32
        "tpu.trace_stop"() : () -> ()
        %while3A_81 = arith.subi %mul3A_16, %while3A : i32
        %while3A_82 = arith.addi %while3A, %while3A_81 : i32
        %while3A_83 = arith.constant 1 : i32
        %while3A_84 = arith.divsi %while3A_81, %while3A_83 : i32
        %while3A_85 = arith.muli %while3A_84, %while3A_83 : i32
        %while3A_86 = arith.addi %while3A, %while3A_85 : i32
        %while3A_87 = arith.constant 1 : i32
        %while3A_88:5 = scf.for %while3A_142 = %while3A to %while3A_86 step %while3A_87 iter_args(%while3A_143 = %select_n3A_76, %while3A_144 = %while3A_77, %while3A_145 = %while3A_78, %while3A_146 = %while3A_79, %while3A_147 = %while3A_80) -> (i32, i32, i32, i32, i32)  : i32 {
          %mul3A_148 = arith.constant 1 : i32
          %mul3A_149 = arith.muli %mul3A_148, %select_n3A : i32
          %eq3A_150 = arith.constant 0 : i32
          %eq3A_151 = arith.cmpi eq, %while3A_142, %eq3A_150 : i32
          %sub3A_152 = arith.constant 1 : i32
          %sub3A_153 = arith.subi %mul3A_149, %sub3A_152 : i32
          %eq3A_154 = arith.cmpi eq, %while3A_142, %sub3A_153 : i32
          %add3A_155 = arith.addi %while3A_147, %select_n3A_14 : i32
          %sub3A_156 = arith.constant 1 : i32
          %sub3A_157 = arith.subi %while3A_147, %sub3A_156 : i32
          %select_n3A_158 = arith.constant true
          %select_n3A_159 = arith.select %select_n3A_158, %sub3A_157, %while3A_147 : i32
          %eq3A_160 = arith.constant -1 : i32
          %eq3A_161 = arith.cmpi eq, %select_n3A_159, %eq3A_160 : i32
          %sub3A_162 = arith.constant 1 : i32
          %sub3A_163 = arith.subi %select_n3A, %sub3A_162 : i32
          %select_n3A_164 = arith.select %eq3A_161, %sub3A_163, %select_n3A_159 : i32
          %add3A_165 = arith.addi %select_n3A_164, %select_n3A_14 : i32
          %add3A_166 = arith.constant 1 : i32
          %add3A_167 = arith.addi %while3A_147, %add3A_166 : i32
          %select_n3A_168 = arith.constant true
          %select_n3A_169 = arith.select %select_n3A_168, %add3A_167, %while3A_147 : i32
          %eq3A_170 = arith.cmpi eq, %select_n3A_169, %select_n3A : i32
          %select_n3A_171 = arith.constant 0 : i32
          %select_n3A_172 = arith.select %eq3A_170, %select_n3A_171, %select_n3A_169 : i32
          %add3A_173 = arith.addi %select_n3A_172, %select_n3A_14 : i32
          %add3A_174 = arith.constant 1 : i32
          %add3A_175 = arith.addi %select_n3A_172, %add3A_174 : i32
          %select_n3A_176 = arith.constant true
          %select_n3A_177 = arith.select %select_n3A_176, %add3A_175, %select_n3A_172 : i32
          %eq3A_178 = arith.cmpi eq, %select_n3A_177, %select_n3A : i32
          %select_n3A_179 = arith.constant 0 : i32
          %select_n3A_180 = arith.select %eq3A_178, %select_n3A_179, %select_n3A_177 : i32
          %add3A_181 = arith.addi %select_n3A_180, %select_n3A_14 : i32
          %ne3A = arith.cmpi ne, %add3A_155, %add3A_173 : i32
          %or3A = arith.constant false
          %or3A_182 = arith.ori %or3A, %ne3A : i1
          %sub3A_183 = arith.constant 2 : i32
          %sub3A_184 = arith.subi %mul3A_149, %sub3A_183 : i32
          %add3A_185 = arith.constant 1 : i32
          %add3A_186 = arith.addi %sub3A_184, %add3A_185 : i32
          %ge3A = arith.cmpi sge, %while3A_142, %add3A_186 : i32
          %not3A = arith.constant true
          %not3A_187 = arith.xori %ge3A, %not3A : i1
          %and3A = arith.andi %or3A_182, %not3A_187 : i1
          %convert_element_type3A_188 = arith.extui %and3A : i1 to i32
          %cond3A_189 = arith.constant 0 : i32
          %cond3A_190 = arith.cmpi ne, %convert_element_type3A_188, %cond3A_189 : i32
          scf.if %cond3A_190 {
            "tpu.trace_start"() <{level = 10 : i32, message = "ep_copy_in"}> : () -> ()
            %rem3A_294 = arith.constant 2 : i32
            %rem3A_295 = arith.remui %while3A_143, %rem3A_294 : i32
            %mul3A_296 = arith.constant 128 : i32
            %mul3A_297 = arith.muli %mul3A_296, %add3A_173 : i32
            %dma_start3A_298 = arith.constant 0 : i32
            %dma_start3A_299 = arith.constant 0 : i32
            %dma_start3A_300 = tpu.memref_slice %run_scoped3A[%rem3A_295, %dma_start3A_298, %dma_start3A_299] : memref<2x1x128xi32, #tpu.memory_space<vmem>> -> memref<1x1x128xi32, #tpu.memory_space<vmem>>
            %dma_start3A_301 = tpu.memref_squeeze %dma_start3A_300 : memref<1x1x128xi32, #tpu.memory_space<vmem>> -> memref<1x128xi32, #tpu.memory_space<vmem>>
            %dma_start3A_302 = arith.constant 0 : i32
            %dma_start3A_303 = tpu.memref_slice %arg3[%dma_start3A_302, %mul3A_297] : memref<1x800000xi32, #tpu.memory_space<hbm>> -> memref<1x128xi32, #tpu.memory_space<hbm>>
            %dma_start3A_304 = tpu.memref_slice %run_scoped3A_17[%rem3A_295] : memref<2x!tpu.dma_semaphore, #tpu.memory_space<semaphore_mem>> -> memref<1x!tpu.dma_semaphore, #tpu.memory_space<semaphore_mem>>
            %dma_start3A_305 = tpu.memref_squeeze %dma_start3A_304 : memref<1x!tpu.dma_semaphore, #tpu.memory_space<semaphore_mem>> -> memref<!tpu.dma_semaphore, #tpu.memory_space<semaphore_mem>>
            %dma_start3A_306 = arith.constant 0 : i32
            %dma_start3A_307 = arith.constant 0 : i32
            %dma_start3A_308 = tpu.memref_slice %run_scoped3A[%rem3A_295, %dma_start3A_306, %dma_start3A_307] : memref<2x1x128xi32, #tpu.memory_space<vmem>> -> memref<1x1x128xi32, #tpu.memory_space<vmem>>
            %dma_start3A_309 = tpu.memref_squeeze %dma_start3A_308 : memref<1x1x128xi32, #tpu.memory_space<vmem>> -> memref<1x128xi32, #tpu.memory_space<vmem>>
            %dma_start3A_310 = arith.constant 0 : i32
            %dma_start3A_311 = tpu.memref_slice %arg3[%dma_start3A_310, %mul3A_297] : memref<1x800000xi32, #tpu.memory_space<hbm>> -> memref<1x128xi32, #tpu.memory_space<hbm>>
            tpu.enqueue_dma source(%dma_start3A_311 : memref<1x128xi32, #tpu.memory_space<hbm>>) target(%dma_start3A_309 : memref<1x128xi32, #tpu.memory_space<vmem>>) target_semaphore(%dma_start3A_305 : memref<!tpu.dma_semaphore, #tpu.memory_space<semaphore_mem>>)
            "tpu.trace_stop"() : () -> ()
          } else {
          }
          %and3A_191 = arith.constant true
          %and3A_192 = arith.andi %and3A, %and3A_191 : i1
          %add3A_193 = arith.constant 1 : i32
          %add3A_194 = arith.addi %while3A_143, %add3A_193 : i32
          %select_n3A_195 = arith.select %and3A_192, %add3A_194, %while3A_143 : i32
          %ne3A_196 = arith.cmpi ne, %add3A_155, %add3A_173 : i32
          %or3A_197 = arith.constant false
          %or3A_198 = arith.ori %or3A_197, %ne3A_196 : i1
          %or3A_199 = arith.constant false
          %or3A_200 = arith.ori %or3A_198, %or3A_199 : i1
          %sub3A_201 = arith.constant 2 : i32
          %sub3A_202 = arith.subi %mul3A_149, %sub3A_201 : i32
          %add3A_203 = arith.constant 1 : i32
          %add3A_204 = arith.addi %sub3A_202, %add3A_203 : i32
          %ge3A_205 = arith.cmpi sge, %while3A_142, %add3A_204 : i32
          %not3A_206 = arith.constant true
          %not3A_207 = arith.xori %ge3A_205, %not3A_206 : i1
          %and3A_208 = arith.andi %or3A_200, %not3A_207 : i1
          %ne3A_209 = arith.cmpi ne, %add3A_155, %add3A_165 : i32
          %or3A_210 = arith.constant false
          %or3A_211 = arith.ori %or3A_210, %ne3A_209 : i1
          %or3A_212 = arith.ori %or3A_211, %eq3A_151 : i1
          %convert_element_type3A_213 = arith.extui %or3A_212 : i1 to i32
          %cond3A_214 = arith.constant 0 : i32
          %cond3A_215 = arith.cmpi ne, %convert_element_type3A_213, %cond3A_214 : i32
          scf.if %cond3A_215 {
            "tpu.trace_start"() <{level = 10 : i32, message = "ep_wait_in"}> : () -> ()
            %mul3A_294 = arith.constant 128 : i32
            %mul3A_295 = arith.muli %mul3A_294, %add3A_155 : i32
            %rem3A_296 = arith.constant 2 : i32
            %rem3A_297 = arith.remui %while3A_144, %rem3A_296 : i32
            %dma_wait3A = arith.constant 0 : i32
            %dma_wait3A_298 = arith.constant 0 : i32
            %dma_wait3A_299 = tpu.memref_slice %run_scoped3A[%rem3A_297, %dma_wait3A, %dma_wait3A_298] : memref<2x1x128xi32, #tpu.memory_space<vmem>> -> memref<1x1x128xi32, #tpu.memory_space<vmem>>
            %dma_wait3A_300 = tpu.memref_squeeze %dma_wait3A_299 : memref<1x1x128xi32, #tpu.memory_space<vmem>> -> memref<1x128xi32, #tpu.memory_space<vmem>>
            %dma_wait3A_301 = arith.constant 0 : i32
            %dma_wait3A_302 = tpu.memref_slice %arg3[%dma_wait3A_301, %mul3A_295] : memref<1x800000xi32, #tpu.memory_space<hbm>> -> memref<1x128xi32, #tpu.memory_space<hbm>>
            %dma_wait3A_303 = tpu.memref_slice %run_scoped3A_17[%rem3A_297] : memref<2x!tpu.dma_semaphore, #tpu.memory_space<semaphore_mem>> -> memref<1x!tpu.dma_semaphore, #tpu.memory_space<semaphore_mem>>
            %dma_wait3A_304 = tpu.memref_squeeze %dma_wait3A_303 : memref<1x!tpu.dma_semaphore, #tpu.memory_space<semaphore_mem>> -> memref<!tpu.dma_semaphore, #tpu.memory_space<semaphore_mem>>
            %dma_wait3A_305 = arith.constant 0 : i32
            %dma_wait3A_306 = arith.constant 0 : i32
            %dma_wait3A_307 = tpu.memref_slice %run_scoped3A[%rem3A_297, %dma_wait3A_305, %dma_wait3A_306] : memref<2x1x128xi32, #tpu.memory_space<vmem>> -> memref<1x1x128xi32, #tpu.memory_space<vmem>>
            %dma_wait3A_308 = tpu.memref_squeeze %dma_wait3A_307 : memref<1x1x128xi32, #tpu.memory_space<vmem>> -> memref<1x128xi32, #tpu.memory_space<vmem>>
            %dma_wait3A_309 = arith.constant 0 : i32
            %dma_wait3A_310 = tpu.memref_slice %arg3[%dma_wait3A_309, %mul3A_295] : memref<1x800000xi32, #tpu.memory_space<hbm>> -> memref<1x128xi32, #tpu.memory_space<hbm>>
            tpu.wait_dma2 semaphore(%dma_wait3A_304 : memref<!tpu.dma_semaphore, #tpu.memory_space<semaphore_mem>>) src(%dma_wait3A_310 : memref<1x128xi32, #tpu.memory_space<hbm>>) dst(%dma_wait3A_308 : memref<1x128xi32, #tpu.memory_space<vmem>>)
            "tpu.trace_stop"() : () -> ()
          } else {
          }
          %ne3A_216 = arith.cmpi ne, %add3A_155, %add3A_165 : i32
          %or3A_217 = arith.constant false
          %or3A_218 = arith.ori %or3A_217, %ne3A_216 : i1
          %or3A_219 = arith.constant false
          %or3A_220 = arith.ori %or3A_218, %or3A_219 : i1
          %or3A_221 = arith.ori %or3A_220, %eq3A_151 : i1
          %convert_element_type3A_222 = arith.extui %or3A_221 : i1 to i32
          %cond3A_223 = arith.constant 0 : i32
          %cond3A_224 = arith.cmpi ne, %convert_element_type3A_222, %cond3A_223 : i32
          scf.if %cond3A_224 {
          } else {
          }
          %rem3A_225 = arith.constant 2 : i32
          %rem3A_226 = arith.remui %while3A_144, %rem3A_225 : i32
          %rem3A_227 = arith.constant 2 : i32
          %rem3A_228 = arith.remui %while3A_145, %rem3A_227 : i32
          %run_scoped3A_229 = arith.constant 0 : i32
          "tpu.trace_start"() <{level = 10 : i32, message = "ep_run_kernel"}> : () -> ()
          "tpu.region"() ({
            %run_scoped3A_294 = tpu.sem_alloc : memref<!tpu.dma_semaphore, #tpu.memory_space<semaphore_mem>>
            %dma_start3A_295 = arith.constant 0 : i32
            %dma_start3A_296 = arith.constant 0 : i32
            %dma_start3A_297 = tpu.memref_slice %run_scoped3A_18[%rem3A_228, %dma_start3A_295, %dma_start3A_296] : memref<2x128x128xf32, #tpu.memory_space<vmem>> -> memref<1x128x128xf32, #tpu.memory_space<vmem>>
            %dma_start3A_298 = tpu.memref_squeeze %dma_start3A_297 : memref<1x128x128xf32, #tpu.memory_space<vmem>> -> memref<128x128xf32, #tpu.memory_space<vmem>>
            %dma_start3A_299 = arith.constant 0 : i32
            %dma_start3A_300 = arith.constant 0 : i32
            %dma_start3A_301 = tpu.memref_slice %run_scoped3A[%rem3A_226, %dma_start3A_299, %dma_start3A_300] : memref<2x1x128xi32, #tpu.memory_space<vmem>> -> memref<1x1x128xi32, #tpu.memory_space<vmem>>
            %dma_start3A_302 = tpu.memref_squeeze %dma_start3A_301 : memref<1x1x128xi32, #tpu.memory_space<vmem>> -> memref<1x128xi32, #tpu.memory_space<vmem>>
            %dma_start3A_303 = arith.constant 0 : i32
            %dma_start3A_304 = tpu.memref_slice %dma_start3A_302[%run_scoped3A_229, %dma_start3A_303] : memref<1x128xi32, #tpu.memory_space<vmem>> -> memref<1x128xi32, #tpu.memory_space<vmem>>
            %dma_start3A_305 = tpu.memref_squeeze %dma_start3A_304 : memref<1x128xi32, #tpu.memory_space<vmem>> -> memref<128xi32, #tpu.memory_space<vmem>>
            %dma_start3A_306 = arith.constant 0 : i32
            %dma_start3A_307 = arith.constant 0 : i32
            %dma_start3A_308 = tpu.memref_slice %arg2[%dma_start3A_306, %dma_start3A_307] : memref<50000x128xf32, #tpu.memory_space<hbm>> -> memref<50000x128xf32, #tpu.memory_space<hbm>>
            tpu.enqueue_indirect_dma source(%dma_start3A_308 : memref<50000x128xf32, #tpu.memory_space<hbm>>) target(%dma_start3A_298 : memref<128x128xf32, #tpu.memory_space<vmem>>) offsets(%dma_start3A_305 : memref<128xi32, #tpu.memory_space<vmem>>) semaphore(%run_scoped3A_294 : memref<!tpu.dma_semaphore, #tpu.memory_space<semaphore_mem>>)
            %dma_wait3A = arith.constant 0 : i32
            %dma_wait3A_309 = arith.constant 0 : i32
            %dma_wait3A_310 = tpu.memref_slice %run_scoped3A_18[%rem3A_228, %dma_wait3A, %dma_wait3A_309] : memref<2x128x128xf32, #tpu.memory_space<vmem>> -> memref<1x128x128xf32, #tpu.memory_space<vmem>>
            %dma_wait3A_311 = tpu.memref_squeeze %dma_wait3A_310 : memref<1x128x128xf32, #tpu.memory_space<vmem>> -> memref<128x128xf32, #tpu.memory_space<vmem>>
            %dma_wait3A_312 = arith.constant 0 : i32
            %dma_wait3A_313 = arith.constant 0 : i32
            %dma_wait3A_314 = tpu.memref_slice %run_scoped3A[%rem3A_226, %dma_wait3A_312, %dma_wait3A_313] : memref<2x1x128xi32, #tpu.memory_space<vmem>> -> memref<1x1x128xi32, #tpu.memory_space<vmem>>
            %dma_wait3A_315 = tpu.memref_squeeze %dma_wait3A_314 : memref<1x1x128xi32, #tpu.memory_space<vmem>> -> memref<1x128xi32, #tpu.memory_space<vmem>>
            %dma_wait3A_316 = arith.constant 0 : i32
            %dma_wait3A_317 = tpu.memref_slice %dma_wait3A_315[%run_scoped3A_229, %dma_wait3A_316] : memref<1x128xi32, #tpu.memory_space<vmem>> -> memref<1x128xi32, #tpu.memory_space<vmem>>
            %dma_wait3A_318 = tpu.memref_squeeze %dma_wait3A_317 : memref<1x128xi32, #tpu.memory_space<vmem>> -> memref<128xi32, #tpu.memory_space<vmem>>
            %dma_wait3A_319 = arith.constant 0 : i32
            %dma_wait3A_320 = arith.constant 0 : i32
            %dma_wait3A_321 = tpu.memref_slice %arg2[%dma_wait3A_319, %dma_wait3A_320] : memref<50000x128xf32, #tpu.memory_space<hbm>> -> memref<50000x128xf32, #tpu.memory_space<hbm>>
            tpu.wait_indirect_dma semaphore(%run_scoped3A_294 : memref<!tpu.dma_semaphore, #tpu.memory_space<semaphore_mem>>) src(%dma_wait3A_321 : memref<50000x128xf32, #tpu.memory_space<hbm>>) dst(%dma_wait3A_311 : memref<128x128xf32, #tpu.memory_space<vmem>>)
            tpu.yield
          }) : () -> ()
          "tpu.trace_stop"() : () -> ()
          %ne3A_230 = arith.cmpi ne, %add3A_155, %add3A_173 : i32
          %or3A_231 = arith.constant false
          %or3A_232 = arith.ori %or3A_231, %ne3A_230 : i1
          %or3A_233 = arith.ori %or3A_232, %eq3A_154 : i1
          %convert_element_type3A_234 = arith.extui %or3A_233 : i1 to i32
          %cond3A_235 = arith.constant 0 : i32
          %cond3A_236 = arith.cmpi ne, %convert_element_type3A_234, %cond3A_235 : i32
          scf.if %cond3A_236 {
          } else {
          }
          %and3A_237 = arith.constant false
          %and3A_238 = arith.andi %or3A_233, %and3A_237 : i1
          %ne3A_239 = arith.cmpi ne, %add3A_155, %add3A_173 : i32
          %or3A_240 = arith.constant false
          %or3A_241 = arith.ori %or3A_240, %ne3A_239 : i1
          %or3A_242 = arith.constant false
          %or3A_243 = arith.ori %or3A_241, %or3A_242 : i1
          %or3A_244 = arith.ori %or3A_243, %eq3A_154 : i1
          %convert_element_type3A_245 = arith.extui %or3A_244 : i1 to i32
          %cond3A_246 = arith.constant 0 : i32
          %cond3A_247 = arith.cmpi ne, %convert_element_type3A_245, %cond3A_246 : i32
          scf.if %cond3A_247 {
            "tpu.trace_start"() <{level = 10 : i32, message = "ep_copy_out"}> : () -> ()
            %rem3A_294 = arith.constant 2 : i32
            %rem3A_295 = arith.remui %while3A_145, %rem3A_294 : i32
            %mul3A_296 = arith.constant 128 : i32
            %mul3A_297 = arith.muli %mul3A_296, %add3A_155 : i32
            %dma_start3A_298 = arith.constant 0 : i32
            %dma_start3A_299 = arith.constant 0 : i32
            %dma_start3A_300 = tpu.memref_slice %run_scoped3A_18[%rem3A_295, %dma_start3A_298, %dma_start3A_299] : memref<2x128x128xf32, #tpu.memory_space<vmem>> -> memref<1x128x128xf32, #tpu.memory_space<vmem>>
            %dma_start3A_301 = tpu.memref_squeeze %dma_start3A_300 : memref<1x128x128xf32, #tpu.memory_space<vmem>> -> memref<128x128xf32, #tpu.memory_space<vmem>>
            %dma_start3A_302 = arith.constant 0 : i32
            %dma_start3A_303 = tpu.memref_slice %arg4[%mul3A_297, %dma_start3A_302] : memref<800000x128xf32, #tpu.memory_space<hbm>> -> memref<128x128xf32, #tpu.memory_space<hbm>>
            %dma_start3A_304 = tpu.memref_slice %run_scoped3A_19[%rem3A_295] : memref<2x!tpu.dma_semaphore, #tpu.memory_space<semaphore_mem>> -> memref<1x!tpu.dma_semaphore, #tpu.memory_space<semaphore_mem>>
            %dma_start3A_305 = tpu.memref_squeeze %dma_start3A_304 : memref<1x!tpu.dma_semaphore, #tpu.memory_space<semaphore_mem>> -> memref<!tpu.dma_semaphore, #tpu.memory_space<semaphore_mem>>
            %dma_start3A_306 = arith.constant 0 : i32
            %dma_start3A_307 = tpu.memref_slice %arg4[%mul3A_297, %dma_start3A_306] : memref<800000x128xf32, #tpu.memory_space<hbm>> -> memref<128x128xf32, #tpu.memory_space<hbm>>
            %dma_start3A_308 = arith.constant 0 : i32
            %dma_start3A_309 = arith.constant 0 : i32
            %dma_start3A_310 = tpu.memref_slice %run_scoped3A_18[%rem3A_295, %dma_start3A_308, %dma_start3A_309] : memref<2x128x128xf32, #tpu.memory_space<vmem>> -> memref<1x128x128xf32, #tpu.memory_space<vmem>>
            %dma_start3A_311 = tpu.memref_squeeze %dma_start3A_310 : memref<1x128x128xf32, #tpu.memory_space<vmem>> -> memref<128x128xf32, #tpu.memory_space<vmem>>
            tpu.enqueue_dma source(%dma_start3A_311 : memref<128x128xf32, #tpu.memory_space<vmem>>) target(%dma_start3A_307 : memref<128x128xf32, #tpu.memory_space<hbm>>) target_semaphore(%dma_start3A_305 : memref<!tpu.dma_semaphore, #tpu.memory_space<semaphore_mem>>)
            "tpu.trace_stop"() : () -> ()
          } else {
          }
          %and3A_248 = arith.constant true
          %and3A_249 = arith.andi %or3A_244, %and3A_248 : i1
          %add3A_250 = arith.constant 1 : i32
          %add3A_251 = arith.addi %while3A_145, %add3A_250 : i32
          %select_n3A_252 = arith.select %and3A_249, %add3A_251, %while3A_145 : i32
          %ne3A_253 = arith.cmpi ne, %add3A_155, %add3A_165 : i32
          %or3A_254 = arith.constant false
          %or3A_255 = arith.ori %or3A_254, %ne3A_253 : i1
          %not3A_256 = arith.constant true
          %not3A_257 = arith.xori %eq3A_151, %not3A_256 : i1
          %and3A_258 = arith.andi %or3A_255, %not3A_257 : i1
          %convert_element_type3A_259 = arith.extui %and3A_258 : i1 to i32
          %cond3A_260 = arith.constant 0 : i32
          %cond3A_261 = arith.cmpi ne, %convert_element_type3A_259, %cond3A_260 : i32
          scf.if %cond3A_261 {
          } else {
          }
          %and3A_262 = arith.constant false
          %and3A_263 = arith.andi %and3A_258, %and3A_262 : i1
          %ne3A_264 = arith.cmpi ne, %add3A_155, %add3A_165 : i32
          %or3A_265 = arith.constant false
          %or3A_266 = arith.ori %or3A_265, %ne3A_264 : i1
          %or3A_267 = arith.constant false
          %or3A_268 = arith.ori %or3A_266, %or3A_267 : i1
          %not3A_269 = arith.constant true
          %not3A_270 = arith.xori %eq3A_151, %not3A_269 : i1
          %and3A_271 = arith.andi %or3A_268, %not3A_270 : i1
          %convert_element_type3A_272 = arith.extui %and3A_271 : i1 to i32
          %cond3A_273 = arith.constant 0 : i32
          %cond3A_274 = arith.cmpi ne, %convert_element_type3A_272, %cond3A_273 : i32
          scf.if %cond3A_274 {
            "tpu.trace_start"() <{level = 10 : i32, message = "ep_wait_out"}> : () -> ()
            %rem3A_294 = arith.constant 2 : i32
            %rem3A_295 = arith.remui %while3A_146, %rem3A_294 : i32
            %mul3A_296 = arith.constant 128 : i32
            %mul3A_297 = arith.muli %mul3A_296, %add3A_165 : i32
            %dma_wait3A = arith.constant 0 : i32
            %dma_wait3A_298 = arith.constant 0 : i32
            %dma_wait3A_299 = tpu.memref_slice %run_scoped3A_18[%rem3A_295, %dma_wait3A, %dma_wait3A_298] : memref<2x128x128xf32, #tpu.memory_space<vmem>> -> memref<1x128x128xf32, #tpu.memory_space<vmem>>
            %dma_wait3A_300 = tpu.memref_squeeze %dma_wait3A_299 : memref<1x128x128xf32, #tpu.memory_space<vmem>> -> memref<128x128xf32, #tpu.memory_space<vmem>>
            %dma_wait3A_301 = arith.constant 0 : i32
            %dma_wait3A_302 = tpu.memref_slice %arg4[%mul3A_297, %dma_wait3A_301] : memref<800000x128xf32, #tpu.memory_space<hbm>> -> memref<128x128xf32, #tpu.memory_space<hbm>>
            %dma_wait3A_303 = tpu.memref_slice %run_scoped3A_19[%rem3A_295] : memref<2x!tpu.dma_semaphore, #tpu.memory_space<semaphore_mem>> -> memref<1x!tpu.dma_semaphore, #tpu.memory_space<semaphore_mem>>
            %dma_wait3A_304 = tpu.memref_squeeze %dma_wait3A_303 : memref<1x!tpu.dma_semaphore, #tpu.memory_space<semaphore_mem>> -> memref<!tpu.dma_semaphore, #tpu.memory_space<semaphore_mem>>
            %dma_wait3A_305 = arith.constant 0 : i32
            %dma_wait3A_306 = tpu.memref_slice %arg4[%mul3A_297, %dma_wait3A_305] : memref<800000x128xf32, #tpu.memory_space<hbm>> -> memref<128x128xf32, #tpu.memory_space<hbm>>
            %dma_wait3A_307 = arith.constant 0 : i32
            %dma_wait3A_308 = arith.constant 0 : i32
            %dma_wait3A_309 = tpu.memref_slice %run_scoped3A_18[%rem3A_295, %dma_wait3A_307, %dma_wait3A_308] : memref<2x128x128xf32, #tpu.memory_space<vmem>> -> memref<1x128x128xf32, #tpu.memory_space<vmem>>
            %dma_wait3A_310 = tpu.memref_squeeze %dma_wait3A_309 : memref<1x128x128xf32, #tpu.memory_space<vmem>> -> memref<128x128xf32, #tpu.memory_space<vmem>>
            tpu.wait_dma2 semaphore(%dma_wait3A_304 : memref<!tpu.dma_semaphore, #tpu.memory_space<semaphore_mem>>) src(%dma_wait3A_310 : memref<128x128xf32, #tpu.memory_space<vmem>>) dst(%dma_wait3A_306 : memref<128x128xf32, #tpu.memory_space<hbm>>)
            "tpu.trace_stop"() : () -> ()
          } else {
          }
          %and3A_275 = arith.constant true
          %and3A_276 = arith.andi %and3A_271, %and3A_275 : i1
          %add3A_277 = arith.constant 1 : i32
          %add3A_278 = arith.addi %while3A_146, %add3A_277 : i32
          %select_n3A_279 = arith.select %and3A_276, %add3A_278, %while3A_146 : i32
          %ne3A_280 = arith.cmpi ne, %add3A_155, %add3A_173 : i32
          %or3A_281 = arith.constant false
          %or3A_282 = arith.ori %or3A_281, %ne3A_280 : i1
          %or3A_283 = arith.ori %or3A_282, %eq3A_154 : i1
          %add3A_284 = arith.constant 1 : i32
          %add3A_285 = arith.addi %while3A_144, %add3A_284 : i32
          %select_n3A_286 = arith.select %or3A_283, %add3A_285, %while3A_144 : i32
          %add3A_287 = arith.constant 1 : i32
          %add3A_288 = arith.addi %while3A_147, %add3A_287 : i32
          %select_n3A_289 = arith.constant true
          %select_n3A_290 = arith.select %select_n3A_289, %add3A_288, %while3A_147 : i32
          %eq3A_291 = arith.cmpi eq, %select_n3A_290, %select_n3A : i32
          %select_n3A_292 = arith.constant 0 : i32
          %select_n3A_293 = arith.select %eq3A_291, %select_n3A_292, %select_n3A_290 : i32
          scf.yield %select_n3A_195, %select_n3A_286, %select_n3A_252, %select_n3A_279, %select_n3A_293 : i32, i32, i32, i32, i32
        }
        %while3A_89 = arith.constant 1 : i32
        %while3A_90:5 = scf.for %while3A_142 = %while3A_86 to %while3A_82 step %while3A_89 iter_args(%while3A_143 = %while3A_88#0, %while3A_144 = %while3A_88#1, %while3A_145 = %while3A_88#2, %while3A_146 = %while3A_88#3, %while3A_147 = %while3A_88#4) -> (i32, i32, i32, i32, i32)  : i32 {
          %mul3A_148 = arith.constant 1 : i32
          %mul3A_149 = arith.muli %mul3A_148, %select_n3A : i32
          %eq3A_150 = arith.constant 0 : i32
          %eq3A_151 = arith.cmpi eq, %while3A_142, %eq3A_150 : i32
          %sub3A_152 = arith.constant 1 : i32
          %sub3A_153 = arith.subi %mul3A_149, %sub3A_152 : i32
          %eq3A_154 = arith.cmpi eq, %while3A_142, %sub3A_153 : i32
          %add3A_155 = arith.addi %while3A_147, %select_n3A_14 : i32
          %sub3A_156 = arith.constant 1 : i32
          %sub3A_157 = arith.subi %while3A_147, %sub3A_156 : i32
          %select_n3A_158 = arith.constant true
          %select_n3A_159 = arith.select %select_n3A_158, %sub3A_157, %while3A_147 : i32
          %eq3A_160 = arith.constant -1 : i32
          %eq3A_161 = arith.cmpi eq, %select_n3A_159, %eq3A_160 : i32
          %sub3A_162 = arith.constant 1 : i32
          %sub3A_163 = arith.subi %select_n3A, %sub3A_162 : i32
          %select_n3A_164 = arith.select %eq3A_161, %sub3A_163, %select_n3A_159 : i32
          %add3A_165 = arith.addi %select_n3A_164, %select_n3A_14 : i32
          %add3A_166 = arith.constant 1 : i32
          %add3A_167 = arith.addi %while3A_147, %add3A_166 : i32
          %select_n3A_168 = arith.constant true
          %select_n3A_169 = arith.select %select_n3A_168, %add3A_167, %while3A_147 : i32
          %eq3A_170 = arith.cmpi eq, %select_n3A_169, %select_n3A : i32
          %select_n3A_171 = arith.constant 0 : i32
          %select_n3A_172 = arith.select %eq3A_170, %select_n3A_171, %select_n3A_169 : i32
          %add3A_173 = arith.addi %select_n3A_172, %select_n3A_14 : i32
          %add3A_174 = arith.constant 1 : i32
          %add3A_175 = arith.addi %select_n3A_172, %add3A_174 : i32
          %select_n3A_176 = arith.constant true
          %select_n3A_177 = arith.select %select_n3A_176, %add3A_175, %select_n3A_172 : i32
          %eq3A_178 = arith.cmpi eq, %select_n3A_177, %select_n3A : i32
          %select_n3A_179 = arith.constant 0 : i32
          %select_n3A_180 = arith.select %eq3A_178, %select_n3A_179, %select_n3A_177 : i32
          %add3A_181 = arith.addi %select_n3A_180, %select_n3A_14 : i32
          %ne3A = arith.cmpi ne, %add3A_155, %add3A_173 : i32
          %or3A = arith.constant false
          %or3A_182 = arith.ori %or3A, %ne3A : i1
          %sub3A_183 = arith.constant 2 : i32
          %sub3A_184 = arith.subi %mul3A_149, %sub3A_183 : i32
          %add3A_185 = arith.constant 1 : i32
          %add3A_186 = arith.addi %sub3A_184, %add3A_185 : i32
          %ge3A = arith.cmpi sge, %while3A_142, %add3A_186 : i32
          %not3A = arith.constant true
          %not3A_187 = arith.xori %ge3A, %not3A : i1
          %and3A = arith.andi %or3A_182, %not3A_187 : i1
          %convert_element_type3A_188 = arith.extui %and3A : i1 to i32
          %cond3A_189 = arith.constant 0 : i32
          %cond3A_190 = arith.cmpi ne, %convert_element_type3A_188, %cond3A_189 : i32
          scf.if %cond3A_190 {
            "tpu.trace_start"() <{level = 10 : i32, message = "ep_copy_in"}> : () -> ()
            %rem3A_294 = arith.constant 2 : i32
            %rem3A_295 = arith.remui %while3A_143, %rem3A_294 : i32
            %mul3A_296 = arith.constant 128 : i32
            %mul3A_297 = arith.muli %mul3A_296, %add3A_173 : i32
            %dma_start3A_298 = arith.constant 0 : i32
            %dma_start3A_299 = arith.constant 0 : i32
            %dma_start3A_300 = tpu.memref_slice %run_scoped3A[%rem3A_295, %dma_start3A_298, %dma_start3A_299] : memref<2x1x128xi32, #tpu.memory_space<vmem>> -> memref<1x1x128xi32, #tpu.memory_space<vmem>>
            %dma_start3A_301 = tpu.memref_squeeze %dma_start3A_300 : memref<1x1x128xi32, #tpu.memory_space<vmem>> -> memref<1x128xi32, #tpu.memory_space<vmem>>
            %dma_start3A_302 = arith.constant 0 : i32
            %dma_start3A_303 = tpu.memref_slice %arg3[%dma_start3A_302, %mul3A_297] : memref<1x800000xi32, #tpu.memory_space<hbm>> -> memref<1x128xi32, #tpu.memory_space<hbm>>
            %dma_start3A_304 = tpu.memref_slice %run_scoped3A_17[%rem3A_295] : memref<2x!tpu.dma_semaphore, #tpu.memory_space<semaphore_mem>> -> memref<1x!tpu.dma_semaphore, #tpu.memory_space<semaphore_mem>>
            %dma_start3A_305 = tpu.memref_squeeze %dma_start3A_304 : memref<1x!tpu.dma_semaphore, #tpu.memory_space<semaphore_mem>> -> memref<!tpu.dma_semaphore, #tpu.memory_space<semaphore_mem>>
            %dma_start3A_306 = arith.constant 0 : i32
            %dma_start3A_307 = arith.constant 0 : i32
            %dma_start3A_308 = tpu.memref_slice %run_scoped3A[%rem3A_295, %dma_start3A_306, %dma_start3A_307] : memref<2x1x128xi32, #tpu.memory_space<vmem>> -> memref<1x1x128xi32, #tpu.memory_space<vmem>>
            %dma_start3A_309 = tpu.memref_squeeze %dma_start3A_308 : memref<1x1x128xi32, #tpu.memory_space<vmem>> -> memref<1x128xi32, #tpu.memory_space<vmem>>
            %dma_start3A_310 = arith.constant 0 : i32
            %dma_start3A_311 = tpu.memref_slice %arg3[%dma_start3A_310, %mul3A_297] : memref<1x800000xi32, #tpu.memory_space<hbm>> -> memref<1x128xi32, #tpu.memory_space<hbm>>
            tpu.enqueue_dma source(%dma_start3A_311 : memref<1x128xi32, #tpu.memory_space<hbm>>) target(%dma_start3A_309 : memref<1x128xi32, #tpu.memory_space<vmem>>) target_semaphore(%dma_start3A_305 : memref<!tpu.dma_semaphore, #tpu.memory_space<semaphore_mem>>)
            "tpu.trace_stop"() : () -> ()
          } else {
          }
          %and3A_191 = arith.constant true
          %and3A_192 = arith.andi %and3A, %and3A_191 : i1
          %add3A_193 = arith.constant 1 : i32
          %add3A_194 = arith.addi %while3A_143, %add3A_193 : i32
          %select_n3A_195 = arith.select %and3A_192, %add3A_194, %while3A_143 : i32
          %ne3A_196 = arith.cmpi ne, %add3A_155, %add3A_173 : i32
          %or3A_197 = arith.constant false
          %or3A_198 = arith.ori %or3A_197, %ne3A_196 : i1
          %or3A_199 = arith.constant false
          %or3A_200 = arith.ori %or3A_198, %or3A_199 : i1
          %sub3A_201 = arith.constant 2 : i32
          %sub3A_202 = arith.subi %mul3A_149, %sub3A_201 : i32
          %add3A_203 = arith.constant 1 : i32
          %add3A_204 = arith.addi %sub3A_202, %add3A_203 : i32
          %ge3A_205 = arith.cmpi sge, %while3A_142, %add3A_204 : i32
          %not3A_206 = arith.constant true
          %not3A_207 = arith.xori %ge3A_205, %not3A_206 : i1
          %and3A_208 = arith.andi %or3A_200, %not3A_207 : i1
          %ne3A_209 = arith.cmpi ne, %add3A_155, %add3A_165 : i32
          %or3A_210 = arith.constant false
          %or3A_211 = arith.ori %or3A_210, %ne3A_209 : i1
          %or3A_212 = arith.ori %or3A_211, %eq3A_151 : i1
          %convert_element_type3A_213 = arith.extui %or3A_212 : i1 to i32
          %cond3A_214 = arith.constant 0 : i32
          %cond3A_215 = arith.cmpi ne, %convert_element_type3A_213, %cond3A_214 : i32
          scf.if %cond3A_215 {
            "tpu.trace_start"() <{level = 10 : i32, message = "ep_wait_in"}> : () -> ()
            %mul3A_294 = arith.constant 128 : i32
            %mul3A_295 = arith.muli %mul3A_294, %add3A_155 : i32
            %rem3A_296 = arith.constant 2 : i32
            %rem3A_297 = arith.remui %while3A_144, %rem3A_296 : i32
            %dma_wait3A = arith.constant 0 : i32
            %dma_wait3A_298 = arith.constant 0 : i32
            %dma_wait3A_299 = tpu.memref_slice %run_scoped3A[%rem3A_297, %dma_wait3A, %dma_wait3A_298] : memref<2x1x128xi32, #tpu.memory_space<vmem>> -> memref<1x1x128xi32, #tpu.memory_space<vmem>>
            %dma_wait3A_300 = tpu.memref_squeeze %dma_wait3A_299 : memref<1x1x128xi32, #tpu.memory_space<vmem>> -> memref<1x128xi32, #tpu.memory_space<vmem>>
            %dma_wait3A_301 = arith.constant 0 : i32
            %dma_wait3A_302 = tpu.memref_slice %arg3[%dma_wait3A_301, %mul3A_295] : memref<1x800000xi32, #tpu.memory_space<hbm>> -> memref<1x128xi32, #tpu.memory_space<hbm>>
            %dma_wait3A_303 = tpu.memref_slice %run_scoped3A_17[%rem3A_297] : memref<2x!tpu.dma_semaphore, #tpu.memory_space<semaphore_mem>> -> memref<1x!tpu.dma_semaphore, #tpu.memory_space<semaphore_mem>>
            %dma_wait3A_304 = tpu.memref_squeeze %dma_wait3A_303 : memref<1x!tpu.dma_semaphore, #tpu.memory_space<semaphore_mem>> -> memref<!tpu.dma_semaphore, #tpu.memory_space<semaphore_mem>>
            %dma_wait3A_305 = arith.constant 0 : i32
            %dma_wait3A_306 = arith.constant 0 : i32
            %dma_wait3A_307 = tpu.memref_slice %run_scoped3A[%rem3A_297, %dma_wait3A_305, %dma_wait3A_306] : memref<2x1x128xi32, #tpu.memory_space<vmem>> -> memref<1x1x128xi32, #tpu.memory_space<vmem>>
            %dma_wait3A_308 = tpu.memref_squeeze %dma_wait3A_307 : memref<1x1x128xi32, #tpu.memory_space<vmem>> -> memref<1x128xi32, #tpu.memory_space<vmem>>
            %dma_wait3A_309 = arith.constant 0 : i32
            %dma_wait3A_310 = tpu.memref_slice %arg3[%dma_wait3A_309, %mul3A_295] : memref<1x800000xi32, #tpu.memory_space<hbm>> -> memref<1x128xi32, #tpu.memory_space<hbm>>
            tpu.wait_dma2 semaphore(%dma_wait3A_304 : memref<!tpu.dma_semaphore, #tpu.memory_space<semaphore_mem>>) src(%dma_wait3A_310 : memref<1x128xi32, #tpu.memory_space<hbm>>) dst(%dma_wait3A_308 : memref<1x128xi32, #tpu.memory_space<vmem>>)
            "tpu.trace_stop"() : () -> ()
          } else {
          }
          %ne3A_216 = arith.cmpi ne, %add3A_155, %add3A_165 : i32
          %or3A_217 = arith.constant false
          %or3A_218 = arith.ori %or3A_217, %ne3A_216 : i1
          %or3A_219 = arith.constant false
          %or3A_220 = arith.ori %or3A_218, %or3A_219 : i1
          %or3A_221 = arith.ori %or3A_220, %eq3A_151 : i1
          %convert_element_type3A_222 = arith.extui %or3A_221 : i1 to i32
          %cond3A_223 = arith.constant 0 : i32
          %cond3A_224 = arith.cmpi ne, %convert_element_type3A_222, %cond3A_223 : i32
          scf.if %cond3A_224 {
          } else {
          }
          %rem3A_225 = arith.constant 2 : i32
          %rem3A_226 = arith.remui %while3A_144, %rem3A_225 : i32
          %rem3A_227 = arith.constant 2 : i32
          %rem3A_228 = arith.remui %while3A_145, %rem3A_227 : i32
          %run_scoped3A_229 = arith.constant 0 : i32
          "tpu.trace_start"() <{level = 10 : i32, message = "ep_run_kernel"}> : () -> ()
          "tpu.region"() ({
            %run_scoped3A_294 = tpu.sem_alloc : memref<!tpu.dma_semaphore, #tpu.memory_space<semaphore_mem>>
            %dma_start3A_295 = arith.constant 0 : i32
            %dma_start3A_296 = arith.constant 0 : i32
            %dma_start3A_297 = tpu.memref_slice %run_scoped3A_18[%rem3A_228, %dma_start3A_295, %dma_start3A_296] : memref<2x128x128xf32, #tpu.memory_space<vmem>> -> memref<1x128x128xf32, #tpu.memory_space<vmem>>
            %dma_start3A_298 = tpu.memref_squeeze %dma_start3A_297 : memref<1x128x128xf32, #tpu.memory_space<vmem>> -> memref<128x128xf32, #tpu.memory_space<vmem>>
            %dma_start3A_299 = arith.constant 0 : i32
            %dma_start3A_300 = arith.constant 0 : i32
            %dma_start3A_301 = tpu.memref_slice %run_scoped3A[%rem3A_226, %dma_start3A_299, %dma_start3A_300] : memref<2x1x128xi32, #tpu.memory_space<vmem>> -> memref<1x1x128xi32, #tpu.memory_space<vmem>>
            %dma_start3A_302 = tpu.memref_squeeze %dma_start3A_301 : memref<1x1x128xi32, #tpu.memory_space<vmem>> -> memref<1x128xi32, #tpu.memory_space<vmem>>
            %dma_start3A_303 = arith.constant 0 : i32
            %dma_start3A_304 = tpu.memref_slice %dma_start3A_302[%run_scoped3A_229, %dma_start3A_303] : memref<1x128xi32, #tpu.memory_space<vmem>> -> memref<1x128xi32, #tpu.memory_space<vmem>>
            %dma_start3A_305 = tpu.memref_squeeze %dma_start3A_304 : memref<1x128xi32, #tpu.memory_space<vmem>> -> memref<128xi32, #tpu.memory_space<vmem>>
            %dma_start3A_306 = arith.constant 0 : i32
            %dma_start3A_307 = arith.constant 0 : i32
            %dma_start3A_308 = tpu.memref_slice %arg2[%dma_start3A_306, %dma_start3A_307] : memref<50000x128xf32, #tpu.memory_space<hbm>> -> memref<50000x128xf32, #tpu.memory_space<hbm>>
            tpu.enqueue_indirect_dma source(%dma_start3A_308 : memref<50000x128xf32, #tpu.memory_space<hbm>>) target(%dma_start3A_298 : memref<128x128xf32, #tpu.memory_space<vmem>>) offsets(%dma_start3A_305 : memref<128xi32, #tpu.memory_space<vmem>>) semaphore(%run_scoped3A_294 : memref<!tpu.dma_semaphore, #tpu.memory_space<semaphore_mem>>)
            %dma_wait3A = arith.constant 0 : i32
            %dma_wait3A_309 = arith.constant 0 : i32
            %dma_wait3A_310 = tpu.memref_slice %run_scoped3A_18[%rem3A_228, %dma_wait3A, %dma_wait3A_309] : memref<2x128x128xf32, #tpu.memory_space<vmem>> -> memref<1x128x128xf32, #tpu.memory_space<vmem>>
            %dma_wait3A_311 = tpu.memref_squeeze %dma_wait3A_310 : memref<1x128x128xf32, #tpu.memory_space<vmem>> -> memref<128x128xf32, #tpu.memory_space<vmem>>
            %dma_wait3A_312 = arith.constant 0 : i32
            %dma_wait3A_313 = arith.constant 0 : i32
            %dma_wait3A_314 = tpu.memref_slice %run_scoped3A[%rem3A_226, %dma_wait3A_312, %dma_wait3A_313] : memref<2x1x128xi32, #tpu.memory_space<vmem>> -> memref<1x1x128xi32, #tpu.memory_space<vmem>>
            %dma_wait3A_315 = tpu.memref_squeeze %dma_wait3A_314 : memref<1x1x128xi32, #tpu.memory_space<vmem>> -> memref<1x128xi32, #tpu.memory_space<vmem>>
            %dma_wait3A_316 = arith.constant 0 : i32
            %dma_wait3A_317 = tpu.memref_slice %dma_wait3A_315[%run_scoped3A_229, %dma_wait3A_316] : memref<1x128xi32, #tpu.memory_space<vmem>> -> memref<1x128xi32, #tpu.memory_space<vmem>>
            %dma_wait3A_318 = tpu.memref_squeeze %dma_wait3A_317 : memref<1x128xi32, #tpu.memory_space<vmem>> -> memref<128xi32, #tpu.memory_space<vmem>>
            %dma_wait3A_319 = arith.constant 0 : i32
            %dma_wait3A_320 = arith.constant 0 : i32
            %dma_wait3A_321 = tpu.memref_slice %arg2[%dma_wait3A_319, %dma_wait3A_320] : memref<50000x128xf32, #tpu.memory_space<hbm>> -> memref<50000x128xf32, #tpu.memory_space<hbm>>
            tpu.wait_indirect_dma semaphore(%run_scoped3A_294 : memref<!tpu.dma_semaphore, #tpu.memory_space<semaphore_mem>>) src(%dma_wait3A_321 : memref<50000x128xf32, #tpu.memory_space<hbm>>) dst(%dma_wait3A_311 : memref<128x128xf32, #tpu.memory_space<vmem>>)
            tpu.yield
          }) : () -> ()
          "tpu.trace_stop"() : () -> ()
          %ne3A_230 = arith.cmpi ne, %add3A_155, %add3A_173 : i32
          %or3A_231 = arith.constant false
          %or3A_232 = arith.ori %or3A_231, %ne3A_230 : i1
          %or3A_233 = arith.ori %or3A_232, %eq3A_154 : i1
          %convert_element_type3A_234 = arith.extui %or3A_233 : i1 to i32
          %cond3A_235 = arith.constant 0 : i32
          %cond3A_236 = arith.cmpi ne, %convert_element_type3A_234, %cond3A_235 : i32
          scf.if %cond3A_236 {
          } else {
          }
          %and3A_237 = arith.constant false
          %and3A_238 = arith.andi %or3A_233, %and3A_237 : i1
          %ne3A_239 = arith.cmpi ne, %add3A_155, %add3A_173 : i32
          %or3A_240 = arith.constant false
          %or3A_241 = arith.ori %or3A_240, %ne3A_239 : i1
          %or3A_242 = arith.constant false
          %or3A_243 = arith.ori %or3A_241, %or3A_242 : i1
          %or3A_244 = arith.ori %or3A_243, %eq3A_154 : i1
          %convert_element_type3A_245 = arith.extui %or3A_244 : i1 to i32
          %cond3A_246 = arith.constant 0 : i32
          %cond3A_247 = arith.cmpi ne, %convert_element_type3A_245, %cond3A_246 : i32
          scf.if %cond3A_247 {
            "tpu.trace_start"() <{level = 10 : i32, message = "ep_copy_out"}> : () -> ()
            %rem3A_294 = arith.constant 2 : i32
            %rem3A_295 = arith.remui %while3A_145, %rem3A_294 : i32
            %mul3A_296 = arith.constant 128 : i32
            %mul3A_297 = arith.muli %mul3A_296, %add3A_155 : i32
            %dma_start3A_298 = arith.constant 0 : i32
            %dma_start3A_299 = arith.constant 0 : i32
            %dma_start3A_300 = tpu.memref_slice %run_scoped3A_18[%rem3A_295, %dma_start3A_298, %dma_start3A_299] : memref<2x128x128xf32, #tpu.memory_space<vmem>> -> memref<1x128x128xf32, #tpu.memory_space<vmem>>
            %dma_start3A_301 = tpu.memref_squeeze %dma_start3A_300 : memref<1x128x128xf32, #tpu.memory_space<vmem>> -> memref<128x128xf32, #tpu.memory_space<vmem>>
            %dma_start3A_302 = arith.constant 0 : i32
            %dma_start3A_303 = tpu.memref_slice %arg4[%mul3A_297, %dma_start3A_302] : memref<800000x128xf32, #tpu.memory_space<hbm>> -> memref<128x128xf32, #tpu.memory_space<hbm>>
            %dma_start3A_304 = tpu.memref_slice %run_scoped3A_19[%rem3A_295] : memref<2x!tpu.dma_semaphore, #tpu.memory_space<semaphore_mem>> -> memref<1x!tpu.dma_semaphore, #tpu.memory_space<semaphore_mem>>
            %dma_start3A_305 = tpu.memref_squeeze %dma_start3A_304 : memref<1x!tpu.dma_semaphore, #tpu.memory_space<semaphore_mem>> -> memref<!tpu.dma_semaphore, #tpu.memory_space<semaphore_mem>>
            %dma_start3A_306 = arith.constant 0 : i32
            %dma_start3A_307 = tpu.memref_slice %arg4[%mul3A_297, %dma_start3A_306] : memref<800000x128xf32, #tpu.memory_space<hbm>> -> memref<128x128xf32, #tpu.memory_space<hbm>>
            %dma_start3A_308 = arith.constant 0 : i32
            %dma_start3A_309 = arith.constant 0 : i32
            %dma_start3A_310 = tpu.memref_slice %run_scoped3A_18[%rem3A_295, %dma_start3A_308, %dma_start3A_309] : memref<2x128x128xf32, #tpu.memory_space<vmem>> -> memref<1x128x128xf32, #tpu.memory_space<vmem>>
            %dma_start3A_311 = tpu.memref_squeeze %dma_start3A_310 : memref<1x128x128xf32, #tpu.memory_space<vmem>> -> memref<128x128xf32, #tpu.memory_space<vmem>>
            tpu.enqueue_dma source(%dma_start3A_311 : memref<128x128xf32, #tpu.memory_space<vmem>>) target(%dma_start3A_307 : memref<128x128xf32, #tpu.memory_space<hbm>>) target_semaphore(%dma_start3A_305 : memref<!tpu.dma_semaphore, #tpu.memory_space<semaphore_mem>>)
            "tpu.trace_stop"() : () -> ()
          } else {
          }
          %and3A_248 = arith.constant true
          %and3A_249 = arith.andi %or3A_244, %and3A_248 : i1
          %add3A_250 = arith.constant 1 : i32
          %add3A_251 = arith.addi %while3A_145, %add3A_250 : i32
          %select_n3A_252 = arith.select %and3A_249, %add3A_251, %while3A_145 : i32
          %ne3A_253 = arith.cmpi ne, %add3A_155, %add3A_165 : i32
          %or3A_254 = arith.constant false
          %or3A_255 = arith.ori %or3A_254, %ne3A_253 : i1
          %not3A_256 = arith.constant true
          %not3A_257 = arith.xori %eq3A_151, %not3A_256 : i1
          %and3A_258 = arith.andi %or3A_255, %not3A_257 : i1
          %convert_element_type3A_259 = arith.extui %and3A_258 : i1 to i32
          %cond3A_260 = arith.constant 0 : i32
          %cond3A_261 = arith.cmpi ne, %convert_element_type3A_259, %cond3A_260 : i32
          scf.if %cond3A_261 {
          } else {
          }
          %and3A_262 = arith.constant false
          %and3A_263 = arith.andi %and3A_258, %and3A_262 : i1
          %ne3A_264 = arith.cmpi ne, %add3A_155, %add3A_165 : i32
          %or3A_265 = arith.constant false
          %or3A_266 = arith.ori %or3A_265, %ne3A_264 : i1
          %or3A_267 = arith.constant false
          %or3A_268 = arith.ori %or3A_266, %or3A_267 : i1
          %not3A_269 = arith.constant true
          %not3A_270 = arith.xori %eq3A_151, %not3A_269 : i1
          %and3A_271 = arith.andi %or3A_268, %not3A_270 : i1
          %convert_element_type3A_272 = arith.extui %and3A_271 : i1 to i32
          %cond3A_273 = arith.constant 0 : i32
          %cond3A_274 = arith.cmpi ne, %convert_element_type3A_272, %cond3A_273 : i32
          scf.if %cond3A_274 {
            "tpu.trace_start"() <{level = 10 : i32, message = "ep_wait_out"}> : () -> ()
            %rem3A_294 = arith.constant 2 : i32
            %rem3A_295 = arith.remui %while3A_146, %rem3A_294 : i32
            %mul3A_296 = arith.constant 128 : i32
            %mul3A_297 = arith.muli %mul3A_296, %add3A_165 : i32
            %dma_wait3A = arith.constant 0 : i32
            %dma_wait3A_298 = arith.constant 0 : i32
            %dma_wait3A_299 = tpu.memref_slice %run_scoped3A_18[%rem3A_295, %dma_wait3A, %dma_wait3A_298] : memref<2x128x128xf32, #tpu.memory_space<vmem>> -> memref<1x128x128xf32, #tpu.memory_space<vmem>>
            %dma_wait3A_300 = tpu.memref_squeeze %dma_wait3A_299 : memref<1x128x128xf32, #tpu.memory_space<vmem>> -> memref<128x128xf32, #tpu.memory_space<vmem>>
            %dma_wait3A_301 = arith.constant 0 : i32
            %dma_wait3A_302 = tpu.memref_slice %arg4[%mul3A_297, %dma_wait3A_301] : memref<800000x128xf32, #tpu.memory_space<hbm>> -> memref<128x128xf32, #tpu.memory_space<hbm>>
            %dma_wait3A_303 = tpu.memref_slice %run_scoped3A_19[%rem3A_295] : memref<2x!tpu.dma_semaphore, #tpu.memory_space<semaphore_mem>> -> memref<1x!tpu.dma_semaphore, #tpu.memory_space<semaphore_mem>>
            %dma_wait3A_304 = tpu.memref_squeeze %dma_wait3A_303 : memref<1x!tpu.dma_semaphore, #tpu.memory_space<semaphore_mem>> -> memref<!tpu.dma_semaphore, #tpu.memory_space<semaphore_mem>>
            %dma_wait3A_305 = arith.constant 0 : i32
            %dma_wait3A_306 = tpu.memref_slice %arg4[%mul3A_297, %dma_wait3A_305] : memref<800000x128xf32, #tpu.memory_space<hbm>> -> memref<128x128xf32, #tpu.memory_space<hbm>>
            %dma_wait3A_307 = arith.constant 0 : i32
            %dma_wait3A_308 = arith.constant 0 : i32
            %dma_wait3A_309 = tpu.memref_slice %run_scoped3A_18[%rem3A_295, %dma_wait3A_307, %dma_wait3A_308] : memref<2x128x128xf32, #tpu.memory_space<vmem>> -> memref<1x128x128xf32, #tpu.memory_space<vmem>>
            %dma_wait3A_310 = tpu.memref_squeeze %dma_wait3A_309 : memref<1x128x128xf32, #tpu.memory_space<vmem>> -> memref<128x128xf32, #tpu.memory_space<vmem>>
            tpu.wait_dma2 semaphore(%dma_wait3A_304 : memref<!tpu.dma_semaphore, #tpu.memory_space<semaphore_mem>>) src(%dma_wait3A_310 : memref<128x128xf32, #tpu.memory_space<vmem>>) dst(%dma_wait3A_306 : memref<128x128xf32, #tpu.memory_space<hbm>>)
            "tpu.trace_stop"() : () -> ()
          } else {
          }
          %and3A_275 = arith.constant true
          %and3A_276 = arith.andi %and3A_271, %and3A_275 : i1
          %add3A_277 = arith.constant 1 : i32
          %add3A_278 = arith.addi %while3A_146, %add3A_277 : i32
          %select_n3A_279 = arith.select %and3A_276, %add3A_278, %while3A_146 : i32
          %ne3A_280 = arith.cmpi ne, %add3A_155, %add3A_173 : i32
          %or3A_281 = arith.constant false
          %or3A_282 = arith.ori %or3A_281, %ne3A_280 : i1
          %or3A_283 = arith.ori %or3A_282, %eq3A_154 : i1
          %add3A_284 = arith.constant 1 : i32
          %add3A_285 = arith.addi %while3A_144, %add3A_284 : i32
          %select_n3A_286 = arith.select %or3A_283, %add3A_285, %while3A_144 : i32
          %add3A_287 = arith.constant 1 : i32
          %add3A_288 = arith.addi %while3A_147, %add3A_287 : i32
          %select_n3A_289 = arith.constant true
          %select_n3A_290 = arith.select %select_n3A_289, %add3A_288, %while3A_147 : i32
          %eq3A_291 = arith.cmpi eq, %select_n3A_290, %select_n3A : i32
          %select_n3A_292 = arith.constant 0 : i32
          %select_n3A_293 = arith.select %eq3A_291, %select_n3A_292, %select_n3A_290 : i32
          scf.yield %select_n3A_195, %select_n3A_286, %select_n3A_252, %select_n3A_279, %select_n3A_293 : i32, i32, i32, i32, i32
        }
        %sub3A_91 = arith.constant 1 : i32
        %sub3A_92 = arith.subi %while3A_90#4, %sub3A_91 : i32
        %select_n3A_93 = arith.constant true
        %select_n3A_94 = arith.select %select_n3A_93, %sub3A_92, %while3A_90#4 : i32
        %eq3A_95 = arith.constant -1 : i32
        %eq3A_96 = arith.cmpi eq, %select_n3A_94, %eq3A_95 : i32
        %sub3A_97 = arith.constant 1 : i32
        %sub3A_98 = arith.subi %select_n3A, %sub3A_97 : i32
        %select_n3A_99 = arith.select %eq3A_96, %sub3A_98, %select_n3A_94 : i32
        %sub3A_100 = arith.constant 1 : i32
        %sub3A_101 = arith.subi %mul3A_16, %sub3A_100 : i32
        %mul3A_102 = arith.constant 1 : i32
        %mul3A_103 = arith.muli %mul3A_102, %select_n3A : i32
        %eq3A_104 = arith.constant 0 : i32
        %eq3A_105 = arith.cmpi eq, %sub3A_101, %eq3A_104 : i32
        %sub3A_106 = arith.constant 1 : i32
        %sub3A_107 = arith.subi %mul3A_103, %sub3A_106 : i32
        %eq3A_108 = arith.cmpi eq, %sub3A_101, %sub3A_107 : i32
        %add3A_109 = arith.addi %select_n3A_99, %select_n3A_14 : i32
        %sub3A_110 = arith.constant 1 : i32
        %sub3A_111 = arith.subi %select_n3A_99, %sub3A_110 : i32
        %select_n3A_112 = arith.constant true
        %select_n3A_113 = arith.select %select_n3A_112, %sub3A_111, %select_n3A_99 : i32
        %eq3A_114 = arith.constant -1 : i32
        %eq3A_115 = arith.cmpi eq, %select_n3A_113, %eq3A_114 : i32
        %sub3A_116 = arith.constant 1 : i32
        %sub3A_117 = arith.subi %select_n3A, %sub3A_116 : i32
        %select_n3A_118 = arith.select %eq3A_115, %sub3A_117, %select_n3A_113 : i32
        %add3A_119 = arith.addi %select_n3A_118, %select_n3A_14 : i32
        %add3A_120 = arith.constant 1 : i32
        %add3A_121 = arith.addi %select_n3A_99, %add3A_120 : i32
        %select_n3A_122 = arith.constant true
        %select_n3A_123 = arith.select %select_n3A_122, %add3A_121, %select_n3A_99 : i32
        %eq3A_124 = arith.cmpi eq, %select_n3A_123, %select_n3A : i32
        %select_n3A_125 = arith.constant 0 : i32
        %select_n3A_126 = arith.select %eq3A_124, %select_n3A_125, %select_n3A_123 : i32
        %add3A_127 = arith.addi %select_n3A_126, %select_n3A_14 : i32
        %add3A_128 = arith.constant 1 : i32
        %add3A_129 = arith.addi %select_n3A_126, %add3A_128 : i32
        %select_n3A_130 = arith.constant true
        %select_n3A_131 = arith.select %select_n3A_130, %add3A_129, %select_n3A_126 : i32
        %eq3A_132 = arith.cmpi eq, %select_n3A_131, %select_n3A : i32
        %select_n3A_133 = arith.constant 0 : i32
        %select_n3A_134 = arith.select %eq3A_132, %select_n3A_133, %select_n3A_131 : i32
        %add3A_135 = arith.addi %select_n3A_134, %select_n3A_14 : i32
        %convert_element_type3A_136 = arith.extui %eq3A_108 : i1 to i32
        %cond3A_137 = arith.constant 0 : i32
        %cond3A_138 = arith.cmpi ne, %convert_element_type3A_136, %cond3A_137 : i32
        scf.if %cond3A_138 {
        } else {
        }
        %convert_element_type3A_139 = arith.extui %eq3A_108 : i1 to i32
        %cond3A_140 = arith.constant 0 : i32
        %cond3A_141 = arith.cmpi ne, %convert_element_type3A_139, %cond3A_140 : i32
        scf.if %cond3A_141 {
          "tpu.trace_start"() <{level = 10 : i32, message = "ep_finalize"}> : () -> ()
          %rem3A_142 = arith.constant 2 : i32
          %rem3A_143 = arith.remui %while3A_90#3, %rem3A_142 : i32
          %mul3A_144 = arith.constant 128 : i32
          %mul3A_145 = arith.muli %mul3A_144, %add3A_109 : i32
          %dma_wait3A = arith.constant 0 : i32
          %dma_wait3A_146 = arith.constant 0 : i32
          %dma_wait3A_147 = tpu.memref_slice %run_scoped3A_18[%rem3A_143, %dma_wait3A, %dma_wait3A_146] : memref<2x128x128xf32, #tpu.memory_space<vmem>> -> memref<1x128x128xf32, #tpu.memory_space<vmem>>
          %dma_wait3A_148 = tpu.memref_squeeze %dma_wait3A_147 : memref<1x128x128xf32, #tpu.memory_space<vmem>> -> memref<128x128xf32, #tpu.memory_space<vmem>>
          %dma_wait3A_149 = arith.constant 0 : i32
          %dma_wait3A_150 = tpu.memref_slice %arg4[%mul3A_145, %dma_wait3A_149] : memref<800000x128xf32, #tpu.memory_space<hbm>> -> memref<128x128xf32, #tpu.memory_space<hbm>>
          %dma_wait3A_151 = tpu.memref_slice %run_scoped3A_19[%rem3A_143] : memref<2x!tpu.dma_semaphore, #tpu.memory_space<semaphore_mem>> -> memref<1x!tpu.dma_semaphore, #tpu.memory_space<semaphore_mem>>
          %dma_wait3A_152 = tpu.memref_squeeze %dma_wait3A_151 : memref<1x!tpu.dma_semaphore, #tpu.memory_space<semaphore_mem>> -> memref<!tpu.dma_semaphore, #tpu.memory_space<semaphore_mem>>
          %dma_wait3A_153 = arith.constant 0 : i32
          %dma_wait3A_154 = tpu.memref_slice %arg4[%mul3A_145, %dma_wait3A_153] : memref<800000x128xf32, #tpu.memory_space<hbm>> -> memref<128x128xf32, #tpu.memory_space<hbm>>
          %dma_wait3A_155 = arith.constant 0 : i32
          %dma_wait3A_156 = arith.constant 0 : i32
          %dma_wait3A_157 = tpu.memref_slice %run_scoped3A_18[%rem3A_143, %dma_wait3A_155, %dma_wait3A_156] : memref<2x128x128xf32, #tpu.memory_space<vmem>> -> memref<1x128x128xf32, #tpu.memory_space<vmem>>
          %dma_wait3A_158 = tpu.memref_squeeze %dma_wait3A_157 : memref<1x128x128xf32, #tpu.memory_space<vmem>> -> memref<128x128xf32, #tpu.memory_space<vmem>>
          tpu.wait_dma2 semaphore(%dma_wait3A_152 : memref<!tpu.dma_semaphore, #tpu.memory_space<semaphore_mem>>) src(%dma_wait3A_158 : memref<128x128xf32, #tpu.memory_space<vmem>>) dst(%dma_wait3A_154 : memref<128x128xf32, #tpu.memory_space<hbm>>)
          "tpu.trace_stop"() : () -> ()
        } else {
        }
      } else {
      }
      tpu.yield
    }) : () -> ()
    return
  }
}

module attributes {stable_mosaic.version = 14 : i64} {
  func.func @body(%arg0: i32, %arg1: memref<1000x128xf32, #tpu.memory_space<vmem>>, %arg2: memref<128x64xf32, #tpu.memory_space<vmem>>, %arg3: memref<1x64xf32, #tpu.memory_space<vmem>>, %arg4: memref<64x128xf32, #tpu.memory_space<vmem>>, %arg5: memref<1000x64xf32, #tpu.memory_space<vmem>>, %arg6: memref<1000x128xf32, #tpu.memory_space<vmem>>) attributes {dimension_semantics = [#tpu.dimension_semantics<parallel>], iteration_bounds = array<i64: 50>, scalar_prefetch = 0 : i64, scratch_operands = 0 : i64, tpu.core_type = #tpu.core_type<tc>, window_params = [{transform_indices = @transform_0, window_bounds = array<i64: 1000, 128>}, {pipeline_mode = #tpu.pipeline_mode<synchronous>, transform_indices = @transform_1, window_bounds = array<i64: 128, 64>}, {pipeline_mode = #tpu.pipeline_mode<synchronous>, transform_indices = @transform_2, window_bounds = array<i64: 1, 64>}, {pipeline_mode = #tpu.pipeline_mode<synchronous>, transform_indices = @transform_3, window_bounds = array<i64: 64, 128>}, {transform_indices = @transform_4, window_bounds = array<i64: 1000, 64>}, {transform_indices = @transform_5, window_bounds = array<i64: 1000, 128>}]} {
    %get3A = arith.constant 0 : index
    %get3A_0 = arith.constant 0 : index
    %get3A_1 = vector.load %arg1[%get3A, %get3A_0] : memref<1000x128xf32, #tpu.memory_space<vmem>>, vector<1000x128xf32>
    %get3A_2 = arith.constant 0 : index
    %get3A_3 = arith.constant 0 : index
    %get3A_4 = vector.load %arg2[%get3A_2, %get3A_3] : memref<128x64xf32, #tpu.memory_space<vmem>>, vector<128x64xf32>
    %dot_general3A = arith.constant dense<0.000000e+00> : vector<1000x64xf32>
    %dot_general3A_5 = tpu.matmul %get3A_1, %get3A_4, %dot_general3A {dimension_numbers = #tpu.dot_dimension_numbers<[1], [0], [0], [1], [0, 0, 1, 1], [], []>, transpose_lhs_hint = false} : vector<1000x128xf32>, vector<128x64xf32>, vector<1000x64xf32> -> vector<1000x64xf32>
    %get3A_6 = arith.constant 0 : index
    %get3A_7 = arith.constant 0 : index
    %get3A_8 = vector.load %arg3[%get3A_6, %get3A_7] : memref<1x64xf32, #tpu.memory_space<vmem>>, vector<1x64xf32>
    %add3A = vector.broadcast %get3A_8 : vector<1x64xf32> to vector<1000x64xf32>
    %add3A_9 = arith.addf %dot_general3A_5, %add3A : vector<1000x64xf32>
    %swap3A = arith.constant 0 : index
    %swap3A_10 = arith.constant 0 : index
    %swap3A_11 = vector.load %arg5[%swap3A, %swap3A_10] : memref<1000x64xf32, #tpu.memory_space<vmem>>, vector<1000x64xf32>
    tpu.vector_store %arg5[%swap3A, %swap3A_10], %add3A_9 {strides = array<i32>} : memref<1000x64xf32, #tpu.memory_space<vmem>>, vector<1000x64xf32>,
    %get3A_12 = arith.constant 0 : index
    %get3A_13 = arith.constant 0 : index
    %get3A_14 = vector.load %arg4[%get3A_12, %get3A_13] : memref<64x128xf32, #tpu.memory_space<vmem>>, vector<64x128xf32>
    %dot_general3A_15 = arith.constant dense<0.000000e+00> : vector<1000x128xf32>
    %dot_general3A_16 = tpu.matmul %add3A_9, %get3A_14, %dot_general3A_15 {dimension_numbers = #tpu.dot_dimension_numbers<[1], [0], [0], [1], [0, 0, 1, 1], [], []>, transpose_lhs_hint = false} : vector<1000x64xf32>, vector<64x128xf32>, vector<1000x128xf32> -> vector<1000x128xf32>
    %swap3A_17 = arith.constant 0 : index
    %swap3A_18 = arith.constant 0 : index
    %swap3A_19 = vector.load %arg6[%swap3A_17, %swap3A_18] : memref<1000x128xf32, #tpu.memory_space<vmem>>, vector<1000x128xf32>
    tpu.vector_store %arg6[%swap3A_17, %swap3A_18], %dot_general3A_16 {strides = array<i32>} : memref<1000x128xf32, #tpu.memory_space<vmem>>, vector<1000x128xf32>,
    return
  }
  func.func @transform_0(%arg0: i32) -> (i32, i32) {
    %c0_i32 = arith.constant 0 : i32
    %c0_i32_0 = arith.constant 0 : i32
    return %arg0, %c0_i32 : i32, i32
  }
  func.func @transform_1(%arg0: i32) -> (i32, i32) {
    %c0_i32 = arith.constant 0 : i32
    %c0_i32_0 = arith.constant 0 : i32
    %c0_i32_1 = arith.constant 0 : i32
    return %c0_i32, %c0_i32_0 : i32, i32
  }
  func.func @transform_2(%arg0: i32) -> (i32, i32) {
    %c0_i32 = arith.constant 0 : i32
    %c0_i32_0 = arith.constant 0 : i32
    %c0_i32_1 = arith.constant 0 : i32
    return %c0_i32, %c0_i32_0 : i32, i32
  }
  func.func @transform_3(%arg0: i32) -> (i32, i32) {
    %c0_i32 = arith.constant 0 : i32
    %c0_i32_0 = arith.constant 0 : i32
    %c0_i32_1 = arith.constant 0 : i32
    return %c0_i32, %c0_i32_0 : i32, i32
  }
  func.func @transform_4(%arg0: i32) -> (i32, i32) {
    %c0_i32 = arith.constant 0 : i32
    %c0_i32_0 = arith.constant 0 : i32
    return %arg0, %c0_i32 : i32, i32
  }
  func.func @transform_5(%arg0: i32) -> (i32, i32) {
    %c0_i32 = arith.constant 0 : i32
    %c0_i32_0 = arith.constant 0 : i32
    return %arg0, %c0_i32 : i32, i32
  }
}

module attributes {stable_mosaic.version = 14 : i64} {
  func.func @body(%arg0: i32, %arg1: memref<16x1000x128xf32, #tpu.memory_space<vmem>>, %arg2: memref<1000x256xbf16, #tpu.memory_space<vmem>>, %arg3: memref<1000x64xf32, #tpu.memory_space<vmem>>, %arg4: memref<64x128xf32, #tpu.memory_space<vmem>>, %arg5: memref<256x2048xbf16, #tpu.memory_space<vmem>>, %arg6: memref<1x1x128xf32, #tpu.memory_space<vmem>>, %arg7: memref<1x1x128xf32, #tpu.memory_space<vmem>>) attributes {dimension_semantics = [#tpu.dimension_semantics<parallel>], iteration_bounds = array<i64: 50>, scalar_prefetch = 0 : i64, scratch_operands = 0 : i64, tpu.core_type = #tpu.core_type<tc>, window_params = [{transform_indices = @transform_0, window_bounds = array<i64: 16, 1000, 128>}, {transform_indices = @transform_1, window_bounds = array<i64: 1000, 256>}, {transform_indices = @transform_2, window_bounds = array<i64: 1000, 64>}, {pipeline_mode = #tpu.pipeline_mode<synchronous>, transform_indices = @transform_3, window_bounds = array<i64: 64, 128>}, {pipeline_mode = #tpu.pipeline_mode<synchronous>, transform_indices = @transform_4, window_bounds = array<i64: 256, 2048>}, {transform_indices = @transform_5, window_bounds = array<i64: 1, 1, 128>}, {transform_indices = @transform_6, window_bounds = array<i64: 1, 1, 128>}]} {
    %get3A = arith.constant 0 : index
    %get3A_0 = arith.constant 0 : index
    %get3A_1 = vector.load %arg3[%get3A, %get3A_0] : memref<1000x64xf32, #tpu.memory_space<vmem>>, vector<1000x64xf32>
    %get3A_2 = arith.constant 0 : index
    %get3A_3 = arith.constant 0 : index
    %get3A_4 = vector.load %arg4[%get3A_2, %get3A_3] : memref<64x128xf32, #tpu.memory_space<vmem>>, vector<64x128xf32>
    %dot_general3A = arith.constant dense<0.000000e+00> : vector<1000x128xf32>
    %dot_general3A_5 = tpu.matmul %get3A_1, %get3A_4, %dot_general3A {dimension_numbers = #tpu.dot_dimension_numbers<[1], [0], [0], [1], [0, 0, 1, 1], [], []>, transpose_lhs_hint = false} : vector<1000x64xf32>, vector<64x128xf32>, vector<1000x128xf32> -> vector<1000x128xf32>
    %get3A_6 = arith.constant 0 : index
    %get3A_7 = arith.constant 0 : index
    %get3A_8 = vector.load %arg2[%get3A_6, %get3A_7] : memref<1000x256xbf16, #tpu.memory_space<vmem>>, vector<1000x256xbf16>
    %get3A_9 = arith.constant 0 : index
    %get3A_10 = arith.constant 0 : index
    %get3A_11 = vector.load %arg5[%get3A_9, %get3A_10] : memref<256x2048xbf16, #tpu.memory_space<vmem>>, vector<256x2048xbf16>
    %dot_general3A_12 = arith.constant dense<0.000000e+00> : vector<1000x2048xf32>
    %dot_general3A_13 = tpu.matmul %get3A_8, %get3A_11, %dot_general3A_12 {dimension_numbers = #tpu.dot_dimension_numbers<[1], [0], [0], [1], [0, 0, 1, 1], [], []>, transpose_lhs_hint = false} : vector<1000x256xbf16>, vector<256x2048xbf16>, vector<1000x2048xf32> -> vector<1000x2048xf32>
    %broadcast_in_dim3A = arith.constant 0.000000e+00 : f32
    %broadcast_in_dim3A_14 = vector.broadcast %broadcast_in_dim3A : f32 to vector<1x128xf32>
    %broadcast_in_dim3A_15 = arith.constant 0.000000e+00 : f32
    %broadcast_in_dim3A_16 = vector.broadcast %broadcast_in_dim3A_15 : f32 to vector<1x128xf32>
    %get3A_17 = arith.constant 0 : index
    %get3A_18 = arith.constant 0 : index
    %get3A_19 = arith.constant 0 : index
    %get3A_20 = vector.load %arg1[%get3A_17, %get3A_18, %get3A_19] : memref<16x1000x128xf32, #tpu.memory_space<vmem>>, vector<1x1000x128xf32>
    %get3A_21 = vector.shape_cast %get3A_20 : vector<1x1000x128xf32> to vector<1000x128xf32>
    %add3A = arith.addf %get3A_21, %dot_general3A_5 : vector<1000x128xf32>
    %slice3A = vector.extract_strided_slice %dot_general3A_13 {offsets = [0, 0], sizes = [1000, 128], strides = [1, 1]} : vector<1000x2048xf32> to vector<1000x128xf32>
    %add3A_22 = arith.addf %add3A, %slice3A : vector<1000x128xf32>
    %reduce_sum3A = arith.constant dense<0.000000e+00> : vector<128xf32>
    %reduce_sum3A_23 = vector.multi_reduction <add>, %add3A_22, %reduce_sum3A [0] : vector<1000x128xf32> to vector<128xf32>
    %broadcast_in_dim3A_24 = vector.shape_cast %reduce_sum3A_23 : vector<128xf32> to vector<1x128xf32>
    %add3A_25 = arith.addf %broadcast_in_dim3A_14, %broadcast_in_dim3A_24 : vector<1x128xf32>
    %mul3A = arith.mulf %add3A_22, %add3A_22 : vector<1000x128xf32>
    %reduce_sum3A_26 = arith.constant dense<0.000000e+00> : vector<128xf32>
    %reduce_sum3A_27 = vector.multi_reduction <add>, %mul3A, %reduce_sum3A_26 [0] : vector<1000x128xf32> to vector<128xf32>
    %broadcast_in_dim3A_28 = vector.shape_cast %reduce_sum3A_27 : vector<128xf32> to vector<1x128xf32>
    %add3A_29 = arith.addf %broadcast_in_dim3A_16, %broadcast_in_dim3A_28 : vector<1x128xf32>
    %get3A_30 = arith.constant 1 : index
    %get3A_31 = arith.constant 0 : index
    %get3A_32 = arith.constant 0 : index
    %get3A_33 = vector.load %arg1[%get3A_30, %get3A_31, %get3A_32] : memref<16x1000x128xf32, #tpu.memory_space<vmem>>, vector<1x1000x128xf32>
    %get3A_34 = vector.shape_cast %get3A_33 : vector<1x1000x128xf32> to vector<1000x128xf32>
    %add3A_35 = arith.addf %get3A_34, %dot_general3A_5 : vector<1000x128xf32>
    %slice3A_36 = vector.extract_strided_slice %dot_general3A_13 {offsets = [0, 128], sizes = [1000, 128], strides = [1, 1]} : vector<1000x2048xf32> to vector<1000x128xf32>
    %add3A_37 = arith.addf %add3A_35, %slice3A_36 : vector<1000x128xf32>
    %reduce_sum3A_38 = arith.constant dense<0.000000e+00> : vector<128xf32>
    %reduce_sum3A_39 = vector.multi_reduction <add>, %add3A_37, %reduce_sum3A_38 [0] : vector<1000x128xf32> to vector<128xf32>
    %broadcast_in_dim3A_40 = vector.shape_cast %reduce_sum3A_39 : vector<128xf32> to vector<1x128xf32>
    %add3A_41 = arith.addf %add3A_25, %broadcast_in_dim3A_40 : vector<1x128xf32>
    %mul3A_42 = arith.mulf %add3A_37, %add3A_37 : vector<1000x128xf32>
    %reduce_sum3A_43 = arith.constant dense<0.000000e+00> : vector<128xf32>
    %reduce_sum3A_44 = vector.multi_reduction <add>, %mul3A_42, %reduce_sum3A_43 [0] : vector<1000x128xf32> to vector<128xf32>
    %broadcast_in_dim3A_45 = vector.shape_cast %reduce_sum3A_44 : vector<128xf32> to vector<1x128xf32>
    %add3A_46 = arith.addf %add3A_29, %broadcast_in_dim3A_45 : vector<1x128xf32>
    %get3A_47 = arith.constant 2 : index
    %get3A_48 = arith.constant 0 : index
    %get3A_49 = arith.constant 0 : index
    %get3A_50 = vector.load %arg1[%get3A_47, %get3A_48, %get3A_49] : memref<16x1000x128xf32, #tpu.memory_space<vmem>>, vector<1x1000x128xf32>
    %get3A_51 = vector.shape_cast %get3A_50 : vector<1x1000x128xf32> to vector<1000x128xf32>
    %add3A_52 = arith.addf %get3A_51, %dot_general3A_5 : vector<1000x128xf32>
    %slice3A_53 = vector.extract_strided_slice %dot_general3A_13 {offsets = [0, 256], sizes = [1000, 128], strides = [1, 1]} : vector<1000x2048xf32> to vector<1000x128xf32>
    %add3A_54 = arith.addf %add3A_52, %slice3A_53 : vector<1000x128xf32>
    %reduce_sum3A_55 = arith.constant dense<0.000000e+00> : vector<128xf32>
    %reduce_sum3A_56 = vector.multi_reduction <add>, %add3A_54, %reduce_sum3A_55 [0] : vector<1000x128xf32> to vector<128xf32>
    %broadcast_in_dim3A_57 = vector.shape_cast %reduce_sum3A_56 : vector<128xf32> to vector<1x128xf32>
    %add3A_58 = arith.addf %add3A_41, %broadcast_in_dim3A_57 : vector<1x128xf32>
    %mul3A_59 = arith.mulf %add3A_54, %add3A_54 : vector<1000x128xf32>
    %reduce_sum3A_60 = arith.constant dense<0.000000e+00> : vector<128xf32>
    %reduce_sum3A_61 = vector.multi_reduction <add>, %mul3A_59, %reduce_sum3A_60 [0] : vector<1000x128xf32> to vector<128xf32>
    %broadcast_in_dim3A_62 = vector.shape_cast %reduce_sum3A_61 : vector<128xf32> to vector<1x128xf32>
    %add3A_63 = arith.addf %add3A_46, %broadcast_in_dim3A_62 : vector<1x128xf32>
    %get3A_64 = arith.constant 3 : index
    %get3A_65 = arith.constant 0 : index
    %get3A_66 = arith.constant 0 : index
    %get3A_67 = vector.load %arg1[%get3A_64, %get3A_65, %get3A_66] : memref<16x1000x128xf32, #tpu.memory_space<vmem>>, vector<1x1000x128xf32>
    %get3A_68 = vector.shape_cast %get3A_67 : vector<1x1000x128xf32> to vector<1000x128xf32>
    %add3A_69 = arith.addf %get3A_68, %dot_general3A_5 : vector<1000x128xf32>
    %slice3A_70 = vector.extract_strided_slice %dot_general3A_13 {offsets = [0, 384], sizes = [1000, 128], strides = [1, 1]} : vector<1000x2048xf32> to vector<1000x128xf32>
    %add3A_71 = arith.addf %add3A_69, %slice3A_70 : vector<1000x128xf32>
    %reduce_sum3A_72 = arith.constant dense<0.000000e+00> : vector<128xf32>
    %reduce_sum3A_73 = vector.multi_reduction <add>, %add3A_71, %reduce_sum3A_72 [0] : vector<1000x128xf32> to vector<128xf32>
    %broadcast_in_dim3A_74 = vector.shape_cast %reduce_sum3A_73 : vector<128xf32> to vector<1x128xf32>
    %add3A_75 = arith.addf %add3A_58, %broadcast_in_dim3A_74 : vector<1x128xf32>
    %mul3A_76 = arith.mulf %add3A_71, %add3A_71 : vector<1000x128xf32>
    %reduce_sum3A_77 = arith.constant dense<0.000000e+00> : vector<128xf32>
    %reduce_sum3A_78 = vector.multi_reduction <add>, %mul3A_76, %reduce_sum3A_77 [0] : vector<1000x128xf32> to vector<128xf32>
    %broadcast_in_dim3A_79 = vector.shape_cast %reduce_sum3A_78 : vector<128xf32> to vector<1x128xf32>
    %add3A_80 = arith.addf %add3A_63, %broadcast_in_dim3A_79 : vector<1x128xf32>
    %get3A_81 = arith.constant 4 : index
    %get3A_82 = arith.constant 0 : index
    %get3A_83 = arith.constant 0 : index
    %get3A_84 = vector.load %arg1[%get3A_81, %get3A_82, %get3A_83] : memref<16x1000x128xf32, #tpu.memory_space<vmem>>, vector<1x1000x128xf32>
    %get3A_85 = vector.shape_cast %get3A_84 : vector<1x1000x128xf32> to vector<1000x128xf32>
    %add3A_86 = arith.addf %get3A_85, %dot_general3A_5 : vector<1000x128xf32>
    %slice3A_87 = vector.extract_strided_slice %dot_general3A_13 {offsets = [0, 512], sizes = [1000, 128], strides = [1, 1]} : vector<1000x2048xf32> to vector<1000x128xf32>
    %add3A_88 = arith.addf %add3A_86, %slice3A_87 : vector<1000x128xf32>
    %reduce_sum3A_89 = arith.constant dense<0.000000e+00> : vector<128xf32>
    %reduce_sum3A_90 = vector.multi_reduction <add>, %add3A_88, %reduce_sum3A_89 [0] : vector<1000x128xf32> to vector<128xf32>
    %broadcast_in_dim3A_91 = vector.shape_cast %reduce_sum3A_90 : vector<128xf32> to vector<1x128xf32>
    %add3A_92 = arith.addf %add3A_75, %broadcast_in_dim3A_91 : vector<1x128xf32>
    %mul3A_93 = arith.mulf %add3A_88, %add3A_88 : vector<1000x128xf32>
    %reduce_sum3A_94 = arith.constant dense<0.000000e+00> : vector<128xf32>
    %reduce_sum3A_95 = vector.multi_reduction <add>, %mul3A_93, %reduce_sum3A_94 [0] : vector<1000x128xf32> to vector<128xf32>
    %broadcast_in_dim3A_96 = vector.shape_cast %reduce_sum3A_95 : vector<128xf32> to vector<1x128xf32>
    %add3A_97 = arith.addf %add3A_80, %broadcast_in_dim3A_96 : vector<1x128xf32>
    %get3A_98 = arith.constant 5 : index
    %get3A_99 = arith.constant 0 : index
    %get3A_100 = arith.constant 0 : index
    %get3A_101 = vector.load %arg1[%get3A_98, %get3A_99, %get3A_100] : memref<16x1000x128xf32, #tpu.memory_space<vmem>>, vector<1x1000x128xf32>
    %get3A_102 = vector.shape_cast %get3A_101 : vector<1x1000x128xf32> to vector<1000x128xf32>
    %add3A_103 = arith.addf %get3A_102, %dot_general3A_5 : vector<1000x128xf32>
    %slice3A_104 = vector.extract_strided_slice %dot_general3A_13 {offsets = [0, 640], sizes = [1000, 128], strides = [1, 1]} : vector<1000x2048xf32> to vector<1000x128xf32>
    %add3A_105 = arith.addf %add3A_103, %slice3A_104 : vector<1000x128xf32>
    %reduce_sum3A_106 = arith.constant dense<0.000000e+00> : vector<128xf32>
    %reduce_sum3A_107 = vector.multi_reduction <add>, %add3A_105, %reduce_sum3A_106 [0] : vector<1000x128xf32> to vector<128xf32>
    %broadcast_in_dim3A_108 = vector.shape_cast %reduce_sum3A_107 : vector<128xf32> to vector<1x128xf32>
    %add3A_109 = arith.addf %add3A_92, %broadcast_in_dim3A_108 : vector<1x128xf32>
    %mul3A_110 = arith.mulf %add3A_105, %add3A_105 : vector<1000x128xf32>
    %reduce_sum3A_111 = arith.constant dense<0.000000e+00> : vector<128xf32>
    %reduce_sum3A_112 = vector.multi_reduction <add>, %mul3A_110, %reduce_sum3A_111 [0] : vector<1000x128xf32> to vector<128xf32>
    %broadcast_in_dim3A_113 = vector.shape_cast %reduce_sum3A_112 : vector<128xf32> to vector<1x128xf32>
    %add3A_114 = arith.addf %add3A_97, %broadcast_in_dim3A_113 : vector<1x128xf32>
    %get3A_115 = arith.constant 6 : index
    %get3A_116 = arith.constant 0 : index
    %get3A_117 = arith.constant 0 : index
    %get3A_118 = vector.load %arg1[%get3A_115, %get3A_116, %get3A_117] : memref<16x1000x128xf32, #tpu.memory_space<vmem>>, vector<1x1000x128xf32>
    %get3A_119 = vector.shape_cast %get3A_118 : vector<1x1000x128xf32> to vector<1000x128xf32>
    %add3A_120 = arith.addf %get3A_119, %dot_general3A_5 : vector<1000x128xf32>
    %slice3A_121 = vector.extract_strided_slice %dot_general3A_13 {offsets = [0, 768], sizes = [1000, 128], strides = [1, 1]} : vector<1000x2048xf32> to vector<1000x128xf32>
    %add3A_122 = arith.addf %add3A_120, %slice3A_121 : vector<1000x128xf32>
    %reduce_sum3A_123 = arith.constant dense<0.000000e+00> : vector<128xf32>
    %reduce_sum3A_124 = vector.multi_reduction <add>, %add3A_122, %reduce_sum3A_123 [0] : vector<1000x128xf32> to vector<128xf32>
    %broadcast_in_dim3A_125 = vector.shape_cast %reduce_sum3A_124 : vector<128xf32> to vector<1x128xf32>
    %add3A_126 = arith.addf %add3A_109, %broadcast_in_dim3A_125 : vector<1x128xf32>
    %mul3A_127 = arith.mulf %add3A_122, %add3A_122 : vector<1000x128xf32>
    %reduce_sum3A_128 = arith.constant dense<0.000000e+00> : vector<128xf32>
    %reduce_sum3A_129 = vector.multi_reduction <add>, %mul3A_127, %reduce_sum3A_128 [0] : vector<1000x128xf32> to vector<128xf32>
    %broadcast_in_dim3A_130 = vector.shape_cast %reduce_sum3A_129 : vector<128xf32> to vector<1x128xf32>
    %add3A_131 = arith.addf %add3A_114, %broadcast_in_dim3A_130 : vector<1x128xf32>
    %get3A_132 = arith.constant 7 : index
    %get3A_133 = arith.constant 0 : index
    %get3A_134 = arith.constant 0 : index
    %get3A_135 = vector.load %arg1[%get3A_132, %get3A_133, %get3A_134] : memref<16x1000x128xf32, #tpu.memory_space<vmem>>, vector<1x1000x128xf32>
    %get3A_136 = vector.shape_cast %get3A_135 : vector<1x1000x128xf32> to vector<1000x128xf32>
    %add3A_137 = arith.addf %get3A_136, %dot_general3A_5 : vector<1000x128xf32>
    %slice3A_138 = vector.extract_strided_slice %dot_general3A_13 {offsets = [0, 896], sizes = [1000, 128], strides = [1, 1]} : vector<1000x2048xf32> to vector<1000x128xf32>
    %add3A_139 = arith.addf %add3A_137, %slice3A_138 : vector<1000x128xf32>
    %reduce_sum3A_140 = arith.constant dense<0.000000e+00> : vector<128xf32>
    %reduce_sum3A_141 = vector.multi_reduction <add>, %add3A_139, %reduce_sum3A_140 [0] : vector<1000x128xf32> to vector<128xf32>
    %broadcast_in_dim3A_142 = vector.shape_cast %reduce_sum3A_141 : vector<128xf32> to vector<1x128xf32>
    %add3A_143 = arith.addf %add3A_126, %broadcast_in_dim3A_142 : vector<1x128xf32>
    %mul3A_144 = arith.mulf %add3A_139, %add3A_139 : vector<1000x128xf32>
    %reduce_sum3A_145 = arith.constant dense<0.000000e+00> : vector<128xf32>
    %reduce_sum3A_146 = vector.multi_reduction <add>, %mul3A_144, %reduce_sum3A_145 [0] : vector<1000x128xf32> to vector<128xf32>
    %broadcast_in_dim3A_147 = vector.shape_cast %reduce_sum3A_146 : vector<128xf32> to vector<1x128xf32>
    %add3A_148 = arith.addf %add3A_131, %broadcast_in_dim3A_147 : vector<1x128xf32>
    %get3A_149 = arith.constant 8 : index
    %get3A_150 = arith.constant 0 : index
    %get3A_151 = arith.constant 0 : index
    %get3A_152 = vector.load %arg1[%get3A_149, %get3A_150, %get3A_151] : memref<16x1000x128xf32, #tpu.memory_space<vmem>>, vector<1x1000x128xf32>
    %get3A_153 = vector.shape_cast %get3A_152 : vector<1x1000x128xf32> to vector<1000x128xf32>
    %add3A_154 = arith.addf %get3A_153, %dot_general3A_5 : vector<1000x128xf32>
    %slice3A_155 = vector.extract_strided_slice %dot_general3A_13 {offsets = [0, 1024], sizes = [1000, 128], strides = [1, 1]} : vector<1000x2048xf32> to vector<1000x128xf32>
    %add3A_156 = arith.addf %add3A_154, %slice3A_155 : vector<1000x128xf32>
    %reduce_sum3A_157 = arith.constant dense<0.000000e+00> : vector<128xf32>
    %reduce_sum3A_158 = vector.multi_reduction <add>, %add3A_156, %reduce_sum3A_157 [0] : vector<1000x128xf32> to vector<128xf32>
    %broadcast_in_dim3A_159 = vector.shape_cast %reduce_sum3A_158 : vector<128xf32> to vector<1x128xf32>
    %add3A_160 = arith.addf %add3A_143, %broadcast_in_dim3A_159 : vector<1x128xf32>
    %mul3A_161 = arith.mulf %add3A_156, %add3A_156 : vector<1000x128xf32>
    %reduce_sum3A_162 = arith.constant dense<0.000000e+00> : vector<128xf32>
    %reduce_sum3A_163 = vector.multi_reduction <add>, %mul3A_161, %reduce_sum3A_162 [0] : vector<1000x128xf32> to vector<128xf32>
    %broadcast_in_dim3A_164 = vector.shape_cast %reduce_sum3A_163 : vector<128xf32> to vector<1x128xf32>
    %add3A_165 = arith.addf %add3A_148, %broadcast_in_dim3A_164 : vector<1x128xf32>
    %get3A_166 = arith.constant 9 : index
    %get3A_167 = arith.constant 0 : index
    %get3A_168 = arith.constant 0 : index
    %get3A_169 = vector.load %arg1[%get3A_166, %get3A_167, %get3A_168] : memref<16x1000x128xf32, #tpu.memory_space<vmem>>, vector<1x1000x128xf32>
    %get3A_170 = vector.shape_cast %get3A_169 : vector<1x1000x128xf32> to vector<1000x128xf32>
    %add3A_171 = arith.addf %get3A_170, %dot_general3A_5 : vector<1000x128xf32>
    %slice3A_172 = vector.extract_strided_slice %dot_general3A_13 {offsets = [0, 1152], sizes = [1000, 128], strides = [1, 1]} : vector<1000x2048xf32> to vector<1000x128xf32>
    %add3A_173 = arith.addf %add3A_171, %slice3A_172 : vector<1000x128xf32>
    %reduce_sum3A_174 = arith.constant dense<0.000000e+00> : vector<128xf32>
    %reduce_sum3A_175 = vector.multi_reduction <add>, %add3A_173, %reduce_sum3A_174 [0] : vector<1000x128xf32> to vector<128xf32>
    %broadcast_in_dim3A_176 = vector.shape_cast %reduce_sum3A_175 : vector<128xf32> to vector<1x128xf32>
    %add3A_177 = arith.addf %add3A_160, %broadcast_in_dim3A_176 : vector<1x128xf32>
    %mul3A_178 = arith.mulf %add3A_173, %add3A_173 : vector<1000x128xf32>
    %reduce_sum3A_179 = arith.constant dense<0.000000e+00> : vector<128xf32>
    %reduce_sum3A_180 = vector.multi_reduction <add>, %mul3A_178, %reduce_sum3A_179 [0] : vector<1000x128xf32> to vector<128xf32>
    %broadcast_in_dim3A_181 = vector.shape_cast %reduce_sum3A_180 : vector<128xf32> to vector<1x128xf32>
    %add3A_182 = arith.addf %add3A_165, %broadcast_in_dim3A_181 : vector<1x128xf32>
    %get3A_183 = arith.constant 10 : index
    %get3A_184 = arith.constant 0 : index
    %get3A_185 = arith.constant 0 : index
    %get3A_186 = vector.load %arg1[%get3A_183, %get3A_184, %get3A_185] : memref<16x1000x128xf32, #tpu.memory_space<vmem>>, vector<1x1000x128xf32>
    %get3A_187 = vector.shape_cast %get3A_186 : vector<1x1000x128xf32> to vector<1000x128xf32>
    %add3A_188 = arith.addf %get3A_187, %dot_general3A_5 : vector<1000x128xf32>
    %slice3A_189 = vector.extract_strided_slice %dot_general3A_13 {offsets = [0, 1280], sizes = [1000, 128], strides = [1, 1]} : vector<1000x2048xf32> to vector<1000x128xf32>
    %add3A_190 = arith.addf %add3A_188, %slice3A_189 : vector<1000x128xf32>
    %reduce_sum3A_191 = arith.constant dense<0.000000e+00> : vector<128xf32>
    %reduce_sum3A_192 = vector.multi_reduction <add>, %add3A_190, %reduce_sum3A_191 [0] : vector<1000x128xf32> to vector<128xf32>
    %broadcast_in_dim3A_193 = vector.shape_cast %reduce_sum3A_192 : vector<128xf32> to vector<1x128xf32>
    %add3A_194 = arith.addf %add3A_177, %broadcast_in_dim3A_193 : vector<1x128xf32>
    %mul3A_195 = arith.mulf %add3A_190, %add3A_190 : vector<1000x128xf32>
    %reduce_sum3A_196 = arith.constant dense<0.000000e+00> : vector<128xf32>
    %reduce_sum3A_197 = vector.multi_reduction <add>, %mul3A_195, %reduce_sum3A_196 [0] : vector<1000x128xf32> to vector<128xf32>
    %broadcast_in_dim3A_198 = vector.shape_cast %reduce_sum3A_197 : vector<128xf32> to vector<1x128xf32>
    %add3A_199 = arith.addf %add3A_182, %broadcast_in_dim3A_198 : vector<1x128xf32>
    %get3A_200 = arith.constant 11 : index
    %get3A_201 = arith.constant 0 : index
    %get3A_202 = arith.constant 0 : index
    %get3A_203 = vector.load %arg1[%get3A_200, %get3A_201, %get3A_202] : memref<16x1000x128xf32, #tpu.memory_space<vmem>>, vector<1x1000x128xf32>
    %get3A_204 = vector.shape_cast %get3A_203 : vector<1x1000x128xf32> to vector<1000x128xf32>
    %add3A_205 = arith.addf %get3A_204, %dot_general3A_5 : vector<1000x128xf32>
    %slice3A_206 = vector.extract_strided_slice %dot_general3A_13 {offsets = [0, 1408], sizes = [1000, 128], strides = [1, 1]} : vector<1000x2048xf32> to vector<1000x128xf32>
    %add3A_207 = arith.addf %add3A_205, %slice3A_206 : vector<1000x128xf32>
    %reduce_sum3A_208 = arith.constant dense<0.000000e+00> : vector<128xf32>
    %reduce_sum3A_209 = vector.multi_reduction <add>, %add3A_207, %reduce_sum3A_208 [0] : vector<1000x128xf32> to vector<128xf32>
    %broadcast_in_dim3A_210 = vector.shape_cast %reduce_sum3A_209 : vector<128xf32> to vector<1x128xf32>
    %add3A_211 = arith.addf %add3A_194, %broadcast_in_dim3A_210 : vector<1x128xf32>
    %mul3A_212 = arith.mulf %add3A_207, %add3A_207 : vector<1000x128xf32>
    %reduce_sum3A_213 = arith.constant dense<0.000000e+00> : vector<128xf32>
    %reduce_sum3A_214 = vector.multi_reduction <add>, %mul3A_212, %reduce_sum3A_213 [0] : vector<1000x128xf32> to vector<128xf32>
    %broadcast_in_dim3A_215 = vector.shape_cast %reduce_sum3A_214 : vector<128xf32> to vector<1x128xf32>
    %add3A_216 = arith.addf %add3A_199, %broadcast_in_dim3A_215 : vector<1x128xf32>
    %get3A_217 = arith.constant 12 : index
    %get3A_218 = arith.constant 0 : index
    %get3A_219 = arith.constant 0 : index
    %get3A_220 = vector.load %arg1[%get3A_217, %get3A_218, %get3A_219] : memref<16x1000x128xf32, #tpu.memory_space<vmem>>, vector<1x1000x128xf32>
    %get3A_221 = vector.shape_cast %get3A_220 : vector<1x1000x128xf32> to vector<1000x128xf32>
    %add3A_222 = arith.addf %get3A_221, %dot_general3A_5 : vector<1000x128xf32>
    %slice3A_223 = vector.extract_strided_slice %dot_general3A_13 {offsets = [0, 1536], sizes = [1000, 128], strides = [1, 1]} : vector<1000x2048xf32> to vector<1000x128xf32>
    %add3A_224 = arith.addf %add3A_222, %slice3A_223 : vector<1000x128xf32>
    %reduce_sum3A_225 = arith.constant dense<0.000000e+00> : vector<128xf32>
    %reduce_sum3A_226 = vector.multi_reduction <add>, %add3A_224, %reduce_sum3A_225 [0] : vector<1000x128xf32> to vector<128xf32>
    %broadcast_in_dim3A_227 = vector.shape_cast %reduce_sum3A_226 : vector<128xf32> to vector<1x128xf32>
    %add3A_228 = arith.addf %add3A_211, %broadcast_in_dim3A_227 : vector<1x128xf32>
    %mul3A_229 = arith.mulf %add3A_224, %add3A_224 : vector<1000x128xf32>
    %reduce_sum3A_230 = arith.constant dense<0.000000e+00> : vector<128xf32>
    %reduce_sum3A_231 = vector.multi_reduction <add>, %mul3A_229, %reduce_sum3A_230 [0] : vector<1000x128xf32> to vector<128xf32>
    %broadcast_in_dim3A_232 = vector.shape_cast %reduce_sum3A_231 : vector<128xf32> to vector<1x128xf32>
    %add3A_233 = arith.addf %add3A_216, %broadcast_in_dim3A_232 : vector<1x128xf32>
    %get3A_234 = arith.constant 13 : index
    %get3A_235 = arith.constant 0 : index
    %get3A_236 = arith.constant 0 : index
    %get3A_237 = vector.load %arg1[%get3A_234, %get3A_235, %get3A_236] : memref<16x1000x128xf32, #tpu.memory_space<vmem>>, vector<1x1000x128xf32>
    %get3A_238 = vector.shape_cast %get3A_237 : vector<1x1000x128xf32> to vector<1000x128xf32>
    %add3A_239 = arith.addf %get3A_238, %dot_general3A_5 : vector<1000x128xf32>
    %slice3A_240 = vector.extract_strided_slice %dot_general3A_13 {offsets = [0, 1664], sizes = [1000, 128], strides = [1, 1]} : vector<1000x2048xf32> to vector<1000x128xf32>
    %add3A_241 = arith.addf %add3A_239, %slice3A_240 : vector<1000x128xf32>
    %reduce_sum3A_242 = arith.constant dense<0.000000e+00> : vector<128xf32>
    %reduce_sum3A_243 = vector.multi_reduction <add>, %add3A_241, %reduce_sum3A_242 [0] : vector<1000x128xf32> to vector<128xf32>
    %broadcast_in_dim3A_244 = vector.shape_cast %reduce_sum3A_243 : vector<128xf32> to vector<1x128xf32>
    %add3A_245 = arith.addf %add3A_228, %broadcast_in_dim3A_244 : vector<1x128xf32>
    %mul3A_246 = arith.mulf %add3A_241, %add3A_241 : vector<1000x128xf32>
    %reduce_sum3A_247 = arith.constant dense<0.000000e+00> : vector<128xf32>
    %reduce_sum3A_248 = vector.multi_reduction <add>, %mul3A_246, %reduce_sum3A_247 [0] : vector<1000x128xf32> to vector<128xf32>
    %broadcast_in_dim3A_249 = vector.shape_cast %reduce_sum3A_248 : vector<128xf32> to vector<1x128xf32>
    %add3A_250 = arith.addf %add3A_233, %broadcast_in_dim3A_249 : vector<1x128xf32>
    %get3A_251 = arith.constant 14 : index
    %get3A_252 = arith.constant 0 : index
    %get3A_253 = arith.constant 0 : index
    %get3A_254 = vector.load %arg1[%get3A_251, %get3A_252, %get3A_253] : memref<16x1000x128xf32, #tpu.memory_space<vmem>>, vector<1x1000x128xf32>
    %get3A_255 = vector.shape_cast %get3A_254 : vector<1x1000x128xf32> to vector<1000x128xf32>
    %add3A_256 = arith.addf %get3A_255, %dot_general3A_5 : vector<1000x128xf32>
    %slice3A_257 = vector.extract_strided_slice %dot_general3A_13 {offsets = [0, 1792], sizes = [1000, 128], strides = [1, 1]} : vector<1000x2048xf32> to vector<1000x128xf32>
    %add3A_258 = arith.addf %add3A_256, %slice3A_257 : vector<1000x128xf32>
    %reduce_sum3A_259 = arith.constant dense<0.000000e+00> : vector<128xf32>
    %reduce_sum3A_260 = vector.multi_reduction <add>, %add3A_258, %reduce_sum3A_259 [0] : vector<1000x128xf32> to vector<128xf32>
    %broadcast_in_dim3A_261 = vector.shape_cast %reduce_sum3A_260 : vector<128xf32> to vector<1x128xf32>
    %add3A_262 = arith.addf %add3A_245, %broadcast_in_dim3A_261 : vector<1x128xf32>
    %mul3A_263 = arith.mulf %add3A_258, %add3A_258 : vector<1000x128xf32>
    %reduce_sum3A_264 = arith.constant dense<0.000000e+00> : vector<128xf32>
    %reduce_sum3A_265 = vector.multi_reduction <add>, %mul3A_263, %reduce_sum3A_264 [0] : vector<1000x128xf32> to vector<128xf32>
    %broadcast_in_dim3A_266 = vector.shape_cast %reduce_sum3A_265 : vector<128xf32> to vector<1x128xf32>
    %add3A_267 = arith.addf %add3A_250, %broadcast_in_dim3A_266 : vector<1x128xf32>
    %get3A_268 = arith.constant 15 : index
    %get3A_269 = arith.constant 0 : index
    %get3A_270 = arith.constant 0 : index
    %get3A_271 = vector.load %arg1[%get3A_268, %get3A_269, %get3A_270] : memref<16x1000x128xf32, #tpu.memory_space<vmem>>, vector<1x1000x128xf32>
    %get3A_272 = vector.shape_cast %get3A_271 : vector<1x1000x128xf32> to vector<1000x128xf32>
    %add3A_273 = arith.addf %get3A_272, %dot_general3A_5 : vector<1000x128xf32>
    %slice3A_274 = vector.extract_strided_slice %dot_general3A_13 {offsets = [0, 1920], sizes = [1000, 128], strides = [1, 1]} : vector<1000x2048xf32> to vector<1000x128xf32>
    %add3A_275 = arith.addf %add3A_273, %slice3A_274 : vector<1000x128xf32>
    %reduce_sum3A_276 = arith.constant dense<0.000000e+00> : vector<128xf32>
    %reduce_sum3A_277 = vector.multi_reduction <add>, %add3A_275, %reduce_sum3A_276 [0] : vector<1000x128xf32> to vector<128xf32>
    %broadcast_in_dim3A_278 = vector.shape_cast %reduce_sum3A_277 : vector<128xf32> to vector<1x128xf32>
    %add3A_279 = arith.addf %add3A_262, %broadcast_in_dim3A_278 : vector<1x128xf32>
    %mul3A_280 = arith.mulf %add3A_275, %add3A_275 : vector<1000x128xf32>
    %reduce_sum3A_281 = arith.constant dense<0.000000e+00> : vector<128xf32>
    %reduce_sum3A_282 = vector.multi_reduction <add>, %mul3A_280, %reduce_sum3A_281 [0] : vector<1000x128xf32> to vector<128xf32>
    %broadcast_in_dim3A_283 = vector.shape_cast %reduce_sum3A_282 : vector<128xf32> to vector<1x128xf32>
    %add3A_284 = arith.addf %add3A_267, %broadcast_in_dim3A_283 : vector<1x128xf32>
    %swap3A = arith.constant 0 : index
    %swap3A_285 = arith.constant 0 : index
    %swap3A_286 = arith.constant 0 : index
    %swap3A_287 = vector.load %arg6[%swap3A, %swap3A_285, %swap3A_286] : memref<1x1x128xf32, #tpu.memory_space<vmem>>, vector<1x1x128xf32>
    %swap3A_288 = vector.shape_cast %swap3A_287 : vector<1x1x128xf32> to vector<1x128xf32>
    %swap3A_289 = vector.shape_cast %add3A_279 : vector<1x128xf32> to vector<1x1x128xf32>
    tpu.vector_store %arg6[%swap3A, %swap3A_285, %swap3A_286], %swap3A_289 {strides = array<i32>} : memref<1x1x128xf32, #tpu.memory_space<vmem>>, vector<1x1x128xf32>,
    %swap3A_290 = arith.constant 0 : index
    %swap3A_291 = arith.constant 0 : index
    %swap3A_292 = arith.constant 0 : index
    %swap3A_293 = vector.load %arg7[%swap3A_290, %swap3A_291, %swap3A_292] : memref<1x1x128xf32, #tpu.memory_space<vmem>>, vector<1x1x128xf32>
    %swap3A_294 = vector.shape_cast %swap3A_293 : vector<1x1x128xf32> to vector<1x128xf32>
    %swap3A_295 = vector.shape_cast %add3A_284 : vector<1x128xf32> to vector<1x1x128xf32>
    tpu.vector_store %arg7[%swap3A_290, %swap3A_291, %swap3A_292], %swap3A_295 {strides = array<i32>} : memref<1x1x128xf32, #tpu.memory_space<vmem>>, vector<1x1x128xf32>,
    return
  }
  func.func @transform_0(%arg0: i32) -> (i32, i32, i32) {
    %c0_i32 = arith.constant 0 : i32
    %c0_i32_0 = arith.constant 0 : i32
    %c0_i32_1 = arith.constant 0 : i32
    return %c0_i32, %arg0, %c0_i32_0 : i32, i32, i32
  }
  func.func @transform_1(%arg0: i32) -> (i32, i32) {
    %c0_i32 = arith.constant 0 : i32
    %c0_i32_0 = arith.constant 0 : i32
    return %arg0, %c0_i32 : i32, i32
  }
  func.func @transform_2(%arg0: i32) -> (i32, i32) {
    %c0_i32 = arith.constant 0 : i32
    %c0_i32_0 = arith.constant 0 : i32
    return %arg0, %c0_i32 : i32, i32
  }
  func.func @transform_3(%arg0: i32) -> (i32, i32) {
    %c0_i32 = arith.constant 0 : i32
    %c0_i32_0 = arith.constant 0 : i32
    %c0_i32_1 = arith.constant 0 : i32
    return %c0_i32, %c0_i32_0 : i32, i32
  }
  func.func @transform_4(%arg0: i32) -> (i32, i32) {
    %c0_i32 = arith.constant 0 : i32
    %c0_i32_0 = arith.constant 0 : i32
    %c0_i32_1 = arith.constant 0 : i32
    return %c0_i32, %c0_i32_0 : i32, i32
  }
  func.func @transform_5(%arg0: i32) -> (i32, i32, i32) {
    %c0_i32 = arith.constant 0 : i32
    %c0_i32_0 = arith.constant 0 : i32
    %c0_i32_1 = arith.constant 0 : i32
    return %arg0, %c0_i32, %c0_i32_0 : i32, i32, i32
  }
  func.func @transform_6(%arg0: i32) -> (i32, i32, i32) {
    %c0_i32 = arith.constant 0 : i32
    %c0_i32_0 = arith.constant 0 : i32
    %c0_i32_1 = arith.constant 0 : i32
    return %arg0, %c0_i32, %c0_i32_0 : i32, i32, i32
  }
}

module attributes {stable_mosaic.version = 14 : i64} {
  func.func @body(%arg0: i32, %arg1: memref<16x1000x128xf32, #tpu.memory_space<vmem>>, %arg2: memref<1000x256xbf16, #tpu.memory_space<vmem>>, %arg3: memref<1000x64xf32, #tpu.memory_space<vmem>>, %arg4: memref<64x128xf32, #tpu.memory_space<vmem>>, %arg5: memref<256x2048xbf16, #tpu.memory_space<vmem>>, %arg6: memref<50x1x128xf32, #tpu.memory_space<vmem>>, %arg7: memref<50x1x128xf32, #tpu.memory_space<vmem>>, %arg8: memref<1x128xf32, #tpu.memory_space<vmem>>, %arg9: memref<1x128xf32, #tpu.memory_space<vmem>>, %arg10: memref<1000x64xf32, #tpu.memory_space<vmem>>, %arg11: memref<1x1x64xf32, #tpu.memory_space<vmem>>, %arg12: memref<1x1x64xf32, #tpu.memory_space<vmem>>) attributes {dimension_semantics = [#tpu.dimension_semantics<parallel>], iteration_bounds = array<i64: 50>, scalar_prefetch = 0 : i64, scratch_operands = 0 : i64, tpu.core_type = #tpu.core_type<tc>, window_params = [{transform_indices = @transform_0, window_bounds = array<i64: 16, 1000, 128>}, {transform_indices = @transform_1, window_bounds = array<i64: 1000, 256>}, {transform_indices = @transform_2, window_bounds = array<i64: 1000, 64>}, {pipeline_mode = #tpu.pipeline_mode<synchronous>, transform_indices = @transform_3, window_bounds = array<i64: 64, 128>}, {pipeline_mode = #tpu.pipeline_mode<synchronous>, transform_indices = @transform_4, window_bounds = array<i64: 256, 2048>}, {pipeline_mode = #tpu.pipeline_mode<synchronous>, transform_indices = @transform_5, window_bounds = array<i64: 50, 1, 128>}, {pipeline_mode = #tpu.pipeline_mode<synchronous>, transform_indices = @transform_6, window_bounds = array<i64: 50, 1, 128>}, {pipeline_mode = #tpu.pipeline_mode<synchronous>, transform_indices = @transform_7, window_bounds = array<i64: 1, 128>}, {pipeline_mode = #tpu.pipeline_mode<synchronous>, transform_indices = @transform_8, window_bounds = array<i64: 1, 128>}, {transform_indices = @transform_9, window_bounds = array<i64: 1000, 64>}, {transform_indices = @transform_10, window_bounds = array<i64: 1, 1, 64>}, {transform_indices = @transform_11, window_bounds = array<i64: 1, 1, 64>}]} {
    %get3A = arith.constant 0 : index
    %get3A_0 = arith.constant 0 : index
    %get3A_1 = arith.constant 0 : index
    %get3A_2 = vector.load %arg6[%get3A, %get3A_0, %get3A_1] : memref<50x1x128xf32, #tpu.memory_space<vmem>>, vector<50x1x128xf32>
    %get3A_3 = vector.shape_cast %get3A_2 : vector<50x1x128xf32> to vector<50x128xf32>
    %reduce_sum3A = arith.constant dense<0.000000e+00> : vector<128xf32>
    %reduce_sum3A_4 = vector.multi_reduction <add>, %get3A_3, %reduce_sum3A [0] : vector<50x128xf32> to vector<128xf32>
    %broadcast_in_dim3A = vector.shape_cast %reduce_sum3A_4 : vector<128xf32> to vector<1x128xf32>
    %get3A_5 = arith.constant 0 : index
    %get3A_6 = arith.constant 0 : index
    %get3A_7 = arith.constant 0 : index
    %get3A_8 = vector.load %arg7[%get3A_5, %get3A_6, %get3A_7] : memref<50x1x128xf32, #tpu.memory_space<vmem>>, vector<50x1x128xf32>
    %get3A_9 = vector.shape_cast %get3A_8 : vector<50x1x128xf32> to vector<50x128xf32>
    %reduce_sum3A_10 = arith.constant dense<0.000000e+00> : vector<128xf32>
    %reduce_sum3A_11 = vector.multi_reduction <add>, %get3A_9, %reduce_sum3A_10 [0] : vector<50x128xf32> to vector<128xf32>
    %broadcast_in_dim3A_12 = vector.shape_cast %reduce_sum3A_11 : vector<128xf32> to vector<1x128xf32>
    %div3A = arith.constant 8.000000e+05 : f32
    %div3A_13 = vector.broadcast %div3A : f32 to vector<1x128xf32>
    %div3A_14 = arith.divf %broadcast_in_dim3A, %div3A_13 : vector<1x128xf32>
    %div3A_15 = arith.constant 8.000000e+05 : f32
    %div3A_16 = vector.broadcast %div3A_15 : f32 to vector<1x128xf32>
    %div3A_17 = arith.divf %broadcast_in_dim3A_12, %div3A_16 : vector<1x128xf32>
    %mul3A = arith.mulf %div3A_14, %div3A_14 : vector<1x128xf32>
    %sub3A = arith.subf %div3A_17, %mul3A : vector<1x128xf32>
    %get3A_18 = arith.constant 0 : index
    %get3A_19 = arith.constant 0 : index
    %get3A_20 = vector.load %arg8[%get3A_18, %get3A_19] : memref<1x128xf32, #tpu.memory_space<vmem>>, vector<1x128xf32>
    %add3A = arith.constant 9.99999974E-6 : f32
    %add3A_21 = vector.broadcast %add3A : f32 to vector<1x128xf32>
    %add3A_22 = arith.addf %sub3A, %add3A_21 : vector<1x128xf32>
    %rsqrt3A = math.rsqrt %add3A_22 : vector<1x128xf32>
    %mul3A_23 = arith.mulf %get3A_20, %rsqrt3A : vector<1x128xf32>
    %get3A_24 = arith.constant 0 : index
    %get3A_25 = arith.constant 0 : index
    %get3A_26 = vector.load %arg9[%get3A_24, %get3A_25] : memref<1x128xf32, #tpu.memory_space<vmem>>, vector<1x128xf32>
    %mul3A_27 = arith.mulf %div3A_14, %mul3A_23 : vector<1x128xf32>
    %sub3A_28 = arith.subf %get3A_26, %mul3A_27 : vector<1x128xf32>
    %get3A_29 = arith.constant 0 : index
    %get3A_30 = arith.constant 0 : index
    %get3A_31 = vector.load %arg3[%get3A_29, %get3A_30] : memref<1000x64xf32, #tpu.memory_space<vmem>>, vector<1000x64xf32>
    %get3A_32 = arith.constant 0 : index
    %get3A_33 = arith.constant 0 : index
    %get3A_34 = vector.load %arg4[%get3A_32, %get3A_33] : memref<64x128xf32, #tpu.memory_space<vmem>>, vector<64x128xf32>
    %dot_general3A = arith.constant dense<0.000000e+00> : vector<1000x128xf32>
    %dot_general3A_35 = tpu.matmul %get3A_31, %get3A_34, %dot_general3A {dimension_numbers = #tpu.dot_dimension_numbers<[1], [0], [0], [1], [0, 0, 1, 1], [], []>, transpose_lhs_hint = false} : vector<1000x64xf32>, vector<64x128xf32>, vector<1000x128xf32> -> vector<1000x128xf32>
    %get3A_36 = arith.constant 0 : index
    %get3A_37 = arith.constant 0 : index
    %get3A_38 = vector.load %arg2[%get3A_36, %get3A_37] : memref<1000x256xbf16, #tpu.memory_space<vmem>>, vector<1000x256xbf16>
    %get3A_39 = arith.constant 0 : index
    %get3A_40 = arith.constant 0 : index
    %get3A_41 = vector.load %arg5[%get3A_39, %get3A_40] : memref<256x2048xbf16, #tpu.memory_space<vmem>>, vector<256x2048xbf16>
    %dot_general3A_42 = arith.constant dense<0.000000e+00> : vector<1000x2048xf32>
    %dot_general3A_43 = tpu.matmul %get3A_38, %get3A_41, %dot_general3A_42 {dimension_numbers = #tpu.dot_dimension_numbers<[1], [0], [0], [1], [0, 0, 1, 1], [], []>, transpose_lhs_hint = false} : vector<1000x256xbf16>, vector<256x2048xbf16>, vector<1000x2048xf32> -> vector<1000x2048xf32>
    %broadcast_in_dim3A_44 = arith.constant 0.000000e+00 : f32
    %broadcast_in_dim3A_45 = vector.broadcast %broadcast_in_dim3A_44 : f32 to vector<1000x64xf32>
    %get3A_46 = arith.constant 0 : index
    %get3A_47 = arith.constant 0 : index
    %get3A_48 = arith.constant 0 : index
    %get3A_49 = vector.load %arg1[%get3A_46, %get3A_47, %get3A_48] : memref<16x1000x128xf32, #tpu.memory_space<vmem>>, vector<1x1000x128xf32>
    %get3A_50 = vector.shape_cast %get3A_49 : vector<1x1000x128xf32> to vector<1000x128xf32>
    %add3A_51 = arith.addf %get3A_50, %dot_general3A_35 : vector<1000x128xf32>
    %slice3A = vector.extract_strided_slice %dot_general3A_43 {offsets = [0, 0], sizes = [1000, 128], strides = [1, 1]} : vector<1000x2048xf32> to vector<1000x128xf32>
    %add3A_52 = arith.addf %add3A_51, %slice3A : vector<1000x128xf32>
    %mul3A_53 = vector.broadcast %mul3A_23 : vector<1x128xf32> to vector<1000x128xf32>
    %mul3A_54 = arith.mulf %add3A_52, %mul3A_53 : vector<1000x128xf32>
    %add3A_55 = vector.broadcast %sub3A_28 : vector<1x128xf32> to vector<1000x128xf32>
    %add3A_56 = arith.addf %mul3A_54, %add3A_55 : vector<1000x128xf32>
    %slice3A_57 = vector.extract_strided_slice %add3A_56 {offsets = [0, 0], sizes = [1000, 64], strides = [1, 1]} : vector<1000x128xf32> to vector<1000x64xf32>
    %slice3A_58 = vector.extract_strided_slice %add3A_56 {offsets = [0, 64], sizes = [1000, 64], strides = [1, 1]} : vector<1000x128xf32> to vector<1000x64xf32>
    %logistic3A = arith.negf %slice3A_57 : vector<1000x64xf32>
    %logistic3A_59 = math.exp %logistic3A : vector<1000x64xf32>
    %logistic3A_60 = arith.constant 1.000000e+00 : f32
    %logistic3A_61 = vector.broadcast %logistic3A_60 : f32 to vector<1000x64xf32>
    %logistic3A_62 = arith.addf %logistic3A_61, %logistic3A_59 : vector<1000x64xf32>
    %logistic3A_63 = arith.divf %logistic3A_61, %logistic3A_62 : vector<1000x64xf32>
    %max3A = arith.constant 0.000000e+00 : f32
    %max3A_64 = vector.broadcast %max3A : f32 to vector<1000x64xf32>
    %max3A_65 = arith.maximumf %slice3A_58, %max3A_64 : vector<1000x64xf32>
    %abs3A = math.absf %slice3A_58 : vector<1000x64xf32>
    %neg3A = arith.constant 0.000000e+00 : f32
    %neg3A_66 = vector.broadcast %neg3A : f32 to vector<1000x64xf32>
    %neg3A_67 = arith.subf %neg3A_66, %abs3A : vector<1000x64xf32>
    %exp3A = math.exp %neg3A_67 : vector<1000x64xf32>
    %log1p3A = math.log1p %exp3A : vector<1000x64xf32>
    %add3A_68 = arith.addf %max3A_65, %log1p3A : vector<1000x64xf32>
    %mul3A_69 = arith.mulf %logistic3A_63, %add3A_68 : vector<1000x64xf32>
    %add3A_70 = arith.addf %broadcast_in_dim3A_45, %mul3A_69 : vector<1000x64xf32>
    %get3A_71 = arith.constant 1 : index
    %get3A_72 = arith.constant 0 : index
    %get3A_73 = arith.constant 0 : index
    %get3A_74 = vector.load %arg1[%get3A_71, %get3A_72, %get3A_73] : memref<16x1000x128xf32, #tpu.memory_space<vmem>>, vector<1x1000x128xf32>
    %get3A_75 = vector.shape_cast %get3A_74 : vector<1x1000x128xf32> to vector<1000x128xf32>
    %add3A_76 = arith.addf %get3A_75, %dot_general3A_35 : vector<1000x128xf32>
    %slice3A_77 = vector.extract_strided_slice %dot_general3A_43 {offsets = [0, 128], sizes = [1000, 128], strides = [1, 1]} : vector<1000x2048xf32> to vector<1000x128xf32>
    %add3A_78 = arith.addf %add3A_76, %slice3A_77 : vector<1000x128xf32>
    %mul3A_79 = vector.broadcast %mul3A_23 : vector<1x128xf32> to vector<1000x128xf32>
    %mul3A_80 = arith.mulf %add3A_78, %mul3A_79 : vector<1000x128xf32>
    %add3A_81 = vector.broadcast %sub3A_28 : vector<1x128xf32> to vector<1000x128xf32>
    %add3A_82 = arith.addf %mul3A_80, %add3A_81 : vector<1000x128xf32>
    %slice3A_83 = vector.extract_strided_slice %add3A_82 {offsets = [0, 0], sizes = [1000, 64], strides = [1, 1]} : vector<1000x128xf32> to vector<1000x64xf32>
    %slice3A_84 = vector.extract_strided_slice %add3A_82 {offsets = [0, 64], sizes = [1000, 64], strides = [1, 1]} : vector<1000x128xf32> to vector<1000x64xf32>
    %logistic3A_85 = arith.negf %slice3A_83 : vector<1000x64xf32>
    %logistic3A_86 = math.exp %logistic3A_85 : vector<1000x64xf32>
    %logistic3A_87 = arith.constant 1.000000e+00 : f32
    %logistic3A_88 = vector.broadcast %logistic3A_87 : f32 to vector<1000x64xf32>
    %logistic3A_89 = arith.addf %logistic3A_88, %logistic3A_86 : vector<1000x64xf32>
    %logistic3A_90 = arith.divf %logistic3A_88, %logistic3A_89 : vector<1000x64xf32>
    %max3A_91 = arith.constant 0.000000e+00 : f32
    %max3A_92 = vector.broadcast %max3A_91 : f32 to vector<1000x64xf32>
    %max3A_93 = arith.maximumf %slice3A_84, %max3A_92 : vector<1000x64xf32>
    %abs3A_94 = math.absf %slice3A_84 : vector<1000x64xf32>
    %neg3A_95 = arith.constant 0.000000e+00 : f32
    %neg3A_96 = vector.broadcast %neg3A_95 : f32 to vector<1000x64xf32>
    %neg3A_97 = arith.subf %neg3A_96, %abs3A_94 : vector<1000x64xf32>
    %exp3A_98 = math.exp %neg3A_97 : vector<1000x64xf32>
    %log1p3A_99 = math.log1p %exp3A_98 : vector<1000x64xf32>
    %add3A_100 = arith.addf %max3A_93, %log1p3A_99 : vector<1000x64xf32>
    %mul3A_101 = arith.mulf %logistic3A_90, %add3A_100 : vector<1000x64xf32>
    %add3A_102 = arith.addf %add3A_70, %mul3A_101 : vector<1000x64xf32>
    %get3A_103 = arith.constant 2 : index
    %get3A_104 = arith.constant 0 : index
    %get3A_105 = arith.constant 0 : index
    %get3A_106 = vector.load %arg1[%get3A_103, %get3A_104, %get3A_105] : memref<16x1000x128xf32, #tpu.memory_space<vmem>>, vector<1x1000x128xf32>
    %get3A_107 = vector.shape_cast %get3A_106 : vector<1x1000x128xf32> to vector<1000x128xf32>
    %add3A_108 = arith.addf %get3A_107, %dot_general3A_35 : vector<1000x128xf32>
    %slice3A_109 = vector.extract_strided_slice %dot_general3A_43 {offsets = [0, 256], sizes = [1000, 128], strides = [1, 1]} : vector<1000x2048xf32> to vector<1000x128xf32>
    %add3A_110 = arith.addf %add3A_108, %slice3A_109 : vector<1000x128xf32>
    %mul3A_111 = vector.broadcast %mul3A_23 : vector<1x128xf32> to vector<1000x128xf32>
    %mul3A_112 = arith.mulf %add3A_110, %mul3A_111 : vector<1000x128xf32>
    %add3A_113 = vector.broadcast %sub3A_28 : vector<1x128xf32> to vector<1000x128xf32>
    %add3A_114 = arith.addf %mul3A_112, %add3A_113 : vector<1000x128xf32>
    %slice3A_115 = vector.extract_strided_slice %add3A_114 {offsets = [0, 0], sizes = [1000, 64], strides = [1, 1]} : vector<1000x128xf32> to vector<1000x64xf32>
    %slice3A_116 = vector.extract_strided_slice %add3A_114 {offsets = [0, 64], sizes = [1000, 64], strides = [1, 1]} : vector<1000x128xf32> to vector<1000x64xf32>
    %logistic3A_117 = arith.negf %slice3A_115 : vector<1000x64xf32>
    %logistic3A_118 = math.exp %logistic3A_117 : vector<1000x64xf32>
    %logistic3A_119 = arith.constant 1.000000e+00 : f32
    %logistic3A_120 = vector.broadcast %logistic3A_119 : f32 to vector<1000x64xf32>
    %logistic3A_121 = arith.addf %logistic3A_120, %logistic3A_118 : vector<1000x64xf32>
    %logistic3A_122 = arith.divf %logistic3A_120, %logistic3A_121 : vector<1000x64xf32>
    %max3A_123 = arith.constant 0.000000e+00 : f32
    %max3A_124 = vector.broadcast %max3A_123 : f32 to vector<1000x64xf32>
    %max3A_125 = arith.maximumf %slice3A_116, %max3A_124 : vector<1000x64xf32>
    %abs3A_126 = math.absf %slice3A_116 : vector<1000x64xf32>
    %neg3A_127 = arith.constant 0.000000e+00 : f32
    %neg3A_128 = vector.broadcast %neg3A_127 : f32 to vector<1000x64xf32>
    %neg3A_129 = arith.subf %neg3A_128, %abs3A_126 : vector<1000x64xf32>
    %exp3A_130 = math.exp %neg3A_129 : vector<1000x64xf32>
    %log1p3A_131 = math.log1p %exp3A_130 : vector<1000x64xf32>
    %add3A_132 = arith.addf %max3A_125, %log1p3A_131 : vector<1000x64xf32>
    %mul3A_133 = arith.mulf %logistic3A_122, %add3A_132 : vector<1000x64xf32>
    %add3A_134 = arith.addf %add3A_102, %mul3A_133 : vector<1000x64xf32>
    %get3A_135 = arith.constant 3 : index
    %get3A_136 = arith.constant 0 : index
    %get3A_137 = arith.constant 0 : index
    %get3A_138 = vector.load %arg1[%get3A_135, %get3A_136, %get3A_137] : memref<16x1000x128xf32, #tpu.memory_space<vmem>>, vector<1x1000x128xf32>
    %get3A_139 = vector.shape_cast %get3A_138 : vector<1x1000x128xf32> to vector<1000x128xf32>
    %add3A_140 = arith.addf %get3A_139, %dot_general3A_35 : vector<1000x128xf32>
    %slice3A_141 = vector.extract_strided_slice %dot_general3A_43 {offsets = [0, 384], sizes = [1000, 128], strides = [1, 1]} : vector<1000x2048xf32> to vector<1000x128xf32>
    %add3A_142 = arith.addf %add3A_140, %slice3A_141 : vector<1000x128xf32>
    %mul3A_143 = vector.broadcast %mul3A_23 : vector<1x128xf32> to vector<1000x128xf32>
    %mul3A_144 = arith.mulf %add3A_142, %mul3A_143 : vector<1000x128xf32>
    %add3A_145 = vector.broadcast %sub3A_28 : vector<1x128xf32> to vector<1000x128xf32>
    %add3A_146 = arith.addf %mul3A_144, %add3A_145 : vector<1000x128xf32>
    %slice3A_147 = vector.extract_strided_slice %add3A_146 {offsets = [0, 0], sizes = [1000, 64], strides = [1, 1]} : vector<1000x128xf32> to vector<1000x64xf32>
    %slice3A_148 = vector.extract_strided_slice %add3A_146 {offsets = [0, 64], sizes = [1000, 64], strides = [1, 1]} : vector<1000x128xf32> to vector<1000x64xf32>
    %logistic3A_149 = arith.negf %slice3A_147 : vector<1000x64xf32>
    %logistic3A_150 = math.exp %logistic3A_149 : vector<1000x64xf32>
    %logistic3A_151 = arith.constant 1.000000e+00 : f32
    %logistic3A_152 = vector.broadcast %logistic3A_151 : f32 to vector<1000x64xf32>
    %logistic3A_153 = arith.addf %logistic3A_152, %logistic3A_150 : vector<1000x64xf32>
    %logistic3A_154 = arith.divf %logistic3A_152, %logistic3A_153 : vector<1000x64xf32>
    %max3A_155 = arith.constant 0.000000e+00 : f32
    %max3A_156 = vector.broadcast %max3A_155 : f32 to vector<1000x64xf32>
    %max3A_157 = arith.maximumf %slice3A_148, %max3A_156 : vector<1000x64xf32>
    %abs3A_158 = math.absf %slice3A_148 : vector<1000x64xf32>
    %neg3A_159 = arith.constant 0.000000e+00 : f32
    %neg3A_160 = vector.broadcast %neg3A_159 : f32 to vector<1000x64xf32>
    %neg3A_161 = arith.subf %neg3A_160, %abs3A_158 : vector<1000x64xf32>
    %exp3A_162 = math.exp %neg3A_161 : vector<1000x64xf32>
    %log1p3A_163 = math.log1p %exp3A_162 : vector<1000x64xf32>
    %add3A_164 = arith.addf %max3A_157, %log1p3A_163 : vector<1000x64xf32>
    %mul3A_165 = arith.mulf %logistic3A_154, %add3A_164 : vector<1000x64xf32>
    %add3A_166 = arith.addf %add3A_134, %mul3A_165 : vector<1000x64xf32>
    %get3A_167 = arith.constant 4 : index
    %get3A_168 = arith.constant 0 : index
    %get3A_169 = arith.constant 0 : index
    %get3A_170 = vector.load %arg1[%get3A_167, %get3A_168, %get3A_169] : memref<16x1000x128xf32, #tpu.memory_space<vmem>>, vector<1x1000x128xf32>
    %get3A_171 = vector.shape_cast %get3A_170 : vector<1x1000x128xf32> to vector<1000x128xf32>
    %add3A_172 = arith.addf %get3A_171, %dot_general3A_35 : vector<1000x128xf32>
    %slice3A_173 = vector.extract_strided_slice %dot_general3A_43 {offsets = [0, 512], sizes = [1000, 128], strides = [1, 1]} : vector<1000x2048xf32> to vector<1000x128xf32>
    %add3A_174 = arith.addf %add3A_172, %slice3A_173 : vector<1000x128xf32>
    %mul3A_175 = vector.broadcast %mul3A_23 : vector<1x128xf32> to vector<1000x128xf32>
    %mul3A_176 = arith.mulf %add3A_174, %mul3A_175 : vector<1000x128xf32>
    %add3A_177 = vector.broadcast %sub3A_28 : vector<1x128xf32> to vector<1000x128xf32>
    %add3A_178 = arith.addf %mul3A_176, %add3A_177 : vector<1000x128xf32>
    %slice3A_179 = vector.extract_strided_slice %add3A_178 {offsets = [0, 0], sizes = [1000, 64], strides = [1, 1]} : vector<1000x128xf32> to vector<1000x64xf32>
    %slice3A_180 = vector.extract_strided_slice %add3A_178 {offsets = [0, 64], sizes = [1000, 64], strides = [1, 1]} : vector<1000x128xf32> to vector<1000x64xf32>
    %logistic3A_181 = arith.negf %slice3A_179 : vector<1000x64xf32>
    %logistic3A_182 = math.exp %logistic3A_181 : vector<1000x64xf32>
    %logistic3A_183 = arith.constant 1.000000e+00 : f32
    %logistic3A_184 = vector.broadcast %logistic3A_183 : f32 to vector<1000x64xf32>
    %logistic3A_185 = arith.addf %logistic3A_184, %logistic3A_182 : vector<1000x64xf32>
    %logistic3A_186 = arith.divf %logistic3A_184, %logistic3A_185 : vector<1000x64xf32>
    %max3A_187 = arith.constant 0.000000e+00 : f32
    %max3A_188 = vector.broadcast %max3A_187 : f32 to vector<1000x64xf32>
    %max3A_189 = arith.maximumf %slice3A_180, %max3A_188 : vector<1000x64xf32>
    %abs3A_190 = math.absf %slice3A_180 : vector<1000x64xf32>
    %neg3A_191 = arith.constant 0.000000e+00 : f32
    %neg3A_192 = vector.broadcast %neg3A_191 : f32 to vector<1000x64xf32>
    %neg3A_193 = arith.subf %neg3A_192, %abs3A_190 : vector<1000x64xf32>
    %exp3A_194 = math.exp %neg3A_193 : vector<1000x64xf32>
    %log1p3A_195 = math.log1p %exp3A_194 : vector<1000x64xf32>
    %add3A_196 = arith.addf %max3A_189, %log1p3A_195 : vector<1000x64xf32>
    %mul3A_197 = arith.mulf %logistic3A_186, %add3A_196 : vector<1000x64xf32>
    %add3A_198 = arith.addf %add3A_166, %mul3A_197 : vector<1000x64xf32>
    %get3A_199 = arith.constant 5 : index
    %get3A_200 = arith.constant 0 : index
    %get3A_201 = arith.constant 0 : index
    %get3A_202 = vector.load %arg1[%get3A_199, %get3A_200, %get3A_201] : memref<16x1000x128xf32, #tpu.memory_space<vmem>>, vector<1x1000x128xf32>
    %get3A_203 = vector.shape_cast %get3A_202 : vector<1x1000x128xf32> to vector<1000x128xf32>
    %add3A_204 = arith.addf %get3A_203, %dot_general3A_35 : vector<1000x128xf32>
    %slice3A_205 = vector.extract_strided_slice %dot_general3A_43 {offsets = [0, 640], sizes = [1000, 128], strides = [1, 1]} : vector<1000x2048xf32> to vector<1000x128xf32>
    %add3A_206 = arith.addf %add3A_204, %slice3A_205 : vector<1000x128xf32>
    %mul3A_207 = vector.broadcast %mul3A_23 : vector<1x128xf32> to vector<1000x128xf32>
    %mul3A_208 = arith.mulf %add3A_206, %mul3A_207 : vector<1000x128xf32>
    %add3A_209 = vector.broadcast %sub3A_28 : vector<1x128xf32> to vector<1000x128xf32>
    %add3A_210 = arith.addf %mul3A_208, %add3A_209 : vector<1000x128xf32>
    %slice3A_211 = vector.extract_strided_slice %add3A_210 {offsets = [0, 0], sizes = [1000, 64], strides = [1, 1]} : vector<1000x128xf32> to vector<1000x64xf32>
    %slice3A_212 = vector.extract_strided_slice %add3A_210 {offsets = [0, 64], sizes = [1000, 64], strides = [1, 1]} : vector<1000x128xf32> to vector<1000x64xf32>
    %logistic3A_213 = arith.negf %slice3A_211 : vector<1000x64xf32>
    %logistic3A_214 = math.exp %logistic3A_213 : vector<1000x64xf32>
    %logistic3A_215 = arith.constant 1.000000e+00 : f32
    %logistic3A_216 = vector.broadcast %logistic3A_215 : f32 to vector<1000x64xf32>
    %logistic3A_217 = arith.addf %logistic3A_216, %logistic3A_214 : vector<1000x64xf32>
    %logistic3A_218 = arith.divf %logistic3A_216, %logistic3A_217 : vector<1000x64xf32>
    %max3A_219 = arith.constant 0.000000e+00 : f32
    %max3A_220 = vector.broadcast %max3A_219 : f32 to vector<1000x64xf32>
    %max3A_221 = arith.maximumf %slice3A_212, %max3A_220 : vector<1000x64xf32>
    %abs3A_222 = math.absf %slice3A_212 : vector<1000x64xf32>
    %neg3A_223 = arith.constant 0.000000e+00 : f32
    %neg3A_224 = vector.broadcast %neg3A_223 : f32 to vector<1000x64xf32>
    %neg3A_225 = arith.subf %neg3A_224, %abs3A_222 : vector<1000x64xf32>
    %exp3A_226 = math.exp %neg3A_225 : vector<1000x64xf32>
    %log1p3A_227 = math.log1p %exp3A_226 : vector<1000x64xf32>
    %add3A_228 = arith.addf %max3A_221, %log1p3A_227 : vector<1000x64xf32>
    %mul3A_229 = arith.mulf %logistic3A_218, %add3A_228 : vector<1000x64xf32>
    %add3A_230 = arith.addf %add3A_198, %mul3A_229 : vector<1000x64xf32>
    %get3A_231 = arith.constant 6 : index
    %get3A_232 = arith.constant 0 : index
    %get3A_233 = arith.constant 0 : index
    %get3A_234 = vector.load %arg1[%get3A_231, %get3A_232, %get3A_233] : memref<16x1000x128xf32, #tpu.memory_space<vmem>>, vector<1x1000x128xf32>
    %get3A_235 = vector.shape_cast %get3A_234 : vector<1x1000x128xf32> to vector<1000x128xf32>
    %add3A_236 = arith.addf %get3A_235, %dot_general3A_35 : vector<1000x128xf32>
    %slice3A_237 = vector.extract_strided_slice %dot_general3A_43 {offsets = [0, 768], sizes = [1000, 128], strides = [1, 1]} : vector<1000x2048xf32> to vector<1000x128xf32>
    %add3A_238 = arith.addf %add3A_236, %slice3A_237 : vector<1000x128xf32>
    %mul3A_239 = vector.broadcast %mul3A_23 : vector<1x128xf32> to vector<1000x128xf32>
    %mul3A_240 = arith.mulf %add3A_238, %mul3A_239 : vector<1000x128xf32>
    %add3A_241 = vector.broadcast %sub3A_28 : vector<1x128xf32> to vector<1000x128xf32>
    %add3A_242 = arith.addf %mul3A_240, %add3A_241 : vector<1000x128xf32>
    %slice3A_243 = vector.extract_strided_slice %add3A_242 {offsets = [0, 0], sizes = [1000, 64], strides = [1, 1]} : vector<1000x128xf32> to vector<1000x64xf32>
    %slice3A_244 = vector.extract_strided_slice %add3A_242 {offsets = [0, 64], sizes = [1000, 64], strides = [1, 1]} : vector<1000x128xf32> to vector<1000x64xf32>
    %logistic3A_245 = arith.negf %slice3A_243 : vector<1000x64xf32>
    %logistic3A_246 = math.exp %logistic3A_245 : vector<1000x64xf32>
    %logistic3A_247 = arith.constant 1.000000e+00 : f32
    %logistic3A_248 = vector.broadcast %logistic3A_247 : f32 to vector<1000x64xf32>
    %logistic3A_249 = arith.addf %logistic3A_248, %logistic3A_246 : vector<1000x64xf32>
    %logistic3A_250 = arith.divf %logistic3A_248, %logistic3A_249 : vector<1000x64xf32>
    %max3A_251 = arith.constant 0.000000e+00 : f32
    %max3A_252 = vector.broadcast %max3A_251 : f32 to vector<1000x64xf32>
    %max3A_253 = arith.maximumf %slice3A_244, %max3A_252 : vector<1000x64xf32>
    %abs3A_254 = math.absf %slice3A_244 : vector<1000x64xf32>
    %neg3A_255 = arith.constant 0.000000e+00 : f32
    %neg3A_256 = vector.broadcast %neg3A_255 : f32 to vector<1000x64xf32>
    %neg3A_257 = arith.subf %neg3A_256, %abs3A_254 : vector<1000x64xf32>
    %exp3A_258 = math.exp %neg3A_257 : vector<1000x64xf32>
    %log1p3A_259 = math.log1p %exp3A_258 : vector<1000x64xf32>
    %add3A_260 = arith.addf %max3A_253, %log1p3A_259 : vector<1000x64xf32>
    %mul3A_261 = arith.mulf %logistic3A_250, %add3A_260 : vector<1000x64xf32>
    %add3A_262 = arith.addf %add3A_230, %mul3A_261 : vector<1000x64xf32>
    %get3A_263 = arith.constant 7 : index
    %get3A_264 = arith.constant 0 : index
    %get3A_265 = arith.constant 0 : index
    %get3A_266 = vector.load %arg1[%get3A_263, %get3A_264, %get3A_265] : memref<16x1000x128xf32, #tpu.memory_space<vmem>>, vector<1x1000x128xf32>
    %get3A_267 = vector.shape_cast %get3A_266 : vector<1x1000x128xf32> to vector<1000x128xf32>
    %add3A_268 = arith.addf %get3A_267, %dot_general3A_35 : vector<1000x128xf32>
    %slice3A_269 = vector.extract_strided_slice %dot_general3A_43 {offsets = [0, 896], sizes = [1000, 128], strides = [1, 1]} : vector<1000x2048xf32> to vector<1000x128xf32>
    %add3A_270 = arith.addf %add3A_268, %slice3A_269 : vector<1000x128xf32>
    %mul3A_271 = vector.broadcast %mul3A_23 : vector<1x128xf32> to vector<1000x128xf32>
    %mul3A_272 = arith.mulf %add3A_270, %mul3A_271 : vector<1000x128xf32>
    %add3A_273 = vector.broadcast %sub3A_28 : vector<1x128xf32> to vector<1000x128xf32>
    %add3A_274 = arith.addf %mul3A_272, %add3A_273 : vector<1000x128xf32>
    %slice3A_275 = vector.extract_strided_slice %add3A_274 {offsets = [0, 0], sizes = [1000, 64], strides = [1, 1]} : vector<1000x128xf32> to vector<1000x64xf32>
    %slice3A_276 = vector.extract_strided_slice %add3A_274 {offsets = [0, 64], sizes = [1000, 64], strides = [1, 1]} : vector<1000x128xf32> to vector<1000x64xf32>
    %logistic3A_277 = arith.negf %slice3A_275 : vector<1000x64xf32>
    %logistic3A_278 = math.exp %logistic3A_277 : vector<1000x64xf32>
    %logistic3A_279 = arith.constant 1.000000e+00 : f32
    %logistic3A_280 = vector.broadcast %logistic3A_279 : f32 to vector<1000x64xf32>
    %logistic3A_281 = arith.addf %logistic3A_280, %logistic3A_278 : vector<1000x64xf32>
    %logistic3A_282 = arith.divf %logistic3A_280, %logistic3A_281 : vector<1000x64xf32>
    %max3A_283 = arith.constant 0.000000e+00 : f32
    %max3A_284 = vector.broadcast %max3A_283 : f32 to vector<1000x64xf32>
    %max3A_285 = arith.maximumf %slice3A_276, %max3A_284 : vector<1000x64xf32>
    %abs3A_286 = math.absf %slice3A_276 : vector<1000x64xf32>
    %neg3A_287 = arith.constant 0.000000e+00 : f32
    %neg3A_288 = vector.broadcast %neg3A_287 : f32 to vector<1000x64xf32>
    %neg3A_289 = arith.subf %neg3A_288, %abs3A_286 : vector<1000x64xf32>
    %exp3A_290 = math.exp %neg3A_289 : vector<1000x64xf32>
    %log1p3A_291 = math.log1p %exp3A_290 : vector<1000x64xf32>
    %add3A_292 = arith.addf %max3A_285, %log1p3A_291 : vector<1000x64xf32>
    %mul3A_293 = arith.mulf %logistic3A_282, %add3A_292 : vector<1000x64xf32>
    %add3A_294 = arith.addf %add3A_262, %mul3A_293 : vector<1000x64xf32>
    %get3A_295 = arith.constant 8 : index
    %get3A_296 = arith.constant 0 : index
    %get3A_297 = arith.constant 0 : index
    %get3A_298 = vector.load %arg1[%get3A_295, %get3A_296, %get3A_297] : memref<16x1000x128xf32, #tpu.memory_space<vmem>>, vector<1x1000x128xf32>
    %get3A_299 = vector.shape_cast %get3A_298 : vector<1x1000x128xf32> to vector<1000x128xf32>
    %add3A_300 = arith.addf %get3A_299, %dot_general3A_35 : vector<1000x128xf32>
    %slice3A_301 = vector.extract_strided_slice %dot_general3A_43 {offsets = [0, 1024], sizes = [1000, 128], strides = [1, 1]} : vector<1000x2048xf32> to vector<1000x128xf32>
    %add3A_302 = arith.addf %add3A_300, %slice3A_301 : vector<1000x128xf32>
    %mul3A_303 = vector.broadcast %mul3A_23 : vector<1x128xf32> to vector<1000x128xf32>
    %mul3A_304 = arith.mulf %add3A_302, %mul3A_303 : vector<1000x128xf32>
    %add3A_305 = vector.broadcast %sub3A_28 : vector<1x128xf32> to vector<1000x128xf32>
    %add3A_306 = arith.addf %mul3A_304, %add3A_305 : vector<1000x128xf32>
    %slice3A_307 = vector.extract_strided_slice %add3A_306 {offsets = [0, 0], sizes = [1000, 64], strides = [1, 1]} : vector<1000x128xf32> to vector<1000x64xf32>
    %slice3A_308 = vector.extract_strided_slice %add3A_306 {offsets = [0, 64], sizes = [1000, 64], strides = [1, 1]} : vector<1000x128xf32> to vector<1000x64xf32>
    %logistic3A_309 = arith.negf %slice3A_307 : vector<1000x64xf32>
    %logistic3A_310 = math.exp %logistic3A_309 : vector<1000x64xf32>
    %logistic3A_311 = arith.constant 1.000000e+00 : f32
    %logistic3A_312 = vector.broadcast %logistic3A_311 : f32 to vector<1000x64xf32>
    %logistic3A_313 = arith.addf %logistic3A_312, %logistic3A_310 : vector<1000x64xf32>
    %logistic3A_314 = arith.divf %logistic3A_312, %logistic3A_313 : vector<1000x64xf32>
    %max3A_315 = arith.constant 0.000000e+00 : f32
    %max3A_316 = vector.broadcast %max3A_315 : f32 to vector<1000x64xf32>
    %max3A_317 = arith.maximumf %slice3A_308, %max3A_316 : vector<1000x64xf32>
    %abs3A_318 = math.absf %slice3A_308 : vector<1000x64xf32>
    %neg3A_319 = arith.constant 0.000000e+00 : f32
    %neg3A_320 = vector.broadcast %neg3A_319 : f32 to vector<1000x64xf32>
    %neg3A_321 = arith.subf %neg3A_320, %abs3A_318 : vector<1000x64xf32>
    %exp3A_322 = math.exp %neg3A_321 : vector<1000x64xf32>
    %log1p3A_323 = math.log1p %exp3A_322 : vector<1000x64xf32>
    %add3A_324 = arith.addf %max3A_317, %log1p3A_323 : vector<1000x64xf32>
    %mul3A_325 = arith.mulf %logistic3A_314, %add3A_324 : vector<1000x64xf32>
    %add3A_326 = arith.addf %add3A_294, %mul3A_325 : vector<1000x64xf32>
    %get3A_327 = arith.constant 9 : index
    %get3A_328 = arith.constant 0 : index
    %get3A_329 = arith.constant 0 : index
    %get3A_330 = vector.load %arg1[%get3A_327, %get3A_328, %get3A_329] : memref<16x1000x128xf32, #tpu.memory_space<vmem>>, vector<1x1000x128xf32>
    %get3A_331 = vector.shape_cast %get3A_330 : vector<1x1000x128xf32> to vector<1000x128xf32>
    %add3A_332 = arith.addf %get3A_331, %dot_general3A_35 : vector<1000x128xf32>
    %slice3A_333 = vector.extract_strided_slice %dot_general3A_43 {offsets = [0, 1152], sizes = [1000, 128], strides = [1, 1]} : vector<1000x2048xf32> to vector<1000x128xf32>
    %add3A_334 = arith.addf %add3A_332, %slice3A_333 : vector<1000x128xf32>
    %mul3A_335 = vector.broadcast %mul3A_23 : vector<1x128xf32> to vector<1000x128xf32>
    %mul3A_336 = arith.mulf %add3A_334, %mul3A_335 : vector<1000x128xf32>
    %add3A_337 = vector.broadcast %sub3A_28 : vector<1x128xf32> to vector<1000x128xf32>
    %add3A_338 = arith.addf %mul3A_336, %add3A_337 : vector<1000x128xf32>
    %slice3A_339 = vector.extract_strided_slice %add3A_338 {offsets = [0, 0], sizes = [1000, 64], strides = [1, 1]} : vector<1000x128xf32> to vector<1000x64xf32>
    %slice3A_340 = vector.extract_strided_slice %add3A_338 {offsets = [0, 64], sizes = [1000, 64], strides = [1, 1]} : vector<1000x128xf32> to vector<1000x64xf32>
    %logistic3A_341 = arith.negf %slice3A_339 : vector<1000x64xf32>
    %logistic3A_342 = math.exp %logistic3A_341 : vector<1000x64xf32>
    %logistic3A_343 = arith.constant 1.000000e+00 : f32
    %logistic3A_344 = vector.broadcast %logistic3A_343 : f32 to vector<1000x64xf32>
    %logistic3A_345 = arith.addf %logistic3A_344, %logistic3A_342 : vector<1000x64xf32>
    %logistic3A_346 = arith.divf %logistic3A_344, %logistic3A_345 : vector<1000x64xf32>
    %max3A_347 = arith.constant 0.000000e+00 : f32
    %max3A_348 = vector.broadcast %max3A_347 : f32 to vector<1000x64xf32>
    %max3A_349 = arith.maximumf %slice3A_340, %max3A_348 : vector<1000x64xf32>
    %abs3A_350 = math.absf %slice3A_340 : vector<1000x64xf32>
    %neg3A_351 = arith.constant 0.000000e+00 : f32
    %neg3A_352 = vector.broadcast %neg3A_351 : f32 to vector<1000x64xf32>
    %neg3A_353 = arith.subf %neg3A_352, %abs3A_350 : vector<1000x64xf32>
    %exp3A_354 = math.exp %neg3A_353 : vector<1000x64xf32>
    %log1p3A_355 = math.log1p %exp3A_354 : vector<1000x64xf32>
    %add3A_356 = arith.addf %max3A_349, %log1p3A_355 : vector<1000x64xf32>
    %mul3A_357 = arith.mulf %logistic3A_346, %add3A_356 : vector<1000x64xf32>
    %add3A_358 = arith.addf %add3A_326, %mul3A_357 : vector<1000x64xf32>
    %get3A_359 = arith.constant 10 : index
    %get3A_360 = arith.constant 0 : index
    %get3A_361 = arith.constant 0 : index
    %get3A_362 = vector.load %arg1[%get3A_359, %get3A_360, %get3A_361] : memref<16x1000x128xf32, #tpu.memory_space<vmem>>, vector<1x1000x128xf32>
    %get3A_363 = vector.shape_cast %get3A_362 : vector<1x1000x128xf32> to vector<1000x128xf32>
    %add3A_364 = arith.addf %get3A_363, %dot_general3A_35 : vector<1000x128xf32>
    %slice3A_365 = vector.extract_strided_slice %dot_general3A_43 {offsets = [0, 1280], sizes = [1000, 128], strides = [1, 1]} : vector<1000x2048xf32> to vector<1000x128xf32>
    %add3A_366 = arith.addf %add3A_364, %slice3A_365 : vector<1000x128xf32>
    %mul3A_367 = vector.broadcast %mul3A_23 : vector<1x128xf32> to vector<1000x128xf32>
    %mul3A_368 = arith.mulf %add3A_366, %mul3A_367 : vector<1000x128xf32>
    %add3A_369 = vector.broadcast %sub3A_28 : vector<1x128xf32> to vector<1000x128xf32>
    %add3A_370 = arith.addf %mul3A_368, %add3A_369 : vector<1000x128xf32>
    %slice3A_371 = vector.extract_strided_slice %add3A_370 {offsets = [0, 0], sizes = [1000, 64], strides = [1, 1]} : vector<1000x128xf32> to vector<1000x64xf32>
    %slice3A_372 = vector.extract_strided_slice %add3A_370 {offsets = [0, 64], sizes = [1000, 64], strides = [1, 1]} : vector<1000x128xf32> to vector<1000x64xf32>
    %logistic3A_373 = arith.negf %slice3A_371 : vector<1000x64xf32>
    %logistic3A_374 = math.exp %logistic3A_373 : vector<1000x64xf32>
    %logistic3A_375 = arith.constant 1.000000e+00 : f32
    %logistic3A_376 = vector.broadcast %logistic3A_375 : f32 to vector<1000x64xf32>
    %logistic3A_377 = arith.addf %logistic3A_376, %logistic3A_374 : vector<1000x64xf32>
    %logistic3A_378 = arith.divf %logistic3A_376, %logistic3A_377 : vector<1000x64xf32>
    %max3A_379 = arith.constant 0.000000e+00 : f32
    %max3A_380 = vector.broadcast %max3A_379 : f32 to vector<1000x64xf32>
    %max3A_381 = arith.maximumf %slice3A_372, %max3A_380 : vector<1000x64xf32>
    %abs3A_382 = math.absf %slice3A_372 : vector<1000x64xf32>
    %neg3A_383 = arith.constant 0.000000e+00 : f32
    %neg3A_384 = vector.broadcast %neg3A_383 : f32 to vector<1000x64xf32>
    %neg3A_385 = arith.subf %neg3A_384, %abs3A_382 : vector<1000x64xf32>
    %exp3A_386 = math.exp %neg3A_385 : vector<1000x64xf32>
    %log1p3A_387 = math.log1p %exp3A_386 : vector<1000x64xf32>
    %add3A_388 = arith.addf %max3A_381, %log1p3A_387 : vector<1000x64xf32>
    %mul3A_389 = arith.mulf %logistic3A_378, %add3A_388 : vector<1000x64xf32>
    %add3A_390 = arith.addf %add3A_358, %mul3A_389 : vector<1000x64xf32>
    %get3A_391 = arith.constant 11 : index
    %get3A_392 = arith.constant 0 : index
    %get3A_393 = arith.constant 0 : index
    %get3A_394 = vector.load %arg1[%get3A_391, %get3A_392, %get3A_393] : memref<16x1000x128xf32, #tpu.memory_space<vmem>>, vector<1x1000x128xf32>
    %get3A_395 = vector.shape_cast %get3A_394 : vector<1x1000x128xf32> to vector<1000x128xf32>
    %add3A_396 = arith.addf %get3A_395, %dot_general3A_35 : vector<1000x128xf32>
    %slice3A_397 = vector.extract_strided_slice %dot_general3A_43 {offsets = [0, 1408], sizes = [1000, 128], strides = [1, 1]} : vector<1000x2048xf32> to vector<1000x128xf32>
    %add3A_398 = arith.addf %add3A_396, %slice3A_397 : vector<1000x128xf32>
    %mul3A_399 = vector.broadcast %mul3A_23 : vector<1x128xf32> to vector<1000x128xf32>
    %mul3A_400 = arith.mulf %add3A_398, %mul3A_399 : vector<1000x128xf32>
    %add3A_401 = vector.broadcast %sub3A_28 : vector<1x128xf32> to vector<1000x128xf32>
    %add3A_402 = arith.addf %mul3A_400, %add3A_401 : vector<1000x128xf32>
    %slice3A_403 = vector.extract_strided_slice %add3A_402 {offsets = [0, 0], sizes = [1000, 64], strides = [1, 1]} : vector<1000x128xf32> to vector<1000x64xf32>
    %slice3A_404 = vector.extract_strided_slice %add3A_402 {offsets = [0, 64], sizes = [1000, 64], strides = [1, 1]} : vector<1000x128xf32> to vector<1000x64xf32>
    %logistic3A_405 = arith.negf %slice3A_403 : vector<1000x64xf32>
    %logistic3A_406 = math.exp %logistic3A_405 : vector<1000x64xf32>
    %logistic3A_407 = arith.constant 1.000000e+00 : f32
    %logistic3A_408 = vector.broadcast %logistic3A_407 : f32 to vector<1000x64xf32>
    %logistic3A_409 = arith.addf %logistic3A_408, %logistic3A_406 : vector<1000x64xf32>
    %logistic3A_410 = arith.divf %logistic3A_408, %logistic3A_409 : vector<1000x64xf32>
    %max3A_411 = arith.constant 0.000000e+00 : f32
    %max3A_412 = vector.broadcast %max3A_411 : f32 to vector<1000x64xf32>
    %max3A_413 = arith.maximumf %slice3A_404, %max3A_412 : vector<1000x64xf32>
    %abs3A_414 = math.absf %slice3A_404 : vector<1000x64xf32>
    %neg3A_415 = arith.constant 0.000000e+00 : f32
    %neg3A_416 = vector.broadcast %neg3A_415 : f32 to vector<1000x64xf32>
    %neg3A_417 = arith.subf %neg3A_416, %abs3A_414 : vector<1000x64xf32>
    %exp3A_418 = math.exp %neg3A_417 : vector<1000x64xf32>
    %log1p3A_419 = math.log1p %exp3A_418 : vector<1000x64xf32>
    %add3A_420 = arith.addf %max3A_413, %log1p3A_419 : vector<1000x64xf32>
    %mul3A_421 = arith.mulf %logistic3A_410, %add3A_420 : vector<1000x64xf32>
    %add3A_422 = arith.addf %add3A_390, %mul3A_421 : vector<1000x64xf32>
    %get3A_423 = arith.constant 12 : index
    %get3A_424 = arith.constant 0 : index
    %get3A_425 = arith.constant 0 : index
    %get3A_426 = vector.load %arg1[%get3A_423, %get3A_424, %get3A_425] : memref<16x1000x128xf32, #tpu.memory_space<vmem>>, vector<1x1000x128xf32>
    %get3A_427 = vector.shape_cast %get3A_426 : vector<1x1000x128xf32> to vector<1000x128xf32>
    %add3A_428 = arith.addf %get3A_427, %dot_general3A_35 : vector<1000x128xf32>
    %slice3A_429 = vector.extract_strided_slice %dot_general3A_43 {offsets = [0, 1536], sizes = [1000, 128], strides = [1, 1]} : vector<1000x2048xf32> to vector<1000x128xf32>
    %add3A_430 = arith.addf %add3A_428, %slice3A_429 : vector<1000x128xf32>
    %mul3A_431 = vector.broadcast %mul3A_23 : vector<1x128xf32> to vector<1000x128xf32>
    %mul3A_432 = arith.mulf %add3A_430, %mul3A_431 : vector<1000x128xf32>
    %add3A_433 = vector.broadcast %sub3A_28 : vector<1x128xf32> to vector<1000x128xf32>
    %add3A_434 = arith.addf %mul3A_432, %add3A_433 : vector<1000x128xf32>
    %slice3A_435 = vector.extract_strided_slice %add3A_434 {offsets = [0, 0], sizes = [1000, 64], strides = [1, 1]} : vector<1000x128xf32> to vector<1000x64xf32>
    %slice3A_436 = vector.extract_strided_slice %add3A_434 {offsets = [0, 64], sizes = [1000, 64], strides = [1, 1]} : vector<1000x128xf32> to vector<1000x64xf32>
    %logistic3A_437 = arith.negf %slice3A_435 : vector<1000x64xf32>
    %logistic3A_438 = math.exp %logistic3A_437 : vector<1000x64xf32>
    %logistic3A_439 = arith.constant 1.000000e+00 : f32
    %logistic3A_440 = vector.broadcast %logistic3A_439 : f32 to vector<1000x64xf32>
    %logistic3A_441 = arith.addf %logistic3A_440, %logistic3A_438 : vector<1000x64xf32>
    %logistic3A_442 = arith.divf %logistic3A_440, %logistic3A_441 : vector<1000x64xf32>
    %max3A_443 = arith.constant 0.000000e+00 : f32
    %max3A_444 = vector.broadcast %max3A_443 : f32 to vector<1000x64xf32>
    %max3A_445 = arith.maximumf %slice3A_436, %max3A_444 : vector<1000x64xf32>
    %abs3A_446 = math.absf %slice3A_436 : vector<1000x64xf32>
    %neg3A_447 = arith.constant 0.000000e+00 : f32
    %neg3A_448 = vector.broadcast %neg3A_447 : f32 to vector<1000x64xf32>
    %neg3A_449 = arith.subf %neg3A_448, %abs3A_446 : vector<1000x64xf32>
    %exp3A_450 = math.exp %neg3A_449 : vector<1000x64xf32>
    %log1p3A_451 = math.log1p %exp3A_450 : vector<1000x64xf32>
    %add3A_452 = arith.addf %max3A_445, %log1p3A_451 : vector<1000x64xf32>
    %mul3A_453 = arith.mulf %logistic3A_442, %add3A_452 : vector<1000x64xf32>
    %add3A_454 = arith.addf %add3A_422, %mul3A_453 : vector<1000x64xf32>
    %get3A_455 = arith.constant 13 : index
    %get3A_456 = arith.constant 0 : index
    %get3A_457 = arith.constant 0 : index
    %get3A_458 = vector.load %arg1[%get3A_455, %get3A_456, %get3A_457] : memref<16x1000x128xf32, #tpu.memory_space<vmem>>, vector<1x1000x128xf32>
    %get3A_459 = vector.shape_cast %get3A_458 : vector<1x1000x128xf32> to vector<1000x128xf32>
    %add3A_460 = arith.addf %get3A_459, %dot_general3A_35 : vector<1000x128xf32>
    %slice3A_461 = vector.extract_strided_slice %dot_general3A_43 {offsets = [0, 1664], sizes = [1000, 128], strides = [1, 1]} : vector<1000x2048xf32> to vector<1000x128xf32>
    %add3A_462 = arith.addf %add3A_460, %slice3A_461 : vector<1000x128xf32>
    %mul3A_463 = vector.broadcast %mul3A_23 : vector<1x128xf32> to vector<1000x128xf32>
    %mul3A_464 = arith.mulf %add3A_462, %mul3A_463 : vector<1000x128xf32>
    %add3A_465 = vector.broadcast %sub3A_28 : vector<1x128xf32> to vector<1000x128xf32>
    %add3A_466 = arith.addf %mul3A_464, %add3A_465 : vector<1000x128xf32>
    %slice3A_467 = vector.extract_strided_slice %add3A_466 {offsets = [0, 0], sizes = [1000, 64], strides = [1, 1]} : vector<1000x128xf32> to vector<1000x64xf32>
    %slice3A_468 = vector.extract_strided_slice %add3A_466 {offsets = [0, 64], sizes = [1000, 64], strides = [1, 1]} : vector<1000x128xf32> to vector<1000x64xf32>
    %logistic3A_469 = arith.negf %slice3A_467 : vector<1000x64xf32>
    %logistic3A_470 = math.exp %logistic3A_469 : vector<1000x64xf32>
    %logistic3A_471 = arith.constant 1.000000e+00 : f32
    %logistic3A_472 = vector.broadcast %logistic3A_471 : f32 to vector<1000x64xf32>
    %logistic3A_473 = arith.addf %logistic3A_472, %logistic3A_470 : vector<1000x64xf32>
    %logistic3A_474 = arith.divf %logistic3A_472, %logistic3A_473 : vector<1000x64xf32>
    %max3A_475 = arith.constant 0.000000e+00 : f32
    %max3A_476 = vector.broadcast %max3A_475 : f32 to vector<1000x64xf32>
    %max3A_477 = arith.maximumf %slice3A_468, %max3A_476 : vector<1000x64xf32>
    %abs3A_478 = math.absf %slice3A_468 : vector<1000x64xf32>
    %neg3A_479 = arith.constant 0.000000e+00 : f32
    %neg3A_480 = vector.broadcast %neg3A_479 : f32 to vector<1000x64xf32>
    %neg3A_481 = arith.subf %neg3A_480, %abs3A_478 : vector<1000x64xf32>
    %exp3A_482 = math.exp %neg3A_481 : vector<1000x64xf32>
    %log1p3A_483 = math.log1p %exp3A_482 : vector<1000x64xf32>
    %add3A_484 = arith.addf %max3A_477, %log1p3A_483 : vector<1000x64xf32>
    %mul3A_485 = arith.mulf %logistic3A_474, %add3A_484 : vector<1000x64xf32>
    %add3A_486 = arith.addf %add3A_454, %mul3A_485 : vector<1000x64xf32>
    %get3A_487 = arith.constant 14 : index
    %get3A_488 = arith.constant 0 : index
    %get3A_489 = arith.constant 0 : index
    %get3A_490 = vector.load %arg1[%get3A_487, %get3A_488, %get3A_489] : memref<16x1000x128xf32, #tpu.memory_space<vmem>>, vector<1x1000x128xf32>
    %get3A_491 = vector.shape_cast %get3A_490 : vector<1x1000x128xf32> to vector<1000x128xf32>
    %add3A_492 = arith.addf %get3A_491, %dot_general3A_35 : vector<1000x128xf32>
    %slice3A_493 = vector.extract_strided_slice %dot_general3A_43 {offsets = [0, 1792], sizes = [1000, 128], strides = [1, 1]} : vector<1000x2048xf32> to vector<1000x128xf32>
    %add3A_494 = arith.addf %add3A_492, %slice3A_493 : vector<1000x128xf32>
    %mul3A_495 = vector.broadcast %mul3A_23 : vector<1x128xf32> to vector<1000x128xf32>
    %mul3A_496 = arith.mulf %add3A_494, %mul3A_495 : vector<1000x128xf32>
    %add3A_497 = vector.broadcast %sub3A_28 : vector<1x128xf32> to vector<1000x128xf32>
    %add3A_498 = arith.addf %mul3A_496, %add3A_497 : vector<1000x128xf32>
    %slice3A_499 = vector.extract_strided_slice %add3A_498 {offsets = [0, 0], sizes = [1000, 64], strides = [1, 1]} : vector<1000x128xf32> to vector<1000x64xf32>
    %slice3A_500 = vector.extract_strided_slice %add3A_498 {offsets = [0, 64], sizes = [1000, 64], strides = [1, 1]} : vector<1000x128xf32> to vector<1000x64xf32>
    %logistic3A_501 = arith.negf %slice3A_499 : vector<1000x64xf32>
    %logistic3A_502 = math.exp %logistic3A_501 : vector<1000x64xf32>
    %logistic3A_503 = arith.constant 1.000000e+00 : f32
    %logistic3A_504 = vector.broadcast %logistic3A_503 : f32 to vector<1000x64xf32>
    %logistic3A_505 = arith.addf %logistic3A_504, %logistic3A_502 : vector<1000x64xf32>
    %logistic3A_506 = arith.divf %logistic3A_504, %logistic3A_505 : vector<1000x64xf32>
    %max3A_507 = arith.constant 0.000000e+00 : f32
    %max3A_508 = vector.broadcast %max3A_507 : f32 to vector<1000x64xf32>
    %max3A_509 = arith.maximumf %slice3A_500, %max3A_508 : vector<1000x64xf32>
    %abs3A_510 = math.absf %slice3A_500 : vector<1000x64xf32>
    %neg3A_511 = arith.constant 0.000000e+00 : f32
    %neg3A_512 = vector.broadcast %neg3A_511 : f32 to vector<1000x64xf32>
    %neg3A_513 = arith.subf %neg3A_512, %abs3A_510 : vector<1000x64xf32>
    %exp3A_514 = math.exp %neg3A_513 : vector<1000x64xf32>
    %log1p3A_515 = math.log1p %exp3A_514 : vector<1000x64xf32>
    %add3A_516 = arith.addf %max3A_509, %log1p3A_515 : vector<1000x64xf32>
    %mul3A_517 = arith.mulf %logistic3A_506, %add3A_516 : vector<1000x64xf32>
    %add3A_518 = arith.addf %add3A_486, %mul3A_517 : vector<1000x64xf32>
    %get3A_519 = arith.constant 15 : index
    %get3A_520 = arith.constant 0 : index
    %get3A_521 = arith.constant 0 : index
    %get3A_522 = vector.load %arg1[%get3A_519, %get3A_520, %get3A_521] : memref<16x1000x128xf32, #tpu.memory_space<vmem>>, vector<1x1000x128xf32>
    %get3A_523 = vector.shape_cast %get3A_522 : vector<1x1000x128xf32> to vector<1000x128xf32>
    %add3A_524 = arith.addf %get3A_523, %dot_general3A_35 : vector<1000x128xf32>
    %slice3A_525 = vector.extract_strided_slice %dot_general3A_43 {offsets = [0, 1920], sizes = [1000, 128], strides = [1, 1]} : vector<1000x2048xf32> to vector<1000x128xf32>
    %add3A_526 = arith.addf %add3A_524, %slice3A_525 : vector<1000x128xf32>
    %mul3A_527 = vector.broadcast %mul3A_23 : vector<1x128xf32> to vector<1000x128xf32>
    %mul3A_528 = arith.mulf %add3A_526, %mul3A_527 : vector<1000x128xf32>
    %add3A_529 = vector.broadcast %sub3A_28 : vector<1x128xf32> to vector<1000x128xf32>
    %add3A_530 = arith.addf %mul3A_528, %add3A_529 : vector<1000x128xf32>
    %slice3A_531 = vector.extract_strided_slice %add3A_530 {offsets = [0, 0], sizes = [1000, 64], strides = [1, 1]} : vector<1000x128xf32> to vector<1000x64xf32>
    %slice3A_532 = vector.extract_strided_slice %add3A_530 {offsets = [0, 64], sizes = [1000, 64], strides = [1, 1]} : vector<1000x128xf32> to vector<1000x64xf32>
    %logistic3A_533 = arith.negf %slice3A_531 : vector<1000x64xf32>
    %logistic3A_534 = math.exp %logistic3A_533 : vector<1000x64xf32>
    %logistic3A_535 = arith.constant 1.000000e+00 : f32
    %logistic3A_536 = vector.broadcast %logistic3A_535 : f32 to vector<1000x64xf32>
    %logistic3A_537 = arith.addf %logistic3A_536, %logistic3A_534 : vector<1000x64xf32>
    %logistic3A_538 = arith.divf %logistic3A_536, %logistic3A_537 : vector<1000x64xf32>
    %max3A_539 = arith.constant 0.000000e+00 : f32
    %max3A_540 = vector.broadcast %max3A_539 : f32 to vector<1000x64xf32>
    %max3A_541 = arith.maximumf %slice3A_532, %max3A_540 : vector<1000x64xf32>
    %abs3A_542 = math.absf %slice3A_532 : vector<1000x64xf32>
    %neg3A_543 = arith.constant 0.000000e+00 : f32
    %neg3A_544 = vector.broadcast %neg3A_543 : f32 to vector<1000x64xf32>
    %neg3A_545 = arith.subf %neg3A_544, %abs3A_542 : vector<1000x64xf32>
    %exp3A_546 = math.exp %neg3A_545 : vector<1000x64xf32>
    %log1p3A_547 = math.log1p %exp3A_546 : vector<1000x64xf32>
    %add3A_548 = arith.addf %max3A_541, %log1p3A_547 : vector<1000x64xf32>
    %mul3A_549 = arith.mulf %logistic3A_538, %add3A_548 : vector<1000x64xf32>
    %add3A_550 = arith.addf %add3A_518, %mul3A_549 : vector<1000x64xf32>
    %swap3A = arith.constant 0 : index
    %swap3A_551 = arith.constant 0 : index
    %swap3A_552 = vector.load %arg10[%swap3A, %swap3A_551] : memref<1000x64xf32, #tpu.memory_space<vmem>>, vector<1000x64xf32>
    tpu.vector_store %arg10[%swap3A, %swap3A_551], %add3A_550 {strides = array<i32>} : memref<1000x64xf32, #tpu.memory_space<vmem>>, vector<1000x64xf32>,
    %reduce_sum3A_553 = arith.constant dense<0.000000e+00> : vector<64xf32>
    %reduce_sum3A_554 = vector.multi_reduction <add>, %add3A_550, %reduce_sum3A_553 [0] : vector<1000x64xf32> to vector<64xf32>
    %broadcast_in_dim3A_555 = vector.shape_cast %reduce_sum3A_554 : vector<64xf32> to vector<1x64xf32>
    %swap3A_556 = arith.constant 0 : index
    %swap3A_557 = arith.constant 0 : index
    %swap3A_558 = arith.constant 0 : index
    %swap3A_559 = vector.load %arg11[%swap3A_556, %swap3A_557, %swap3A_558] : memref<1x1x64xf32, #tpu.memory_space<vmem>>, vector<1x1x64xf32>
    %swap3A_560 = vector.shape_cast %swap3A_559 : vector<1x1x64xf32> to vector<1x64xf32>
    %swap3A_561 = vector.shape_cast %broadcast_in_dim3A_555 : vector<1x64xf32> to vector<1x1x64xf32>
    tpu.vector_store %arg11[%swap3A_556, %swap3A_557, %swap3A_558], %swap3A_561 {strides = array<i32>} : memref<1x1x64xf32, #tpu.memory_space<vmem>>, vector<1x1x64xf32>,
    %mul3A_562 = arith.mulf %add3A_550, %add3A_550 : vector<1000x64xf32>
    %reduce_sum3A_563 = arith.constant dense<0.000000e+00> : vector<64xf32>
    %reduce_sum3A_564 = vector.multi_reduction <add>, %mul3A_562, %reduce_sum3A_563 [0] : vector<1000x64xf32> to vector<64xf32>
    %broadcast_in_dim3A_565 = vector.shape_cast %reduce_sum3A_564 : vector<64xf32> to vector<1x64xf32>
    %swap3A_566 = arith.constant 0 : index
    %swap3A_567 = arith.constant 0 : index
    %swap3A_568 = arith.constant 0 : index
    %swap3A_569 = vector.load %arg12[%swap3A_566, %swap3A_567, %swap3A_568] : memref<1x1x64xf32, #tpu.memory_space<vmem>>, vector<1x1x64xf32>
    %swap3A_570 = vector.shape_cast %swap3A_569 : vector<1x1x64xf32> to vector<1x64xf32>
    %swap3A_571 = vector.shape_cast %broadcast_in_dim3A_565 : vector<1x64xf32> to vector<1x1x64xf32>
    tpu.vector_store %arg12[%swap3A_566, %swap3A_567, %swap3A_568], %swap3A_571 {strides = array<i32>} : memref<1x1x64xf32, #tpu.memory_space<vmem>>, vector<1x1x64xf32>,
    return
  }
  func.func @transform_0(%arg0: i32) -> (i32, i32, i32) {
    %c0_i32 = arith.constant 0 : i32
    %c0_i32_0 = arith.constant 0 : i32
    %c0_i32_1 = arith.constant 0 : i32
    return %c0_i32, %arg0, %c0_i32_0 : i32, i32, i32
  }
  func.func @transform_1(%arg0: i32) -> (i32, i32) {
    %c0_i32 = arith.constant 0 : i32
    %c0_i32_0 = arith.constant 0 : i32
    return %arg0, %c0_i32 : i32, i32
  }
  func.func @transform_2(%arg0: i32) -> (i32, i32) {
    %c0_i32 = arith.constant 0 : i32
    %c0_i32_0 = arith.constant 0 : i32
    return %arg0, %c0_i32 : i32, i32
  }
  func.func @transform_3(%arg0: i32) -> (i32, i32) {
    %c0_i32 = arith.constant 0 : i32
    %c0_i32_0 = arith.constant 0 : i32
    %c0_i32_1 = arith.constant 0 : i32
    return %c0_i32, %c0_i32_0 : i32, i32
  }
  func.func @transform_4(%arg0: i32) -> (i32, i32) {
    %c0_i32 = arith.constant 0 : i32
    %c0_i32_0 = arith.constant 0 : i32
    %c0_i32_1 = arith.constant 0 : i32
    return %c0_i32, %c0_i32_0 : i32, i32
  }
  func.func @transform_5(%arg0: i32) -> (i32, i32, i32) {
    %c0_i32 = arith.constant 0 : i32
    %c0_i32_0 = arith.constant 0 : i32
    %c0_i32_1 = arith.constant 0 : i32
    %c0_i32_2 = arith.constant 0 : i32
    return %c0_i32, %c0_i32_0, %c0_i32_1 : i32, i32, i32
  }
  func.func @transform_6(%arg0: i32) -> (i32, i32, i32) {
    %c0_i32 = arith.constant 0 : i32
    %c0_i32_0 = arith.constant 0 : i32
    %c0_i32_1 = arith.constant 0 : i32
    %c0_i32_2 = arith.constant 0 : i32
    return %c0_i32, %c0_i32_0, %c0_i32_1 : i32, i32, i32
  }
  func.func @transform_7(%arg0: i32) -> (i32, i32) {
    %c0_i32 = arith.constant 0 : i32
    %c0_i32_0 = arith.constant 0 : i32
    %c0_i32_1 = arith.constant 0 : i32
    return %c0_i32, %c0_i32_0 : i32, i32
  }
  func.func @transform_8(%arg0: i32) -> (i32, i32) {
    %c0_i32 = arith.constant 0 : i32
    %c0_i32_0 = arith.constant 0 : i32
    %c0_i32_1 = arith.constant 0 : i32
    return %c0_i32, %c0_i32_0 : i32, i32
  }
  func.func @transform_9(%arg0: i32) -> (i32, i32) {
    %c0_i32 = arith.constant 0 : i32
    %c0_i32_0 = arith.constant 0 : i32
    return %arg0, %c0_i32 : i32, i32
  }
  func.func @transform_10(%arg0: i32) -> (i32, i32, i32) {
    %c0_i32 = arith.constant 0 : i32
    %c0_i32_0 = arith.constant 0 : i32
    %c0_i32_1 = arith.constant 0 : i32
    return %arg0, %c0_i32, %c0_i32_0 : i32, i32, i32
  }
  func.func @transform_11(%arg0: i32) -> (i32, i32, i32) {
    %c0_i32 = arith.constant 0 : i32
    %c0_i32_0 = arith.constant 0 : i32
    %c0_i32_1 = arith.constant 0 : i32
    return %arg0, %c0_i32, %c0_i32_0 : i32, i32, i32
  }
}

module attributes {stable_mosaic.version = 14 : i64} {
  func.func @body(%arg0: i32, %arg1: memref<1000x64xf32, #tpu.memory_space<vmem>>, %arg2: memref<1000x64xf32, #tpu.memory_space<vmem>>, %arg3: memref<50x1x64xf32, #tpu.memory_space<vmem>>, %arg4: memref<50x1x64xf32, #tpu.memory_space<vmem>>, %arg5: memref<1x64xf32, #tpu.memory_space<vmem>>, %arg6: memref<1x64xf32, #tpu.memory_space<vmem>>, %arg7: memref<64x128xf32, #tpu.memory_space<vmem>>, %arg8: memref<1000x64xf32, #tpu.memory_space<vmem>>, %arg9: memref<1000x128xf32, #tpu.memory_space<vmem>>) attributes {dimension_semantics = [#tpu.dimension_semantics<parallel>], iteration_bounds = array<i64: 50>, scalar_prefetch = 0 : i64, scratch_operands = 0 : i64, tpu.core_type = #tpu.core_type<tc>, window_params = [{transform_indices = @transform_0, window_bounds = array<i64: 1000, 64>}, {transform_indices = @transform_1, window_bounds = array<i64: 1000, 64>}, {pipeline_mode = #tpu.pipeline_mode<synchronous>, transform_indices = @transform_2, window_bounds = array<i64: 50, 1, 64>}, {pipeline_mode = #tpu.pipeline_mode<synchronous>, transform_indices = @transform_3, window_bounds = array<i64: 50, 1, 64>}, {pipeline_mode = #tpu.pipeline_mode<synchronous>, transform_indices = @transform_4, window_bounds = array<i64: 1, 64>}, {pipeline_mode = #tpu.pipeline_mode<synchronous>, transform_indices = @transform_5, window_bounds = array<i64: 1, 64>}, {pipeline_mode = #tpu.pipeline_mode<synchronous>, transform_indices = @transform_6, window_bounds = array<i64: 64, 128>}, {transform_indices = @transform_7, window_bounds = array<i64: 1000, 64>}, {transform_indices = @transform_8, window_bounds = array<i64: 1000, 128>}]} {
    %get3A = arith.constant 0 : index
    %get3A_0 = arith.constant 0 : index
    %get3A_1 = arith.constant 0 : index
    %get3A_2 = vector.load %arg3[%get3A, %get3A_0, %get3A_1] : memref<50x1x64xf32, #tpu.memory_space<vmem>>, vector<50x1x64xf32>
    %get3A_3 = vector.shape_cast %get3A_2 : vector<50x1x64xf32> to vector<50x64xf32>
    %reduce_sum3A = arith.constant dense<0.000000e+00> : vector<64xf32>
    %reduce_sum3A_4 = vector.multi_reduction <add>, %get3A_3, %reduce_sum3A [0] : vector<50x64xf32> to vector<64xf32>
    %broadcast_in_dim3A = vector.shape_cast %reduce_sum3A_4 : vector<64xf32> to vector<1x64xf32>
    %get3A_5 = arith.constant 0 : index
    %get3A_6 = arith.constant 0 : index
    %get3A_7 = arith.constant 0 : index
    %get3A_8 = vector.load %arg4[%get3A_5, %get3A_6, %get3A_7] : memref<50x1x64xf32, #tpu.memory_space<vmem>>, vector<50x1x64xf32>
    %get3A_9 = vector.shape_cast %get3A_8 : vector<50x1x64xf32> to vector<50x64xf32>
    %reduce_sum3A_10 = arith.constant dense<0.000000e+00> : vector<64xf32>
    %reduce_sum3A_11 = vector.multi_reduction <add>, %get3A_9, %reduce_sum3A_10 [0] : vector<50x64xf32> to vector<64xf32>
    %broadcast_in_dim3A_12 = vector.shape_cast %reduce_sum3A_11 : vector<64xf32> to vector<1x64xf32>
    %div3A = arith.constant 5.000000e+04 : f32
    %div3A_13 = vector.broadcast %div3A : f32 to vector<1x64xf32>
    %div3A_14 = arith.divf %broadcast_in_dim3A, %div3A_13 : vector<1x64xf32>
    %div3A_15 = arith.constant 5.000000e+04 : f32
    %div3A_16 = vector.broadcast %div3A_15 : f32 to vector<1x64xf32>
    %div3A_17 = arith.divf %broadcast_in_dim3A_12, %div3A_16 : vector<1x64xf32>
    %mul3A = arith.mulf %div3A_14, %div3A_14 : vector<1x64xf32>
    %sub3A = arith.subf %div3A_17, %mul3A : vector<1x64xf32>
    %get3A_18 = arith.constant 0 : index
    %get3A_19 = arith.constant 0 : index
    %get3A_20 = vector.load %arg5[%get3A_18, %get3A_19] : memref<1x64xf32, #tpu.memory_space<vmem>>, vector<1x64xf32>
    %add3A = arith.constant 9.99999974E-6 : f32
    %add3A_21 = vector.broadcast %add3A : f32 to vector<1x64xf32>
    %add3A_22 = arith.addf %sub3A, %add3A_21 : vector<1x64xf32>
    %rsqrt3A = math.rsqrt %add3A_22 : vector<1x64xf32>
    %mul3A_23 = arith.mulf %get3A_20, %rsqrt3A : vector<1x64xf32>
    %get3A_24 = arith.constant 0 : index
    %get3A_25 = arith.constant 0 : index
    %get3A_26 = vector.load %arg6[%get3A_24, %get3A_25] : memref<1x64xf32, #tpu.memory_space<vmem>>, vector<1x64xf32>
    %mul3A_27 = arith.mulf %div3A_14, %mul3A_23 : vector<1x64xf32>
    %sub3A_28 = arith.subf %get3A_26, %mul3A_27 : vector<1x64xf32>
    %get3A_29 = arith.constant 0 : index
    %get3A_30 = arith.constant 0 : index
    %get3A_31 = vector.load %arg1[%get3A_29, %get3A_30] : memref<1000x64xf32, #tpu.memory_space<vmem>>, vector<1000x64xf32>
    %get3A_32 = arith.constant 0 : index
    %get3A_33 = arith.constant 0 : index
    %get3A_34 = vector.load %arg2[%get3A_32, %get3A_33] : memref<1000x64xf32, #tpu.memory_space<vmem>>, vector<1000x64xf32>
    %mul3A_35 = vector.broadcast %mul3A_23 : vector<1x64xf32> to vector<1000x64xf32>
    %mul3A_36 = arith.mulf %get3A_34, %mul3A_35 : vector<1000x64xf32>
    %add3A_37 = arith.addf %get3A_31, %mul3A_36 : vector<1000x64xf32>
    %add3A_38 = vector.broadcast %sub3A_28 : vector<1x64xf32> to vector<1000x64xf32>
    %add3A_39 = arith.addf %add3A_37, %add3A_38 : vector<1000x64xf32>
    %max3A = arith.constant 0.000000e+00 : f32
    %max3A_40 = vector.broadcast %max3A : f32 to vector<1000x64xf32>
    %max3A_41 = arith.maximumf %add3A_39, %max3A_40 : vector<1000x64xf32>
    %abs3A = math.absf %add3A_39 : vector<1000x64xf32>
    %neg3A = arith.constant 0.000000e+00 : f32
    %neg3A_42 = vector.broadcast %neg3A : f32 to vector<1000x64xf32>
    %neg3A_43 = arith.subf %neg3A_42, %abs3A : vector<1000x64xf32>
    %exp3A = math.exp %neg3A_43 : vector<1000x64xf32>
    %log1p3A = math.log1p %exp3A : vector<1000x64xf32>
    %add3A_44 = arith.addf %max3A_41, %log1p3A : vector<1000x64xf32>
    %swap3A = arith.constant 0 : index
    %swap3A_45 = arith.constant 0 : index
    %swap3A_46 = vector.load %arg8[%swap3A, %swap3A_45] : memref<1000x64xf32, #tpu.memory_space<vmem>>, vector<1000x64xf32>
    tpu.vector_store %arg8[%swap3A, %swap3A_45], %add3A_44 {strides = array<i32>} : memref<1000x64xf32, #tpu.memory_space<vmem>>, vector<1000x64xf32>,
    %get3A_47 = arith.constant 0 : index
    %get3A_48 = arith.constant 0 : index
    %get3A_49 = vector.load %arg7[%get3A_47, %get3A_48] : memref<64x128xf32, #tpu.memory_space<vmem>>, vector<64x128xf32>
    %dot_general3A = arith.constant dense<0.000000e+00> : vector<1000x128xf32>
    %dot_general3A_50 = tpu.matmul %add3A_44, %get3A_49, %dot_general3A {dimension_numbers = #tpu.dot_dimension_numbers<[1], [0], [0], [1], [0, 0, 1, 1], [], []>, transpose_lhs_hint = false} : vector<1000x64xf32>, vector<64x128xf32>, vector<1000x128xf32> -> vector<1000x128xf32>
    %swap3A_51 = arith.constant 0 : index
    %swap3A_52 = arith.constant 0 : index
    %swap3A_53 = vector.load %arg9[%swap3A_51, %swap3A_52] : memref<1000x128xf32, #tpu.memory_space<vmem>>, vector<1000x128xf32>
    tpu.vector_store %arg9[%swap3A_51, %swap3A_52], %dot_general3A_50 {strides = array<i32>} : memref<1000x128xf32, #tpu.memory_space<vmem>>, vector<1000x128xf32>,
    return
  }
  func.func @transform_0(%arg0: i32) -> (i32, i32) {
    %c0_i32 = arith.constant 0 : i32
    %c0_i32_0 = arith.constant 0 : i32
    return %arg0, %c0_i32 : i32, i32
  }
  func.func @transform_1(%arg0: i32) -> (i32, i32) {
    %c0_i32 = arith.constant 0 : i32
    %c0_i32_0 = arith.constant 0 : i32
    return %arg0, %c0_i32 : i32, i32
  }
  func.func @transform_2(%arg0: i32) -> (i32, i32, i32) {
    %c0_i32 = arith.constant 0 : i32
    %c0_i32_0 = arith.constant 0 : i32
    %c0_i32_1 = arith.constant 0 : i32
    %c0_i32_2 = arith.constant 0 : i32
    return %c0_i32, %c0_i32_0, %c0_i32_1 : i32, i32, i32
  }
  func.func @transform_3(%arg0: i32) -> (i32, i32, i32) {
    %c0_i32 = arith.constant 0 : i32
    %c0_i32_0 = arith.constant 0 : i32
    %c0_i32_1 = arith.constant 0 : i32
    %c0_i32_2 = arith.constant 0 : i32
    return %c0_i32, %c0_i32_0, %c0_i32_1 : i32, i32, i32
  }
  func.func @transform_4(%arg0: i32) -> (i32, i32) {
    %c0_i32 = arith.constant 0 : i32
    %c0_i32_0 = arith.constant 0 : i32
    %c0_i32_1 = arith.constant 0 : i32
    return %c0_i32, %c0_i32_0 : i32, i32
  }
  func.func @transform_5(%arg0: i32) -> (i32, i32) {
    %c0_i32 = arith.constant 0 : i32
    %c0_i32_0 = arith.constant 0 : i32
    %c0_i32_1 = arith.constant 0 : i32
    return %c0_i32, %c0_i32_0 : i32, i32
  }
  func.func @transform_6(%arg0: i32) -> (i32, i32) {
    %c0_i32 = arith.constant 0 : i32
    %c0_i32_0 = arith.constant 0 : i32
    %c0_i32_1 = arith.constant 0 : i32
    return %c0_i32, %c0_i32_0 : i32, i32
  }
  func.func @transform_7(%arg0: i32) -> (i32, i32) {
    %c0_i32 = arith.constant 0 : i32
    %c0_i32_0 = arith.constant 0 : i32
    return %arg0, %c0_i32 : i32, i32
  }
  func.func @transform_8(%arg0: i32) -> (i32, i32) {
    %c0_i32 = arith.constant 0 : i32
    %c0_i32_0 = arith.constant 0 : i32
    return %arg0, %c0_i32 : i32, i32
  }
}

module attributes {stable_mosaic.version = 14 : i64} {
  func.func @body(%arg0: i32, %arg1: memref<1000x64xf32, #tpu.memory_space<vmem>>, %arg2: memref<1000x64xf32, #tpu.memory_space<vmem>>, %arg3: memref<50x1x64xf32, #tpu.memory_space<vmem>>, %arg4: memref<50x1x64xf32, #tpu.memory_space<vmem>>, %arg5: memref<1x64xf32, #tpu.memory_space<vmem>>, %arg6: memref<1x64xf32, #tpu.memory_space<vmem>>, %arg7: memref<1000x64xf32, #tpu.memory_space<vmem>>) attributes {dimension_semantics = [#tpu.dimension_semantics<parallel>], iteration_bounds = array<i64: 50>, scalar_prefetch = 0 : i64, scratch_operands = 0 : i64, tpu.core_type = #tpu.core_type<tc>, window_params = [{transform_indices = @transform_0, window_bounds = array<i64: 1000, 64>}, {transform_indices = @transform_1, window_bounds = array<i64: 1000, 64>}, {pipeline_mode = #tpu.pipeline_mode<synchronous>, transform_indices = @transform_2, window_bounds = array<i64: 50, 1, 64>}, {pipeline_mode = #tpu.pipeline_mode<synchronous>, transform_indices = @transform_3, window_bounds = array<i64: 50, 1, 64>}, {pipeline_mode = #tpu.pipeline_mode<synchronous>, transform_indices = @transform_4, window_bounds = array<i64: 1, 64>}, {pipeline_mode = #tpu.pipeline_mode<synchronous>, transform_indices = @transform_5, window_bounds = array<i64: 1, 64>}, {transform_indices = @transform_6, window_bounds = array<i64: 1000, 64>}]} {
    %get3A = arith.constant 0 : index
    %get3A_0 = arith.constant 0 : index
    %get3A_1 = arith.constant 0 : index
    %get3A_2 = vector.load %arg3[%get3A, %get3A_0, %get3A_1] : memref<50x1x64xf32, #tpu.memory_space<vmem>>, vector<50x1x64xf32>
    %get3A_3 = vector.shape_cast %get3A_2 : vector<50x1x64xf32> to vector<50x64xf32>
    %reduce_sum3A = arith.constant dense<0.000000e+00> : vector<64xf32>
    %reduce_sum3A_4 = vector.multi_reduction <add>, %get3A_3, %reduce_sum3A [0] : vector<50x64xf32> to vector<64xf32>
    %broadcast_in_dim3A = vector.shape_cast %reduce_sum3A_4 : vector<64xf32> to vector<1x64xf32>
    %get3A_5 = arith.constant 0 : index
    %get3A_6 = arith.constant 0 : index
    %get3A_7 = arith.constant 0 : index
    %get3A_8 = vector.load %arg4[%get3A_5, %get3A_6, %get3A_7] : memref<50x1x64xf32, #tpu.memory_space<vmem>>, vector<50x1x64xf32>
    %get3A_9 = vector.shape_cast %get3A_8 : vector<50x1x64xf32> to vector<50x64xf32>
    %reduce_sum3A_10 = arith.constant dense<0.000000e+00> : vector<64xf32>
    %reduce_sum3A_11 = vector.multi_reduction <add>, %get3A_9, %reduce_sum3A_10 [0] : vector<50x64xf32> to vector<64xf32>
    %broadcast_in_dim3A_12 = vector.shape_cast %reduce_sum3A_11 : vector<64xf32> to vector<1x64xf32>
    %div3A = arith.constant 5.000000e+04 : f32
    %div3A_13 = vector.broadcast %div3A : f32 to vector<1x64xf32>
    %div3A_14 = arith.divf %broadcast_in_dim3A, %div3A_13 : vector<1x64xf32>
    %div3A_15 = arith.constant 5.000000e+04 : f32
    %div3A_16 = vector.broadcast %div3A_15 : f32 to vector<1x64xf32>
    %div3A_17 = arith.divf %broadcast_in_dim3A_12, %div3A_16 : vector<1x64xf32>
    %mul3A = arith.mulf %div3A_14, %div3A_14 : vector<1x64xf32>
    %sub3A = arith.subf %div3A_17, %mul3A : vector<1x64xf32>
    %get3A_18 = arith.constant 0 : index
    %get3A_19 = arith.constant 0 : index
    %get3A_20 = vector.load %arg5[%get3A_18, %get3A_19] : memref<1x64xf32, #tpu.memory_space<vmem>>, vector<1x64xf32>
    %add3A = arith.constant 9.99999974E-6 : f32
    %add3A_21 = vector.broadcast %add3A : f32 to vector<1x64xf32>
    %add3A_22 = arith.addf %sub3A, %add3A_21 : vector<1x64xf32>
    %rsqrt3A = math.rsqrt %add3A_22 : vector<1x64xf32>
    %mul3A_23 = arith.mulf %get3A_20, %rsqrt3A : vector<1x64xf32>
    %get3A_24 = arith.constant 0 : index
    %get3A_25 = arith.constant 0 : index
    %get3A_26 = vector.load %arg6[%get3A_24, %get3A_25] : memref<1x64xf32, #tpu.memory_space<vmem>>, vector<1x64xf32>
    %mul3A_27 = arith.mulf %div3A_14, %mul3A_23 : vector<1x64xf32>
    %sub3A_28 = arith.subf %get3A_26, %mul3A_27 : vector<1x64xf32>
    %get3A_29 = arith.constant 0 : index
    %get3A_30 = arith.constant 0 : index
    %get3A_31 = vector.load %arg1[%get3A_29, %get3A_30] : memref<1000x64xf32, #tpu.memory_space<vmem>>, vector<1000x64xf32>
    %get3A_32 = arith.constant 0 : index
    %get3A_33 = arith.constant 0 : index
    %get3A_34 = vector.load %arg2[%get3A_32, %get3A_33] : memref<1000x64xf32, #tpu.memory_space<vmem>>, vector<1000x64xf32>
    %mul3A_35 = vector.broadcast %mul3A_23 : vector<1x64xf32> to vector<1000x64xf32>
    %mul3A_36 = arith.mulf %get3A_34, %mul3A_35 : vector<1000x64xf32>
    %add3A_37 = arith.addf %get3A_31, %mul3A_36 : vector<1000x64xf32>
    %add3A_38 = vector.broadcast %sub3A_28 : vector<1x64xf32> to vector<1000x64xf32>
    %add3A_39 = arith.addf %add3A_37, %add3A_38 : vector<1000x64xf32>
    %max3A = arith.constant 0.000000e+00 : f32
    %max3A_40 = vector.broadcast %max3A : f32 to vector<1000x64xf32>
    %max3A_41 = arith.maximumf %add3A_39, %max3A_40 : vector<1000x64xf32>
    %abs3A = math.absf %add3A_39 : vector<1000x64xf32>
    %neg3A = arith.constant 0.000000e+00 : f32
    %neg3A_42 = vector.broadcast %neg3A : f32 to vector<1000x64xf32>
    %neg3A_43 = arith.subf %neg3A_42, %abs3A : vector<1000x64xf32>
    %exp3A = math.exp %neg3A_43 : vector<1000x64xf32>
    %log1p3A = math.log1p %exp3A : vector<1000x64xf32>
    %add3A_44 = arith.addf %max3A_41, %log1p3A : vector<1000x64xf32>
    %swap3A = arith.constant 0 : index
    %swap3A_45 = arith.constant 0 : index
    %swap3A_46 = vector.load %arg7[%swap3A, %swap3A_45] : memref<1000x64xf32, #tpu.memory_space<vmem>>, vector<1000x64xf32>
    tpu.vector_store %arg7[%swap3A, %swap3A_45], %add3A_44 {strides = array<i32>} : memref<1000x64xf32, #tpu.memory_space<vmem>>, vector<1000x64xf32>,
    return
  }
  func.func @transform_0(%arg0: i32) -> (i32, i32) {
    %c0_i32 = arith.constant 0 : i32
    %c0_i32_0 = arith.constant 0 : i32
    return %arg0, %c0_i32 : i32, i32
  }
  func.func @transform_1(%arg0: i32) -> (i32, i32) {
    %c0_i32 = arith.constant 0 : i32
    %c0_i32_0 = arith.constant 0 : i32
    return %arg0, %c0_i32 : i32, i32
  }
  func.func @transform_2(%arg0: i32) -> (i32, i32, i32) {
    %c0_i32 = arith.constant 0 : i32
    %c0_i32_0 = arith.constant 0 : i32
    %c0_i32_1 = arith.constant 0 : i32
    %c0_i32_2 = arith.constant 0 : i32
    return %c0_i32, %c0_i32_0, %c0_i32_1 : i32, i32, i32
  }
  func.func @transform_3(%arg0: i32) -> (i32, i32, i32) {
    %c0_i32 = arith.constant 0 : i32
    %c0_i32_0 = arith.constant 0 : i32
    %c0_i32_1 = arith.constant 0 : i32
    %c0_i32_2 = arith.constant 0 : i32
    return %c0_i32, %c0_i32_0, %c0_i32_1 : i32, i32, i32
  }
  func.func @transform_4(%arg0: i32) -> (i32, i32) {
    %c0_i32 = arith.constant 0 : i32
    %c0_i32_0 = arith.constant 0 : i32
    %c0_i32_1 = arith.constant 0 : i32
    return %c0_i32, %c0_i32_0 : i32, i32
  }
  func.func @transform_5(%arg0: i32) -> (i32, i32) {
    %c0_i32 = arith.constant 0 : i32
    %c0_i32_0 = arith.constant 0 : i32
    %c0_i32_1 = arith.constant 0 : i32
    return %c0_i32, %c0_i32_0 : i32, i32
  }
  func.func @transform_6(%arg0: i32) -> (i32, i32) {
    %c0_i32 = arith.constant 0 : i32
    %c0_i32_0 = arith.constant 0 : i32
    return %arg0, %c0_i32 : i32, i32
  }
}

module attributes {stable_mosaic.version = 14 : i64} {
  func.func @body(%arg0: i32, %arg1: memref<25x400x64xf32, #tpu.memory_space<vmem>>, %arg2: memref<64x128xf32, #tpu.memory_space<vmem>>, %arg3: memref<1x128xf32, #tpu.memory_space<vmem>>, %arg4: memref<128x128xf32, #tpu.memory_space<vmem>>, %arg5: memref<1x128xf32, #tpu.memory_space<vmem>>, %arg6: memref<128x128xf32, #tpu.memory_space<vmem>>, %arg7: memref<1x128xf32, #tpu.memory_space<vmem>>, %arg8: memref<400x128xf32, #tpu.memory_space<vmem>>) attributes {dimension_semantics = [#tpu.dimension_semantics<parallel>], iteration_bounds = array<i64: 5>, scalar_prefetch = 0 : i64, scratch_operands = 0 : i64, tpu.core_type = #tpu.core_type<tc>, window_params = [{transform_indices = @transform_0, window_bounds = array<i64: 25, 400, 64>}, {pipeline_mode = #tpu.pipeline_mode<synchronous>, transform_indices = @transform_1, window_bounds = array<i64: 64, 128>}, {pipeline_mode = #tpu.pipeline_mode<synchronous>, transform_indices = @transform_2, window_bounds = array<i64: 1, 128>}, {pipeline_mode = #tpu.pipeline_mode<synchronous>, transform_indices = @transform_3, window_bounds = array<i64: 128, 128>}, {pipeline_mode = #tpu.pipeline_mode<synchronous>, transform_indices = @transform_4, window_bounds = array<i64: 1, 128>}, {pipeline_mode = #tpu.pipeline_mode<synchronous>, transform_indices = @transform_5, window_bounds = array<i64: 128, 128>}, {pipeline_mode = #tpu.pipeline_mode<synchronous>, transform_indices = @transform_6, window_bounds = array<i64: 1, 128>}, {transform_indices = @transform_7, window_bounds = array<i64: 400, 128>}]} {
    %broadcast_in_dim3A = arith.constant 0.000000e+00 : f32
    %broadcast_in_dim3A_0 = vector.broadcast %broadcast_in_dim3A : f32 to vector<400x64xf32>
    %get3A = arith.constant 0 : index
    %get3A_1 = arith.constant 0 : index
    %get3A_2 = arith.constant 0 : index
    %get3A_3 = vector.load %arg1[%get3A, %get3A_1, %get3A_2] : memref<25x400x64xf32, #tpu.memory_space<vmem>>, vector<1x400x64xf32>
    %get3A_4 = vector.shape_cast %get3A_3 : vector<1x400x64xf32> to vector<400x64xf32>
    %add3A = arith.addf %broadcast_in_dim3A_0, %get3A_4 : vector<400x64xf32>
    %get3A_5 = arith.constant 1 : index
    %get3A_6 = arith.constant 0 : index
    %get3A_7 = arith.constant 0 : index
    %get3A_8 = vector.load %arg1[%get3A_5, %get3A_6, %get3A_7] : memref<25x400x64xf32, #tpu.memory_space<vmem>>, vector<1x400x64xf32>
    %get3A_9 = vector.shape_cast %get3A_8 : vector<1x400x64xf32> to vector<400x64xf32>
    %add3A_10 = arith.addf %add3A, %get3A_9 : vector<400x64xf32>
    %get3A_11 = arith.constant 2 : index
    %get3A_12 = arith.constant 0 : index
    %get3A_13 = arith.constant 0 : index
    %get3A_14 = vector.load %arg1[%get3A_11, %get3A_12, %get3A_13] : memref<25x400x64xf32, #tpu.memory_space<vmem>>, vector<1x400x64xf32>
    %get3A_15 = vector.shape_cast %get3A_14 : vector<1x400x64xf32> to vector<400x64xf32>
    %add3A_16 = arith.addf %add3A_10, %get3A_15 : vector<400x64xf32>
    %get3A_17 = arith.constant 3 : index
    %get3A_18 = arith.constant 0 : index
    %get3A_19 = arith.constant 0 : index
    %get3A_20 = vector.load %arg1[%get3A_17, %get3A_18, %get3A_19] : memref<25x400x64xf32, #tpu.memory_space<vmem>>, vector<1x400x64xf32>
    %get3A_21 = vector.shape_cast %get3A_20 : vector<1x400x64xf32> to vector<400x64xf32>
    %add3A_22 = arith.addf %add3A_16, %get3A_21 : vector<400x64xf32>
    %get3A_23 = arith.constant 4 : index
    %get3A_24 = arith.constant 0 : index
    %get3A_25 = arith.constant 0 : index
    %get3A_26 = vector.load %arg1[%get3A_23, %get3A_24, %get3A_25] : memref<25x400x64xf32, #tpu.memory_space<vmem>>, vector<1x400x64xf32>
    %get3A_27 = vector.shape_cast %get3A_26 : vector<1x400x64xf32> to vector<400x64xf32>
    %add3A_28 = arith.addf %add3A_22, %get3A_27 : vector<400x64xf32>
    %get3A_29 = arith.constant 5 : index
    %get3A_30 = arith.constant 0 : index
    %get3A_31 = arith.constant 0 : index
    %get3A_32 = vector.load %arg1[%get3A_29, %get3A_30, %get3A_31] : memref<25x400x64xf32, #tpu.memory_space<vmem>>, vector<1x400x64xf32>
    %get3A_33 = vector.shape_cast %get3A_32 : vector<1x400x64xf32> to vector<400x64xf32>
    %add3A_34 = arith.addf %add3A_28, %get3A_33 : vector<400x64xf32>
    %get3A_35 = arith.constant 6 : index
    %get3A_36 = arith.constant 0 : index
    %get3A_37 = arith.constant 0 : index
    %get3A_38 = vector.load %arg1[%get3A_35, %get3A_36, %get3A_37] : memref<25x400x64xf32, #tpu.memory_space<vmem>>, vector<1x400x64xf32>
    %get3A_39 = vector.shape_cast %get3A_38 : vector<1x400x64xf32> to vector<400x64xf32>
    %add3A_40 = arith.addf %add3A_34, %get3A_39 : vector<400x64xf32>
    %get3A_41 = arith.constant 7 : index
    %get3A_42 = arith.constant 0 : index
    %get3A_43 = arith.constant 0 : index
    %get3A_44 = vector.load %arg1[%get3A_41, %get3A_42, %get3A_43] : memref<25x400x64xf32, #tpu.memory_space<vmem>>, vector<1x400x64xf32>
    %get3A_45 = vector.shape_cast %get3A_44 : vector<1x400x64xf32> to vector<400x64xf32>
    %add3A_46 = arith.addf %add3A_40, %get3A_45 : vector<400x64xf32>
    %get3A_47 = arith.constant 8 : index
    %get3A_48 = arith.constant 0 : index
    %get3A_49 = arith.constant 0 : index
    %get3A_50 = vector.load %arg1[%get3A_47, %get3A_48, %get3A_49] : memref<25x400x64xf32, #tpu.memory_space<vmem>>, vector<1x400x64xf32>
    %get3A_51 = vector.shape_cast %get3A_50 : vector<1x400x64xf32> to vector<400x64xf32>
    %add3A_52 = arith.addf %add3A_46, %get3A_51 : vector<400x64xf32>
    %get3A_53 = arith.constant 9 : index
    %get3A_54 = arith.constant 0 : index
    %get3A_55 = arith.constant 0 : index
    %get3A_56 = vector.load %arg1[%get3A_53, %get3A_54, %get3A_55] : memref<25x400x64xf32, #tpu.memory_space<vmem>>, vector<1x400x64xf32>
    %get3A_57 = vector.shape_cast %get3A_56 : vector<1x400x64xf32> to vector<400x64xf32>
    %add3A_58 = arith.addf %add3A_52, %get3A_57 : vector<400x64xf32>
    %get3A_59 = arith.constant 10 : index
    %get3A_60 = arith.constant 0 : index
    %get3A_61 = arith.constant 0 : index
    %get3A_62 = vector.load %arg1[%get3A_59, %get3A_60, %get3A_61] : memref<25x400x64xf32, #tpu.memory_space<vmem>>, vector<1x400x64xf32>
    %get3A_63 = vector.shape_cast %get3A_62 : vector<1x400x64xf32> to vector<400x64xf32>
    %add3A_64 = arith.addf %add3A_58, %get3A_63 : vector<400x64xf32>
    %get3A_65 = arith.constant 11 : index
    %get3A_66 = arith.constant 0 : index
    %get3A_67 = arith.constant 0 : index
    %get3A_68 = vector.load %arg1[%get3A_65, %get3A_66, %get3A_67] : memref<25x400x64xf32, #tpu.memory_space<vmem>>, vector<1x400x64xf32>
    %get3A_69 = vector.shape_cast %get3A_68 : vector<1x400x64xf32> to vector<400x64xf32>
    %add3A_70 = arith.addf %add3A_64, %get3A_69 : vector<400x64xf32>
    %get3A_71 = arith.constant 12 : index
    %get3A_72 = arith.constant 0 : index
    %get3A_73 = arith.constant 0 : index
    %get3A_74 = vector.load %arg1[%get3A_71, %get3A_72, %get3A_73] : memref<25x400x64xf32, #tpu.memory_space<vmem>>, vector<1x400x64xf32>
    %get3A_75 = vector.shape_cast %get3A_74 : vector<1x400x64xf32> to vector<400x64xf32>
    %add3A_76 = arith.addf %add3A_70, %get3A_75 : vector<400x64xf32>
    %get3A_77 = arith.constant 13 : index
    %get3A_78 = arith.constant 0 : index
    %get3A_79 = arith.constant 0 : index
    %get3A_80 = vector.load %arg1[%get3A_77, %get3A_78, %get3A_79] : memref<25x400x64xf32, #tpu.memory_space<vmem>>, vector<1x400x64xf32>
    %get3A_81 = vector.shape_cast %get3A_80 : vector<1x400x64xf32> to vector<400x64xf32>
    %add3A_82 = arith.addf %add3A_76, %get3A_81 : vector<400x64xf32>
    %get3A_83 = arith.constant 14 : index
    %get3A_84 = arith.constant 0 : index
    %get3A_85 = arith.constant 0 : index
    %get3A_86 = vector.load %arg1[%get3A_83, %get3A_84, %get3A_85] : memref<25x400x64xf32, #tpu.memory_space<vmem>>, vector<1x400x64xf32>
    %get3A_87 = vector.shape_cast %get3A_86 : vector<1x400x64xf32> to vector<400x64xf32>
    %add3A_88 = arith.addf %add3A_82, %get3A_87 : vector<400x64xf32>
    %get3A_89 = arith.constant 15 : index
    %get3A_90 = arith.constant 0 : index
    %get3A_91 = arith.constant 0 : index
    %get3A_92 = vector.load %arg1[%get3A_89, %get3A_90, %get3A_91] : memref<25x400x64xf32, #tpu.memory_space<vmem>>, vector<1x400x64xf32>
    %get3A_93 = vector.shape_cast %get3A_92 : vector<1x400x64xf32> to vector<400x64xf32>
    %add3A_94 = arith.addf %add3A_88, %get3A_93 : vector<400x64xf32>
    %get3A_95 = arith.constant 16 : index
    %get3A_96 = arith.constant 0 : index
    %get3A_97 = arith.constant 0 : index
    %get3A_98 = vector.load %arg1[%get3A_95, %get3A_96, %get3A_97] : memref<25x400x64xf32, #tpu.memory_space<vmem>>, vector<1x400x64xf32>
    %get3A_99 = vector.shape_cast %get3A_98 : vector<1x400x64xf32> to vector<400x64xf32>
    %add3A_100 = arith.addf %add3A_94, %get3A_99 : vector<400x64xf32>
    %get3A_101 = arith.constant 17 : index
    %get3A_102 = arith.constant 0 : index
    %get3A_103 = arith.constant 0 : index
    %get3A_104 = vector.load %arg1[%get3A_101, %get3A_102, %get3A_103] : memref<25x400x64xf32, #tpu.memory_space<vmem>>, vector<1x400x64xf32>
    %get3A_105 = vector.shape_cast %get3A_104 : vector<1x400x64xf32> to vector<400x64xf32>
    %add3A_106 = arith.addf %add3A_100, %get3A_105 : vector<400x64xf32>
    %get3A_107 = arith.constant 18 : index
    %get3A_108 = arith.constant 0 : index
    %get3A_109 = arith.constant 0 : index
    %get3A_110 = vector.load %arg1[%get3A_107, %get3A_108, %get3A_109] : memref<25x400x64xf32, #tpu.memory_space<vmem>>, vector<1x400x64xf32>
    %get3A_111 = vector.shape_cast %get3A_110 : vector<1x400x64xf32> to vector<400x64xf32>
    %add3A_112 = arith.addf %add3A_106, %get3A_111 : vector<400x64xf32>
    %get3A_113 = arith.constant 19 : index
    %get3A_114 = arith.constant 0 : index
    %get3A_115 = arith.constant 0 : index
    %get3A_116 = vector.load %arg1[%get3A_113, %get3A_114, %get3A_115] : memref<25x400x64xf32, #tpu.memory_space<vmem>>, vector<1x400x64xf32>
    %get3A_117 = vector.shape_cast %get3A_116 : vector<1x400x64xf32> to vector<400x64xf32>
    %add3A_118 = arith.addf %add3A_112, %get3A_117 : vector<400x64xf32>
    %get3A_119 = arith.constant 20 : index
    %get3A_120 = arith.constant 0 : index
    %get3A_121 = arith.constant 0 : index
    %get3A_122 = vector.load %arg1[%get3A_119, %get3A_120, %get3A_121] : memref<25x400x64xf32, #tpu.memory_space<vmem>>, vector<1x400x64xf32>
    %get3A_123 = vector.shape_cast %get3A_122 : vector<1x400x64xf32> to vector<400x64xf32>
    %add3A_124 = arith.addf %add3A_118, %get3A_123 : vector<400x64xf32>
    %get3A_125 = arith.constant 21 : index
    %get3A_126 = arith.constant 0 : index
    %get3A_127 = arith.constant 0 : index
    %get3A_128 = vector.load %arg1[%get3A_125, %get3A_126, %get3A_127] : memref<25x400x64xf32, #tpu.memory_space<vmem>>, vector<1x400x64xf32>
    %get3A_129 = vector.shape_cast %get3A_128 : vector<1x400x64xf32> to vector<400x64xf32>
    %add3A_130 = arith.addf %add3A_124, %get3A_129 : vector<400x64xf32>
    %get3A_131 = arith.constant 22 : index
    %get3A_132 = arith.constant 0 : index
    %get3A_133 = arith.constant 0 : index
    %get3A_134 = vector.load %arg1[%get3A_131, %get3A_132, %get3A_133] : memref<25x400x64xf32, #tpu.memory_space<vmem>>, vector<1x400x64xf32>
    %get3A_135 = vector.shape_cast %get3A_134 : vector<1x400x64xf32> to vector<400x64xf32>
    %add3A_136 = arith.addf %add3A_130, %get3A_135 : vector<400x64xf32>
    %get3A_137 = arith.constant 23 : index
    %get3A_138 = arith.constant 0 : index
    %get3A_139 = arith.constant 0 : index
    %get3A_140 = vector.load %arg1[%get3A_137, %get3A_138, %get3A_139] : memref<25x400x64xf32, #tpu.memory_space<vmem>>, vector<1x400x64xf32>
    %get3A_141 = vector.shape_cast %get3A_140 : vector<1x400x64xf32> to vector<400x64xf32>
    %add3A_142 = arith.addf %add3A_136, %get3A_141 : vector<400x64xf32>
    %get3A_143 = arith.constant 24 : index
    %get3A_144 = arith.constant 0 : index
    %get3A_145 = arith.constant 0 : index
    %get3A_146 = vector.load %arg1[%get3A_143, %get3A_144, %get3A_145] : memref<25x400x64xf32, #tpu.memory_space<vmem>>, vector<1x400x64xf32>
    %get3A_147 = vector.shape_cast %get3A_146 : vector<1x400x64xf32> to vector<400x64xf32>
    %add3A_148 = arith.addf %add3A_142, %get3A_147 : vector<400x64xf32>
    %div3A = arith.constant 2.500000e+01 : f32
    %div3A_149 = vector.broadcast %div3A : f32 to vector<400x64xf32>
    %div3A_150 = arith.divf %add3A_148, %div3A_149 : vector<400x64xf32>
    %max3A = arith.constant 0.000000e+00 : f32
    %max3A_151 = vector.broadcast %max3A : f32 to vector<400x64xf32>
    %max3A_152 = arith.maximumf %div3A_150, %max3A_151 : vector<400x64xf32>
    %abs3A = math.absf %div3A_150 : vector<400x64xf32>
    %neg3A = arith.constant 0.000000e+00 : f32
    %neg3A_153 = vector.broadcast %neg3A : f32 to vector<400x64xf32>
    %neg3A_154 = arith.subf %neg3A_153, %abs3A : vector<400x64xf32>
    %exp3A = math.exp %neg3A_154 : vector<400x64xf32>
    %log1p3A = math.log1p %exp3A : vector<400x64xf32>
    %add3A_155 = arith.addf %max3A_152, %log1p3A : vector<400x64xf32>
    %get3A_156 = arith.constant 0 : index
    %get3A_157 = arith.constant 0 : index
    %get3A_158 = vector.load %arg2[%get3A_156, %get3A_157] : memref<64x128xf32, #tpu.memory_space<vmem>>, vector<64x128xf32>
    %dot_general3A = arith.constant dense<0.000000e+00> : vector<400x128xf32>
    %dot_general3A_159 = tpu.matmul %add3A_155, %get3A_158, %dot_general3A {dimension_numbers = #tpu.dot_dimension_numbers<[1], [0], [0], [1], [0, 0, 1, 1], [], []>, transpose_lhs_hint = false} : vector<400x64xf32>, vector<64x128xf32>, vector<400x128xf32> -> vector<400x128xf32>
    %get3A_160 = arith.constant 0 : index
    %get3A_161 = arith.constant 0 : index
    %get3A_162 = vector.load %arg3[%get3A_160, %get3A_161] : memref<1x128xf32, #tpu.memory_space<vmem>>, vector<1x128xf32>
    %add3A_163 = vector.broadcast %get3A_162 : vector<1x128xf32> to vector<400x128xf32>
    %add3A_164 = arith.addf %dot_general3A_159, %add3A_163 : vector<400x128xf32>
    %max3A_165 = arith.constant 0.000000e+00 : f32
    %max3A_166 = vector.broadcast %max3A_165 : f32 to vector<400x128xf32>
    %max3A_167 = arith.maximumf %add3A_164, %max3A_166 : vector<400x128xf32>
    %abs3A_168 = math.absf %add3A_164 : vector<400x128xf32>
    %neg3A_169 = arith.constant 0.000000e+00 : f32
    %neg3A_170 = vector.broadcast %neg3A_169 : f32 to vector<400x128xf32>
    %neg3A_171 = arith.subf %neg3A_170, %abs3A_168 : vector<400x128xf32>
    %exp3A_172 = math.exp %neg3A_171 : vector<400x128xf32>
    %log1p3A_173 = math.log1p %exp3A_172 : vector<400x128xf32>
    %add3A_174 = arith.addf %max3A_167, %log1p3A_173 : vector<400x128xf32>
    %get3A_175 = arith.constant 0 : index
    %get3A_176 = arith.constant 0 : index
    %get3A_177 = vector.load %arg4[%get3A_175, %get3A_176] : memref<128x128xf32, #tpu.memory_space<vmem>>, vector<128x128xf32>
    %dot_general3A_178 = arith.constant dense<0.000000e+00> : vector<400x128xf32>
    %dot_general3A_179 = tpu.matmul %add3A_174, %get3A_177, %dot_general3A_178 {dimension_numbers = #tpu.dot_dimension_numbers<[1], [0], [0], [1], [0, 0, 1, 1], [], []>, transpose_lhs_hint = false} : vector<400x128xf32>, vector<128x128xf32>, vector<400x128xf32> -> vector<400x128xf32>
    %get3A_180 = arith.constant 0 : index
    %get3A_181 = arith.constant 0 : index
    %get3A_182 = vector.load %arg5[%get3A_180, %get3A_181] : memref<1x128xf32, #tpu.memory_space<vmem>>, vector<1x128xf32>
    %add3A_183 = vector.broadcast %get3A_182 : vector<1x128xf32> to vector<400x128xf32>
    %add3A_184 = arith.addf %dot_general3A_179, %add3A_183 : vector<400x128xf32>
    %max3A_185 = arith.constant 0.000000e+00 : f32
    %max3A_186 = vector.broadcast %max3A_185 : f32 to vector<400x128xf32>
    %max3A_187 = arith.maximumf %add3A_184, %max3A_186 : vector<400x128xf32>
    %abs3A_188 = math.absf %add3A_184 : vector<400x128xf32>
    %neg3A_189 = arith.constant 0.000000e+00 : f32
    %neg3A_190 = vector.broadcast %neg3A_189 : f32 to vector<400x128xf32>
    %neg3A_191 = arith.subf %neg3A_190, %abs3A_188 : vector<400x128xf32>
    %exp3A_192 = math.exp %neg3A_191 : vector<400x128xf32>
    %log1p3A_193 = math.log1p %exp3A_192 : vector<400x128xf32>
    %add3A_194 = arith.addf %max3A_187, %log1p3A_193 : vector<400x128xf32>
    %get3A_195 = arith.constant 0 : index
    %get3A_196 = arith.constant 0 : index
    %get3A_197 = vector.load %arg6[%get3A_195, %get3A_196] : memref<128x128xf32, #tpu.memory_space<vmem>>, vector<128x128xf32>
    %dot_general3A_198 = arith.constant dense<0.000000e+00> : vector<400x128xf32>
    %dot_general3A_199 = tpu.matmul %add3A_194, %get3A_197, %dot_general3A_198 {dimension_numbers = #tpu.dot_dimension_numbers<[1], [0], [0], [1], [0, 0, 1, 1], [], []>, transpose_lhs_hint = false} : vector<400x128xf32>, vector<128x128xf32>, vector<400x128xf32> -> vector<400x128xf32>
    %get3A_200 = arith.constant 0 : index
    %get3A_201 = arith.constant 0 : index
    %get3A_202 = vector.load %arg7[%get3A_200, %get3A_201] : memref<1x128xf32, #tpu.memory_space<vmem>>, vector<1x128xf32>
    %add3A_203 = vector.broadcast %get3A_202 : vector<1x128xf32> to vector<400x128xf32>
    %add3A_204 = arith.addf %dot_general3A_199, %add3A_203 : vector<400x128xf32>
    %swap3A = arith.constant 0 : index
    %swap3A_205 = arith.constant 0 : index
    %swap3A_206 = vector.load %arg8[%swap3A, %swap3A_205] : memref<400x128xf32, #tpu.memory_space<vmem>>, vector<400x128xf32>
    tpu.vector_store %arg8[%swap3A, %swap3A_205], %add3A_204 {strides = array<i32>} : memref<400x128xf32, #tpu.memory_space<vmem>>, vector<400x128xf32>,
    return
  }
  func.func @transform_0(%arg0: i32) -> (i32, i32, i32) {
    %c0_i32 = arith.constant 0 : i32
    %c0_i32_0 = arith.constant 0 : i32
    %c0_i32_1 = arith.constant 0 : i32
    return %c0_i32, %arg0, %c0_i32_0 : i32, i32, i32
  }
  func.func @transform_1(%arg0: i32) -> (i32, i32) {
    %c0_i32 = arith.constant 0 : i32
    %c0_i32_0 = arith.constant 0 : i32
    %c0_i32_1 = arith.constant 0 : i32
    return %c0_i32, %c0_i32_0 : i32, i32
  }
  func.func @transform_2(%arg0: i32) -> (i32, i32) {
    %c0_i32 = arith.constant 0 : i32
    %c0_i32_0 = arith.constant 0 : i32
    %c0_i32_1 = arith.constant 0 : i32
    return %c0_i32, %c0_i32_0 : i32, i32
  }
  func.func @transform_3(%arg0: i32) -> (i32, i32) {
    %c0_i32 = arith.constant 0 : i32
    %c0_i32_0 = arith.constant 0 : i32
    %c0_i32_1 = arith.constant 0 : i32
    return %c0_i32, %c0_i32_0 : i32, i32
  }
  func.func @transform_4(%arg0: i32) -> (i32, i32) {
    %c0_i32 = arith.constant 0 : i32
    %c0_i32_0 = arith.constant 0 : i32
    %c0_i32_1 = arith.constant 0 : i32
    return %c0_i32, %c0_i32_0 : i32, i32
  }
  func.func @transform_5(%arg0: i32) -> (i32, i32) {
    %c0_i32 = arith.constant 0 : i32
    %c0_i32_0 = arith.constant 0 : i32
    %c0_i32_1 = arith.constant 0 : i32
    return %c0_i32, %c0_i32_0 : i32, i32
  }
  func.func @transform_6(%arg0: i32) -> (i32, i32) {
    %c0_i32 = arith.constant 0 : i32
    %c0_i32_0 = arith.constant 0 : i32
    %c0_i32_1 = arith.constant 0 : i32
    return %c0_i32, %c0_i32_0 : i32, i32
  }
  func.func @transform_7(%arg0: i32) -> (i32, i32) {
    %c0_i32 = arith.constant 0 : i32
    %c0_i32_0 = arith.constant 0 : i32
    return %arg0, %c0_i32 : i32, i32
  }
}

</mosaic_0001>

<sc_bundles>
// kernel: kernel.17.cloned.1.call-start
scs
__scs_entry_jumppad:
0x0: {  	(pc) =	sbr.rel $0x88, $3  }
0x1: {  	(tag) =	ssettag $0x0;
	lr =	simm.s32 $0x1  }
0x2: {  	[smem:$0x3F86] =	sst lr;
	_ =	strace $0xD0000000  }
0x3: {  	_ = 	snop  }
0x4: {  	_ = 	snop  }
0x5: {  	_ = 	snop  }
0x6: {  	_ = 	snop  }
0x7: {  	_ = 	snop  }
__scs_overlays_trampoline_lowered:
0x8: {  	[smem:$0x3F95] =	sst s0  }
0x9: {  	[smem:$0x3F96] =	sst s1  }
0xa: {  	[smem:$0x3F97] =	sst s2  }
0xb: {  	[smem:$0x3F98] =	sst s3  }
0xc: {  	[smem:$0x3F99] =	sst s4  }
0xd: {  	[smem:$0x3F9A] =	sst s5  }
0xe: {  	[smem:$0x3F9B] =	sst s6  }
0xf: {  	[smem:$0x3F9C] =	sst s7  }
0x10: {  	[smem:$0x3F9D] =	sst s8  }
0x11: {  	[smem:$0x3F9E] =	sst s9;
	s0 =	simm.s32 @!p0 $0x0  }
0x12: {  	s1 =	sld [smem:$0x3F84];
	s0 =	simm.s32 @p0 $0x1  }
0x13: {  	[smem:$0x3F9F] =	sst s0;
	s0 =	simm.s32 @!p1 $0x0  }
0x14: {  	s2 =	sld [smem:$0x3F83];
	s0 =	simm.s32 @p1 $0x1  }
0x15: {  	[smem:$0x3FA0] =	sst s0;
	s0 =	simm.s32 @!p2 $0x0  }
0x16: {  	s3 =	sld [smem:$0x3FDB];
	s0 =	simm.s32 @p2 $0x1  }
0x17: {  	s4 =	simm.s32 $0x1BF5;
	[smem:$0x3FA2] =	sst s0  }
0x18: {  	s0 =	sld [smem:$0x3F85];
	_ =	swait.ge [sflag:s4], $0x0  }
0x19: {  	s7 =	sld [smem:$0x3F86]  }
0x1a: {  	s8 =	sadd.s32 $0xFFFFE003, lr  }
0x1b: {  	s9 =	sadd.s32 $0xFFFFFEF7, lr;
	s5 =	simm.s32 $0xFFFFFFFF;
	p2 =	slt.u32 s8, $0xFFFFF086  }
0x1c: {  	p1 =	slt.u32 s9, $0xF7A;
	s5 =	simm.s32 @!p2 $0x0  }
0x1d: {  	s5 =	simm.s32 @p1 $0x1;
	p0 =	seq.s32 s7, s2  }
0x1e: {  	s7 =	smul.u32 @!p0 $0xF7A, s2;
	p2 =	seq.s32 @!p0 s5, $0x0  }
0x1f: {  	s9 =	smul.u32 $0xF7A, s1;
	s8 =	simm.s32 @!p0 $0x1BF5;
	p2 =	por !p2, p0  }
0x20: {  	[sflag:s8] =	ssyncset.s32 @!p0 $0xFFFFF086;
	s6 =	sadd.s32 @!p0 s3, s7;
	s7 =	simm.s32 @!p0 $0x108  }
0x21: {  	s3 =	sadd.s32 s3, s9;
	s6 =	sadd.s32 @!p0 $0x88, s6;
	s7 =	simm.s32 @p2 $0x1082  }
0x22: {  	[simem:s7], [sflag:s8] =	dma.local @!p0 [hbm:s6], $0xF7A  }
0x23: {  	s9 =	sor.u32 $0xD0000000, s2;
	s6 =	simm.s32 $0x108;
	_ =	swait.ge @!p0 [sflag:s8], $0x0  }
0x24: {  	s3 =	sadd.s32 $0x88, s3;
	s6 =	simm.s32 @!p1 $0x1082;
	[sflag:s4] =	ssyncset.s32 $0xFFFFF086  }
0x25: {  	[simem:s6], [sflag:s4] =	dma.local [hbm:s3], $0xF7A  }
0x26: {  	[smem:$0x3F86] =	sst s1;
	(tag) =	ssettag s2;
	_ =	strace s9  }
0x27: {  	s1 =	sld [smem:$0x3F96]  }
0x28: {  	s2 =	sld [smem:$0x3F97]  }
0x29: {  	s4 =	sld [smem:$0x3F99]  }
0x2a: {  	p0 =	seq.s32 s5, $0x0;
	s5 =	sld [smem:$0x3F9A]  }
0x2b: {  	s6 =	sld [smem:$0x3F9B]  }
0x2c: {  	s7 =	sld [smem:$0x3F9C]  }
0x2d: {  	s3 =	simm.s32 $0x108;
	s8 =	sld [smem:$0x3F9D]  }
0x2e: {  	s3 =	simm.s32 @!p0 $0x1082;
	s9 =	sld [smem:$0x3F9E]  }
0x2f: {  	lr =	sadd.s32 s0, s3;
	s0 =	sld [smem:$0x3F95]  }
0x30: {  	s3 =	sld [smem:$0x3F98]  }
0x31: {  	[smem:$0x3FA1] =	sst s10  }
0x32: {  	s10 =	sld [smem:$0x3F9F];
	_ =	sdelay $0x3  }
0x33: {  	p0 =	seq.s32 s10, $0x1;
	s10 =	sld [smem:$0x3FA1];
	_ =	sdelay $0x3  }
0x34: {  	[smem:$0x3FA1] =	sst s10  }
0x35: {  	s10 =	sld [smem:$0x3FA0];
	_ =	sdelay $0x3  }
0x36: {  	p1 =	seq.s32 s10, $0x1;
	s10 =	sld [smem:$0x3FA1];
	_ =	sdelay $0x3  }
0x37: {  	[smem:$0x3FA1] =	sst s10  }
0x38: {  	s10 =	sld [smem:$0x3FA2]  }
0x39: {  	_ = 	snop;
	(pc) =	sbr.ind lr, $3  }
0x3a: {  	_ = 	snop  }
0x3b: {  	_ = 	snop  }
0x3c: {  	p2 =	seq.s32 s10, $0x1;
	s10 =	sld [smem:$0x3FA1]  }
0x3d: {  	_ =	shalt  }
0x3e: {  	_ =	shalt  }
0x3f: {  	_ =	shalt  }
0x40: {  	_ =	shalt  }
0x41: {  	_ =	shalt  }
0x42: {  	_ =	shalt  }
0x43: {  	_ =	shalt  }
0x44: {  	_ =	shalt  }
0x45: {  	_ =	shalt  }
0x46: {  	_ =	shalt  }
0x47: {  	_ =	shalt  }
0x48: {  	_ =	shalt  }
0x49: {  	_ =	shalt  }
0x4a: {  	_ =	shalt  }
0x4b: {  	_ =	shalt  }
0x4c: {  	_ =	shalt  }
0x4d: {  	_ =	shalt  }
0x4e: {  	_ =	shalt  }
0x4f: {  	_ =	shalt  }
0x50: {  	_ =	shalt  }
0x51: {  	_ =	shalt  }
0x52: {  	_ =	shalt  }
0x53: {  	_ =	shalt  }
0x54: {  	_ =	shalt  }
0x55: {  	_ =	shalt  }
0x56: {  	_ =	shalt  }
0x57: {  	_ =	shalt  }
0x58: {  	_ =	shalt  }
0x59: {  	_ =	shalt  }
0x5a: {  	_ =	shalt  }
0x5b: {  	_ =	shalt  }
0x5c: {  	_ =	shalt  }
0x5d: {  	_ =	shalt  }
0x5e: {  	_ =	shalt  }
0x5f: {  	_ =	shalt  }
0x60: {  	_ =	shalt  }
0x61: {  	_ =	shalt  }
0x62: {  	_ =	shalt  }
0x63: {  	_ =	shalt  }
0x64: {  	_ =	shalt  }
0x65: {  	_ =	shalt  }
0x66: {  	_ =	shalt  }
0x67: {  	_ =	shalt  }
0x68: {  	_ =	shalt  }
0x69: {  	_ =	shalt  }
0x6a: {  	_ =	shalt  }
0x6b: {  	_ =	shalt  }
0x6c: {  	_ =	shalt  }
0x6d: {  	_ =	shalt  }
0x6e: {  	_ =	shalt  }
0x6f: {  	_ =	shalt  }
0x70: {  	_ =	shalt  }
0x71: {  	_ =	shalt  }
0x72: {  	_ =	shalt  }
0x73: {  	_ =	shalt  }
0x74: {  	_ =	shalt  }
0x75: {  	_ =	shalt  }
0x76: {  	_ =	shalt  }
0x77: {  	_ =	shalt  }
0x78: {  	_ =	shalt  }
0x79: {  	_ =	shalt  }
0x7a: {  	_ =	shalt  }
0x7b: {  	_ =	shalt  }
0x7c: {  	_ =	shalt  }
0x7d: {  	_ =	shalt  }
0x7e: {  	_ =	shalt  }
0x7f: {  	_ =	shalt  }
0x80: {  	_ =	shalt  }
0x81: {  	_ =	shalt  }
0x82: {  	_ =	shalt  }
0x83: {  	_ =	shalt  }
0x84: {  	_ =	shalt  }
0x85: {  	_ =	shalt  }
0x86: {  	_ =	shalt  }
0x87: {  	_ =	shalt  }
.Lfunc_end0:
.L_simem_size_0:
called_computation_lowered:
.L_overlay_start_0:
0x88: {  	s2 =	sld [smem:$0x3FD9]  }
0x89: {  	s3 =	sld [smem:$0x3FFE];
	_ =	sdelay $0x1  }
0x8a: {  	s1 =	srdreg.scid  }
0x8b: {  	s0 =	sand.u32 $0x1, s1  }
0x8c: {  	s16 =	sshll.u32 s0, $0xA;
	s2 =	sadd.s32 s3, s2  }
0x8d: {  	s2 =	sadd.s32 s2, s16  }
0x8e: {  	[smem:$0x3FAD] =	sst s2  }
0x8f: {  	_ = 	snop  }
0x90: {  	(tm) =	ssettm $0x1  }
0x91: {  	s17 =	sld [smem:$0x3FFB];
	_ =	sdelay $0x3  }
0x92: {  	_ =	strace s17  }
0x93: {  	s2 =	sld [smem:$0x3FFC];
	_ =	sdelay $0x3  }
0x94: {  	_ =	strace s2  }
0x95: {  	s2 =	sld [smem:$0x3FFD];
	_ =	sdelay $0x3  }
0x96: {  	_ =	strace s2  }
0x97: {  	_ =	strace $0x8FFFFFFF  }
0x98: {  	s18 =	sld [smem:$0x3FDB];
	_ =	sdelay $0x1  }
0x99: {  	s19 =	simm.s32 $_scs_section_size  }
0x9a: {  	s4 =	simm.s32 $_size__tile_overlayer_lowered;
	s5 =	simm.s32 $_tile_overlayer_lowered  }
0x9b: {  	s22 =	simm.s32 $0x1BFF;
	s21 =	sshll.u32 s5, $0x1;
	s2 =	sadd.s32 s19, s18  }
0x9c: {  	s6 =	simm.s32 $0x0;
	s20 =	sshll.u32 s4, $0x1;
	s4 =	sadd.s32 s21, s2  }
0x9d: {  	[timem:s6], [sflag:s22] =	dma.local [hbm:s4], s20  }
0x9e: {  	_ =	swait.ge [sflag:s22], s20  }
0x9f: {  	s3 =	ssub.s32 $0x0, s20;
	[sflag:s22] =	ssyncset.done $0x0  }
0xa0: {  	[sflag:s22] =	ssyncadd.s32 s3;
	_ =	sdelay $0x1  }
0xa1: {  	s23 =	simm.s32 $0x1B8B  }
0xa2: {  	_ =	swait.ge [sflag:s23], $0x1  }
0xa3: {  	[sflag:s23] =	ssyncset.done $0x0  }
0xa4: {  	s25 =	simm.s32 $0x1B8E;
	s24 =	sld [smem:$0x3FFE];
	[sflag:s23] =	ssyncadd.s32 $0xFFFFFFFF  }
0xa5: {  	s26 =	simm.s32 $execute0_lowered;
	[smem:$0x3FD2] =	sst s25  }
0xa6: {  	s4 =	sshll.u32 s26, $0x1;
	_ =	strace $0x80000046;
	[dreg:$0x1] =	wrdreg $0xFFFFFFFF  }
0xa7: {  	s28 =	simm.s32 $_size_execute0_lowered;
	s2 =	sadd.s32 s2, s4;
	[dreg:$0x0] =	wrdreg $0x0  }
0xa8: {  	s4 =	sshll.u32 s28, $0x1;
	[dreg:$0x2] =	wrdreg s2  }
0xa9: {  	[dreg:$0x3] =	wrdreg s4  }
0xaa: {  	[dreg:$0x4] =	wrdreg $0xC0  }
0xab: {  	_ =	task [dreg:s6], $0x5FFFF  }
0xac: {  	[dreg:$0x1] =	wrdreg $0xFFFFFFFF  }
0xad: {  	[dreg:$0x0] =	wrdreg $0x60  }
0xae: {  	[dreg:$0x2] =	wrdreg s24  }
0xaf: {  	[dreg:$0x3] =	wrdreg $0x9  }
0xb0: {  	_ =	task.clear_ibuf [dreg:s6], $0x4FFFF;
	_ =	strace $0x90000046  }
0xb1: {  	s29 =	simm.s32 $0x9;
	_ =	strace $0x8000004F  }
0xb2: {  	_ =	swait.ge [sflag:s29], $0x1  }
0xb3: {  	[sflag:s29] =	ssyncadd.s32 $0xFFFFFFFF  }
0xb4: {  	_ =	strace $0x9000004F  }
0xb5: {  	_ =	sfence  }
0xb6: {  	s30 =	sld [smem:$0x0];
	_ =	sdelay $0x2  }
0xb7: {  	s31 =	sshll.u32 s1, $0xD;
	s1 =	sshrl.u32 s1, $0x2  }
0xb8: {  	s3 =	sand.u32 $0x4000, s31;
	s1 =	sadd.s32 s1, s30  }
0xb9: {  	s0 =	sor.u32 s3, s0;
	s1 =	sshll.u32 s1, $0x11  }
0xba: {  	s0 =	sor.u32 s1, s0  }
0xbb: {  	s0 =	sadd.s32 $0x8F2B, s0  }
0xbc: {  	[sflag:s0] =	ssyncadd.remote.s32 $0x1  }
0xbd: {  	_ =	sfence.sel $0xFFFF  }
0xbe: {  	[dreg:$0x0] =	wrdreg $0xFFFFFFFF;
	(pc) =	sbr.abs _section_cstart, $3  }
0xbf: {  	[dreg:$0x1] =	wrdreg $0xFFFFFFFF  }
0xc0: {  	_ =	task.clear_ibuf [dreg:s6], $0x2FFFF;
	_ =	strace $0x9FFFFFFF  }
0xc1: {  	(tm) =	ssettm $0x7FFFFFFF  }
tec
execute0_lowered:
.L_overlay_start_1:
0x0: {  	(tag) =	ssettag $0x1  }
0x1: {  	s4 =	rddreg [dreg:$0x0];
	s1 =	srdreg.scid  }
0x2: {  	s0 =	rddreg [dreg:$0x1];
	s2 =	simm.s32 $0x0;
	s9 =	simm.s32 $0x1  }
0x3: {  	s10 =	simm.s32 $0x80;
	s11 =	simm.s32 $0x0;
	s5 =	sand.u32 $0x1, s1  }
0x4: {  	s1 =	stileid.u32;
	[smem:$0x7FF] =	sst s2;
	s3 =	sshll.u32 s5, $0x4  }
0x5: {  	s6 =	sadd.s32 $0x1F800, s4;
	s8 =	sadd.s32 $0x1A6400, s4;
	s3 =	sor.u32 s1, s3  }
0x6: {  	_ =	strace $0x80000047;
	[dreg:$0x2] =	wrdreg s6;
	s7 =	smul.u32 $0xC3, s3  }
0x7: {  	s4 =	sadd.s32 $0x7000, s4;
	[dreg:$0x4] =	wrdreg s8;
	s6 =	smul.u32 $0xC4, s3  }
0x8: {  	s29 =	ssub.s32 $0x2, s5;
	p0 =	slt.u32 s3, $0xA;
	s3 =	sadd.s32 $0xA, s7  }
0x9: {  	s5 =	simm.s32 $0xC4;
	[dreg:$0x3] =	wrdreg s10;
	s3 =	smov.u32 @p0 s6  }
0xa: {  	s10 =	simm.s32 $0x5;
	s31 =	sshrl.u32 s29, $0x1;
	s30 =	sshll.u32 s3, $0x4  }
0xb: {  	s8 =	ssub.s32 s29, s31;
	s5 =	simm.s32 @!p0 $0xC3;
	s7 =	sand.u32 $0x1FFFFFF0, s30  }
0xc: {  	s8 =	smax.u32 s8, $0x1;
	s6 =	sadd.s32 s4, s7;
	s7 =	sadd.s32 $0xFFFFFFFF, s5  }
.LBB2_1:
0xd: {  	_ =	strace $0x80000048;
	p2 =	sne.s32 s5, $0x1  }
.Ltmp0:
0xe: {  	p0 =	seq.s32 s5, $0x1;
	s13 =	simm.s32 $0x1;
	(pc) =	sbr.rel @!p2 .LBB2_2-.Ltmp0, $4  }
0xf: {  	[tilespmem:s2], [sflag:$0x1] =	stream.linear.gather [hbm4b:s6+s2], $0x80, $0x200038;
	[tilespmem:$0x8100] =	vst v63  }
0x10: {  	s12 =	simm.s32 $0x1;
	p1 =	por $0x1, $0x1;
	s13 =	simm.s32 @p0 $0x0  }
0x11: {  	p6 =	sgt.u32 s7, $0x0;
	p4 =	por p1, p1;
	p3 =	sne.s32 s13, $0x0  }
0x12: {  	_ =	strace $0x90000048;
	p5 =	por !p6, !p3;
	p6 =	por $0x0, $0x0  }
0x13: {  	p2 =	por !p5, !p5  }
0x14: {  	s21 =	sand.u32 $0x1, s2;
	s19 =	simm.s32 $0x2;
	s14 =	sadd.s32 @p2 s3, s13  }
0x15: {  	p1 =	por p3, p3;
	s15 =	sand.u32 @p2 $0x1, s9;
	s14 =	sshll.u32 @p2 s14, $0x4  }
0x16: {  	_ =	strace @p2 $0x80000049;
	s17 =	simm.s32 @p2 $0x0;
	s14 =	sand.u32 @p2 $0x1FFFFFF0, s14  }
0x17: {  	s16 =	sshll.u32 @p2 s15, $0x7;
	s15 =	sadd.s32 @p2 $0x1, s15;
	s14 =	sadd.s32 @p2 s4, s14  }
0x18: {  	[tilespmem:s16], [sflag:s15] =	stream.linear.gather @p2 [hbm4b:s14+s17], $0x80, $0x200038;
	[tilespmem:$0x8100] =	vst v63  }
0x19: {  	s30 =	simm.s32 $0x0;
	p6 =	por $0x0, $0x0;
	_ =	strace @p2 $0x90000049  }
0x1a: {  	p0 =	sne.s32 s5, $0x2;
	s29 =	sadd.s32 $0x1, s21;
	_ =	strace $0x8000004A  }
0x1b: {  	s24 =	sadd.s32 $0x0, s3;
	p5 =	sgt.u32 s7, $0x1;
	_ =	swait.ge [sflag:s29], $0x80  }
0x1c: {  	s23 =	simm.s32 $0x1;
	s22 =	sshll.u32 s21, $0xE;
	[sflag:s29] =	ssyncset.done $0x0  }
0x1d: {  	s22 =	sor.u32 $0x100, s22;
	s16 =	sand.u32 @!p4 $0x1, s2;
	[sflag:s29] =	ssyncadd.s32 $0xFFFFFF80  }
0x1e: {  	s15 =	simm.s32 $0x1;
	s17 =	sadd.s32 $0x1, s13;
	_ =	strace $0x9000004A  }
0x1f: {  	s14 =	sand.u32 $0x80, s30;
	s15 =	simm.s32 @!p2 $0x0;
	_ =	strace $0x8000004B  }
0x20: {  	p2 =	por p4, p4;
	p4 =	por p6, p6;
	s20 =	rddreg [dreg:$0x3]  }
0x21: {  	p3 =	seq.s32 s17, s5;
	p6 =	seq.s32 s7, $0x0;
	s31 =	rddreg [dreg:$0x2]  }
0x22: {  	[tilespmem:s22], [sflag:$0x5] =	stream.indirect.gather [hbm4b:s31+s20], $0x80, s14, s20, $0x2000b8;
	[tilespmem:$0x8100] =	vst v63  }
.Ltmp1:
0x23: {  	s18 =	sadd.s32 $0x1, s15;
	s17 =	simm.s32 @p3 $0x0;
	(pc) =	sbr.rel @!p0 .LBB2_4-.Ltmp1, $4  }
0x24: {  	p1 =	por p6, p1;
	p6 =	por $0x0, $0x0;
	_ =	swait.ge [sflag:s10], $0x4000  }
0x25: {  	s15 =	simm.s32 $0x0;
	p3 =	sne.s32 s13, s17;
	[sflag:s10] =	ssyncset.done $0x0  }
0x26: {  	s23 =	simm.s32 @!p6 $0x0;
	p5 =	por !p5, !p3;
	[sflag:s10] =	ssyncadd.s32 $0xFFFFC000  }
0x27: {  	s14 =	simm.s32 $0x0;
	s20 =	simm.s32 $0x0;
	_ =	strace $0x9000004B  }
.LBB2_5:
0x28: {  	_ =	strace @p1 $0x8000004C;
	s14 =	sadd.s32 s23, s14;
	s23 =	smov.u32 s12  }
0x29: {  	s12 =	smov.u32 s19;
	s19 =	sadd.s32 $0x1, s19;
	p0 =	por p3, p3  }
0x2a: {  	s29 =	sshll.u32 @p1 s24, $0xB;
	s21 =	sadd.s32 @p1 $0x3, s21;
	s25 =	simm.s32 @!p0 $0x0  }
0x2b: {  	s26 =	rddreg [dreg:$0x4];
	s29 =	sand.u32 @p1 $0x1FFFF800, s29;
	s25 =	simm.s32 @p0 $0x1  }
0x2c: {  	s26 =	sadd.s32 @p1 s26, s29;
	s29 =	simm.s32 @p1 $0x0;
	p0 =	sne.s32 s5, s19  }
0x2d: {  	[hbm4b:s26+s29] =	stream.linear.scatter @p1 [tilespmem:s22], [sflag:s21], $0x4000, $0x200038;
	[tilespmem:$0x8100] =	vst v63  }
0x2e: {  	s21 =	sadd.s32 @!p2 $0x3, s16;
	s16 =	simm.s32 @!p0 $0x0  }
0x2f: {  	s28 =	simm.s32 $0x1;
	[smem:$0x7FC] =	sst s25;
	s16 =	simm.s32 @p0 $0x1  }
0x30: {  	s28 =	simm.s32 @!p1 $0x0;
	_ =	strace @p1 $0x9000004C;
	[smem:$0x7FD] =	sst s16  }
0x31: {  	s20 =	sadd.s32 s28, s20;
	s25 =	sand.u32 @!p4 $0x1, s14;
	_ =	strace @!p2 $0x8000004D  }
0x32: {  	p1 =	por !p5, !p5;
	s16 =	smov.u32 s25;
	_ =	swait.ge @!p2 [sflag:s21], $0x4000  }
0x33: {  	s22 =	sand.u32 @p1 $0x1, s18;
	s25 =	sadd.s32 @p1 s3, s17;
	[sflag:s21] =	ssyncset.done @!p2 $0x0  }
0x34: {  	s26 =	sshll.u32 @p1 s22, $0x7;
	s25 =	sshll.u32 @p1 s25, $0x4;
	[sflag:s21] =	ssyncadd.s32 @!p2 $0xFFFFC000  }
0x35: {  	s21 =	sadd.s32 @p1 $0x1, s22;
	s22 =	sand.u32 @p1 $0x1FFFFFF0, s25;
	_ =	strace @!p2 $0x9000004D  }
0x36: {  	s25 =	simm.s32 @p1 $0x0;
	s22 =	sadd.s32 @p1 s4, s22;
	_ =	strace @p1 $0x80000049  }
0x37: {  	[tilespmem:s26], [sflag:s21] =	stream.linear.gather @p1 [hbm4b:s22+s25], $0x80, $0x200038;
	[tilespmem:$0x8100] =	vst v63  }
0x38: {  	s15 =	sadd.s32 s28, s15;
	s28 =	sand.u32 $0x1, s20;
	_ =	strace @p1 $0x90000049  }
0x39: {  	s28 =	sadd.s32 $0x1, s28;
	_ =	strace $0x8000004A  }
0x3a: {  	_ =	swait.ge [sflag:s28], $0x80  }
0x3b: {  	[sflag:s28] =	ssyncset.done $0x0  }
0x3c: {  	s21 =	simm.s32 $0x1;
	[sflag:s28] =	ssyncadd.s32 $0xFFFFFF80  }
0x3d: {  	s21 =	simm.s32 @!p1 $0x0;
	_ =	strace $0x9000004A  }
0x3e: {  	s18 =	sadd.s32 s21, s18;
	s21 =	sand.u32 $0x1, s15;
	_ =	strace $0x8000004B  }
0x3f: {  	s31 =	sshll.u32 s20, $0x7;
	s29 =	sshll.u32 s21, $0xE;
	s25 =	rddreg [dreg:$0x3]  }
0x40: {  	s31 =	sand.u32 $0x80, s31;
	s22 =	sor.u32 $0x100, s29;
	s26 =	rddreg [dreg:$0x2]  }
0x41: {  	[tilespmem:s22], [sflag:$0x5] =	stream.indirect.gather [hbm4b:s26+s25], $0x80, s31, s25, $0x2000b8;
	[tilespmem:$0x8100] =	vst v63  }
0x42: {  	_ =	swait.ge [sflag:s10], $0x4000  }
0x43: {  	[sflag:s10] =	ssyncset.done $0x0  }
0x44: {  	[sflag:s10] =	ssyncadd.s32 $0xFFFFC000  }
0x45: {  	s30 =	sadd.s32 $0x1, s17;
	_ =	strace $0x9000004B  }
0x46: {  	s24 =	sadd.s32 s3, s13;
	s13 =	smov.u32 s17;
	s31 =	sld [smem:$0x7FD]  }
0x47: {  	p0 =	sne.s32 s23, $0x0;
	s17 =	smov.u32 s30;
	p1 =	seq.s32 s30, s5  }
0x48: {  	s17 =	simm.s32 @p1 $0x0;
	p1 =	seq.s32 s7, s23;
	s23 =	simm.s32 $0x1  }
0x49: {  	s23 =	simm.s32 @!p0 $0x0;
	p0 =	seq.s32 s31, $0x1  }
.Ltmp2:
0x4a: {  	s30 =	sld [smem:$0x7FC];
	(pc) =	sbr.rel @p0 .LBB2_5-.Ltmp2, $4  }
0x4b: {  	p3 =	seq.s32 s12, $0x0  }
0x4c: {  	p6 =	por p3, p3;
	p5 =	slt.u32 s12, s7  }
0x4d: {  	p2 =	por p4, p4;
	p3 =	sne.s32 s13, s17;
	p4 =	seq.s32 s30, $0x1  }
0x4e: {  	p5 =	por !p5, !p3;
	p1 =	por p1, p4;
	p4 =	por p6, p6  }
0x4f: {  	p6 =	por $0x1, $0x1  }
.LBB2_7:
0x50: {  	p0 =	por !p1, !p6  }
0x51: {  	s25 =	simm.s32 $0x1;
	_ =	strace @!p0 $0x8000004C;
	s24 =	sshll.u32 @!p0 s24, $0xB  }
0x52: {  	p2 =	por p2, !p6;
	s19 =	rddreg [dreg:$0x4];
	s24 =	sand.u32 @!p0 $0x1FFFF800, s24  }
0x53: {  	s21 =	sadd.s32 @!p0 $0x3, s21;
	s19 =	sadd.s32 @!p0 s19, s24;
	s24 =	simm.s32 @!p0 $0x0  }
0x54: {  	[hbm4b:s19+s24] =	stream.linear.scatter @!p0 [tilespmem:s22], [sflag:s21], $0x4000, $0x200038;
	[tilespmem:$0x8100] =	vst v63  }
0x55: {  	p1 =	por !p5, !p5;
	s25 =	simm.s32 @p0 $0x0;
	_ =	strace @!p0 $0x9000004C  }
0x56: {  	s16 =	sadd.s32 @!p2 $0x3, s16;
	s17 =	sadd.s32 @p1 s3, s17;
	_ =	strace @!p2 $0x8000004D  }
0x57: {  	s18 =	sand.u32 @p1 $0x1, s18;
	s17 =	sshll.u32 @p1 s17, $0x4;
	_ =	swait.ge @!p2 [sflag:s16], $0x4000  }
0x58: {  	s17 =	sand.u32 @p1 $0x1FFFFFF0, s17;
	s19 =	sadd.s32 @p6 s25, s20;
	[sflag:s16] =	ssyncset.done @!p2 $0x0  }
0x59: {  	s20 =	simm.s32 $0x0;
	s17 =	sadd.s32 @p1 s4, s17;
	[sflag:s16] =	ssyncadd.s32 @!p2 $0xFFFFC000  }
0x5a: {  	s20 =	smov.u32 @p6 s19;
	s19 =	sshll.u32 @p1 s18, $0x7;
	_ =	strace @!p2 $0x9000004D  }
0x5b: {  	s16 =	sadd.s32 @p1 $0x1, s18;
	s18 =	simm.s32 @p1 $0x0;
	_ =	strace @p1 $0x80000049  }
0x5c: {  	[tilespmem:s19], [sflag:s16] =	stream.linear.gather @p1 [hbm4b:s17+s18], $0x80, $0x200038;
	[tilespmem:$0x8100] =	vst v63  }
0x5d: {  	s26 =	sand.u32 $0x1, s20;
	_ =	strace @p1 $0x90000049  }
0x5e: {  	s16 =	sadd.s32 $0x1, s26;
	_ =	strace $0x8000004A  }
0x5f: {  	_ =	swait.ge [sflag:s16], $0x80  }
0x60: {  	[sflag:s16] =	ssyncset.done $0x0  }
0x61: {  	s15 =	sadd.s32 @p6 s25, s15;
	[sflag:s16] =	ssyncadd.s32 $0xFFFFFF80;
	s16 =	simm.s32 $0x0  }
0x62: {  	_ =	strace $0x9000004A;
	s16 =	smov.u32 @p6 s15  }
0x63: {  	_ =	strace $0x8000004B;
	s16 =	sand.u32 $0x1, s16  }
0x64: {  	s30 =	sshll.u32 s20, $0x7;
	s28 =	rddreg [dreg:$0x3];
	s31 =	sshll.u32 s16, $0xE  }
0x65: {  	s18 =	sand.u32 $0x80, s30;
	s29 =	rddreg [dreg:$0x2];
	s19 =	sor.u32 $0x100, s31  }
0x66: {  	[tilespmem:s19], [sflag:$0x5] =	stream.indirect.gather [hbm4b:s29+s28], $0x80, s18, s28, $0x2000b8;
	[tilespmem:$0x8100] =	vst v63  }
0x67: {  	_ =	swait.ge [sflag:s10], $0x4000  }
0x68: {  	p3 =	por p3, p3;
	[sflag:s10] =	ssyncset.done $0x0  }
0x69: {  	p5 =	seq.s32 s7, s12;
	s13 =	sadd.s32 s3, s13;
	[sflag:s10] =	ssyncadd.s32 $0xFFFFC000  }
0x6a: {  	s14 =	sadd.s32 @p6 s23, s14;
	p1 =	por p5, p3;
	_ =	strace $0x9000004B  }
0x6b: {  	s17 =	simm.s32 $0x0;
	s13 =	sshll.u32 @p1 s13, $0xB;
	_ =	strace @p1 $0x8000004C  }
0x6c: {  	s17 =	smov.u32 @p6 s14;
	s13 =	sand.u32 @p1 $0x1FFFF800, s13;
	s15 =	rddreg [dreg:$0x4]  }
0x6d: {  	s14 =	sadd.s32 @p1 $0x3, s16;
	s13 =	sadd.s32 @p1 s15, s13;
	s15 =	simm.s32 @p1 $0x0  }
0x6e: {  	[hbm4b:s13+s15] =	stream.linear.scatter @p1 [tilespmem:s19], [sflag:s14], $0x4000, $0x200038;
	[tilespmem:$0x8100] =	vst v63  }
0x6f: {  	p0 =	por p4, p4;
	s13 =	sand.u32 @!p4 $0x1, s17;
	_ =	strace @p1 $0x9000004C  }
0x70: {  	s13 =	sadd.s32 @!p0 $0x3, s13;
	_ =	strace @!p0 $0x8000004D  }
0x71: {  	p1 =	sne.s32 s12, $0x0;
	s12 =	simm.s32 $0x1;
	_ =	swait.ge @!p0 [sflag:s13], $0x4000  }
0x72: {  	s12 =	simm.s32 @!p1 $0x0;
	[sflag:s13] =	ssyncset.done @!p0 $0x0  }
0x73: {  	s11 =	sadd.s32 $0x1, s11;
	s12 =	sadd.s32 s12, s17;
	[sflag:s13] =	ssyncadd.s32 @!p0 $0xFFFFC000  }
0x74: {  	s12 =	sand.u32 $0x1, s12;
	_ =	strace @!p0 $0x9000004D;
	p0 =	sne.s32 s11, s8  }
.Ltmp3:
0x75: {  	s12 =	sadd.s32 $0x3, s12;
	_ =	strace $0x8000004E;
	(pc) =	sbr.rel @p0 .LBB2_1-.Ltmp3, $4  }
.Ltmp4:
0x76: {  	_ =	swait.ge [sflag:s12], $0x4000;
	(pc) =	sbr.rel @!p0 .LBB2_8-.Ltmp4, $4  }
0x77: {  	[sflag:s12] =	ssyncset.done $0x0  }
0x78: {  	[sflag:s12] =	ssyncadd.s32 $0xFFFFC000  }
0x79: {  	_ =	strace $0x9000004E  }
0x7a: {  	_ = 	snop  }
.LBB2_2:
.Ltmp5:
0x7b: {  	(pc) =	sbr.rel .LBB2_7-.Ltmp5, $4  }
0x7c: {  	_ = 	snop  }
0x7d: {  	s14 =	simm.s32 $0x0  }
0x7e: {  	s12 =	simm.s32 $0x0;
	s15 =	simm.s32 $0x0;
	s17 =	smov.u32 s13  }
0x7f: {  	s20 =	simm.s32 $0x0;
	s18 =	simm.s32 $0x1;
	s13 =	simm.s32 $0x0  }
.LBB2_4:
.Ltmp6:
0x80: {  	(pc) =	sbr.rel .LBB2_7-.Ltmp6, $3  }
0x81: {  	_ =	sdelay $0x1  }
0x82: {  	s14 =	simm.s32 $0x0  }
0x83: {  	s15 =	simm.s32 $0x0;
	s20 =	simm.s32 $0x0;
	p6 =	por $0x1, $0x1  }
.LBB2_8:
0x84: {  	_ =	sfence.sel $0x180000  }
0x85: {  	[bflag:$0x0] =	sbarrier.arrive $0xFFFF  }
0x86: {  	p0 =	sne.s32 s1, $0x0;
	_ =	strace $0x90000047  }
0x87: {  	s0 =	sadd.s32 @!p0 $0x100000, s0;
	[bflag:$0x2] =	sbarrier.arrive $0xFFFF  }
0x88: {  	[sflag:s0] =	ssyncadd.tile.s32 @!p0 $0x1;
	_ =	shalt  }
.Lfunc_end2:
_tile_overlayer_lowered:
.L_overlay_start_2:
0x89: {  	(tag) =	ssettag $0x2  }
0x8a: {  	s0 =	rddreg [dreg:$0x0];
	s2 =	stileid.u32  }
0x8b: {  	s1 =	rddreg [dreg:$0x1];
	p0 =	sne.s32 s2, $0x0  }
0x8c: {  	s3 =	rddreg [dreg:$0x2];
	[bflag:$0x3] =	sbarrier.arrive $0xFFFF;
	s2 =	simm.s32 @!p0 $0x1C01  }
0x8d: {  	[timem:s3], [sflag:s2] =	dma.local @!p0 [hbm:s0], s1  }
0x8e: {  	s0 =	simm.s32 @!p0 $0x1  }
0x8f: {  	_ =	swait.ge @!p0 [sflag:s0], s1  }
0x90: {  	s1 =	ssub.s32 @!p0 $0x0, s1;
	[sflag:s0] =	ssyncset.done @!p0 $0x0  }
0x91: {  	[sflag:s0] =	ssyncadd.s32 @!p0 s1  }
0x92: {  	[bflag:$0x3] =	sbarrier.arrive $0xFFFF  }
0x93: {  	_ =	shalt  }

// kernel: kernel.20.cloned.1.call-start
scs
__scs_entry_jumppad:
0x0: {  	(pc) =	sbr.rel $0x88, $3  }
0x1: {  	(tag) =	ssettag $0x0;
	lr =	simm.s32 $0x1  }
0x2: {  	[smem:$0x3F86] =	sst lr;
	_ =	strace $0xD0000000  }
0x3: {  	_ = 	snop  }
0x4: {  	_ = 	snop  }
0x5: {  	_ = 	snop  }
0x6: {  	_ = 	snop  }
0x7: {  	_ = 	snop  }
__scs_overlays_trampoline_lowered:
0x8: {  	[smem:$0x3F95] =	sst s0  }
0x9: {  	[smem:$0x3F96] =	sst s1  }
0xa: {  	[smem:$0x3F97] =	sst s2  }
0xb: {  	[smem:$0x3F98] =	sst s3  }
0xc: {  	[smem:$0x3F99] =	sst s4  }
0xd: {  	[smem:$0x3F9A] =	sst s5  }
0xe: {  	[smem:$0x3F9B] =	sst s6  }
0xf: {  	[smem:$0x3F9C] =	sst s7  }
0x10: {  	[smem:$0x3F9D] =	sst s8  }
0x11: {  	[smem:$0x3F9E] =	sst s9;
	s0 =	simm.s32 @!p0 $0x0  }
0x12: {  	s1 =	sld [smem:$0x3F84];
	s0 =	simm.s32 @p0 $0x1  }
0x13: {  	[smem:$0x3F9F] =	sst s0;
	s0 =	simm.s32 @!p1 $0x0  }
0x14: {  	s2 =	sld [smem:$0x3F83];
	s0 =	simm.s32 @p1 $0x1  }
0x15: {  	[smem:$0x3FA0] =	sst s0;
	s0 =	simm.s32 @!p2 $0x0  }
0x16: {  	s3 =	sld [smem:$0x3FDB];
	s0 =	simm.s32 @p2 $0x1  }
0x17: {  	s4 =	simm.s32 $0x1BF5;
	[smem:$0x3FA2] =	sst s0  }
0x18: {  	s0 =	sld [smem:$0x3F85];
	_ =	swait.ge [sflag:s4], $0x0  }
0x19: {  	s7 =	sld [smem:$0x3F86]  }
0x1a: {  	s8 =	sadd.s32 $0xFFFFE003, lr  }
0x1b: {  	s9 =	sadd.s32 $0xFFFFFEF7, lr;
	s5 =	simm.s32 $0xFFFFFFFF;
	p2 =	slt.u32 s8, $0xFFFFF086  }
0x1c: {  	p1 =	slt.u32 s9, $0xF7A;
	s5 =	simm.s32 @!p2 $0x0  }
0x1d: {  	s5 =	simm.s32 @p1 $0x1;
	p0 =	seq.s32 s7, s2  }
0x1e: {  	s7 =	smul.u32 @!p0 $0xF7A, s2;
	p2 =	seq.s32 @!p0 s5, $0x0  }
0x1f: {  	s9 =	smul.u32 $0xF7A, s1;
	s8 =	simm.s32 @!p0 $0x1BF5;
	p2 =	por !p2, p0  }
0x20: {  	[sflag:s8] =	ssyncset.s32 @!p0 $0xFFFFF086;
	s6 =	sadd.s32 @!p0 s3, s7;
	s7 =	simm.s32 @!p0 $0x108  }
0x21: {  	s3 =	sadd.s32 s3, s9;
	s6 =	sadd.s32 @!p0 $0x88, s6;
	s7 =	simm.s32 @p2 $0x1082  }
0x22: {  	[simem:s7], [sflag:s8] =	dma.local @!p0 [hbm:s6], $0xF7A  }
0x23: {  	s9 =	sor.u32 $0xD0000000, s2;
	s6 =	simm.s32 $0x108;
	_ =	swait.ge @!p0 [sflag:s8], $0x0  }
0x24: {  	s3 =	sadd.s32 $0x88, s3;
	s6 =	simm.s32 @!p1 $0x1082;
	[sflag:s4] =	ssyncset.s32 $0xFFFFF086  }
0x25: {  	[simem:s6], [sflag:s4] =	dma.local [hbm:s3], $0xF7A  }
0x26: {  	[smem:$0x3F86] =	sst s1;
	(tag) =	ssettag s2;
	_ =	strace s9  }
0x27: {  	s1 =	sld [smem:$0x3F96]  }
0x28: {  	s2 =	sld [smem:$0x3F97]  }
0x29: {  	s4 =	sld [smem:$0x3F99]  }
0x2a: {  	p0 =	seq.s32 s5, $0x0;
	s5 =	sld [smem:$0x3F9A]  }
0x2b: {  	s6 =	sld [smem:$0x3F9B]  }
0x2c: {  	s7 =	sld [smem:$0x3F9C]  }
0x2d: {  	s3 =	simm.s32 $0x108;
	s8 =	sld [smem:$0x3F9D]  }
0x2e: {  	s3 =	simm.s32 @!p0 $0x1082;
	s9 =	sld [smem:$0x3F9E]  }
0x2f: {  	lr =	sadd.s32 s0, s3;
	s0 =	sld [smem:$0x3F95]  }
0x30: {  	s3 =	sld [smem:$0x3F98]  }
0x31: {  	[smem:$0x3FA1] =	sst s10  }
0x32: {  	s10 =	sld [smem:$0x3F9F];
	_ =	sdelay $0x3  }
0x33: {  	p0 =	seq.s32 s10, $0x1;
	s10 =	sld [smem:$0x3FA1];
	_ =	sdelay $0x3  }
0x34: {  	[smem:$0x3FA1] =	sst s10  }
0x35: {  	s10 =	sld [smem:$0x3FA0];
	_ =	sdelay $0x3  }
0x36: {  	p1 =	seq.s32 s10, $0x1;
	s10 =	sld [smem:$0x3FA1];
	_ =	sdelay $0x3  }
0x37: {  	[smem:$0x3FA1] =	sst s10  }
0x38: {  	s10 =	sld [smem:$0x3FA2]  }
0x39: {  	_ = 	snop;
	(pc) =	sbr.ind lr, $3  }
0x3a: {  	_ = 	snop  }
0x3b: {  	_ = 	snop  }
0x3c: {  	p2 =	seq.s32 s10, $0x1;
	s10 =	sld [smem:$0x3FA1]  }
0x3d: {  	_ =	shalt  }
0x3e: {  	_ =	shalt  }
0x3f: {  	_ =	shalt  }
0x40: {  	_ =	shalt  }
0x41: {  	_ =	shalt  }
0x42: {  	_ =	shalt  }
0x43: {  	_ =	shalt  }
0x44: {  	_ =	shalt  }
0x45: {  	_ =	shalt  }
0x46: {  	_ =	shalt  }
0x47: {  	_ =	shalt  }
0x48: {  	_ =	shalt  }
0x49: {  	_ =	shalt  }
0x4a: {  	_ =	shalt  }
0x4b: {  	_ =	shalt  }
0x4c: {  	_ =	shalt  }
0x4d: {  	_ =	shalt  }
0x4e: {  	_ =	shalt  }
0x4f: {  	_ =	shalt  }
0x50: {  	_ =	shalt  }
0x51: {  	_ =	shalt  }
0x52: {  	_ =	shalt  }
0x53: {  	_ =	shalt  }
0x54: {  	_ =	shalt  }
0x55: {  	_ =	shalt  }
0x56: {  	_ =	shalt  }
0x57: {  	_ =	shalt  }
0x58: {  	_ =	shalt  }
0x59: {  	_ =	shalt  }
0x5a: {  	_ =	shalt  }
0x5b: {  	_ =	shalt  }
0x5c: {  	_ =	shalt  }
0x5d: {  	_ =	shalt  }
0x5e: {  	_ =	shalt  }
0x5f: {  	_ =	shalt  }
0x60: {  	_ =	shalt  }
0x61: {  	_ =	shalt  }
0x62: {  	_ =	shalt  }
0x63: {  	_ =	shalt  }
0x64: {  	_ =	shalt  }
0x65: {  	_ =	shalt  }
0x66: {  	_ =	shalt  }
0x67: {  	_ =	shalt  }
0x68: {  	_ =	shalt  }
0x69: {  	_ =	shalt  }
0x6a: {  	_ =	shalt  }
0x6b: {  	_ =	shalt  }
0x6c: {  	_ =	shalt  }
0x6d: {  	_ =	shalt  }
0x6e: {  	_ =	shalt  }
0x6f: {  	_ =	shalt  }
0x70: {  	_ =	shalt  }
0x71: {  	_ =	shalt  }
0x72: {  	_ =	shalt  }
0x73: {  	_ =	shalt  }
0x74: {  	_ =	shalt  }
0x75: {  	_ =	shalt  }
0x76: {  	_ =	shalt  }
0x77: {  	_ =	shalt  }
0x78: {  	_ =	shalt  }
0x79: {  	_ =	shalt  }
0x7a: {  	_ =	shalt  }
0x7b: {  	_ =	shalt  }
0x7c: {  	_ =	shalt  }
0x7d: {  	_ =	shalt  }
0x7e: {  	_ =	shalt  }
0x7f: {  	_ =	shalt  }
0x80: {  	_ =	shalt  }
0x81: {  	_ =	shalt  }
0x82: {  	_ =	shalt  }
0x83: {  	_ =	shalt  }
0x84: {  	_ =	shalt  }
0x85: {  	_ =	shalt  }
0x86: {  	_ =	shalt  }
0x87: {  	_ =	shalt  }
.Lfunc_end0:
.L_simem_size_0:
called_computation.1_lowered:
.L_overlay_start_0:
0x88: {  	s2 =	sld [smem:$0x3FD9]  }
0x89: {  	s3 =	sld [smem:$0x3FFE];
	_ =	sdelay $0x1  }
0x8a: {  	s1 =	srdreg.scid  }
0x8b: {  	s0 =	sand.u32 $0x1, s1  }
0x8c: {  	s16 =	sshll.u32 s0, $0xA;
	s2 =	sadd.s32 s3, s2  }
0x8d: {  	s2 =	sadd.s32 s2, s16  }
0x8e: {  	[smem:$0x3FAD] =	sst s2  }
0x8f: {  	_ = 	snop  }
0x90: {  	(tm) =	ssettm $0x1  }
0x91: {  	s17 =	sld [smem:$0x3FFB];
	_ =	sdelay $0x3  }
0x92: {  	_ =	strace s17  }
0x93: {  	s2 =	sld [smem:$0x3FFC];
	_ =	sdelay $0x3  }
0x94: {  	_ =	strace s2  }
0x95: {  	s2 =	sld [smem:$0x3FFD];
	_ =	sdelay $0x3  }
0x96: {  	_ =	strace s2  }
0x97: {  	_ =	strace $0x8FFFFFFF  }
0x98: {  	s18 =	sld [smem:$0x3FDB];
	_ =	sdelay $0x1  }
0x99: {  	s19 =	simm.s32 $_scs_section_size  }
0x9a: {  	s4 =	simm.s32 $_size__tile_overlayer_lowered;
	s5 =	simm.s32 $_tile_overlayer_lowered  }
0x9b: {  	s22 =	simm.s32 $0x1BFF;
	s21 =	sshll.u32 s5, $0x1;
	s2 =	sadd.s32 s19, s18  }
0x9c: {  	s6 =	simm.s32 $0x0;
	s20 =	sshll.u32 s4, $0x1;
	s4 =	sadd.s32 s21, s2  }
0x9d: {  	[timem:s6], [sflag:s22] =	dma.local [hbm:s4], s20  }
0x9e: {  	_ =	swait.ge [sflag:s22], s20  }
0x9f: {  	s3 =	ssub.s32 $0x0, s20;
	[sflag:s22] =	ssyncset.done $0x0  }
0xa0: {  	[sflag:s22] =	ssyncadd.s32 s3;
	_ =	sdelay $0x1  }
0xa1: {  	s23 =	simm.s32 $0x1B8B  }
0xa2: {  	_ =	swait.ge [sflag:s23], $0x1  }
0xa3: {  	[sflag:s23] =	ssyncset.done $0x0  }
0xa4: {  	s25 =	simm.s32 $0x1B8E;
	s24 =	sld [smem:$0x3FFE];
	[sflag:s23] =	ssyncadd.s32 $0xFFFFFFFF  }
0xa5: {  	s26 =	simm.s32 $execute0_lowered;
	[smem:$0x3FD2] =	sst s25  }
0xa6: {  	s4 =	sshll.u32 s26, $0x1;
	_ =	strace $0x80000050;
	[dreg:$0x1] =	wrdreg $0xFFFFFFFF  }
0xa7: {  	s28 =	simm.s32 $_size_execute0_lowered;
	s2 =	sadd.s32 s2, s4;
	[dreg:$0x0] =	wrdreg $0x0  }
0xa8: {  	s4 =	sshll.u32 s28, $0x1;
	[dreg:$0x2] =	wrdreg s2  }
0xa9: {  	[dreg:$0x3] =	wrdreg s4  }
0xaa: {  	[dreg:$0x4] =	wrdreg $0xC0  }
0xab: {  	_ =	task [dreg:s6], $0x5FFFF  }
0xac: {  	[dreg:$0x1] =	wrdreg $0xFFFFFFFF  }
0xad: {  	[dreg:$0x0] =	wrdreg $0x60  }
0xae: {  	[dreg:$0x2] =	wrdreg s24  }
0xaf: {  	[dreg:$0x3] =	wrdreg $0x9  }
0xb0: {  	_ =	task.clear_ibuf [dreg:s6], $0x4FFFF;
	_ =	strace $0x90000050  }
0xb1: {  	s29 =	simm.s32 $0x9;
	_ =	strace $0x80000059  }
0xb2: {  	_ =	swait.ge [sflag:s29], $0x1  }
0xb3: {  	[sflag:s29] =	ssyncadd.s32 $0xFFFFFFFF  }
0xb4: {  	_ =	strace $0x90000059  }
0xb5: {  	_ =	sfence  }
0xb6: {  	s30 =	sld [smem:$0x0];
	_ =	sdelay $0x2  }
0xb7: {  	s31 =	sshll.u32 s1, $0xD;
	s1 =	sshrl.u32 s1, $0x2  }
0xb8: {  	s3 =	sand.u32 $0x4000, s31;
	s1 =	sadd.s32 s1, s30  }
0xb9: {  	s0 =	sor.u32 s3, s0;
	s1 =	sshll.u32 s1, $0x11  }
0xba: {  	s0 =	sor.u32 s1, s0  }
0xbb: {  	s0 =	sadd.s32 $0x8F2B, s0  }
0xbc: {  	[sflag:s0] =	ssyncadd.remote.s32 $0x1  }
0xbd: {  	_ =	sfence.sel $0xFFFF  }
0xbe: {  	[dreg:$0x0] =	wrdreg $0xFFFFFFFF;
	(pc) =	sbr.abs _section_cstart, $3  }
0xbf: {  	[dreg:$0x1] =	wrdreg $0xFFFFFFFF  }
0xc0: {  	_ =	task.clear_ibuf [dreg:s6], $0x2FFFF;
	_ =	strace $0x9FFFFFFF  }
0xc1: {  	(tm) =	ssettm $0x7FFFFFFF  }
tec
execute0_lowered:
.L_overlay_start_1:
0x0: {  	(tag) =	ssettag $0x1  }
0x1: {  	s4 =	rddreg [dreg:$0x0];
	s1 =	srdreg.scid  }
0x2: {  	s0 =	rddreg [dreg:$0x1];
	s2 =	simm.s32 $0x0;
	s9 =	simm.s32 $0x1  }
0x3: {  	s10 =	simm.s32 $0x80;
	s11 =	simm.s32 $0x0;
	s5 =	sand.u32 $0x1, s1  }
0x4: {  	[smem:$0x7FF] =	sst s2;
	s1 =	stileid.u32;
	s3 =	sshll.u32 s5, $0x4  }
0x5: {  	s6 =	sadd.s32 $0x1A6400, s4;
	s8 =	sadd.s32 $0xEAF200, s4;
	s3 =	sor.u32 s1, s3  }
0x6: {  	_ =	strace $0x80000051;
	[dreg:$0x2] =	wrdreg s6;
	s7 =	smul.u32 $0xC3, s3  }
0x7: {  	s4 =	sadd.s32 $0x7000, s4;
	[dreg:$0x4] =	wrdreg s8;
	s6 =	smul.u32 $0xC4, s3  }
0x8: {  	s29 =	ssub.s32 $0x2, s5;
	p0 =	slt.u32 s3, $0xA;
	s3 =	sadd.s32 $0xA, s7  }
0x9: {  	s5 =	simm.s32 $0xC4;
	[dreg:$0x3] =	wrdreg s10;
	s3 =	smov.u32 @p0 s6  }
0xa: {  	s10 =	simm.s32 $0x5;
	s31 =	sshrl.u32 s29, $0x1;
	s30 =	sshll.u32 s3, $0x4  }
0xb: {  	s8 =	ssub.s32 s29, s31;
	s5 =	simm.s32 @!p0 $0xC3;
	s7 =	sand.u32 $0x1FFFFFF0, s30  }
0xc: {  	s8 =	smax.u32 s8, $0x1;
	s6 =	sadd.s32 s4, s7;
	s7 =	sadd.s32 $0xFFFFFFFF, s5  }
.LBB2_1:
0xd: {  	_ =	strace $0x80000052;
	p2 =	sne.s32 s5, $0x1  }
.Ltmp0:
0xe: {  	p0 =	seq.s32 s5, $0x1;
	s13 =	simm.s32 $0x1;
	(pc) =	sbr.rel @!p2 .LBB2_2-.Ltmp0, $4  }
0xf: {  	[tilespmem:s2], [sflag:$0x1] =	stream.linear.gather [hbm4b:s6+s2], $0x80, $0x200038;
	[tilespmem:$0x8100] =	vst v63  }
0x10: {  	s12 =	simm.s32 $0x1;
	p1 =	por $0x1, $0x1;
	s13 =	simm.s32 @p0 $0x0  }
0x11: {  	p6 =	sgt.u32 s7, $0x0;
	p4 =	por p1, p1;
	p3 =	sne.s32 s13, $0x0  }
0x12: {  	_ =	strace $0x90000052;
	p5 =	por !p6, !p3;
	p6 =	por $0x0, $0x0  }
0x13: {  	p2 =	por !p5, !p5  }
0x14: {  	s21 =	sand.u32 $0x1, s2;
	s19 =	simm.s32 $0x2;
	s14 =	sadd.s32 @p2 s3, s13  }
0x15: {  	p1 =	por p3, p3;
	s15 =	sand.u32 @p2 $0x1, s9;
	s14 =	sshll.u32 @p2 s14, $0x4  }
0x16: {  	_ =	strace @p2 $0x80000053;
	s17 =	simm.s32 @p2 $0x0;
	s14 =	sand.u32 @p2 $0x1FFFFFF0, s14  }
0x17: {  	s16 =	sshll.u32 @p2 s15, $0x7;
	s15 =	sadd.s32 @p2 $0x1, s15;
	s14 =	sadd.s32 @p2 s4, s14  }
0x18: {  	[tilespmem:s16], [sflag:s15] =	stream.linear.gather @p2 [hbm4b:s14+s17], $0x80, $0x200038;
	[tilespmem:$0x8100] =	vst v63  }
0x19: {  	s30 =	simm.s32 $0x0;
	p6 =	por $0x0, $0x0;
	_ =	strace @p2 $0x90000053  }
0x1a: {  	p0 =	sne.s32 s5, $0x2;
	s29 =	sadd.s32 $0x1, s21;
	_ =	strace $0x80000054  }
0x1b: {  	s24 =	sadd.s32 $0x0, s3;
	p5 =	sgt.u32 s7, $0x1;
	_ =	swait.ge [sflag:s29], $0x80  }
0x1c: {  	s23 =	simm.s32 $0x1;
	s22 =	sshll.u32 s21, $0xE;
	[sflag:s29] =	ssyncset.done $0x0  }
0x1d: {  	s22 =	sor.u32 $0x100, s22;
	s16 =	sand.u32 @!p4 $0x1, s2;
	[sflag:s29] =	ssyncadd.s32 $0xFFFFFF80  }
0x1e: {  	s15 =	simm.s32 $0x1;
	s17 =	sadd.s32 $0x1, s13;
	_ =	strace $0x90000054  }
0x1f: {  	s14 =	sand.u32 $0x80, s30;
	s15 =	simm.s32 @!p2 $0x0;
	_ =	strace $0x80000055  }
0x20: {  	p2 =	por p4, p4;
	p4 =	por p6, p6;
	s20 =	rddreg [dreg:$0x3]  }
0x21: {  	p3 =	seq.s32 s17, s5;
	p6 =	seq.s32 s7, $0x0;
	s31 =	rddreg [dreg:$0x2]  }
0x22: {  	[tilespmem:s22], [sflag:$0x5] =	stream.indirect.gather [hbm4b:s31+s20], $0x80, s14, s20, $0x2000b8;
	[tilespmem:$0x8100] =	vst v63  }
.Ltmp1:
0x23: {  	s18 =	sadd.s32 $0x1, s15;
	s17 =	simm.s32 @p3 $0x0;
	(pc) =	sbr.rel @!p0 .LBB2_4-.Ltmp1, $4  }
0x24: {  	p1 =	por p6, p1;
	p6 =	por $0x0, $0x0;
	_ =	swait.ge [sflag:s10], $0x4000  }
0x25: {  	s15 =	simm.s32 $0x0;
	p3 =	sne.s32 s13, s17;
	[sflag:s10] =	ssyncset.done $0x0  }
0x26: {  	s23 =	simm.s32 @!p6 $0x0;
	p5 =	por !p5, !p3;
	[sflag:s10] =	ssyncadd.s32 $0xFFFFC000  }
0x27: {  	s14 =	simm.s32 $0x0;
	s20 =	simm.s32 $0x0;
	_ =	strace $0x90000055  }
.LBB2_5:
0x28: {  	_ =	strace @p1 $0x80000056;
	s14 =	sadd.s32 s23, s14;
	s23 =	smov.u32 s12  }
0x29: {  	s12 =	smov.u32 s19;
	s19 =	sadd.s32 $0x1, s19;
	p0 =	por p3, p3  }
0x2a: {  	s29 =	sshll.u32 @p1 s24, $0xB;
	s21 =	sadd.s32 @p1 $0x3, s21;
	s25 =	simm.s32 @!p0 $0x0  }
0x2b: {  	s26 =	rddreg [dreg:$0x4];
	s29 =	sand.u32 @p1 $0x1FFFF800, s29;
	s25 =	simm.s32 @p0 $0x1  }
0x2c: {  	s26 =	sadd.s32 @p1 s26, s29;
	s29 =	simm.s32 @p1 $0x0;
	p0 =	sne.s32 s5, s19  }
0x2d: {  	[hbm4b:s26+s29] =	stream.linear.scatter @p1 [tilespmem:s22], [sflag:s21], $0x4000, $0x200038;
	[tilespmem:$0x8100] =	vst v63  }
0x2e: {  	s21 =	sadd.s32 @!p2 $0x3, s16;
	s16 =	simm.s32 @!p0 $0x0  }
0x2f: {  	s28 =	simm.s32 $0x1;
	[smem:$0x7FC] =	sst s25;
	s16 =	simm.s32 @p0 $0x1  }
0x30: {  	s28 =	simm.s32 @!p1 $0x0;
	_ =	strace @p1 $0x90000056;
	[smem:$0x7FD] =	sst s16  }
0x31: {  	s20 =	sadd.s32 s28, s20;
	s25 =	sand.u32 @!p4 $0x1, s14;
	_ =	strace @!p2 $0x80000057  }
0x32: {  	p1 =	por !p5, !p5;
	s16 =	smov.u32 s25;
	_ =	swait.ge @!p2 [sflag:s21], $0x4000  }
0x33: {  	s22 =	sand.u32 @p1 $0x1, s18;
	s25 =	sadd.s32 @p1 s3, s17;
	[sflag:s21] =	ssyncset.done @!p2 $0x0  }
0x34: {  	s26 =	sshll.u32 @p1 s22, $0x7;
	s25 =	sshll.u32 @p1 s25, $0x4;
	[sflag:s21] =	ssyncadd.s32 @!p2 $0xFFFFC000  }
0x35: {  	s21 =	sadd.s32 @p1 $0x1, s22;
	s22 =	sand.u32 @p1 $0x1FFFFFF0, s25;
	_ =	strace @!p2 $0x90000057  }
0x36: {  	s25 =	simm.s32 @p1 $0x0;
	s22 =	sadd.s32 @p1 s4, s22;
	_ =	strace @p1 $0x80000053  }
0x37: {  	[tilespmem:s26], [sflag:s21] =	stream.linear.gather @p1 [hbm4b:s22+s25], $0x80, $0x200038;
	[tilespmem:$0x8100] =	vst v63  }
0x38: {  	s15 =	sadd.s32 s28, s15;
	s28 =	sand.u32 $0x1, s20;
	_ =	strace @p1 $0x90000053  }
0x39: {  	s28 =	sadd.s32 $0x1, s28;
	_ =	strace $0x80000054  }
0x3a: {  	_ =	swait.ge [sflag:s28], $0x80  }
0x3b: {  	[sflag:s28] =	ssyncset.done $0x0  }
0x3c: {  	s21 =	simm.s32 $0x1;
	[sflag:s28] =	ssyncadd.s32 $0xFFFFFF80  }
0x3d: {  	s21 =	simm.s32 @!p1 $0x0;
	_ =	strace $0x90000054  }
0x3e: {  	s18 =	sadd.s32 s21, s18;
	s21 =	sand.u32 $0x1, s15;
	_ =	strace $0x80000055  }
0x3f: {  	s31 =	sshll.u32 s20, $0x7;
	s29 =	sshll.u32 s21, $0xE;
	s25 =	rddreg [dreg:$0x3]  }
0x40: {  	s31 =	sand.u32 $0x80, s31;
	s22 =	sor.u32 $0x100, s29;
	s26 =	rddreg [dreg:$0x2]  }
0x41: {  	[tilespmem:s22], [sflag:$0x5] =	stream.indirect.gather [hbm4b:s26+s25], $0x80, s31, s25, $0x2000b8;
	[tilespmem:$0x8100] =	vst v63  }
0x42: {  	_ =	swait.ge [sflag:s10], $0x4000  }
0x43: {  	[sflag:s10] =	ssyncset.done $0x0  }
0x44: {  	[sflag:s10] =	ssyncadd.s32 $0xFFFFC000  }
0x45: {  	s30 =	sadd.s32 $0x1, s17;
	_ =	strace $0x90000055  }
0x46: {  	s24 =	sadd.s32 s3, s13;
	s13 =	smov.u32 s17;
	s31 =	sld [smem:$0x7FD]  }
0x47: {  	p0 =	sne.s32 s23, $0x0;
	s17 =	smov.u32 s30;
	p1 =	seq.s32 s30, s5  }
0x48: {  	s17 =	simm.s32 @p1 $0x0;
	p1 =	seq.s32 s7, s23;
	s23 =	simm.s32 $0x1  }
0x49: {  	s23 =	simm.s32 @!p0 $0x0;
	p0 =	seq.s32 s31, $0x1  }
.Ltmp2:
0x4a: {  	s30 =	sld [smem:$0x7FC];
	(pc) =	sbr.rel @p0 .LBB2_5-.Ltmp2, $4  }
0x4b: {  	p3 =	seq.s32 s12, $0x0  }
0x4c: {  	p6 =	por p3, p3;
	p5 =	slt.u32 s12, s7  }
0x4d: {  	p2 =	por p4, p4;
	p3 =	sne.s32 s13, s17;
	p4 =	seq.s32 s30, $0x1  }
0x4e: {  	p5 =	por !p5, !p3;
	p1 =	por p1, p4;
	p4 =	por p6, p6  }
0x4f: {  	p6 =	por $0x1, $0x1  }
.LBB2_7:
0x50: {  	p0 =	por !p1, !p6  }
0x51: {  	s25 =	simm.s32 $0x1;
	_ =	strace @!p0 $0x80000056;
	s24 =	sshll.u32 @!p0 s24, $0xB  }
0x52: {  	p2 =	por p2, !p6;
	s19 =	rddreg [dreg:$0x4];
	s24 =	sand.u32 @!p0 $0x1FFFF800, s24  }
0x53: {  	s21 =	sadd.s32 @!p0 $0x3, s21;
	s19 =	sadd.s32 @!p0 s19, s24;
	s24 =	simm.s32 @!p0 $0x0  }
0x54: {  	[hbm4b:s19+s24] =	stream.linear.scatter @!p0 [tilespmem:s22], [sflag:s21], $0x4000, $0x200038;
	[tilespmem:$0x8100] =	vst v63  }
0x55: {  	p1 =	por !p5, !p5;
	s25 =	simm.s32 @p0 $0x0;
	_ =	strace @!p0 $0x90000056  }
0x56: {  	s16 =	sadd.s32 @!p2 $0x3, s16;
	s17 =	sadd.s32 @p1 s3, s17;
	_ =	strace @!p2 $0x80000057  }
0x57: {  	s18 =	sand.u32 @p1 $0x1, s18;
	s17 =	sshll.u32 @p1 s17, $0x4;
	_ =	swait.ge @!p2 [sflag:s16], $0x4000  }
0x58: {  	s17 =	sand.u32 @p1 $0x1FFFFFF0, s17;
	s19 =	sadd.s32 @p6 s25, s20;
	[sflag:s16] =	ssyncset.done @!p2 $0x0  }
0x59: {  	s20 =	simm.s32 $0x0;
	s17 =	sadd.s32 @p1 s4, s17;
	[sflag:s16] =	ssyncadd.s32 @!p2 $0xFFFFC000  }
0x5a: {  	s20 =	smov.u32 @p6 s19;
	s19 =	sshll.u32 @p1 s18, $0x7;
	_ =	strace @!p2 $0x90000057  }
0x5b: {  	s16 =	sadd.s32 @p1 $0x1, s18;
	s18 =	simm.s32 @p1 $0x0;
	_ =	strace @p1 $0x80000053  }
0x5c: {  	[tilespmem:s19], [sflag:s16] =	stream.linear.gather @p1 [hbm4b:s17+s18], $0x80, $0x200038;
	[tilespmem:$0x8100] =	vst v63  }
0x5d: {  	s26 =	sand.u32 $0x1, s20;
	_ =	strace @p1 $0x90000053  }
0x5e: {  	s16 =	sadd.s32 $0x1, s26;
	_ =	strace $0x80000054  }
0x5f: {  	_ =	swait.ge [sflag:s16], $0x80  }
0x60: {  	[sflag:s16] =	ssyncset.done $0x0  }
0x61: {  	s15 =	sadd.s32 @p6 s25, s15;
	[sflag:s16] =	ssyncadd.s32 $0xFFFFFF80;
	s16 =	simm.s32 $0x0  }
0x62: {  	_ =	strace $0x90000054;
	s16 =	smov.u32 @p6 s15  }
0x63: {  	_ =	strace $0x80000055;
	s16 =	sand.u32 $0x1, s16  }
0x64: {  	s30 =	sshll.u32 s20, $0x7;
	s28 =	rddreg [dreg:$0x3];
	s31 =	sshll.u32 s16, $0xE  }
0x65: {  	s18 =	sand.u32 $0x80, s30;
	s29 =	rddreg [dreg:$0x2];
	s19 =	sor.u32 $0x100, s31  }
0x66: {  	[tilespmem:s19], [sflag:$0x5] =	stream.indirect.gather [hbm4b:s29+s28], $0x80, s18, s28, $0x2000b8;
	[tilespmem:$0x8100] =	vst v63  }
0x67: {  	_ =	swait.ge [sflag:s10], $0x4000  }
0x68: {  	p3 =	por p3, p3;
	[sflag:s10] =	ssyncset.done $0x0  }
0x69: {  	p5 =	seq.s32 s7, s12;
	s13 =	sadd.s32 s3, s13;
	[sflag:s10] =	ssyncadd.s32 $0xFFFFC000  }
0x6a: {  	s14 =	sadd.s32 @p6 s23, s14;
	p1 =	por p5, p3;
	_ =	strace $0x90000055  }
0x6b: {  	s17 =	simm.s32 $0x0;
	s13 =	sshll.u32 @p1 s13, $0xB;
	_ =	strace @p1 $0x80000056  }
0x6c: {  	s17 =	smov.u32 @p6 s14;
	s13 =	sand.u32 @p1 $0x1FFFF800, s13;
	s15 =	rddreg [dreg:$0x4]  }
0x6d: {  	s14 =	sadd.s32 @p1 $0x3, s16;
	s13 =	sadd.s32 @p1 s15, s13;
	s15 =	simm.s32 @p1 $0x0  }
0x6e: {  	[hbm4b:s13+s15] =	stream.linear.scatter @p1 [tilespmem:s19], [sflag:s14], $0x4000, $0x200038;
	[tilespmem:$0x8100] =	vst v63  }
0x6f: {  	p0 =	por p4, p4;
	s13 =	sand.u32 @!p4 $0x1, s17;
	_ =	strace @p1 $0x90000056  }
0x70: {  	s13 =	sadd.s32 @!p0 $0x3, s13;
	_ =	strace @!p0 $0x80000057  }
0x71: {  	p1 =	sne.s32 s12, $0x0;
	s12 =	simm.s32 $0x1;
	_ =	swait.ge @!p0 [sflag:s13], $0x4000  }
0x72: {  	s12 =	simm.s32 @!p1 $0x0;
	[sflag:s13] =	ssyncset.done @!p0 $0x0  }
0x73: {  	s11 =	sadd.s32 $0x1, s11;
	s12 =	sadd.s32 s12, s17;
	[sflag:s13] =	ssyncadd.s32 @!p0 $0xFFFFC000  }
0x74: {  	s12 =	sand.u32 $0x1, s12;
	_ =	strace @!p0 $0x90000057;
	p0 =	sne.s32 s11, s8  }
.Ltmp3:
0x75: {  	s12 =	sadd.s32 $0x3, s12;
	_ =	strace $0x80000058;
	(pc) =	sbr.rel @p0 .LBB2_1-.Ltmp3, $4  }
.Ltmp4:
0x76: {  	_ =	swait.ge [sflag:s12], $0x4000;
	(pc) =	sbr.rel @!p0 .LBB2_8-.Ltmp4, $4  }
0x77: {  	[sflag:s12] =	ssyncset.done $0x0  }
0x78: {  	[sflag:s12] =	ssyncadd.s32 $0xFFFFC000  }
0x79: {  	_ =	strace $0x90000058  }
0x7a: {  	_ = 	snop  }
.LBB2_2:
.Ltmp5:
0x7b: {  	(pc) =	sbr.rel .LBB2_7-.Ltmp5, $4  }
0x7c: {  	_ = 	snop  }
0x7d: {  	s14 =	simm.s32 $0x0  }
0x7e: {  	s12 =	simm.s32 $0x0;
	s15 =	simm.s32 $0x0;
	s17 =	smov.u32 s13  }
0x7f: {  	s20 =	simm.s32 $0x0;
	s18 =	simm.s32 $0x1;
	s13 =	simm.s32 $0x0  }
.LBB2_4:
.Ltmp6:
0x80: {  	(pc) =	sbr.rel .LBB2_7-.Ltmp6, $3  }
0x81: {  	_ =	sdelay $0x1  }
0x82: {  	s14 =	simm.s32 $0x0  }
0x83: {  	s15 =	simm.s32 $0x0;
	s20 =	simm.s32 $0x0;
	p6 =	por $0x1, $0x1  }
.LBB2_8:
0x84: {  	_ =	sfence.sel $0x180000  }
0x85: {  	[bflag:$0x0] =	sbarrier.arrive $0xFFFF  }
0x86: {  	p0 =	sne.s32 s1, $0x0;
	_ =	strace $0x90000051  }
0x87: {  	s0 =	sadd.s32 @!p0 $0x100000, s0;
	[bflag:$0x2] =	sbarrier.arrive $0xFFFF  }
0x88: {  	[sflag:s0] =	ssyncadd.tile.s32 @!p0 $0x1;
	_ =	shalt  }
.Lfunc_end2:
_tile_overlayer_lowered:
.L_overlay_start_2:
0x89: {  	(tag) =	ssettag $0x2  }
0x8a: {  	s0 =	rddreg [dreg:$0x0];
	s2 =	stileid.u32  }
0x8b: {  	s1 =	rddreg [dreg:$0x1];
	p0 =	sne.s32 s2, $0x0  }
0x8c: {  	s3 =	rddreg [dreg:$0x2];
	[bflag:$0x3] =	sbarrier.arrive $0xFFFF;
	s2 =	simm.s32 @!p0 $0x1C01  }
0x8d: {  	[timem:s3], [sflag:s2] =	dma.local @!p0 [hbm:s0], s1  }
0x8e: {  	s0 =	simm.s32 @!p0 $0x1  }
0x8f: {  	_ =	swait.ge @!p0 [sflag:s0], s1  }
0x90: {  	s1 =	ssub.s32 @!p0 $0x0, s1;
	[sflag:s0] =	ssyncset.done @!p0 $0x0  }
0x91: {  	[sflag:s0] =	ssyncadd.s32 @!p0 s1  }
0x92: {  	[bflag:$0x3] =	sbarrier.arrive $0xFFFF  }
0x93: {  	_ =	shalt  }

// kernel: kernel.23.cloned.1.call-start
scs
__scs_entry_jumppad:
0x0: {  	(pc) =	sbr.rel $0x88, $3  }
0x1: {  	(tag) =	ssettag $0x0;
	lr =	simm.s32 $0x1  }
0x2: {  	[smem:$0x3F86] =	sst lr;
	_ =	strace $0xD0000000  }
0x3: {  	_ = 	snop  }
0x4: {  	_ = 	snop  }
0x5: {  	_ = 	snop  }
0x6: {  	_ = 	snop  }
0x7: {  	_ = 	snop  }
__scs_overlays_trampoline_lowered:
0x8: {  	[smem:$0x3F95] =	sst s0  }
0x9: {  	[smem:$0x3F96] =	sst s1  }
0xa: {  	[smem:$0x3F97] =	sst s2  }
0xb: {  	[smem:$0x3F98] =	sst s3  }
0xc: {  	[smem:$0x3F99] =	sst s4  }
0xd: {  	[smem:$0x3F9A] =	sst s5  }
0xe: {  	[smem:$0x3F9B] =	sst s6  }
0xf: {  	[smem:$0x3F9C] =	sst s7  }
0x10: {  	[smem:$0x3F9D] =	sst s8  }
0x11: {  	[smem:$0x3F9E] =	sst s9;
	s0 =	simm.s32 @!p0 $0x0  }
0x12: {  	s1 =	sld [smem:$0x3F84];
	s0 =	simm.s32 @p0 $0x1  }
0x13: {  	[smem:$0x3F9F] =	sst s0;
	s0 =	simm.s32 @!p1 $0x0  }
0x14: {  	s2 =	sld [smem:$0x3F83];
	s0 =	simm.s32 @p1 $0x1  }
0x15: {  	[smem:$0x3FA0] =	sst s0;
	s0 =	simm.s32 @!p2 $0x0  }
0x16: {  	s3 =	sld [smem:$0x3FDB];
	s0 =	simm.s32 @p2 $0x1  }
0x17: {  	s4 =	simm.s32 $0x1BF5;
	[smem:$0x3FA2] =	sst s0  }
0x18: {  	s0 =	sld [smem:$0x3F85];
	_ =	swait.ge [sflag:s4], $0x0  }
0x19: {  	s7 =	sld [smem:$0x3F86]  }
0x1a: {  	s8 =	sadd.s32 $0xFFFFE003, lr  }
0x1b: {  	s9 =	sadd.s32 $0xFFFFFEF7, lr;
	s5 =	simm.s32 $0xFFFFFFFF;
	p2 =	slt.u32 s8, $0xFFFFF086  }
0x1c: {  	p1 =	slt.u32 s9, $0xF7A;
	s5 =	simm.s32 @!p2 $0x0  }
0x1d: {  	s5 =	simm.s32 @p1 $0x1;
	p0 =	seq.s32 s7, s2  }
0x1e: {  	s7 =	smul.u32 @!p0 $0xF7A, s2;
	p2 =	seq.s32 @!p0 s5, $0x0  }
0x1f: {  	s9 =	smul.u32 $0xF7A, s1;
	s8 =	simm.s32 @!p0 $0x1BF5;
	p2 =	por !p2, p0  }
0x20: {  	[sflag:s8] =	ssyncset.s32 @!p0 $0xFFFFF086;
	s6 =	sadd.s32 @!p0 s3, s7;
	s7 =	simm.s32 @!p0 $0x108  }
0x21: {  	s3 =	sadd.s32 s3, s9;
	s6 =	sadd.s32 @!p0 $0x88, s6;
	s7 =	simm.s32 @p2 $0x1082  }
0x22: {  	[simem:s7], [sflag:s8] =	dma.local @!p0 [hbm:s6], $0xF7A  }
0x23: {  	s9 =	sor.u32 $0xD0000000, s2;
	s6 =	simm.s32 $0x108;
	_ =	swait.ge @!p0 [sflag:s8], $0x0  }
0x24: {  	s3 =	sadd.s32 $0x88, s3;
	s6 =	simm.s32 @!p1 $0x1082;
	[sflag:s4] =	ssyncset.s32 $0xFFFFF086  }
0x25: {  	[simem:s6], [sflag:s4] =	dma.local [hbm:s3], $0xF7A  }
0x26: {  	[smem:$0x3F86] =	sst s1;
	(tag) =	ssettag s2;
	_ =	strace s9  }
0x27: {  	s1 =	sld [smem:$0x3F96]  }
0x28: {  	s2 =	sld [smem:$0x3F97]  }
0x29: {  	s4 =	sld [smem:$0x3F99]  }
0x2a: {  	p0 =	seq.s32 s5, $0x0;
	s5 =	sld [smem:$0x3F9A]  }
0x2b: {  	s6 =	sld [smem:$0x3F9B]  }
0x2c: {  	s7 =	sld [smem:$0x3F9C]  }
0x2d: {  	s3 =	simm.s32 $0x108;
	s8 =	sld [smem:$0x3F9D]  }
0x2e: {  	s3 =	simm.s32 @!p0 $0x1082;
	s9 =	sld [smem:$0x3F9E]  }
0x2f: {  	lr =	sadd.s32 s0, s3;
	s0 =	sld [smem:$0x3F95]  }
0x30: {  	s3 =	sld [smem:$0x3F98]  }
0x31: {  	[smem:$0x3FA1] =	sst s10  }
0x32: {  	s10 =	sld [smem:$0x3F9F];
	_ =	sdelay $0x3  }
0x33: {  	p0 =	seq.s32 s10, $0x1;
	s10 =	sld [smem:$0x3FA1];
	_ =	sdelay $0x3  }
0x34: {  	[smem:$0x3FA1] =	sst s10  }
0x35: {  	s10 =	sld [smem:$0x3FA0];
	_ =	sdelay $0x3  }
0x36: {  	p1 =	seq.s32 s10, $0x1;
	s10 =	sld [smem:$0x3FA1];
	_ =	sdelay $0x3  }
0x37: {  	[smem:$0x3FA1] =	sst s10  }
0x38: {  	s10 =	sld [smem:$0x3FA2]  }
0x39: {  	_ = 	snop;
	(pc) =	sbr.ind lr, $3  }
0x3a: {  	_ = 	snop  }
0x3b: {  	_ = 	snop  }
0x3c: {  	p2 =	seq.s32 s10, $0x1;
	s10 =	sld [smem:$0x3FA1]  }
0x3d: {  	_ =	shalt  }
0x3e: {  	_ =	shalt  }
0x3f: {  	_ =	shalt  }
0x40: {  	_ =	shalt  }
0x41: {  	_ =	shalt  }
0x42: {  	_ =	shalt  }
0x43: {  	_ =	shalt  }
0x44: {  	_ =	shalt  }
0x45: {  	_ =	shalt  }
0x46: {  	_ =	shalt  }
0x47: {  	_ =	shalt  }
0x48: {  	_ =	shalt  }
0x49: {  	_ =	shalt  }
0x4a: {  	_ =	shalt  }
0x4b: {  	_ =	shalt  }
0x4c: {  	_ =	shalt  }
0x4d: {  	_ =	shalt  }
0x4e: {  	_ =	shalt  }
0x4f: {  	_ =	shalt  }
0x50: {  	_ =	shalt  }
0x51: {  	_ =	shalt  }
0x52: {  	_ =	shalt  }
0x53: {  	_ =	shalt  }
0x54: {  	_ =	shalt  }
0x55: {  	_ =	shalt  }
0x56: {  	_ =	shalt  }
0x57: {  	_ =	shalt  }
0x58: {  	_ =	shalt  }
0x59: {  	_ =	shalt  }
0x5a: {  	_ =	shalt  }
0x5b: {  	_ =	shalt  }
0x5c: {  	_ =	shalt  }
0x5d: {  	_ =	shalt  }
0x5e: {  	_ =	shalt  }
0x5f: {  	_ =	shalt  }
0x60: {  	_ =	shalt  }
0x61: {  	_ =	shalt  }
0x62: {  	_ =	shalt  }
0x63: {  	_ =	shalt  }
0x64: {  	_ =	shalt  }
0x65: {  	_ =	shalt  }
0x66: {  	_ =	shalt  }
0x67: {  	_ =	shalt  }
0x68: {  	_ =	shalt  }
0x69: {  	_ =	shalt  }
0x6a: {  	_ =	shalt  }
0x6b: {  	_ =	shalt  }
0x6c: {  	_ =	shalt  }
0x6d: {  	_ =	shalt  }
0x6e: {  	_ =	shalt  }
0x6f: {  	_ =	shalt  }
0x70: {  	_ =	shalt  }
0x71: {  	_ =	shalt  }
0x72: {  	_ =	shalt  }
0x73: {  	_ =	shalt  }
0x74: {  	_ =	shalt  }
0x75: {  	_ =	shalt  }
0x76: {  	_ =	shalt  }
0x77: {  	_ =	shalt  }
0x78: {  	_ =	shalt  }
0x79: {  	_ =	shalt  }
0x7a: {  	_ =	shalt  }
0x7b: {  	_ =	shalt  }
0x7c: {  	_ =	shalt  }
0x7d: {  	_ =	shalt  }
0x7e: {  	_ =	shalt  }
0x7f: {  	_ =	shalt  }
0x80: {  	_ =	shalt  }
0x81: {  	_ =	shalt  }
0x82: {  	_ =	shalt  }
0x83: {  	_ =	shalt  }
0x84: {  	_ =	shalt  }
0x85: {  	_ =	shalt  }
0x86: {  	_ =	shalt  }
0x87: {  	_ =	shalt  }
.Lfunc_end0:
.L_simem_size_0:
called_computation.2_lowered:
.L_overlay_start_0:
0x88: {  	s2 =	sld [smem:$0x3FD9]  }
0x89: {  	s3 =	sld [smem:$0x3FFE];
	_ =	sdelay $0x1  }
0x8a: {  	s1 =	srdreg.scid  }
0x8b: {  	s0 =	sand.u32 $0x1, s1  }
0x8c: {  	s16 =	sshll.u32 s0, $0xA;
	s2 =	sadd.s32 s3, s2  }
0x8d: {  	s2 =	sadd.s32 s2, s16  }
0x8e: {  	[smem:$0x3FAD] =	sst s2  }
0x8f: {  	_ = 	snop  }
0x90: {  	(tm) =	ssettm $0x1  }
0x91: {  	s17 =	sld [smem:$0x3FFB];
	_ =	sdelay $0x3  }
0x92: {  	_ =	strace s17  }
0x93: {  	s2 =	sld [smem:$0x3FFC];
	_ =	sdelay $0x3  }
0x94: {  	_ =	strace s2  }
0x95: {  	s2 =	sld [smem:$0x3FFD];
	_ =	sdelay $0x3  }
0x96: {  	_ =	strace s2  }
0x97: {  	_ =	strace $0x8FFFFFFF  }
0x98: {  	s18 =	sld [smem:$0x3FDB];
	_ =	sdelay $0x1  }
0x99: {  	s19 =	simm.s32 $_scs_section_size  }
0x9a: {  	s4 =	simm.s32 $_size__tile_overlayer_lowered;
	s5 =	simm.s32 $_tile_overlayer_lowered  }
0x9b: {  	s22 =	simm.s32 $0x1BFF;
	s21 =	sshll.u32 s5, $0x1;
	s2 =	sadd.s32 s19, s18  }
0x9c: {  	s6 =	simm.s32 $0x0;
	s20 =	sshll.u32 s4, $0x1;
	s4 =	sadd.s32 s21, s2  }
0x9d: {  	[timem:s6], [sflag:s22] =	dma.local [hbm:s4], s20  }
0x9e: {  	_ =	swait.ge [sflag:s22], s20  }
0x9f: {  	s3 =	ssub.s32 $0x0, s20;
	[sflag:s22] =	ssyncset.done $0x0  }
0xa0: {  	[sflag:s22] =	ssyncadd.s32 s3;
	_ =	sdelay $0x1  }
0xa1: {  	s23 =	simm.s32 $0x1B8B  }
0xa2: {  	_ =	swait.ge [sflag:s23], $0x1  }
0xa3: {  	[sflag:s23] =	ssyncset.done $0x0  }
0xa4: {  	s25 =	simm.s32 $0x1B8E;
	s24 =	sld [smem:$0x3FFE];
	[sflag:s23] =	ssyncadd.s32 $0xFFFFFFFF  }
0xa5: {  	s26 =	simm.s32 $execute0_lowered;
	[smem:$0x3FD2] =	sst s25  }
0xa6: {  	s4 =	sshll.u32 s26, $0x1;
	_ =	strace $0x8000005A;
	[dreg:$0x1] =	wrdreg $0xFFFFFFFF  }
0xa7: {  	s28 =	simm.s32 $_size_execute0_lowered;
	s2 =	sadd.s32 s2, s4;
	[dreg:$0x0] =	wrdreg $0x0  }
0xa8: {  	s4 =	sshll.u32 s28, $0x1;
	[dreg:$0x2] =	wrdreg s2  }
0xa9: {  	[dreg:$0x3] =	wrdreg s4  }
0xaa: {  	[dreg:$0x4] =	wrdreg $0xC0  }
0xab: {  	_ =	task [dreg:s6], $0x5FFFF  }
0xac: {  	[dreg:$0x1] =	wrdreg $0xFFFFFFFF  }
0xad: {  	[dreg:$0x0] =	wrdreg $0x60  }
0xae: {  	[dreg:$0x2] =	wrdreg s24  }
0xaf: {  	[dreg:$0x3] =	wrdreg $0x9  }
0xb0: {  	_ =	task.clear_ibuf [dreg:s6], $0x4FFFF;
	_ =	strace $0x9000005A  }
0xb1: {  	s29 =	simm.s32 $0x9;
	_ =	strace $0x80000063  }
0xb2: {  	_ =	swait.ge [sflag:s29], $0x1  }
0xb3: {  	[sflag:s29] =	ssyncadd.s32 $0xFFFFFFFF  }
0xb4: {  	_ =	strace $0x90000063  }
0xb5: {  	_ =	sfence  }
0xb6: {  	s30 =	sld [smem:$0x0];
	_ =	sdelay $0x2  }
0xb7: {  	s31 =	sshll.u32 s1, $0xD;
	s1 =	sshrl.u32 s1, $0x2  }
0xb8: {  	s3 =	sand.u32 $0x4000, s31;
	s1 =	sadd.s32 s1, s30  }
0xb9: {  	s0 =	sor.u32 s3, s0;
	s1 =	sshll.u32 s1, $0x11  }
0xba: {  	s0 =	sor.u32 s1, s0  }
0xbb: {  	s0 =	sadd.s32 $0x8F2B, s0  }
0xbc: {  	[sflag:s0] =	ssyncadd.remote.s32 $0x1  }
0xbd: {  	_ =	sfence.sel $0xFFFF  }
0xbe: {  	[dreg:$0x0] =	wrdreg $0xFFFFFFFF;
	(pc) =	sbr.abs _section_cstart, $3  }
0xbf: {  	[dreg:$0x1] =	wrdreg $0xFFFFFFFF  }
0xc0: {  	_ =	task.clear_ibuf [dreg:s6], $0x2FFFF;
	_ =	strace $0x9FFFFFFF  }
0xc1: {  	(tm) =	ssettm $0x7FFFFFFF  }
tec
execute0_lowered:
.L_overlay_start_1:
0x0: {  	(tag) =	ssettag $0x1  }
0x1: {  	s4 =	rddreg [dreg:$0x0];
	s1 =	srdreg.scid  }
0x2: {  	s0 =	rddreg [dreg:$0x1];
	s2 =	simm.s32 $0x0;
	s9 =	simm.s32 $0x1  }
0x3: {  	s10 =	simm.s32 $0x80;
	s11 =	simm.s32 $0x0;
	s5 =	sand.u32 $0x1, s1  }
0x4: {  	s1 =	stileid.u32;
	[smem:$0x7FF] =	sst s2;
	s3 =	sshll.u32 s5, $0x4  }
0x5: {  	s6 =	sadd.s32 $0xE2E00, s4;
	s8 =	sadd.s32 $0xEAEE00, s4;
	s3 =	sor.u32 s1, s3  }
0x6: {  	_ =	strace $0x8000005B;
	[dreg:$0x2] =	wrdreg s6;
	s7 =	smul.u32 $0xC3, s3  }
0x7: {  	s4 =	sadd.s32 $0x7000, s4;
	[dreg:$0x4] =	wrdreg s8;
	s6 =	smul.u32 $0xC4, s3  }
0x8: {  	s29 =	ssub.s32 $0x2, s5;
	p0 =	slt.u32 s3, $0xA;
	s3 =	sadd.s32 $0xA, s7  }
0x9: {  	s5 =	simm.s32 $0xC4;
	[dreg:$0x3] =	wrdreg s10;
	s3 =	smov.u32 @p0 s6  }
0xa: {  	s10 =	simm.s32 $0x5;
	s31 =	sshrl.u32 s29, $0x1;
	s30 =	sshll.u32 s3, $0x4  }
0xb: {  	s8 =	ssub.s32 s29, s31;
	s5 =	simm.s32 @!p0 $0xC3;
	s7 =	sand.u32 $0x1FFFFFF0, s30  }
0xc: {  	s8 =	smax.u32 s8, $0x1;
	s6 =	sadd.s32 s4, s7;
	s7 =	sadd.s32 $0xFFFFFFFF, s5  }
.LBB2_1:
0xd: {  	_ =	strace $0x8000005C;
	p2 =	sne.s32 s5, $0x1  }
.Ltmp0:
0xe: {  	p0 =	seq.s32 s5, $0x1;
	s13 =	simm.s32 $0x1;
	(pc) =	sbr.rel @!p2 .LBB2_2-.Ltmp0, $4  }
0xf: {  	[tilespmem:s2], [sflag:$0x1] =	stream.linear.gather [hbm4b:s6+s2], $0x80, $0x200038;
	[tilespmem:$0x8100] =	vst v63  }
0x10: {  	s12 =	simm.s32 $0x1;
	p1 =	por $0x1, $0x1;
	s13 =	simm.s32 @p0 $0x0  }
0x11: {  	p6 =	sgt.u32 s7, $0x0;
	p4 =	por p1, p1;
	p3 =	sne.s32 s13, $0x0  }
0x12: {  	_ =	strace $0x9000005C;
	p5 =	por !p6, !p3;
	p6 =	por $0x0, $0x0  }
0x13: {  	p2 =	por !p5, !p5  }
0x14: {  	s21 =	sand.u32 $0x1, s2;
	s19 =	simm.s32 $0x2;
	s14 =	sadd.s32 @p2 s3, s13  }
0x15: {  	p1 =	por p3, p3;
	s15 =	sand.u32 @p2 $0x1, s9;
	s14 =	sshll.u32 @p2 s14, $0x4  }
0x16: {  	_ =	strace @p2 $0x8000005D;
	s17 =	simm.s32 @p2 $0x0;
	s14 =	sand.u32 @p2 $0x1FFFFFF0, s14  }
0x17: {  	s16 =	sshll.u32 @p2 s15, $0x7;
	s15 =	sadd.s32 @p2 $0x1, s15;
	s14 =	sadd.s32 @p2 s4, s14  }
0x18: {  	[tilespmem:s16], [sflag:s15] =	stream.linear.gather @p2 [hbm4b:s14+s17], $0x80, $0x200038;
	[tilespmem:$0x8100] =	vst v63  }
0x19: {  	s30 =	simm.s32 $0x0;
	p6 =	por $0x0, $0x0;
	_ =	strace @p2 $0x9000005D  }
0x1a: {  	p0 =	sne.s32 s5, $0x2;
	s29 =	sadd.s32 $0x1, s21;
	_ =	strace $0x8000005E  }
0x1b: {  	s24 =	sadd.s32 $0x0, s3;
	p5 =	sgt.u32 s7, $0x1;
	_ =	swait.ge [sflag:s29], $0x80  }
0x1c: {  	s23 =	simm.s32 $0x1;
	s22 =	sshll.u32 s21, $0xE;
	[sflag:s29] =	ssyncset.done $0x0  }
0x1d: {  	s22 =	sor.u32 $0x100, s22;
	s16 =	sand.u32 @!p4 $0x1, s2;
	[sflag:s29] =	ssyncadd.s32 $0xFFFFFF80  }
0x1e: {  	s15 =	simm.s32 $0x1;
	s17 =	sadd.s32 $0x1, s13;
	_ =	strace $0x9000005E  }
0x1f: {  	s14 =	sand.u32 $0x80, s30;
	s15 =	simm.s32 @!p2 $0x0;
	_ =	strace $0x8000005F  }
0x20: {  	p2 =	por p4, p4;
	p4 =	por p6, p6;
	s20 =	rddreg [dreg:$0x3]  }
0x21: {  	p3 =	seq.s32 s17, s5;
	p6 =	seq.s32 s7, $0x0;
	s31 =	rddreg [dreg:$0x2]  }
0x22: {  	[tilespmem:s22], [sflag:$0x5] =	stream.indirect.gather [hbm4b:s31+s20], $0x80, s14, s20, $0x2000b8;
	[tilespmem:$0x8100] =	vst v63  }
.Ltmp1:
0x23: {  	s18 =	sadd.s32 $0x1, s15;
	s17 =	simm.s32 @p3 $0x0;
	(pc) =	sbr.rel @!p0 .LBB2_4-.Ltmp1, $4  }
0x24: {  	p1 =	por p6, p1;
	p6 =	por $0x0, $0x0;
	_ =	swait.ge [sflag:s10], $0x4000  }
0x25: {  	s15 =	simm.s32 $0x0;
	p3 =	sne.s32 s13, s17;
	[sflag:s10] =	ssyncset.done $0x0  }
0x26: {  	s23 =	simm.s32 @!p6 $0x0;
	p5 =	por !p5, !p3;
	[sflag:s10] =	ssyncadd.s32 $0xFFFFC000  }
0x27: {  	s14 =	simm.s32 $0x0;
	s20 =	simm.s32 $0x0;
	_ =	strace $0x9000005F  }
.LBB2_5:
0x28: {  	_ =	strace @p1 $0x80000060;
	s14 =	sadd.s32 s23, s14;
	s23 =	smov.u32 s12  }
0x29: {  	s12 =	smov.u32 s19;
	s19 =	sadd.s32 $0x1, s19;
	p0 =	por p3, p3  }
0x2a: {  	s29 =	sshll.u32 @p1 s24, $0xB;
	s21 =	sadd.s32 @p1 $0x3, s21;
	s25 =	simm.s32 @!p0 $0x0  }
0x2b: {  	s26 =	rddreg [dreg:$0x4];
	s29 =	sand.u32 @p1 $0x1FFFF800, s29;
	s25 =	simm.s32 @p0 $0x1  }
0x2c: {  	s26 =	sadd.s32 @p1 s26, s29;
	s29 =	simm.s32 @p1 $0x0;
	p0 =	sne.s32 s5, s19  }
0x2d: {  	[hbm4b:s26+s29] =	stream.linear.scatter @p1 [tilespmem:s22], [sflag:s21], $0x4000, $0x200038;
	[tilespmem:$0x8100] =	vst v63  }
0x2e: {  	s21 =	sadd.s32 @!p2 $0x3, s16;
	s16 =	simm.s32 @!p0 $0x0  }
0x2f: {  	s28 =	simm.s32 $0x1;
	[smem:$0x7FC] =	sst s25;
	s16 =	simm.s32 @p0 $0x1  }
0x30: {  	s28 =	simm.s32 @!p1 $0x0;
	_ =	strace @p1 $0x90000060;
	[smem:$0x7FD] =	sst s16  }
0x31: {  	s20 =	sadd.s32 s28, s20;
	s25 =	sand.u32 @!p4 $0x1, s14;
	_ =	strace @!p2 $0x80000061  }
0x32: {  	p1 =	por !p5, !p5;
	s16 =	smov.u32 s25;
	_ =	swait.ge @!p2 [sflag:s21], $0x4000  }
0x33: {  	s22 =	sand.u32 @p1 $0x1, s18;
	s25 =	sadd.s32 @p1 s3, s17;
	[sflag:s21] =	ssyncset.done @!p2 $0x0  }
0x34: {  	s26 =	sshll.u32 @p1 s22, $0x7;
	s25 =	sshll.u32 @p1 s25, $0x4;
	[sflag:s21] =	ssyncadd.s32 @!p2 $0xFFFFC000  }
0x35: {  	s21 =	sadd.s32 @p1 $0x1, s22;
	s22 =	sand.u32 @p1 $0x1FFFFFF0, s25;
	_ =	strace @!p2 $0x90000061  }
0x36: {  	s25 =	simm.s32 @p1 $0x0;
	s22 =	sadd.s32 @p1 s4, s22;
	_ =	strace @p1 $0x8000005D  }
0x37: {  	[tilespmem:s26], [sflag:s21] =	stream.linear.gather @p1 [hbm4b:s22+s25], $0x80, $0x200038;
	[tilespmem:$0x8100] =	vst v63  }
0x38: {  	s15 =	sadd.s32 s28, s15;
	s28 =	sand.u32 $0x1, s20;
	_ =	strace @p1 $0x9000005D  }
0x39: {  	s28 =	sadd.s32 $0x1, s28;
	_ =	strace $0x8000005E  }
0x3a: {  	_ =	swait.ge [sflag:s28], $0x80  }
0x3b: {  	[sflag:s28] =	ssyncset.done $0x0  }
0x3c: {  	s21 =	simm.s32 $0x1;
	[sflag:s28] =	ssyncadd.s32 $0xFFFFFF80  }
0x3d: {  	s21 =	simm.s32 @!p1 $0x0;
	_ =	strace $0x9000005E  }
0x3e: {  	s18 =	sadd.s32 s21, s18;
	s21 =	sand.u32 $0x1, s15;
	_ =	strace $0x8000005F  }
0x3f: {  	s31 =	sshll.u32 s20, $0x7;
	s29 =	sshll.u32 s21, $0xE;
	s25 =	rddreg [dreg:$0x3]  }
0x40: {  	s31 =	sand.u32 $0x80, s31;
	s22 =	sor.u32 $0x100, s29;
	s26 =	rddreg [dreg:$0x2]  }
0x41: {  	[tilespmem:s22], [sflag:$0x5] =	stream.indirect.gather [hbm4b:s26+s25], $0x80, s31, s25, $0x2000b8;
	[tilespmem:$0x8100] =	vst v63  }
0x42: {  	_ =	swait.ge [sflag:s10], $0x4000  }
0x43: {  	[sflag:s10] =	ssyncset.done $0x0  }
0x44: {  	[sflag:s10] =	ssyncadd.s32 $0xFFFFC000  }
0x45: {  	s30 =	sadd.s32 $0x1, s17;
	_ =	strace $0x9000005F  }
0x46: {  	s24 =	sadd.s32 s3, s13;
	s13 =	smov.u32 s17;
	s31 =	sld [smem:$0x7FD]  }
0x47: {  	p0 =	sne.s32 s23, $0x0;
	s17 =	smov.u32 s30;
	p1 =	seq.s32 s30, s5  }
0x48: {  	s17 =	simm.s32 @p1 $0x0;
	p1 =	seq.s32 s7, s23;
	s23 =	simm.s32 $0x1  }
0x49: {  	s23 =	simm.s32 @!p0 $0x0;
	p0 =	seq.s32 s31, $0x1  }
.Ltmp2:
0x4a: {  	s30 =	sld [smem:$0x7FC];
	(pc) =	sbr.rel @p0 .LBB2_5-.Ltmp2, $4  }
0x4b: {  	p3 =	seq.s32 s12, $0x0  }
0x4c: {  	p6 =	por p3, p3;
	p5 =	slt.u32 s12, s7  }
0x4d: {  	p2 =	por p4, p4;
	p3 =	sne.s32 s13, s17;
	p4 =	seq.s32 s30, $0x1  }
0x4e: {  	p5 =	por !p5, !p3;
	p1 =	por p1, p4;
	p4 =	por p6, p6  }
0x4f: {  	p6 =	por $0x1, $0x1  }
.LBB2_7:
0x50: {  	p0 =	por !p1, !p6  }
0x51: {  	s25 =	simm.s32 $0x1;
	_ =	strace @!p0 $0x80000060;
	s24 =	sshll.u32 @!p0 s24, $0xB  }
0x52: {  	p2 =	por p2, !p6;
	s19 =	rddreg [dreg:$0x4];
	s24 =	sand.u32 @!p0 $0x1FFFF800, s24  }
0x53: {  	s21 =	sadd.s32 @!p0 $0x3, s21;
	s19 =	sadd.s32 @!p0 s19, s24;
	s24 =	simm.s32 @!p0 $0x0  }
0x54: {  	[hbm4b:s19+s24] =	stream.linear.scatter @!p0 [tilespmem:s22], [sflag:s21], $0x4000, $0x200038;
	[tilespmem:$0x8100] =	vst v63  }
0x55: {  	p1 =	por !p5, !p5;
	s25 =	simm.s32 @p0 $0x0;
	_ =	strace @!p0 $0x90000060  }
0x56: {  	s16 =	sadd.s32 @!p2 $0x3, s16;
	s17 =	sadd.s32 @p1 s3, s17;
	_ =	strace @!p2 $0x80000061  }
0x57: {  	s18 =	sand.u32 @p1 $0x1, s18;
	s17 =	sshll.u32 @p1 s17, $0x4;
	_ =	swait.ge @!p2 [sflag:s16], $0x4000  }
0x58: {  	s17 =	sand.u32 @p1 $0x1FFFFFF0, s17;
	s19 =	sadd.s32 @p6 s25, s20;
	[sflag:s16] =	ssyncset.done @!p2 $0x0  }
0x59: {  	s20 =	simm.s32 $0x0;
	s17 =	sadd.s32 @p1 s4, s17;
	[sflag:s16] =	ssyncadd.s32 @!p2 $0xFFFFC000  }
0x5a: {  	s20 =	smov.u32 @p6 s19;
	s19 =	sshll.u32 @p1 s18, $0x7;
	_ =	strace @!p2 $0x90000061  }
0x5b: {  	s16 =	sadd.s32 @p1 $0x1, s18;
	s18 =	simm.s32 @p1 $0x0;
	_ =	strace @p1 $0x8000005D  }
0x5c: {  	[tilespmem:s19], [sflag:s16] =	stream.linear.gather @p1 [hbm4b:s17+s18], $0x80, $0x200038;
	[tilespmem:$0x8100] =	vst v63  }
0x5d: {  	s26 =	sand.u32 $0x1, s20;
	_ =	strace @p1 $0x9000005D  }
0x5e: {  	s16 =	sadd.s32 $0x1, s26;
	_ =	strace $0x8000005E  }
0x5f: {  	_ =	swait.ge [sflag:s16], $0x80  }
0x60: {  	[sflag:s16] =	ssyncset.done $0x0  }
0x61: {  	s15 =	sadd.s32 @p6 s25, s15;
	[sflag:s16] =	ssyncadd.s32 $0xFFFFFF80;
	s16 =	simm.s32 $0x0  }
0x62: {  	_ =	strace $0x9000005E;
	s16 =	smov.u32 @p6 s15  }
0x63: {  	_ =	strace $0x8000005F;
	s16 =	sand.u32 $0x1, s16  }
0x64: {  	s30 =	sshll.u32 s20, $0x7;
	s28 =	rddreg [dreg:$0x3];
	s31 =	sshll.u32 s16, $0xE  }
0x65: {  	s18 =	sand.u32 $0x80, s30;
	s29 =	rddreg [dreg:$0x2];
	s19 =	sor.u32 $0x100, s31  }
0x66: {  	[tilespmem:s19], [sflag:$0x5] =	stream.indirect.gather [hbm4b:s29+s28], $0x80, s18, s28, $0x2000b8;
	[tilespmem:$0x8100] =	vst v63  }
0x67: {  	_ =	swait.ge [sflag:s10], $0x4000  }
0x68: {  	p3 =	por p3, p3;
	[sflag:s10] =	ssyncset.done $0x0  }
0x69: {  	p5 =	seq.s32 s7, s12;
	s13 =	sadd.s32 s3, s13;
	[sflag:s10] =	ssyncadd.s32 $0xFFFFC000  }
0x6a: {  	s14 =	sadd.s32 @p6 s23, s14;
	p1 =	por p5, p3;
	_ =	strace $0x9000005F  }
0x6b: {  	s17 =	simm.s32 $0x0;
	s13 =	sshll.u32 @p1 s13, $0xB;
	_ =	strace @p1 $0x80000060  }
0x6c: {  	s17 =	smov.u32 @p6 s14;
	s13 =	sand.u32 @p1 $0x1FFFF800, s13;
	s15 =	rddreg [dreg:$0x4]  }
0x6d: {  	s14 =	sadd.s32 @p1 $0x3, s16;
	s13 =	sadd.s32 @p1 s15, s13;
	s15 =	simm.s32 @p1 $0x0  }
0x6e: {  	[hbm4b:s13+s15] =	stream.linear.scatter @p1 [tilespmem:s19], [sflag:s14], $0x4000, $0x200038;
	[tilespmem:$0x8100] =	vst v63  }
0x6f: {  	p0 =	por p4, p4;
	s13 =	sand.u32 @!p4 $0x1, s17;
	_ =	strace @p1 $0x90000060  }
0x70: {  	s13 =	sadd.s32 @!p0 $0x3, s13;
	_ =	strace @!p0 $0x80000061  }
0x71: {  	p1 =	sne.s32 s12, $0x0;
	s12 =	simm.s32 $0x1;
	_ =	swait.ge @!p0 [sflag:s13], $0x4000  }
0x72: {  	s12 =	simm.s32 @!p1 $0x0;
	[sflag:s13] =	ssyncset.done @!p0 $0x0  }
0x73: {  	s11 =	sadd.s32 $0x1, s11;
	s12 =	sadd.s32 s12, s17;
	[sflag:s13] =	ssyncadd.s32 @!p0 $0xFFFFC000  }
0x74: {  	s12 =	sand.u32 $0x1, s12;
	_ =	strace @!p0 $0x90000061;
	p0 =	sne.s32 s11, s8  }
.Ltmp3:
0x75: {  	s12 =	sadd.s32 $0x3, s12;
	_ =	strace $0x80000062;
	(pc) =	sbr.rel @p0 .LBB2_1-.Ltmp3, $4  }
.Ltmp4:
0x76: {  	_ =	swait.ge [sflag:s12], $0x4000;
	(pc) =	sbr.rel @!p0 .LBB2_8-.Ltmp4, $4  }
0x77: {  	[sflag:s12] =	ssyncset.done $0x0  }
0x78: {  	[sflag:s12] =	ssyncadd.s32 $0xFFFFC000  }
0x79: {  	_ =	strace $0x90000062  }
0x7a: {  	_ = 	snop  }
.LBB2_2:
.Ltmp5:
0x7b: {  	(pc) =	sbr.rel .LBB2_7-.Ltmp5, $4  }
0x7c: {  	_ = 	snop  }
0x7d: {  	s14 =	simm.s32 $0x0  }
0x7e: {  	s12 =	simm.s32 $0x0;
	s15 =	simm.s32 $0x0;
	s17 =	smov.u32 s13  }
0x7f: {  	s20 =	simm.s32 $0x0;
	s18 =	simm.s32 $0x1;
	s13 =	simm.s32 $0x0  }
.LBB2_4:
.Ltmp6:
0x80: {  	(pc) =	sbr.rel .LBB2_7-.Ltmp6, $3  }
0x81: {  	_ =	sdelay $0x1  }
0x82: {  	s14 =	simm.s32 $0x0  }
0x83: {  	s15 =	simm.s32 $0x0;
	s20 =	simm.s32 $0x0;
	p6 =	por $0x1, $0x1  }
.LBB2_8:
0x84: {  	_ =	sfence.sel $0x180000  }
0x85: {  	[bflag:$0x0] =	sbarrier.arrive $0xFFFF  }
0x86: {  	p0 =	sne.s32 s1, $0x0;
	_ =	strace $0x9000005B  }
0x87: {  	s0 =	sadd.s32 @!p0 $0x100000, s0;
	[bflag:$0x2] =	sbarrier.arrive $0xFFFF  }
0x88: {  	[sflag:s0] =	ssyncadd.tile.s32 @!p0 $0x1;
	_ =	shalt  }
.Lfunc_end2:
_tile_overlayer_lowered:
.L_overlay_start_2:
0x89: {  	(tag) =	ssettag $0x2  }
0x8a: {  	s0 =	rddreg [dreg:$0x0];
	s2 =	stileid.u32  }
0x8b: {  	s1 =	rddreg [dreg:$0x1];
	p0 =	sne.s32 s2, $0x0  }
0x8c: {  	s3 =	rddreg [dreg:$0x2];
	[bflag:$0x3] =	sbarrier.arrive $0xFFFF;
	s2 =	simm.s32 @!p0 $0x1C01  }
0x8d: {  	[timem:s3], [sflag:s2] =	dma.local @!p0 [hbm:s0], s1  }
0x8e: {  	s0 =	simm.s32 @!p0 $0x1  }
0x8f: {  	_ =	swait.ge @!p0 [sflag:s0], s1  }
0x90: {  	s1 =	ssub.s32 @!p0 $0x0, s1;
	[sflag:s0] =	ssyncset.done @!p0 $0x0  }
0x91: {  	[sflag:s0] =	ssyncadd.s32 @!p0 s1  }
0x92: {  	[bflag:$0x3] =	sbarrier.arrive $0xFFFF  }
0x93: {  	_ =	shalt  }

// kernel: kernel.26.cloned.1.call-start
scs
__scs_entry_jumppad:
0x0: {  	(pc) =	sbr.rel $0x88, $3  }
0x1: {  	(tag) =	ssettag $0x0;
	lr =	simm.s32 $0x1  }
0x2: {  	[smem:$0x3F86] =	sst lr;
	_ =	strace $0xD0000000  }
0x3: {  	_ = 	snop  }
0x4: {  	_ = 	snop  }
0x5: {  	_ = 	snop  }
0x6: {  	_ = 	snop  }
0x7: {  	_ = 	snop  }
__scs_overlays_trampoline_lowered:
0x8: {  	[smem:$0x3F95] =	sst s0  }
0x9: {  	[smem:$0x3F96] =	sst s1  }
0xa: {  	[smem:$0x3F97] =	sst s2  }
0xb: {  	[smem:$0x3F98] =	sst s3  }
0xc: {  	[smem:$0x3F99] =	sst s4  }
0xd: {  	[smem:$0x3F9A] =	sst s5  }
0xe: {  	[smem:$0x3F9B] =	sst s6  }
0xf: {  	[smem:$0x3F9C] =	sst s7  }
0x10: {  	[smem:$0x3F9D] =	sst s8  }
0x11: {  	[smem:$0x3F9E] =	sst s9;
	s0 =	simm.s32 @!p0 $0x0  }
0x12: {  	s1 =	sld [smem:$0x3F84];
	s0 =	simm.s32 @p0 $0x1  }
0x13: {  	[smem:$0x3F9F] =	sst s0;
	s0 =	simm.s32 @!p1 $0x0  }
0x14: {  	s2 =	sld [smem:$0x3F83];
	s0 =	simm.s32 @p1 $0x1  }
0x15: {  	[smem:$0x3FA0] =	sst s0;
	s0 =	simm.s32 @!p2 $0x0  }
0x16: {  	s3 =	sld [smem:$0x3FDB];
	s0 =	simm.s32 @p2 $0x1  }
0x17: {  	s4 =	simm.s32 $0x1BF5;
	[smem:$0x3FA2] =	sst s0  }
0x18: {  	s0 =	sld [smem:$0x3F85];
	_ =	swait.ge [sflag:s4], $0x0  }
0x19: {  	s7 =	sld [smem:$0x3F86]  }
0x1a: {  	s8 =	sadd.s32 $0xFFFFE003, lr  }
0x1b: {  	s9 =	sadd.s32 $0xFFFFFEF7, lr;
	s5 =	simm.s32 $0xFFFFFFFF;
	p2 =	slt.u32 s8, $0xFFFFF086  }
0x1c: {  	p1 =	slt.u32 s9, $0xF7A;
	s5 =	simm.s32 @!p2 $0x0  }
0x1d: {  	s5 =	simm.s32 @p1 $0x1;
	p0 =	seq.s32 s7, s2  }
0x1e: {  	s7 =	smul.u32 @!p0 $0xF7A, s2;
	p2 =	seq.s32 @!p0 s5, $0x0  }
0x1f: {  	s9 =	smul.u32 $0xF7A, s1;
	s8 =	simm.s32 @!p0 $0x1BF5;
	p2 =	por !p2, p0  }
0x20: {  	[sflag:s8] =	ssyncset.s32 @!p0 $0xFFFFF086;
	s6 =	sadd.s32 @!p0 s3, s7;
	s7 =	simm.s32 @!p0 $0x108  }
0x21: {  	s3 =	sadd.s32 s3, s9;
	s6 =	sadd.s32 @!p0 $0x88, s6;
	s7 =	simm.s32 @p2 $0x1082  }
0x22: {  	[simem:s7], [sflag:s8] =	dma.local @!p0 [hbm:s6], $0xF7A  }
0x23: {  	s9 =	sor.u32 $0xD0000000, s2;
	s6 =	simm.s32 $0x108;
	_ =	swait.ge @!p0 [sflag:s8], $0x0  }
0x24: {  	s3 =	sadd.s32 $0x88, s3;
	s6 =	simm.s32 @!p1 $0x1082;
	[sflag:s4] =	ssyncset.s32 $0xFFFFF086  }
0x25: {  	[simem:s6], [sflag:s4] =	dma.local [hbm:s3], $0xF7A  }
0x26: {  	[smem:$0x3F86] =	sst s1;
	(tag) =	ssettag s2;
	_ =	strace s9  }
0x27: {  	s1 =	sld [smem:$0x3F96]  }
0x28: {  	s2 =	sld [smem:$0x3F97]  }
0x29: {  	s4 =	sld [smem:$0x3F99]  }
0x2a: {  	p0 =	seq.s32 s5, $0x0;
	s5 =	sld [smem:$0x3F9A]  }
0x2b: {  	s6 =	sld [smem:$0x3F9B]  }
0x2c: {  	s7 =	sld [smem:$0x3F9C]  }
0x2d: {  	s3 =	simm.s32 $0x108;
	s8 =	sld [smem:$0x3F9D]  }
0x2e: {  	s3 =	simm.s32 @!p0 $0x1082;
	s9 =	sld [smem:$0x3F9E]  }
0x2f: {  	lr =	sadd.s32 s0, s3;
	s0 =	sld [smem:$0x3F95]  }
0x30: {  	s3 =	sld [smem:$0x3F98]  }
0x31: {  	[smem:$0x3FA1] =	sst s10  }
0x32: {  	s10 =	sld [smem:$0x3F9F];
	_ =	sdelay $0x3  }
0x33: {  	p0 =	seq.s32 s10, $0x1;
	s10 =	sld [smem:$0x3FA1];
	_ =	sdelay $0x3  }
0x34: {  	[smem:$0x3FA1] =	sst s10  }
0x35: {  	s10 =	sld [smem:$0x3FA0];
	_ =	sdelay $0x3  }
0x36: {  	p1 =	seq.s32 s10, $0x1;
	s10 =	sld [smem:$0x3FA1];
	_ =	sdelay $0x3  }
0x37: {  	[smem:$0x3FA1] =	sst s10  }
0x38: {  	s10 =	sld [smem:$0x3FA2]  }
0x39: {  	_ = 	snop;
	(pc) =	sbr.ind lr, $3  }
0x3a: {  	_ = 	snop  }
0x3b: {  	_ = 	snop  }
0x3c: {  	p2 =	seq.s32 s10, $0x1;
	s10 =	sld [smem:$0x3FA1]  }
0x3d: {  	_ =	shalt  }
0x3e: {  	_ =	shalt  }
0x3f: {  	_ =	shalt  }
0x40: {  	_ =	shalt  }
0x41: {  	_ =	shalt  }
0x42: {  	_ =	shalt  }
0x43: {  	_ =	shalt  }
0x44: {  	_ =	shalt  }
0x45: {  	_ =	shalt  }
0x46: {  	_ =	shalt  }
0x47: {  	_ =	shalt  }
0x48: {  	_ =	shalt  }
0x49: {  	_ =	shalt  }
0x4a: {  	_ =	shalt  }
0x4b: {  	_ =	shalt  }
0x4c: {  	_ =	shalt  }
0x4d: {  	_ =	shalt  }
0x4e: {  	_ =	shalt  }
0x4f: {  	_ =	shalt  }
0x50: {  	_ =	shalt  }
0x51: {  	_ =	shalt  }
0x52: {  	_ =	shalt  }
0x53: {  	_ =	shalt  }
0x54: {  	_ =	shalt  }
0x55: {  	_ =	shalt  }
0x56: {  	_ =	shalt  }
0x57: {  	_ =	shalt  }
0x58: {  	_ =	shalt  }
0x59: {  	_ =	shalt  }
0x5a: {  	_ =	shalt  }
0x5b: {  	_ =	shalt  }
0x5c: {  	_ =	shalt  }
0x5d: {  	_ =	shalt  }
0x5e: {  	_ =	shalt  }
0x5f: {  	_ =	shalt  }
0x60: {  	_ =	shalt  }
0x61: {  	_ =	shalt  }
0x62: {  	_ =	shalt  }
0x63: {  	_ =	shalt  }
0x64: {  	_ =	shalt  }
0x65: {  	_ =	shalt  }
0x66: {  	_ =	shalt  }
0x67: {  	_ =	shalt  }
0x68: {  	_ =	shalt  }
0x69: {  	_ =	shalt  }
0x6a: {  	_ =	shalt  }
0x6b: {  	_ =	shalt  }
0x6c: {  	_ =	shalt  }
0x6d: {  	_ =	shalt  }
0x6e: {  	_ =	shalt  }
0x6f: {  	_ =	shalt  }
0x70: {  	_ =	shalt  }
0x71: {  	_ =	shalt  }
0x72: {  	_ =	shalt  }
0x73: {  	_ =	shalt  }
0x74: {  	_ =	shalt  }
0x75: {  	_ =	shalt  }
0x76: {  	_ =	shalt  }
0x77: {  	_ =	shalt  }
0x78: {  	_ =	shalt  }
0x79: {  	_ =	shalt  }
0x7a: {  	_ =	shalt  }
0x7b: {  	_ =	shalt  }
0x7c: {  	_ =	shalt  }
0x7d: {  	_ =	shalt  }
0x7e: {  	_ =	shalt  }
0x7f: {  	_ =	shalt  }
0x80: {  	_ =	shalt  }
0x81: {  	_ =	shalt  }
0x82: {  	_ =	shalt  }
0x83: {  	_ =	shalt  }
0x84: {  	_ =	shalt  }
0x85: {  	_ =	shalt  }
0x86: {  	_ =	shalt  }
0x87: {  	_ =	shalt  }
.Lfunc_end0:
.L_simem_size_0:
called_computation.3_lowered:
.L_overlay_start_0:
0x88: {  	s2 =	sld [smem:$0x3FD9]  }
0x89: {  	s3 =	sld [smem:$0x3FFE];
	_ =	sdelay $0x1  }
0x8a: {  	s1 =	srdreg.scid  }
0x8b: {  	s0 =	sand.u32 $0x1, s1  }
0x8c: {  	s17 =	sshll.u32 s0, $0xA;
	s2 =	sadd.s32 s3, s2  }
0x8d: {  	s2 =	sadd.s32 s2, s17  }
0x8e: {  	[smem:$0x3FAD] =	sst s2  }
0x8f: {  	_ = 	snop  }
0x90: {  	s2 =	sld [smem:$0x3FD0];
	(tm) =	ssettm $0x1  }
0x91: {  	s18 =	sld [smem:$0x3FFB];
	_ =	sdelay $0x3  }
0x92: {  	_ =	strace s18  }
0x93: {  	s3 =	sld [smem:$0x3FFC];
	_ =	sdelay $0x3  }
0x94: {  	_ =	strace s3  }
0x95: {  	s3 =	sld [smem:$0x3FFD];
	_ =	sdelay $0x3  }
0x96: {  	_ =	strace s3  }
0x97: {  	_ =	strace $0x8FFFFFFF  }
0x98: {  	s19 =	sld [smem:$0x3FDB];
	_ =	sdelay $0x1  }
0x99: {  	s4 =	simm.s32 $_scs_section_size  }
0x9a: {  	s5 =	simm.s32 $_size__tile_overlayer_lowered;
	s6 =	simm.s32 $_tile_overlayer_lowered  }
0x9b: {  	s22 =	simm.s32 $0x1BFF;
	s21 =	sshll.u32 s6, $0x1;
	s3 =	sadd.s32 s4, s19  }
0x9c: {  	s7 =	simm.s32 $0x0;
	s20 =	sshll.u32 s5, $0x1;
	s5 =	sadd.s32 s21, s3  }
0x9d: {  	[timem:s7], [sflag:s22] =	dma.local [hbm:s5], s20  }
0x9e: {  	_ =	swait.ge [sflag:s22], s20  }
0x9f: {  	s4 =	ssub.s32 $0x0, s20;
	[sflag:s22] =	ssyncset.done $0x0  }
0xa0: {  	[sflag:s22] =	ssyncadd.s32 s4;
	_ =	sdelay $0x1  }
0xa1: {  	s23 =	simm.s32 $0x1B8B  }
0xa2: {  	_ =	swait.ge [sflag:s23], $0x1  }
0xa3: {  	[sflag:s23] =	ssyncset.done $0x0  }
0xa4: {  	s25 =	simm.s32 $0x1B8E;
	s24 =	sld [smem:$0x3FFE];
	[sflag:s23] =	ssyncadd.s32 $0xFFFFFFFF  }
0xa5: {  	s26 =	simm.s32 $execute0_lowered;
	[smem:$0x3FD2] =	sst s25  }
0xa6: {  	s5 =	sshll.u32 s26, $0x1;
	_ =	strace $0x80000064;
	[dreg:$0x1] =	wrdreg $0xFFFFFFFF  }
0xa7: {  	s28 =	simm.s32 $_size_execute0_lowered;
	s3 =	sadd.s32 s3, s5;
	[dreg:$0x0] =	wrdreg $0x0  }
0xa8: {  	s5 =	sshll.u32 s28, $0x1;
	[dreg:$0x2] =	wrdreg s3  }
0xa9: {  	[dreg:$0x3] =	wrdreg s5  }
0xaa: {  	[dreg:$0x4] =	wrdreg $0xC0  }
0xab: {  	_ =	task [dreg:s7], $0x5FFFF  }
0xac: {  	[dreg:$0x1] =	wrdreg $0xFFFFFFFF  }
0xad: {  	[dreg:$0x0] =	wrdreg $0x60  }
0xae: {  	[dreg:$0x2] =	wrdreg s24  }
0xaf: {  	[dreg:$0x3] =	wrdreg s2  }
0xb0: {  	[dreg:$0x4] =	wrdreg $0x9  }
0xb1: {  	_ =	task.clear_ibuf [dreg:s7], $0x5FFFF;
	_ =	strace $0x90000064  }
0xb2: {  	s29 =	simm.s32 $0x9;
	_ =	strace $0x8000006D  }
0xb3: {  	_ =	swait.ge [sflag:s29], $0x1  }
0xb4: {  	[sflag:s29] =	ssyncadd.s32 $0xFFFFFFFF  }
0xb5: {  	_ =	strace $0x9000006D  }
0xb6: {  	_ =	sfence  }
0xb7: {  	s30 =	sld [smem:$0x0];
	_ =	sdelay $0x2  }
0xb8: {  	s31 =	sshll.u32 s1, $0xD;
	s1 =	sshrl.u32 s1, $0x2  }
0xb9: {  	s3 =	sand.u32 $0x4000, s31;
	s1 =	sadd.s32 s1, s30  }
0xba: {  	s0 =	sor.u32 s3, s0;
	s1 =	sshll.u32 s1, $0x11  }
0xbb: {  	s0 =	sor.u32 s1, s0  }
0xbc: {  	s0 =	sadd.s32 $0x8F2B, s0  }
0xbd: {  	[sflag:s0] =	ssyncadd.remote.s32 $0x1  }
0xbe: {  	_ =	sfence.sel $0xFFFF  }
0xbf: {  	[dreg:$0x0] =	wrdreg $0xFFFFFFFF;
	(pc) =	sbr.abs _section_cstart, $3  }
0xc0: {  	[dreg:$0x1] =	wrdreg $0xFFFFFFFF  }
0xc1: {  	_ =	task.clear_ibuf [dreg:s7], $0x2FFFF;
	_ =	strace $0x9FFFFFFF  }
0xc2: {  	(tm) =	ssettm $0x7FFFFFFF  }
0xc3: {  	_ =	shalt  }
tec
execute0_lowered:
.L_overlay_start_1:
0x0: {  	(tag) =	ssettag $0x1  }
0x1: {  	s0 =	srdreg.scid;
	s5 =	rddreg [dreg:$0x0]  }
0x2: {  	s2 =	rddreg [dreg:$0x1];
	s29 =	stileid.u32;
	s6 =	sand.u32 $0x1, s0  }
0x3: {  	s3 =	simm.s32 $0x0;
	s10 =	simm.s32 $0x50;
	s4 =	sshll.u32 s6, $0x4  }
0x4: {  	s11 =	simm.s32 $0x5;
	s12 =	simm.s32 $0x0;
	s4 =	sor.u32 s29, s4  }
0x5: {  	[smem:$0x7FF] =	sst s3;
	s9 =	sadd.s32 $0x7000, s5;
	s7 =	smul.u32 $0x13, s4  }
0x6: {  	s5 =	sadd.s32 $0x68C00, s5;
	_ =	strace $0x80000065;
	s8 =	smul.u32 $0x14, s4  }
0x7: {  	[dreg:$0x3] =	wrdreg s9;
	p0 =	slt.u32 s4, $0x11;
	s4 =	sadd.s32 $0x11, s7  }
0x8: {  	s6 =	ssub.s32 $0x2, s6;
	[dreg:$0x4] =	wrdreg s5;
	s4 =	smov.u32 @p0 s8  }
0x9: {  	s5 =	simm.s32 $0x14;
	s31 =	sshrl.u32 s6, $0x1;
	s30 =	smul.u32 $0xA, s4  }
0xa: {  	s9 =	simm.s32 $0x1;
	s5 =	simm.s32 @!p0 $0x13;
	s8 =	ssub.s32 s6, s31  }
0xb: {  	s7 =	sadd.s32 $0xFFFFFFFF, s5;
	s8 =	smax.u32 s8, $0x1;
	s6 =	sadd.s32 s2, s30  }
.LBB2_1:
0xc: {  	_ =	strace $0x80000066  }
0xd: {  	p0 =	seq.s32 s5, $0x1;
	s14 =	simm.s32 $0x1;
	p1 =	sne.s32 s5, $0x1  }
0xe: {  	[tilespmem:s3], [sflag:$0x1] =	stream.linear.gather [hbm4b:s6+s3], $0x50, $0x200038;
	[tilespmem:$0x28A0] =	vst v63  }
.Ltmp0:
0xf: {  	s14 =	simm.s32 @p0 $0x0;
	(pc) =	sbr.rel @!p1 .LBB2_2-.Ltmp0, $4  }
0x10: {  	p6 =	sgt.u32 s7, $0x0;
	s13 =	simm.s32 $0x1;
	p3 =	sne.s32 s14, $0x0  }
0x11: {  	s15 =	simm.s32 $0x1;
	_ =	strace $0x90000066;
	p0 =	por !p6, !p3  }
0x12: {  	p6 =	por $0x0, $0x0;
	p4 =	por !p0, !p0;
	p0 =	por $0x1, $0x1  }
0x13: {  	s25 =	sadd.s32 @p4 s4, s14;
	s15 =	simm.s32 @!p4 $0x0;
	s24 =	sand.u32 @p4 $0x1, s9  }
0x14: {  	s16 =	smul.u32 @p4 $0x50, s25  }
0x15: {  	s17 =	smul.u32 @p4 $0x140, s24;
	s18 =	sadd.s32 @p4 $0x1, s24;
	s19 =	simm.s32 @p4 $0x0  }
0x16: {  	_ =	strace @p4 $0x80000067;
	s22 =	sand.u32 $0x1, s3;
	p1 =	por p3, p3  }
0x17: {  	p5 =	sne.s32 s5, $0x2;
	p2 =	por p0, p0;
	s24 =	simm.s32 $0x50  }
0x18: {  	p6 =	seq.s32 s7, $0x0;
	s31 =	simm.s32 $0x1;
	s25 =	sadd.s32 $0x1, s22  }
0x19: {  	p3 =	seq.s32 s22, $0x1;
	s26 =	smul.u32 $0x5000, s22;
	s16 =	sshrl.u32 @p4 s16, $0x3  }
0x1a: {  	p1 =	por p6, p1;
	s17 =	sshrl.u32 @p4 s17, $0x2;
	s16 =	sadd.s32 @p4 s2, s16  }
0x1b: {  	[tilespmem:s17], [sflag:s18] =	stream.linear.gather @p4 [hbm4b:s16+s19], $0x50, $0x200038;
	[tilespmem:$0x28A0] =	vst v63  }
0x1c: {  	s24 =	simm.s32 @!p3 $0x0;
	s28 =	simm.s32 @p1 $0x0;
	_ =	strace @p4 $0x90000067  }
0x1d: {  	s19 =	sand.u32 @!p0 $0x1, s3;
	s16 =	sadd.s32 $0x1, s15;
	_ =	strace $0x80000068  }
0x1e: {  	s17 =	simm.s32 $0x2;
	s18 =	sadd.s32 $0x0, s4;
	_ =	swait.ge [sflag:s25], $0x50  }
0x1f: {  	s15 =	sshrl.u32 s26, $0x2;
	p0 =	por $0x0, $0x0;
	[sflag:s25] =	ssyncset.done $0x0  }
0x20: {  	s20 =	sadd.s32 @!p2 $0x3, s19;
	s19 =	sadd.s32 $0x1, s14;
	[sflag:s25] =	ssyncadd.s32 $0xFFFFFFB0  }
0x21: {  	s23 =	sor.u32 $0xA0, s15;
	s15 =	simm.s32 $0x1;
	_ =	strace $0x90000068  }
0x22: {  	s30 =	smul.u32 @p1 $0x1400, s18;
	s18 =	simm.s32 $0x0;
	_ =	strace $0x80000069  }
0x23: {  	s15 =	simm.s32 @!p0 $0x0;
	p4 =	seq.s32 s19, s5;
	s21 =	rddreg [dreg:$0x3]  }
0x24: {  	[tilespmem:s23], [sflag:$0x5] =	stream.indirect.gather [hbm4b:s21+s10], $0x40, s24, s10, $0x2000b8;
	[tilespmem:$0x28A0] =	vst v63  }
0x25: {  	s19 =	simm.s32 @p4 $0x0;
	p4 =	sgt.u32 s7, $0x1;
	_ =	swait.ge [sflag:s11], $0x1400  }
.Ltmp1:
0x26: {  	p3 =	sne.s32 s14, s19;
	[sflag:s11] =	ssyncset.done $0x0;
	(pc) =	sbr.rel @!p5 .LBB2_4-.Ltmp1, $4  }
0x27: {  	p0 =	por $0x0, $0x0;
	p4 =	por !p4, !p3;
	[sflag:s11] =	ssyncadd.s32 $0xFFFFEC00  }
0x28: {  	s15 =	sadd.s32 $0x0, s15;
	p4 =	por !p4, !p4;
	_ =	strace $0x90000069  }
0x29: {  	s25 =	sadd.s32 @p4 s4, s19;
	s31 =	simm.s32 @!p4 $0x0;
	_ =	strace @p1 $0x8000006A  }
0x2a: {  	s24 =	sand.u32 @p4 $0x1, s16;
	s21 =	simm.s32 $0x0;
	s29 =	rddreg [dreg:$0x4]  }
.LBB2_5:
0x2b: {  	s0 =	smul.u32 @p4 $0x50, s25;
	s26 =	sand.u32 @!p0 $0x1, s15  }
0x2c: {  	s22 =	sadd.s32 @p1 $0x3, s22;
	s25 =	smov.u32 s13;
	s30 =	sshrl.u32 @p1 s30, $0x3  }
0x2d: {  	s13 =	smov.u32 s17;
	s1 =	smov.u32 s14;
	s29 =	sadd.s32 @p1 s29, s30  }
0x2e: {  	[hbm4b:s29+s28] =	stream.linear.scatter @p1 [tilespmem:s23], [sflag:s22], $0x1400, $0x200038;
	[tilespmem:$0x28A0] =	vst v63  }
0x2f: {  	p5 =	por p3, p3;
	s14 =	smul.u32 @p4 $0x140, s24;
	_ =	strace @p1 $0x9000006A  }
0x30: {  	s16 =	sadd.s32 s31, s16;
	s17 =	sadd.s32 $0x1, s17;
	_ =	strace @!p2 $0x8000006B  }
0x31: {  	s31 =	simm.s32 $0x1;
	p6 =	sne.s32 s5, s17;
	_ =	swait.ge @!p2 [sflag:s20], $0x1400  }
0x32: {  	s0 =	sshrl.u32 @p4 s0, $0x3;
	s30 =	simm.s32 $0x1;
	[sflag:s20] =	ssyncset.done @!p2 $0x0  }
0x33: {  	s30 =	simm.s32 @!p1 $0x0;
	s23 =	sshrl.u32 @p4 s14, $0x2;
	[sflag:s20] =	ssyncadd.s32 @!p2 $0xFFFFEC00  }
0x34: {  	s0 =	sadd.s32 @p4 s2, s0;
	s21 =	sadd.s32 s30, s21;
	_ =	strace @!p2 $0x9000006B  }
0x35: {  	s20 =	sadd.s32 @p4 $0x1, s24;
	s24 =	simm.s32 @p4 $0x0;
	_ =	strace @p4 $0x80000067  }
0x36: {  	[tilespmem:s23], [sflag:s20] =	stream.linear.gather @p4 [hbm4b:s0+s24], $0x50, $0x200038;
	[tilespmem:$0x28A0] =	vst v63  }
0x37: {  	s1 =	sadd.s32 s4, s1;
	s22 =	sand.u32 $0x1, s21;
	_ =	strace @p4 $0x90000067  }
0x38: {  	p1 =	seq.s32 s22, $0x1;
	s22 =	sadd.s32 $0x1, s22;
	_ =	strace $0x80000068  }
0x39: {  	p3 =	sne.s32 s25, $0x0;
	s14 =	smov.u32 s19;
	_ =	swait.ge [sflag:s22], $0x50  }
0x3a: {  	s19 =	sadd.s32 $0x1, s19;
	s18 =	sadd.s32 s30, s18;
	[sflag:s22] =	ssyncset.done $0x0  }
0x3b: {  	p2 =	por p0, p0;
	[sflag:s22] =	ssyncadd.s32 $0xFFFFFFB0;
	s22 =	sand.u32 $0x1, s18  }
0x3c: {  	s20 =	sadd.s32 @!p2 $0x3, s26;
	s26 =	simm.s32 $0x50;
	s23 =	smul.u32 $0x5000, s22  }
0x3d: {  	p0 =	seq.s32 s13, $0x0;
	s26 =	simm.s32 @!p1 $0x0;
	p1 =	seq.s32 s7, s25  }
0x3e: {  	p4 =	slt.u32 s13, s7;
	_ =	strace $0x90000068;
	s0 =	sshrl.u32 s23, $0x2  }
0x3f: {  	_ =	strace $0x80000069;
	s23 =	sor.u32 $0xA0, s0;
	s0 =	simm.s32 $0x1  }
0x40: {  	s24 =	rddreg [dreg:$0x3];
	s0 =	simm.s32 @!p3 $0x0;
	p3 =	seq.s32 s19, s5  }
0x41: {  	[tilespmem:s23], [sflag:$0x5] =	stream.indirect.gather [hbm4b:s24+s10], $0x40, s26, s10, $0x2000b8;
	[tilespmem:$0x28A0] =	vst v63  }
0x42: {  	p1 =	por p1, p5;
	s19 =	simm.s32 @p3 $0x0;
	_ =	swait.ge [sflag:s11], $0x1400  }
.Ltmp2:
0x43: {  	p3 =	sne.s32 s14, s19;
	[sflag:s11] =	ssyncset.done $0x0;
	(pc) =	sbr.rel @p6 .LBB2_5-.Ltmp2, $4  }
0x44: {  	s28 =	simm.s32 @p1 $0x0;
	p4 =	por !p4, !p3;
	[sflag:s11] =	ssyncadd.s32 $0xFFFFEC00  }
0x45: {  	s30 =	smul.u32 @p1 $0x1400, s1;
	p4 =	por !p4, !p4;
	_ =	strace $0x90000069  }
0x46: {  	s15 =	sadd.s32 s0, s15;
	s25 =	sadd.s32 @p4 s4, s19;
	_ =	strace @p1 $0x8000006A  }
0x47: {  	s31 =	simm.s32 @!p4 $0x0;
	s24 =	sand.u32 @p4 $0x1, s16;
	s29 =	rddreg [dreg:$0x4]  }
0x48: {  	p6 =	por $0x1, $0x1  }
.LBB2_7:
0x49: {  	p5 =	por !p1, !p6  }
0x4a: {  	s0 =	sshrl.u32 @!p5 s30, $0x3  }
0x4b: {  	s1 =	sadd.s32 @!p5 $0x3, s22;
	s0 =	sadd.s32 @!p5 s29, s0  }
0x4c: {  	[hbm4b:s0+s28] =	stream.linear.scatter @!p5 [tilespmem:s23], [sflag:s1], $0x1400, $0x200038;
	[tilespmem:$0x28A0] =	vst v63  }
0x4d: {  	p1 =	por p2, !p6;
	_ =	strace @!p5 $0x9000006A  }
0x4e: {  	s16 =	smul.u32 @p4 $0x140, s24;
	s19 =	simm.s32 $0x0;
	_ =	strace @!p1 $0x8000006B  }
0x4f: {  	s0 =	smul.u32 @p4 $0x50, s25;
	s1 =	simm.s32 $0x1;
	_ =	swait.ge @!p1 [sflag:s20], $0x1400  }
0x50: {  	s16 =	sshrl.u32 @p4 s16, $0x2;
	s1 =	simm.s32 @p5 $0x0;
	[sflag:s20] =	ssyncset.done @!p1 $0x0  }
0x51: {  	s17 =	sadd.s32 @p6 s1, s21;
	s0 =	sshrl.u32 @p4 s0, $0x3;
	[sflag:s20] =	ssyncadd.s32 @!p1 $0xFFFFEC00  }
0x52: {  	s19 =	smov.u32 @p6 s17;
	s0 =	sadd.s32 @p4 s2, s0;
	_ =	strace @!p1 $0x9000006B  }
0x53: {  	s17 =	sadd.s32 @p4 $0x1, s24;
	s20 =	simm.s32 @p4 $0x0;
	_ =	strace @p4 $0x80000067  }
0x54: {  	[tilespmem:s16], [sflag:s17] =	stream.linear.gather @p4 [hbm4b:s0+s20], $0x50, $0x200038;
	[tilespmem:$0x28A0] =	vst v63  }
0x55: {  	s1 =	sadd.s32 @p6 s1, s18;
	s25 =	sand.u32 $0x1, s19;
	_ =	strace @p4 $0x90000067  }
0x56: {  	s26 =	sadd.s32 $0x1, s25;
	s17 =	simm.s32 $0x0;
	_ =	strace $0x80000068  }
0x57: {  	s17 =	smov.u32 @p6 s1;
	_ =	swait.ge [sflag:s26], $0x50  }
0x58: {  	s1 =	sand.u32 $0x1, s17;
	[sflag:s26] =	ssyncset.done $0x0  }
0x59: {  	s28 =	smul.u32 $0x5000, s1;
	[sflag:s26] =	ssyncadd.s32 $0xFFFFFFB0  }
0x5a: {  	p1 =	seq.s32 s25, $0x1;
	_ =	strace $0x90000068  }
0x5b: {  	s16 =	simm.s32 $0x50;
	s30 =	sshrl.u32 s28, $0x2;
	_ =	strace $0x80000069  }
0x5c: {  	s16 =	simm.s32 @!p1 $0x0;
	s0 =	sor.u32 $0xA0, s30;
	s29 =	rddreg [dreg:$0x3]  }
0x5d: {  	[tilespmem:s0], [sflag:$0x5] =	stream.indirect.gather [hbm4b:s29+s10], $0x40, s16, s10, $0x2000b8;
	[tilespmem:$0x28A0] =	vst v63  }
0x5e: {  	_ =	swait.ge [sflag:s11], $0x1400  }
0x5f: {  	p5 =	por p3, p3;
	p6 =	seq.s32 s7, s13;
	[sflag:s11] =	ssyncset.done $0x0  }
0x60: {  	s14 =	sadd.s32 s4, s14;
	p1 =	por p6, p5;
	[sflag:s11] =	ssyncadd.s32 $0xFFFFEC00  }
0x61: {  	s14 =	smul.u32 @p1 $0x1400, s14;
	_ =	strace $0x90000069  }
0x62: {  	_ =	strace @p1 $0x8000006A  }
0x63: {  	s14 =	sshrl.u32 @p1 s14, $0x3;
	s16 =	rddreg [dreg:$0x4]  }
0x64: {  	s17 =	simm.s32 @p1 $0x0;
	s1 =	sadd.s32 @p1 $0x3, s1;
	s14 =	sadd.s32 @p1 s16, s14  }
0x65: {  	[hbm4b:s14+s17] =	stream.linear.scatter @p1 [tilespmem:s0], [sflag:s1], $0x1400, $0x200038;
	[tilespmem:$0x28A0] =	vst v63  }
0x66: {  	s0 =	sand.u32 @!p0 $0x1, s15;
	p0 =	por p0, p0;
	_ =	strace @p1 $0x9000006A  }
0x67: {  	s0 =	sadd.s32 @!p0 $0x3, s0;
	_ =	strace @!p0 $0x8000006B  }
0x68: {  	s1 =	simm.s32 $0x1;
	p1 =	sne.s32 s13, $0x0;
	_ =	swait.ge @!p0 [sflag:s0], $0x1400  }
0x69: {  	s1 =	simm.s32 @!p1 $0x0;
	[sflag:s0] =	ssyncset.done @!p0 $0x0  }
0x6a: {  	s12 =	sadd.s32 $0x1, s12;
	s1 =	sadd.s32 s1, s15;
	[sflag:s0] =	ssyncadd.s32 @!p0 $0xFFFFEC00  }
0x6b: {  	s31 =	sand.u32 $0x1, s1;
	_ =	strace @!p0 $0x9000006B;
	p0 =	sne.s32 s12, s8  }
.Ltmp3:
0x6c: {  	s0 =	sadd.s32 $0x3, s31;
	_ =	strace $0x8000006C;
	(pc) =	sbr.rel @p0 .LBB2_1-.Ltmp3, $4  }
.Ltmp4:
0x6d: {  	_ =	swait.ge [sflag:s0], $0x1400;
	(pc) =	sbr.rel @!p0 .LBB2_8-.Ltmp4, $4  }
0x6e: {  	[sflag:s0] =	ssyncset.done $0x0  }
0x6f: {  	[sflag:s0] =	ssyncadd.s32 $0xFFFFEC00  }
0x70: {  	_ =	strace $0x9000006C  }
0x71: {  	_ = 	snop  }
.LBB2_2:
.Ltmp5:
0x72: {  	(pc) =	sbr.rel .LBB2_7-.Ltmp5, $3  }
0x73: {  	_ =	sdelay $0x1  }
0x74: {  	s15 =	simm.s32 $0x0;
	s13 =	simm.s32 $0x0  }
0x75: {  	s14 =	simm.s32 $0x0;
	s18 =	simm.s32 $0x0;
	s21 =	simm.s32 $0x0  }
.LBB2_4:
.Ltmp6:
0x76: {  	(pc) =	sbr.rel .LBB2_7-.Ltmp6, $2  }
0x77: {  	_ =	sdelay $0x2  }
0x78: {  	s18 =	simm.s32 $0x0;
	s21 =	simm.s32 $0x0;
	p6 =	por $0x1, $0x1  }
.LBB2_8:
0x79: {  	_ =	sfence.sel $0x180000  }
0x7a: {  	[bflag:$0x0] =	sbarrier.arrive $0xFFFF  }
0x7b: {  	_ =	strace $0x90000065  }
0x7c: {  	s0 =	stileid.u32;
	[bflag:$0x2] =	sbarrier.arrive $0xFFFF  }
0x7d: {  	p0 =	sne.s32 s0, $0x0;
	s0 =	rddreg [dreg:$0x2]  }
0x7e: {  	s0 =	sadd.s32 @!p0 $0x100000, s0  }
0x7f: {  	[sflag:s0] =	ssyncadd.tile.s32 @!p0 $0x1;
	_ =	shalt  }
.Lfunc_end2:
_tile_overlayer_lowered:
.L_overlay_start_2:
0x80: {  	(tag) =	ssettag $0x2  }
0x81: {  	s0 =	rddreg [dreg:$0x0];
	s2 =	stileid.u32  }
0x82: {  	s1 =	rddreg [dreg:$0x1];
	p0 =	sne.s32 s2, $0x0  }
0x83: {  	s3 =	rddreg [dreg:$0x2];
	[bflag:$0x3] =	sbarrier.arrive $0xFFFF;
	s2 =	simm.s32 @!p0 $0x1C01  }
0x84: {  	[timem:s3], [sflag:s2] =	dma.local @!p0 [hbm:s0], s1  }
0x85: {  	s0 =	simm.s32 @!p0 $0x1  }
0x86: {  	_ =	swait.ge @!p0 [sflag:s0], s1  }
0x87: {  	s1 =	ssub.s32 @!p0 $0x0, s1;
	[sflag:s0] =	ssyncset.done @!p0 $0x0  }
0x88: {  	[sflag:s0] =	ssyncadd.s32 @!p0 s1  }
0x89: {  	[bflag:$0x3] =	sbarrier.arrive $0xFFFF  }
0x8a: {  	_ =	shalt  }

</sc_bundles>
